<compile_context>
chip_gen: v7x
topology: tpu7x:2x2x1
jax: 0.10.2.dev20260603
libtpu: 0.0.44.dev20260713+nightly
codegen_flags: <defaults>
</compile_context>

<pallas_src>
import jax
import jax.numpy as jnp
from jax import lax
from jax.experimental import pallas as pl
from jax.experimental.pallas import tpu as pltpu
from jax.experimental.pallas import tpu_sc as plsc

N = 10000
E = 320000
D = 128
H = 32
L = 64

NC = 2
NS = 16
NW = NC * NS
EW = E // NW
CK = 125
CH = EW // CK
NP = 10240
RPT = NP // NS

BN = 5000


def _sc_mesh():
    return plsc.VectorSubcoreMesh(
        core_axis_name="c", subcore_axis_name="s", num_cores=NC, num_subcores=NS
    )


_SC_PARAMS = pltpu.CompilerParams(use_tc_tiling_on_sc=False)


def _deg_body(g_hbm, ones_hbm, zeros_hbm, out_hbm, idx_v, ones_v, acc, sem,
              *ssems):
    c = lax.axis_index("c")
    s = lax.axis_index("s")
    wid = s * NC + c
    pltpu.sync_copy(zeros_hbm, acc.at[pl.ds(s * RPT, RPT)])
    pltpu.sync_copy(ones_hbm, ones_v)
    pltpu.async_copy(g_hbm.at[1, wid], idx_v, sem).wait()
    plsc.subcore_barrier()

    for b in range(ND):
        pltpu.async_copy(ones_v, acc.at[idx_v.at[b]], ssems[b], add=True)

    def group(g, carry):
        for b in range(ND):
            pltpu.make_async_copy(ones_v, acc.at[idx_v.at[0]], ssems[b]).wait()
            pltpu.async_copy(ones_v, acc.at[idx_v.at[g * ND + b]], ssems[b],
                             add=True)
        return carry

    lax.fori_loop(1, CH // ND, group, 0)
    for b in range(ND):
        pltpu.make_async_copy(ones_v, acc.at[idx_v.at[0]], ssems[b]).wait()
    plsc.subcore_barrier()
    pltpu.sync_copy(acc.at[pl.ds(s * RPT, RPT)], out_hbm.at[c, s])


def _deg_call(g4, ones_k, zeros1):
    f = pl.kernel(
        _deg_body,
        out_type=jax.ShapeDtypeStruct((NC, NS, RPT), jnp.float32),
        mesh=_sc_mesh(),
        compiler_params=_SC_PARAMS,
        scratch_types=[
            pltpu.VMEM((CH, CK), jnp.int32),
            pltpu.VMEM((CK,), jnp.float32),
            pltpu.VMEM_SHARED((NP,), jnp.float32),
            pltpu.SemaphoreType.DMA,
        ] + [pltpu.SemaphoreType.DMA] * ND,
    )
    return f(g4, ones_k, zeros1)


NB = 8
NG = CH // NB
ND = 8


def _agg_body(g_hbm, h_hbm, zeros_hbm, out_hbm,
              sidx_v, didx_v, rows_v, acc, sem, *sems):
    gsems = sems[:NB]
    ssems = sems[NB:]
    c = lax.axis_index("c")
    s = lax.axis_index("s")
    wid = s * NC + c
    pltpu.sync_copy(zeros_hbm, acc.at[pl.ds(s * RPT, RPT)])
    pltpu.async_copy(g_hbm.at[0, wid], sidx_v, sem).wait()
    pltpu.async_copy(g_hbm.at[1, wid], didx_v, sem).wait()
    plsc.subcore_barrier()

    for b in range(NB):
        pltpu.async_copy(h_hbm.at[sidx_v.at[b]], rows_v.at[b], gsems[b])

    def group(g, carry):
        for b in range(NB):
            pltpu.make_async_copy(
                h_hbm.at[sidx_v.at[0]], rows_v.at[b], gsems[b]).wait()
            pltpu.async_copy(
                rows_v.at[b], acc.at[didx_v.at[g * NB + b]], ssems[b], add=True)

        @pl.when(g < NG - 1)
        def _refill():
            for b in range(NB):
                pltpu.make_async_copy(
                    rows_v.at[b], acc.at[didx_v.at[0]], ssems[b]).wait()
                pltpu.async_copy(
                    h_hbm.at[sidx_v.at[(g + 1) * NB + b]], rows_v.at[b],
                    gsems[b])

        return carry

    lax.fori_loop(0, NG, group, 0, unroll=2)
    for b in range(NB):
        pltpu.make_async_copy(rows_v.at[b], acc.at[didx_v.at[0]], ssems[b]).wait()
    plsc.subcore_barrier()
    pltpu.sync_copy(acc.at[pl.ds(s * RPT, RPT)], out_hbm.at[c, s])


def _agg_call(g4, h, zerosH):
    f = pl.kernel(
        _agg_body,
        out_type=jax.ShapeDtypeStruct((NC, NS, RPT, H), jnp.float32),
        mesh=_sc_mesh(),
        compiler_params=_SC_PARAMS,
        scratch_types=[
            pltpu.VMEM((CH, CK), jnp.int32),
            pltpu.VMEM((CH, CK), jnp.int32),
            pltpu.VMEM((NB, CK, H), jnp.float32),
            pltpu.VMEM_SHARED((NP, H), jnp.float32),
            pltpu.SemaphoreType.DMA,
        ] + [pltpu.SemaphoreType.DMA] * (2 * NB),
    )
    return f(g4, h, zerosH)


def _enc1_body(x_ref, w_ref, dinv_ref, o_ref):
    h = jnp.dot(x_ref[...], w_ref[...], preferred_element_type=jnp.float32)
    o_ref[...] = h * dinv_ref[...]


def _enc1(X, W1, dinv):
    return pl.pallas_call(
        _enc1_body,
        grid=(N // BN,),
        in_specs=[
            pl.BlockSpec((BN, D), lambda i: (i, 0)),
            pl.BlockSpec((D, H), lambda i: (0, 0)),
            pl.BlockSpec((BN, H), lambda i: (i, 0)),
        ],
        out_specs=pl.BlockSpec((BN, H), lambda i: (i, 0)),
        out_shape=jax.ShapeDtypeStruct((N, H), jnp.float32),
    )(X, W1, dinv)


def _enc2_body(p0_ref, p1_ref, hs_ref, dinv_ref, b1_ref, o_ref):
    dinv = dinv_ref[...]
    agg = (p0_ref[...] + p1_ref[...] + hs_ref[...]) * dinv + b1_ref[...]
    o_ref[...] = jnp.maximum(agg, 0.0) * dinv


def _enc2(p0, p1, h1s, dinv, b1):
    bspec = pl.BlockSpec((BN, H), lambda i: (i, 0))
    return pl.pallas_call(
        _enc2_body,
        grid=(N // BN,),
        in_specs=[
            bspec, bspec, bspec,
            bspec,
            pl.BlockSpec((1, H), lambda i: (0, 0)),
        ],
        out_specs=bspec,
        out_shape=jax.ShapeDtypeStruct((N, H), jnp.float32),
    )(p0, p1, h1s, dinv, b1)


def _enc3_body(q0_ref, q1_ref, x1s_ref, dinv_ref, wmu_ref, bmu_ref,
               ws_ref, bs_ref, eps_ref, mus_o, ls_o, z_o):
    p = (q0_ref[...] + q1_ref[...] + x1s_ref[...]) * dinv_ref[...]
    mus = jnp.dot(p, wmu_ref[...], preferred_element_type=jnp.float32) + bmu_ref[...]
    ls = jnp.dot(p, ws_ref[...], preferred_element_type=jnp.float32) + bs_ref[...]
    mus_o[...] = mus
    ls_o[...] = ls
    z_o[...] = mus + jnp.exp(0.5 * ls) * eps_ref[...]


def _enc3(q0, q1, x1s, dinv, Wmu, bmu, Ws, bs, eps):
    bspecH = pl.BlockSpec((BN, H), lambda i: (i, 0))
    return pl.pallas_call(
        _enc3_body,
        grid=(N // BN,),
        in_specs=[
            bspecH, bspecH, bspecH,
            bspecH,
            pl.BlockSpec((H, L), lambda i: (0, 0)),
            pl.BlockSpec((1, L), lambda i: (0, 0)),
            pl.BlockSpec((H, 1), lambda i: (0, 0)),
            pl.BlockSpec((1, 1), lambda i: (0, 0)),
            pl.BlockSpec((BN, L), lambda i: (i, 0)),
        ],
        out_specs=[
            pl.BlockSpec((BN, L), lambda i: (i, 0)),
            pl.BlockSpec((BN, 1), lambda i: (i, 0)),
            pl.BlockSpec((BN, L), lambda i: (i, 0)),
        ],
        out_shape=[
            jax.ShapeDtypeStruct((N, L), jnp.float32),
            jax.ShapeDtypeStruct((N, 1), jnp.float32),
            jax.ShapeDtypeStruct((N, L), jnp.float32),
        ],
    )(q0, q1, x1s, dinv, Wmu, bmu, Ws, bs, eps)


def _zzt_body(a_ref, bt_ref, o_ref):
    o_ref[...] = jnp.dot(a_ref[...], bt_ref[...],
                         preferred_element_type=jnp.float32)


def _zzt(Z, ZT):
    bm = 200
    return pl.pallas_call(
        _zzt_body,
        grid=(N // bm,),
        in_specs=[
            pl.BlockSpec((bm, L), lambda i: (i, 0)),
            pl.BlockSpec((L, N), lambda i: (0, 0)),
        ],
        out_specs=pl.BlockSpec((bm, N), lambda i: (i, 0)),
        out_shape=jax.ShapeDtypeStruct((N, N), jnp.float32),
    )(Z, ZT)


def kernel(X, graph, W1, b1, Wmu, bmu, Ws, bs):
    graph = graph.astype(jnp.int32)
    g4 = graph.reshape(2, NW, CH, CK)
    ones_k = jnp.ones((CK,), jnp.float32)
    zeros1 = jnp.zeros((RPT,), jnp.float32)
    zerosH = jnp.zeros((RPT, H), jnp.float32)

    degp = _deg_call(g4, ones_k, zeros1).reshape(NC, NP)
    deg = degp[0, :N] + degp[1, :N] + 1.0
    dinvH = jnp.broadcast_to(lax.rsqrt(deg)[:, None], (N, H))

    h1s = _enc1(X, W1, dinvH)
    p = _agg_call(g4, h1s, zerosH).reshape(NC, NP, H)[:, :N]
    x1s = _enc2(p[0], p[1], h1s, dinvH, b1.reshape(1, H))
    q = _agg_call(g4, x1s, zerosH).reshape(NC, NP, H)[:, :N]

    eps = jax.random.normal(jax.random.key(1), (N, L), jnp.float32)
    mus, logsigma2s, Z = _enc3(q[0], q[1], x1s, dinvH, Wmu,
                               bmu.reshape(1, L), Ws, bs.reshape(1, 1), eps)
    ZZt = _zzt(Z, Z.T)
    return (ZZt, mus, logsigma2s)

# --- scband reference (transcript-rebuilt; emitter-appended) ---
"""Pipeline reference for scband-vgae-4483945857666 (READ-ONLY COPY).

The authoritative reference and input builder live on the scoring server;
editing this copy changes nothing except your own understanding.
"""

import jax, jax.numpy as jnp
import numpy as np

N = 10000
E = 320000
D = 128
H = 32
L = 64


def gcn_conv(x, src, dst, dinv, W, b):
    # GCNConv: symmetric-normalized aggregation with self-loops (loops already in src/dst)
    h = x @ W
    norm = (dinv[src] * dinv[dst])[:, None]
    msgs = h[src] * norm
    out = jnp.zeros((x.shape[0], h.shape[1]), dtype=h.dtype).at[dst].add(msgs)
    return out + b


def setup_inputs(seed: int = 0):
    key = jax.random.key(seed)
    ks = jax.random.split(key, 8)
    X = jax.random.normal(ks[0], (N, D), dtype=jnp.float32)
    graph = jax.random.randint(ks[1], (2, E), 0, N, dtype=jnp.int32).astype(jnp.int64)
    W1 = jax.random.normal(ks[2], (D, H), dtype=jnp.float32) * 0.05
    b1 = jnp.zeros((H,), dtype=jnp.float32)
    Wmu = jax.random.normal(ks[3], (H, L), dtype=jnp.float32) * 0.05
    bmu = jnp.zeros((L,), dtype=jnp.float32)
    Ws = jax.random.normal(ks[4], (H, 1), dtype=jnp.float32) * 0.05
    bs = jnp.zeros((1,), dtype=jnp.float32)
    return {"X": X, "graph": graph, "W1": W1, "b1": b1, "Wmu": Wmu, "bmu": bmu, "Ws": Ws, "bs": bs}


def reference(X, graph, W1, b1, Wmu, bmu, Ws, bs):
    n = X.shape[0]
    sl = jnp.arange(n, dtype=graph.dtype)
    src = jnp.concatenate([graph[0], sl])
    dst = jnp.concatenate([graph[1], sl])
    deg = jnp.zeros((n,), dtype=jnp.float32).at[dst].add(1.0)
    dinv = jax.lax.rsqrt(deg)
    # encoder: conv1 -> relu -> dropout(eval: identity)
    X1 = jax.nn.relu(gcn_conv(X, src, dst, dinv, W1, b1))
    mus = gcn_conv(X1, src, dst, dinv, Wmu, bmu)
    logsigma2s = gcn_conv(X1, src, dst, dinv, Ws, bs)
    # reparameterization: Z = mu + sigma * eps, eps ~ N(0,1)
    sigmas = jnp.exp(0.5 * logsigma2s)
    eps = jax.random.normal(jax.random.key(1), mus.shape, dtype=mus.dtype)
    Z = mus + sigmas * eps
    ZZt = Z @ Z.T
    return (ZZt, mus, logsigma2s)

if __name__ == "__main__":
    import jax
    _d = setup_inputs()
    print(jax.jit(kernel)(*tuple(_d.values())))

</pallas_src>

<mosaic_0001>
#map = affine_map<(d0, d1) -> (0, 0, 0, 0)>
#map1 = affine_map<(d0, d1) -> (0)>
#map2 = affine_map<(d0, d1) -> (0, 0, 0)>
module attributes {stable_mosaic.version = 14 : i64} {
  func.func @_deg_body(%arg0: i32, %arg1: i32, %arg2: memref<2x32x80x125xi32, #tpu.memory_space<hbm>>, %arg3: memref<125xf32, #tpu.memory_space<hbm>>, %arg4: memref<640xf32, #tpu.memory_space<hbm>>, %arg5: memref<2x16x640xf32, #tpu.memory_space<hbm>>, %arg6: memref<80x125xi32, #tpu.memory_space<vmem>>, %arg7: memref<125xf32, #tpu.memory_space<vmem>>, %arg8: memref<10240xf32, #tpu.memory_space<vmem_shared>>, %arg9: memref<!tpu.dma_semaphore, #tpu.memory_space<semaphore_mem>>, %arg10: memref<!tpu.dma_semaphore, #tpu.memory_space<semaphore_mem>>, %arg11: memref<!tpu.dma_semaphore, #tpu.memory_space<semaphore_mem>>, %arg12: memref<!tpu.dma_semaphore, #tpu.memory_space<semaphore_mem>>, %arg13: memref<!tpu.dma_semaphore, #tpu.memory_space<semaphore_mem>>, %arg14: memref<!tpu.dma_semaphore, #tpu.memory_space<semaphore_mem>>, %arg15: memref<!tpu.dma_semaphore, #tpu.memory_space<semaphore_mem>>, %arg16: memref<!tpu.dma_semaphore, #tpu.memory_space<semaphore_mem>>, %arg17: memref<!tpu.dma_semaphore, #tpu.memory_space<semaphore_mem>>) attributes {dimension_semantics = [#tpu.dimension_semantics<core_parallel>, #tpu.dimension_semantics<subcore_parallel>], iteration_bounds = array<i64: 2, 16>, scalar_prefetch = 0 : i64, scratch_operands = 12 : i64, tpu.core_type = #tpu.core_type<sc_vector_subcore>, window_params = [{transform_indices = #map}, {transform_indices = #map1}, {transform_indices = #map1}, {transform_indices = #map2}]} {
    %mul3A = arith.constant 2 : i32
    %mul3A_0 = arith.muli %arg1, %mul3A : i32
    %add3A = arith.addi %mul3A_0, %arg0 : i32
    %mul3A_1 = arith.constant 640 : i32
    %mul3A_2 = arith.muli %arg1, %mul3A_1 : i32
    "tpu.region"() ({
      %run_scoped3A = tpu.sem_alloc : memref<!tpu.dma_semaphore, #tpu.memory_space<semaphore_mem>>
      %dma_start3A_123 = tpu.memref_slice %arg8[%mul3A_2] : memref<10240xf32, #tpu.memory_space<vmem_shared>> -> memref<640xf32, #tpu.memory_space<vmem_shared>>
      tpu.enqueue_dma source(%arg4 : memref<640xf32, #tpu.memory_space<hbm>>) target(%dma_start3A_123 : memref<640xf32, #tpu.memory_space<vmem_shared>>) target_semaphore(%run_scoped3A : memref<!tpu.dma_semaphore, #tpu.memory_space<semaphore_mem>>)
      %dma_wait3A_124 = tpu.memref_slice %arg8[%mul3A_2] : memref<10240xf32, #tpu.memory_space<vmem_shared>> -> memref<640xf32, #tpu.memory_space<vmem_shared>>
      tpu.wait_dma2 semaphore(%run_scoped3A : memref<!tpu.dma_semaphore, #tpu.memory_space<semaphore_mem>>) src(%arg4 : memref<640xf32, #tpu.memory_space<hbm>>) dst(%dma_wait3A_124 : memref<640xf32, #tpu.memory_space<vmem_shared>>)
      tpu.yield
    }) : () -> ()
    "tpu.region"() ({
      %run_scoped3A = tpu.sem_alloc : memref<!tpu.dma_semaphore, #tpu.memory_space<semaphore_mem>>
      tpu.enqueue_dma source(%arg3 : memref<125xf32, #tpu.memory_space<hbm>>) target(%arg7 : memref<125xf32, #tpu.memory_space<vmem>>) target_semaphore(%run_scoped3A : memref<!tpu.dma_semaphore, #tpu.memory_space<semaphore_mem>>)
      tpu.wait_dma2 semaphore(%run_scoped3A : memref<!tpu.dma_semaphore, #tpu.memory_space<semaphore_mem>>) src(%arg3 : memref<125xf32, #tpu.memory_space<hbm>>) dst(%arg7 : memref<125xf32, #tpu.memory_space<vmem>>)
      tpu.yield
    }) : () -> ()
    %dma_start3A = arith.constant 1 : i32
    %dma_start3A_3 = arith.constant 0 : i32
    %dma_start3A_4 = arith.constant 0 : i32
    %dma_start3A_5 = tpu.memref_slice %arg2[%dma_start3A, %add3A, %dma_start3A_3, %dma_start3A_4] : memref<2x32x80x125xi32, #tpu.memory_space<hbm>> -> memref<1x1x80x125xi32, #tpu.memory_space<hbm>>
    %dma_start3A_6 = tpu.memref_squeeze %dma_start3A_5 : memref<1x1x80x125xi32, #tpu.memory_space<hbm>> -> memref<80x125xi32, #tpu.memory_space<hbm>>
    %dma_start3A_7 = arith.constant 0 : i32
    %dma_start3A_8 = arith.constant 0 : i32
    %dma_start3A_9 = tpu.memref_slice %arg2[%dma_start3A, %add3A, %dma_start3A_7, %dma_start3A_8] : memref<2x32x80x125xi32, #tpu.memory_space<hbm>> -> memref<1x1x80x125xi32, #tpu.memory_space<hbm>>
    %dma_start3A_10 = tpu.memref_squeeze %dma_start3A_9 : memref<1x1x80x125xi32, #tpu.memory_space<hbm>> -> memref<80x125xi32, #tpu.memory_space<hbm>>
    tpu.enqueue_dma source(%dma_start3A_10 : memref<80x125xi32, #tpu.memory_space<hbm>>) target(%arg6 : memref<80x125xi32, #tpu.memory_space<vmem>>) target_semaphore(%arg9 : memref<!tpu.dma_semaphore, #tpu.memory_space<semaphore_mem>>)
    %dma_wait3A = arith.constant 1 : i32
    %dma_wait3A_11 = arith.constant 0 : i32
    %dma_wait3A_12 = arith.constant 0 : i32
    %dma_wait3A_13 = tpu.memref_slice %arg2[%dma_wait3A, %add3A, %dma_wait3A_11, %dma_wait3A_12] : memref<2x32x80x125xi32, #tpu.memory_space<hbm>> -> memref<1x1x80x125xi32, #tpu.memory_space<hbm>>
    %dma_wait3A_14 = tpu.memref_squeeze %dma_wait3A_13 : memref<1x1x80x125xi32, #tpu.memory_space<hbm>> -> memref<80x125xi32, #tpu.memory_space<hbm>>
    %dma_wait3A_15 = arith.constant 0 : i32
    %dma_wait3A_16 = arith.constant 0 : i32
    %dma_wait3A_17 = tpu.memref_slice %arg2[%dma_wait3A, %add3A, %dma_wait3A_15, %dma_wait3A_16] : memref<2x32x80x125xi32, #tpu.memory_space<hbm>> -> memref<1x1x80x125xi32, #tpu.memory_space<hbm>>
    %dma_wait3A_18 = tpu.memref_squeeze %dma_wait3A_17 : memref<1x1x80x125xi32, #tpu.memory_space<hbm>> -> memref<80x125xi32, #tpu.memory_space<hbm>>
    tpu.wait_dma2 semaphore(%arg9 : memref<!tpu.dma_semaphore, #tpu.memory_space<semaphore_mem>>) src(%dma_wait3A_18 : memref<80x125xi32, #tpu.memory_space<hbm>>) dst(%arg6 : memref<80x125xi32, #tpu.memory_space<vmem>>)
    %barrier3A = arith.constant 0 : index
    tpu.barrier barrier_id(%barrier3A)
    %dma_start3A_19 = arith.constant 0 : i32
    %dma_start3A_20 = arith.constant 0 : i32
    %dma_start3A_21 = tpu.memref_slice %arg6[%dma_start3A_19, %dma_start3A_20] : memref<80x125xi32, #tpu.memory_space<vmem>> -> memref<1x125xi32, #tpu.memory_space<vmem>>
    %dma_start3A_22 = tpu.memref_squeeze %dma_start3A_21 : memref<1x125xi32, #tpu.memory_space<vmem>> -> memref<125xi32, #tpu.memory_space<vmem>>
    %dma_start3A_23 = arith.constant 0 : i32
    %dma_start3A_24 = tpu.memref_slice %arg8[%dma_start3A_23] : memref<10240xf32, #tpu.memory_space<vmem_shared>> -> memref<10240xf32, #tpu.memory_space<vmem_shared>>
    tpu.enqueue_indirect_dma source(%arg7 : memref<125xf32, #tpu.memory_space<vmem>>) target(%dma_start3A_24 : memref<10240xf32, #tpu.memory_space<vmem_shared>>) offsets(%dma_start3A_22 : memref<125xi32, #tpu.memory_space<vmem>>) semaphore(%arg10 : memref<!tpu.dma_semaphore, #tpu.memory_space<semaphore_mem>>) {add = true}
    %dma_start3A_25 = arith.constant 1 : i32
    %dma_start3A_26 = arith.constant 0 : i32
    %dma_start3A_27 = tpu.memref_slice %arg6[%dma_start3A_25, %dma_start3A_26] : memref<80x125xi32, #tpu.memory_space<vmem>> -> memref<1x125xi32, #tpu.memory_space<vmem>>
    %dma_start3A_28 = tpu.memref_squeeze %dma_start3A_27 : memref<1x125xi32, #tpu.memory_space<vmem>> -> memref<125xi32, #tpu.memory_space<vmem>>
    %dma_start3A_29 = arith.constant 0 : i32
    %dma_start3A_30 = tpu.memref_slice %arg8[%dma_start3A_29] : memref<10240xf32, #tpu.memory_space<vmem_shared>> -> memref<10240xf32, #tpu.memory_space<vmem_shared>>
    tpu.enqueue_indirect_dma source(%arg7 : memref<125xf32, #tpu.memory_space<vmem>>) target(%dma_start3A_30 : memref<10240xf32, #tpu.memory_space<vmem_shared>>) offsets(%dma_start3A_28 : memref<125xi32, #tpu.memory_space<vmem>>) semaphore(%arg11 : memref<!tpu.dma_semaphore, #tpu.memory_space<semaphore_mem>>) {add = true}
    %dma_start3A_31 = arith.constant 2 : i32
    %dma_start3A_32 = arith.constant 0 : i32
    %dma_start3A_33 = tpu.memref_slice %arg6[%dma_start3A_31, %dma_start3A_32] : memref<80x125xi32, #tpu.memory_space<vmem>> -> memref<1x125xi32, #tpu.memory_space<vmem>>
    %dma_start3A_34 = tpu.memref_squeeze %dma_start3A_33 : memref<1x125xi32, #tpu.memory_space<vmem>> -> memref<125xi32, #tpu.memory_space<vmem>>
    %dma_start3A_35 = arith.constant 0 : i32
    %dma_start3A_36 = tpu.memref_slice %arg8[%dma_start3A_35] : memref<10240xf32, #tpu.memory_space<vmem_shared>> -> memref<10240xf32, #tpu.memory_space<vmem_shared>>
    tpu.enqueue_indirect_dma source(%arg7 : memref<125xf32, #tpu.memory_space<vmem>>) target(%dma_start3A_36 : memref<10240xf32, #tpu.memory_space<vmem_shared>>) offsets(%dma_start3A_34 : memref<125xi32, #tpu.memory_space<vmem>>) semaphore(%arg12 : memref<!tpu.dma_semaphore, #tpu.memory_space<semaphore_mem>>) {add = true}
    %dma_start3A_37 = arith.constant 3 : i32
    %dma_start3A_38 = arith.constant 0 : i32
    %dma_start3A_39 = tpu.memref_slice %arg6[%dma_start3A_37, %dma_start3A_38] : memref<80x125xi32, #tpu.memory_space<vmem>> -> memref<1x125xi32, #tpu.memory_space<vmem>>
    %dma_start3A_40 = tpu.memref_squeeze %dma_start3A_39 : memref<1x125xi32, #tpu.memory_space<vmem>> -> memref<125xi32, #tpu.memory_space<vmem>>
    %dma_start3A_41 = arith.constant 0 : i32
    %dma_start3A_42 = tpu.memref_slice %arg8[%dma_start3A_41] : memref<10240xf32, #tpu.memory_space<vmem_shared>> -> memref<10240xf32, #tpu.memory_space<vmem_shared>>
    tpu.enqueue_indirect_dma source(%arg7 : memref<125xf32, #tpu.memory_space<vmem>>) target(%dma_start3A_42 : memref<10240xf32, #tpu.memory_space<vmem_shared>>) offsets(%dma_start3A_40 : memref<125xi32, #tpu.memory_space<vmem>>) semaphore(%arg13 : memref<!tpu.dma_semaphore, #tpu.memory_space<semaphore_mem>>) {add = true}
    %dma_start3A_43 = arith.constant 4 : i32
    %dma_start3A_44 = arith.constant 0 : i32
    %dma_start3A_45 = tpu.memref_slice %arg6[%dma_start3A_43, %dma_start3A_44] : memref<80x125xi32, #tpu.memory_space<vmem>> -> memref<1x125xi32, #tpu.memory_space<vmem>>
    %dma_start3A_46 = tpu.memref_squeeze %dma_start3A_45 : memref<1x125xi32, #tpu.memory_space<vmem>> -> memref<125xi32, #tpu.memory_space<vmem>>
    %dma_start3A_47 = arith.constant 0 : i32
    %dma_start3A_48 = tpu.memref_slice %arg8[%dma_start3A_47] : memref<10240xf32, #tpu.memory_space<vmem_shared>> -> memref<10240xf32, #tpu.memory_space<vmem_shared>>
    tpu.enqueue_indirect_dma source(%arg7 : memref<125xf32, #tpu.memory_space<vmem>>) target(%dma_start3A_48 : memref<10240xf32, #tpu.memory_space<vmem_shared>>) offsets(%dma_start3A_46 : memref<125xi32, #tpu.memory_space<vmem>>) semaphore(%arg14 : memref<!tpu.dma_semaphore, #tpu.memory_space<semaphore_mem>>) {add = true}
    %dma_start3A_49 = arith.constant 5 : i32
    %dma_start3A_50 = arith.constant 0 : i32
    %dma_start3A_51 = tpu.memref_slice %arg6[%dma_start3A_49, %dma_start3A_50] : memref<80x125xi32, #tpu.memory_space<vmem>> -> memref<1x125xi32, #tpu.memory_space<vmem>>
    %dma_start3A_52 = tpu.memref_squeeze %dma_start3A_51 : memref<1x125xi32, #tpu.memory_space<vmem>> -> memref<125xi32, #tpu.memory_space<vmem>>
    %dma_start3A_53 = arith.constant 0 : i32
    %dma_start3A_54 = tpu.memref_slice %arg8[%dma_start3A_53] : memref<10240xf32, #tpu.memory_space<vmem_shared>> -> memref<10240xf32, #tpu.memory_space<vmem_shared>>
    tpu.enqueue_indirect_dma source(%arg7 : memref<125xf32, #tpu.memory_space<vmem>>) target(%dma_start3A_54 : memref<10240xf32, #tpu.memory_space<vmem_shared>>) offsets(%dma_start3A_52 : memref<125xi32, #tpu.memory_space<vmem>>) semaphore(%arg15 : memref<!tpu.dma_semaphore, #tpu.memory_space<semaphore_mem>>) {add = true}
    %dma_start3A_55 = arith.constant 6 : i32
    %dma_start3A_56 = arith.constant 0 : i32
    %dma_start3A_57 = tpu.memref_slice %arg6[%dma_start3A_55, %dma_start3A_56] : memref<80x125xi32, #tpu.memory_space<vmem>> -> memref<1x125xi32, #tpu.memory_space<vmem>>
    %dma_start3A_58 = tpu.memref_squeeze %dma_start3A_57 : memref<1x125xi32, #tpu.memory_space<vmem>> -> memref<125xi32, #tpu.memory_space<vmem>>
    %dma_start3A_59 = arith.constant 0 : i32
    %dma_start3A_60 = tpu.memref_slice %arg8[%dma_start3A_59] : memref<10240xf32, #tpu.memory_space<vmem_shared>> -> memref<10240xf32, #tpu.memory_space<vmem_shared>>
    tpu.enqueue_indirect_dma source(%arg7 : memref<125xf32, #tpu.memory_space<vmem>>) target(%dma_start3A_60 : memref<10240xf32, #tpu.memory_space<vmem_shared>>) offsets(%dma_start3A_58 : memref<125xi32, #tpu.memory_space<vmem>>) semaphore(%arg16 : memref<!tpu.dma_semaphore, #tpu.memory_space<semaphore_mem>>) {add = true}
    %dma_start3A_61 = arith.constant 7 : i32
    %dma_start3A_62 = arith.constant 0 : i32
    %dma_start3A_63 = tpu.memref_slice %arg6[%dma_start3A_61, %dma_start3A_62] : memref<80x125xi32, #tpu.memory_space<vmem>> -> memref<1x125xi32, #tpu.memory_space<vmem>>
    %dma_start3A_64 = tpu.memref_squeeze %dma_start3A_63 : memref<1x125xi32, #tpu.memory_space<vmem>> -> memref<125xi32, #tpu.memory_space<vmem>>
    %dma_start3A_65 = arith.constant 0 : i32
    %dma_start3A_66 = tpu.memref_slice %arg8[%dma_start3A_65] : memref<10240xf32, #tpu.memory_space<vmem_shared>> -> memref<10240xf32, #tpu.memory_space<vmem_shared>>
    tpu.enqueue_indirect_dma source(%arg7 : memref<125xf32, #tpu.memory_space<vmem>>) target(%dma_start3A_66 : memref<10240xf32, #tpu.memory_space<vmem_shared>>) offsets(%dma_start3A_64 : memref<125xi32, #tpu.memory_space<vmem>>) semaphore(%arg17 : memref<!tpu.dma_semaphore, #tpu.memory_space<semaphore_mem>>) {add = true}
    %scan3A = arith.constant 0 : i32
    %scan3A_67 = arith.constant 1 : i32
    %scan3A_68 = arith.constant 9 : i32
    %scan3A_69 = arith.addi %scan3A_67, %scan3A_68 : i32
    %scan3A_70 = arith.constant 1 : i32
    scf.for %scan3A_123 = %scan3A_67 to %scan3A_69 step %scan3A_70  : i32 {
      %dma_wait3A_124 = arith.constant 0 : i32
      %dma_wait3A_125 = arith.constant 0 : i32
      %dma_wait3A_126 = tpu.memref_slice %arg6[%dma_wait3A_124, %dma_wait3A_125] : memref<80x125xi32, #tpu.memory_space<vmem>> -> memref<1x125xi32, #tpu.memory_space<vmem>>
      %dma_wait3A_127 = tpu.memref_squeeze %dma_wait3A_126 : memref<1x125xi32, #tpu.memory_space<vmem>> -> memref<125xi32, #tpu.memory_space<vmem>>
      %dma_wait3A_128 = arith.constant 0 : i32
      %dma_wait3A_129 = tpu.memref_slice %arg8[%dma_wait3A_128] : memref<10240xf32, #tpu.memory_space<vmem_shared>> -> memref<10240xf32, #tpu.memory_space<vmem_shared>>
      tpu.wait_indirect_dma semaphore(%arg10 : memref<!tpu.dma_semaphore, #tpu.memory_space<semaphore_mem>>) src(%arg7 : memref<125xf32, #tpu.memory_space<vmem>>) dst(%dma_wait3A_129 : memref<10240xf32, #tpu.memory_space<vmem_shared>>)
      %mul3A_130 = arith.constant 8 : i32
      %mul3A_131 = arith.muli %scan3A_123, %mul3A_130 : i32
      %add3A_132 = arith.constant 0 : i32
      %add3A_133 = arith.addi %mul3A_131, %add3A_132 : i32
      %dma_start3A_134 = arith.constant 0 : i32
      %dma_start3A_135 = tpu.memref_slice %arg6[%add3A_133, %dma_start3A_134] : memref<80x125xi32, #tpu.memory_space<vmem>> -> memref<1x125xi32, #tpu.memory_space<vmem>>
      %dma_start3A_136 = tpu.memref_squeeze %dma_start3A_135 : memref<1x125xi32, #tpu.memory_space<vmem>> -> memref<125xi32, #tpu.memory_space<vmem>>
      %dma_start3A_137 = arith.constant 0 : i32
      %dma_start3A_138 = tpu.memref_slice %arg8[%dma_start3A_137] : memref<10240xf32, #tpu.memory_space<vmem_shared>> -> memref<10240xf32, #tpu.memory_space<vmem_shared>>
      tpu.enqueue_indirect_dma source(%arg7 : memref<125xf32, #tpu.memory_space<vmem>>) target(%dma_start3A_138 : memref<10240xf32, #tpu.memory_space<vmem_shared>>) offsets(%dma_start3A_136 : memref<125xi32, #tpu.memory_space<vmem>>) semaphore(%arg10 : memref<!tpu.dma_semaphore, #tpu.memory_space<semaphore_mem>>) {add = true}
      %dma_wait3A_139 = arith.constant 0 : i32
      %dma_wait3A_140 = arith.constant 0 : i32
      %dma_wait3A_141 = tpu.memref_slice %arg6[%dma_wait3A_139, %dma_wait3A_140] : memref<80x125xi32, #tpu.memory_space<vmem>> -> memref<1x125xi32, #tpu.memory_space<vmem>>
      %dma_wait3A_142 = tpu.memref_squeeze %dma_wait3A_141 : memref<1x125xi32, #tpu.memory_space<vmem>> -> memref<125xi32, #tpu.memory_space<vmem>>
      %dma_wait3A_143 = arith.constant 0 : i32
      %dma_wait3A_144 = tpu.memref_slice %arg8[%dma_wait3A_143] : memref<10240xf32, #tpu.memory_space<vmem_shared>> -> memref<10240xf32, #tpu.memory_space<vmem_shared>>
      tpu.wait_indirect_dma semaphore(%arg11 : memref<!tpu.dma_semaphore, #tpu.memory_space<semaphore_mem>>) src(%arg7 : memref<125xf32, #tpu.memory_space<vmem>>) dst(%dma_wait3A_144 : memref<10240xf32, #tpu.memory_space<vmem_shared>>)
      %mul3A_145 = arith.constant 8 : i32
      %mul3A_146 = arith.muli %scan3A_123, %mul3A_145 : i32
      %add3A_147 = arith.constant 1 : i32
      %add3A_148 = arith.addi %mul3A_146, %add3A_147 : i32
      %dma_start3A_149 = arith.constant 0 : i32
      %dma_start3A_150 = tpu.memref_slice %arg6[%add3A_148, %dma_start3A_149] : memref<80x125xi32, #tpu.memory_space<vmem>> -> memref<1x125xi32, #tpu.memory_space<vmem>>
      %dma_start3A_151 = tpu.memref_squeeze %dma_start3A_150 : memref<1x125xi32, #tpu.memory_space<vmem>> -> memref<125xi32, #tpu.memory_space<vmem>>
      %dma_start3A_152 = arith.constant 0 : i32
      %dma_start3A_153 = tpu.memref_slice %arg8[%dma_start3A_152] : memref<10240xf32, #tpu.memory_space<vmem_shared>> -> memref<10240xf32, #tpu.memory_space<vmem_shared>>
      tpu.enqueue_indirect_dma source(%arg7 : memref<125xf32, #tpu.memory_space<vmem>>) target(%dma_start3A_153 : memref<10240xf32, #tpu.memory_space<vmem_shared>>) offsets(%dma_start3A_151 : memref<125xi32, #tpu.memory_space<vmem>>) semaphore(%arg11 : memref<!tpu.dma_semaphore, #tpu.memory_space<semaphore_mem>>) {add = true}
      %dma_wait3A_154 = arith.constant 0 : i32
      %dma_wait3A_155 = arith.constant 0 : i32
      %dma_wait3A_156 = tpu.memref_slice %arg6[%dma_wait3A_154, %dma_wait3A_155] : memref<80x125xi32, #tpu.memory_space<vmem>> -> memref<1x125xi32, #tpu.memory_space<vmem>>
      %dma_wait3A_157 = tpu.memref_squeeze %dma_wait3A_156 : memref<1x125xi32, #tpu.memory_space<vmem>> -> memref<125xi32, #tpu.memory_space<vmem>>
      %dma_wait3A_158 = arith.constant 0 : i32
      %dma_wait3A_159 = tpu.memref_slice %arg8[%dma_wait3A_158] : memref<10240xf32, #tpu.memory_space<vmem_shared>> -> memref<10240xf32, #tpu.memory_space<vmem_shared>>
      tpu.wait_indirect_dma semaphore(%arg12 : memref<!tpu.dma_semaphore, #tpu.memory_space<semaphore_mem>>) src(%arg7 : memref<125xf32, #tpu.memory_space<vmem>>) dst(%dma_wait3A_159 : memref<10240xf32, #tpu.memory_space<vmem_shared>>)
      %mul3A_160 = arith.constant 8 : i32
      %mul3A_161 = arith.muli %scan3A_123, %mul3A_160 : i32
      %add3A_162 = arith.constant 2 : i32
      %add3A_163 = arith.addi %mul3A_161, %add3A_162 : i32
      %dma_start3A_164 = arith.constant 0 : i32
      %dma_start3A_165 = tpu.memref_slice %arg6[%add3A_163, %dma_start3A_164] : memref<80x125xi32, #tpu.memory_space<vmem>> -> memref<1x125xi32, #tpu.memory_space<vmem>>
      %dma_start3A_166 = tpu.memref_squeeze %dma_start3A_165 : memref<1x125xi32, #tpu.memory_space<vmem>> -> memref<125xi32, #tpu.memory_space<vmem>>
      %dma_start3A_167 = arith.constant 0 : i32
      %dma_start3A_168 = tpu.memref_slice %arg8[%dma_start3A_167] : memref<10240xf32, #tpu.memory_space<vmem_shared>> -> memref<10240xf32, #tpu.memory_space<vmem_shared>>
      tpu.enqueue_indirect_dma source(%arg7 : memref<125xf32, #tpu.memory_space<vmem>>) target(%dma_start3A_168 : memref<10240xf32, #tpu.memory_space<vmem_shared>>) offsets(%dma_start3A_166 : memref<125xi32, #tpu.memory_space<vmem>>) semaphore(%arg12 : memref<!tpu.dma_semaphore, #tpu.memory_space<semaphore_mem>>) {add = true}
      %dma_wait3A_169 = arith.constant 0 : i32
      %dma_wait3A_170 = arith.constant 0 : i32
      %dma_wait3A_171 = tpu.memref_slice %arg6[%dma_wait3A_169, %dma_wait3A_170] : memref<80x125xi32, #tpu.memory_space<vmem>> -> memref<1x125xi32, #tpu.memory_space<vmem>>
      %dma_wait3A_172 = tpu.memref_squeeze %dma_wait3A_171 : memref<1x125xi32, #tpu.memory_space<vmem>> -> memref<125xi32, #tpu.memory_space<vmem>>
      %dma_wait3A_173 = arith.constant 0 : i32
      %dma_wait3A_174 = tpu.memref_slice %arg8[%dma_wait3A_173] : memref<10240xf32, #tpu.memory_space<vmem_shared>> -> memref<10240xf32, #tpu.memory_space<vmem_shared>>
      tpu.wait_indirect_dma semaphore(%arg13 : memref<!tpu.dma_semaphore, #tpu.memory_space<semaphore_mem>>) src(%arg7 : memref<125xf32, #tpu.memory_space<vmem>>) dst(%dma_wait3A_174 : memref<10240xf32, #tpu.memory_space<vmem_shared>>)
      %mul3A_175 = arith.constant 8 : i32
      %mul3A_176 = arith.muli %scan3A_123, %mul3A_175 : i32
      %add3A_177 = arith.constant 3 : i32
      %add3A_178 = arith.addi %mul3A_176, %add3A_177 : i32
      %dma_start3A_179 = arith.constant 0 : i32
      %dma_start3A_180 = tpu.memref_slice %arg6[%add3A_178, %dma_start3A_179] : memref<80x125xi32, #tpu.memory_space<vmem>> -> memref<1x125xi32, #tpu.memory_space<vmem>>
      %dma_start3A_181 = tpu.memref_squeeze %dma_start3A_180 : memref<1x125xi32, #tpu.memory_space<vmem>> -> memref<125xi32, #tpu.memory_space<vmem>>
      %dma_start3A_182 = arith.constant 0 : i32
      %dma_start3A_183 = tpu.memref_slice %arg8[%dma_start3A_182] : memref<10240xf32, #tpu.memory_space<vmem_shared>> -> memref<10240xf32, #tpu.memory_space<vmem_shared>>
      tpu.enqueue_indirect_dma source(%arg7 : memref<125xf32, #tpu.memory_space<vmem>>) target(%dma_start3A_183 : memref<10240xf32, #tpu.memory_space<vmem_shared>>) offsets(%dma_start3A_181 : memref<125xi32, #tpu.memory_space<vmem>>) semaphore(%arg13 : memref<!tpu.dma_semaphore, #tpu.memory_space<semaphore_mem>>) {add = true}
      %dma_wait3A_184 = arith.constant 0 : i32
      %dma_wait3A_185 = arith.constant 0 : i32
      %dma_wait3A_186 = tpu.memref_slice %arg6[%dma_wait3A_184, %dma_wait3A_185] : memref<80x125xi32, #tpu.memory_space<vmem>> -> memref<1x125xi32, #tpu.memory_space<vmem>>
      %dma_wait3A_187 = tpu.memref_squeeze %dma_wait3A_186 : memref<1x125xi32, #tpu.memory_space<vmem>> -> memref<125xi32, #tpu.memory_space<vmem>>
      %dma_wait3A_188 = arith.constant 0 : i32
      %dma_wait3A_189 = tpu.memref_slice %arg8[%dma_wait3A_188] : memref<10240xf32, #tpu.memory_space<vmem_shared>> -> memref<10240xf32, #tpu.memory_space<vmem_shared>>
      tpu.wait_indirect_dma semaphore(%arg14 : memref<!tpu.dma_semaphore, #tpu.memory_space<semaphore_mem>>) src(%arg7 : memref<125xf32, #tpu.memory_space<vmem>>) dst(%dma_wait3A_189 : memref<10240xf32, #tpu.memory_space<vmem_shared>>)
      %mul3A_190 = arith.constant 8 : i32
      %mul3A_191 = arith.muli %scan3A_123, %mul3A_190 : i32
      %add3A_192 = arith.constant 4 : i32
      %add3A_193 = arith.addi %mul3A_191, %add3A_192 : i32
      %dma_start3A_194 = arith.constant 0 : i32
      %dma_start3A_195 = tpu.memref_slice %arg6[%add3A_193, %dma_start3A_194] : memref<80x125xi32, #tpu.memory_space<vmem>> -> memref<1x125xi32, #tpu.memory_space<vmem>>
      %dma_start3A_196 = tpu.memref_squeeze %dma_start3A_195 : memref<1x125xi32, #tpu.memory_space<vmem>> -> memref<125xi32, #tpu.memory_space<vmem>>
      %dma_start3A_197 = arith.constant 0 : i32
      %dma_start3A_198 = tpu.memref_slice %arg8[%dma_start3A_197] : memref<10240xf32, #tpu.memory_space<vmem_shared>> -> memref<10240xf32, #tpu.memory_space<vmem_shared>>
      tpu.enqueue_indirect_dma source(%arg7 : memref<125xf32, #tpu.memory_space<vmem>>) target(%dma_start3A_198 : memref<10240xf32, #tpu.memory_space<vmem_shared>>) offsets(%dma_start3A_196 : memref<125xi32, #tpu.memory_space<vmem>>) semaphore(%arg14 : memref<!tpu.dma_semaphore, #tpu.memory_space<semaphore_mem>>) {add = true}
      %dma_wait3A_199 = arith.constant 0 : i32
      %dma_wait3A_200 = arith.constant 0 : i32
      %dma_wait3A_201 = tpu.memref_slice %arg6[%dma_wait3A_199, %dma_wait3A_200] : memref<80x125xi32, #tpu.memory_space<vmem>> -> memref<1x125xi32, #tpu.memory_space<vmem>>
      %dma_wait3A_202 = tpu.memref_squeeze %dma_wait3A_201 : memref<1x125xi32, #tpu.memory_space<vmem>> -> memref<125xi32, #tpu.memory_space<vmem>>
      %dma_wait3A_203 = arith.constant 0 : i32
      %dma_wait3A_204 = tpu.memref_slice %arg8[%dma_wait3A_203] : memref<10240xf32, #tpu.memory_space<vmem_shared>> -> memref<10240xf32, #tpu.memory_space<vmem_shared>>
      tpu.wait_indirect_dma semaphore(%arg15 : memref<!tpu.dma_semaphore, #tpu.memory_space<semaphore_mem>>) src(%arg7 : memref<125xf32, #tpu.memory_space<vmem>>) dst(%dma_wait3A_204 : memref<10240xf32, #tpu.memory_space<vmem_shared>>)
      %mul3A_205 = arith.constant 8 : i32
      %mul3A_206 = arith.muli %scan3A_123, %mul3A_205 : i32
      %add3A_207 = arith.constant 5 : i32
      %add3A_208 = arith.addi %mul3A_206, %add3A_207 : i32
      %dma_start3A_209 = arith.constant 0 : i32
      %dma_start3A_210 = tpu.memref_slice %arg6[%add3A_208, %dma_start3A_209] : memref<80x125xi32, #tpu.memory_space<vmem>> -> memref<1x125xi32, #tpu.memory_space<vmem>>
      %dma_start3A_211 = tpu.memref_squeeze %dma_start3A_210 : memref<1x125xi32, #tpu.memory_space<vmem>> -> memref<125xi32, #tpu.memory_space<vmem>>
      %dma_start3A_212 = arith.constant 0 : i32
      %dma_start3A_213 = tpu.memref_slice %arg8[%dma_start3A_212] : memref<10240xf32, #tpu.memory_space<vmem_shared>> -> memref<10240xf32, #tpu.memory_space<vmem_shared>>
      tpu.enqueue_indirect_dma source(%arg7 : memref<125xf32, #tpu.memory_space<vmem>>) target(%dma_start3A_213 : memref<10240xf32, #tpu.memory_space<vmem_shared>>) offsets(%dma_start3A_211 : memref<125xi32, #tpu.memory_space<vmem>>) semaphore(%arg15 : memref<!tpu.dma_semaphore, #tpu.memory_space<semaphore_mem>>) {add = true}
      %dma_wait3A_214 = arith.constant 0 : i32
      %dma_wait3A_215 = arith.constant 0 : i32
      %dma_wait3A_216 = tpu.memref_slice %arg6[%dma_wait3A_214, %dma_wait3A_215] : memref<80x125xi32, #tpu.memory_space<vmem>> -> memref<1x125xi32, #tpu.memory_space<vmem>>
      %dma_wait3A_217 = tpu.memref_squeeze %dma_wait3A_216 : memref<1x125xi32, #tpu.memory_space<vmem>> -> memref<125xi32, #tpu.memory_space<vmem>>
      %dma_wait3A_218 = arith.constant 0 : i32
      %dma_wait3A_219 = tpu.memref_slice %arg8[%dma_wait3A_218] : memref<10240xf32, #tpu.memory_space<vmem_shared>> -> memref<10240xf32, #tpu.memory_space<vmem_shared>>
      tpu.wait_indirect_dma semaphore(%arg16 : memref<!tpu.dma_semaphore, #tpu.memory_space<semaphore_mem>>) src(%arg7 : memref<125xf32, #tpu.memory_space<vmem>>) dst(%dma_wait3A_219 : memref<10240xf32, #tpu.memory_space<vmem_shared>>)
      %mul3A_220 = arith.constant 8 : i32
      %mul3A_221 = arith.muli %scan3A_123, %mul3A_220 : i32
      %add3A_222 = arith.constant 6 : i32
      %add3A_223 = arith.addi %mul3A_221, %add3A_222 : i32
      %dma_start3A_224 = arith.constant 0 : i32
      %dma_start3A_225 = tpu.memref_slice %arg6[%add3A_223, %dma_start3A_224] : memref<80x125xi32, #tpu.memory_space<vmem>> -> memref<1x125xi32, #tpu.memory_space<vmem>>
      %dma_start3A_226 = tpu.memref_squeeze %dma_start3A_225 : memref<1x125xi32, #tpu.memory_space<vmem>> -> memref<125xi32, #tpu.memory_space<vmem>>
      %dma_start3A_227 = arith.constant 0 : i32
      %dma_start3A_228 = tpu.memref_slice %arg8[%dma_start3A_227] : memref<10240xf32, #tpu.memory_space<vmem_shared>> -> memref<10240xf32, #tpu.memory_space<vmem_shared>>
      tpu.enqueue_indirect_dma source(%arg7 : memref<125xf32, #tpu.memory_space<vmem>>) target(%dma_start3A_228 : memref<10240xf32, #tpu.memory_space<vmem_shared>>) offsets(%dma_start3A_226 : memref<125xi32, #tpu.memory_space<vmem>>) semaphore(%arg16 : memref<!tpu.dma_semaphore, #tpu.memory_space<semaphore_mem>>) {add = true}
      %dma_wait3A_229 = arith.constant 0 : i32
      %dma_wait3A_230 = arith.constant 0 : i32
      %dma_wait3A_231 = tpu.memref_slice %arg6[%dma_wait3A_229, %dma_wait3A_230] : memref<80x125xi32, #tpu.memory_space<vmem>> -> memref<1x125xi32, #tpu.memory_space<vmem>>
      %dma_wait3A_232 = tpu.memref_squeeze %dma_wait3A_231 : memref<1x125xi32, #tpu.memory_space<vmem>> -> memref<125xi32, #tpu.memory_space<vmem>>
      %dma_wait3A_233 = arith.constant 0 : i32
      %dma_wait3A_234 = tpu.memref_slice %arg8[%dma_wait3A_233] : memref<10240xf32, #tpu.memory_space<vmem_shared>> -> memref<10240xf32, #tpu.memory_space<vmem_shared>>
      tpu.wait_indirect_dma semaphore(%arg17 : memref<!tpu.dma_semaphore, #tpu.memory_space<semaphore_mem>>) src(%arg7 : memref<125xf32, #tpu.memory_space<vmem>>) dst(%dma_wait3A_234 : memref<10240xf32, #tpu.memory_space<vmem_shared>>)
      %mul3A_235 = arith.constant 8 : i32
      %mul3A_236 = arith.muli %scan3A_123, %mul3A_235 : i32
      %add3A_237 = arith.constant 7 : i32
      %add3A_238 = arith.addi %mul3A_236, %add3A_237 : i32
      %dma_start3A_239 = arith.constant 0 : i32
      %dma_start3A_240 = tpu.memref_slice %arg6[%add3A_238, %dma_start3A_239] : memref<80x125xi32, #tpu.memory_space<vmem>> -> memref<1x125xi32, #tpu.memory_space<vmem>>
      %dma_start3A_241 = tpu.memref_squeeze %dma_start3A_240 : memref<1x125xi32, #tpu.memory_space<vmem>> -> memref<125xi32, #tpu.memory_space<vmem>>
      %dma_start3A_242 = arith.constant 0 : i32
      %dma_start3A_243 = tpu.memref_slice %arg8[%dma_start3A_242] : memref<10240xf32, #tpu.memory_space<vmem_shared>> -> memref<10240xf32, #tpu.memory_space<vmem_shared>>
      tpu.enqueue_indirect_dma source(%arg7 : memref<125xf32, #tpu.memory_space<vmem>>) target(%dma_start3A_243 : memref<10240xf32, #tpu.memory_space<vmem_shared>>) offsets(%dma_start3A_241 : memref<125xi32, #tpu.memory_space<vmem>>) semaphore(%arg17 : memref<!tpu.dma_semaphore, #tpu.memory_space<semaphore_mem>>) {add = true}
    }
    %scan3A_71 = arith.constant 9 : i32
    %dma_wait3A_72 = arith.constant 0 : i32
    %dma_wait3A_73 = arith.constant 0 : i32
    %dma_wait3A_74 = tpu.memref_slice %arg6[%dma_wait3A_72, %dma_wait3A_73] : memref<80x125xi32, #tpu.memory_space<vmem>> -> memref<1x125xi32, #tpu.memory_space<vmem>>
    %dma_wait3A_75 = tpu.memref_squeeze %dma_wait3A_74 : memref<1x125xi32, #tpu.memory_space<vmem>> -> memref<125xi32, #tpu.memory_space<vmem>>
    %dma_wait3A_76 = arith.constant 0 : i32
    %dma_wait3A_77 = tpu.memref_slice %arg8[%dma_wait3A_76] : memref<10240xf32, #tpu.memory_space<vmem_shared>> -> memref<10240xf32, #tpu.memory_space<vmem_shared>>
    tpu.wait_indirect_dma semaphore(%arg10 : memref<!tpu.dma_semaphore, #tpu.memory_space<semaphore_mem>>) src(%arg7 : memref<125xf32, #tpu.memory_space<vmem>>) dst(%dma_wait3A_77 : memref<10240xf32, #tpu.memory_space<vmem_shared>>)
    %dma_wait3A_78 = arith.constant 0 : i32
    %dma_wait3A_79 = arith.constant 0 : i32
    %dma_wait3A_80 = tpu.memref_slice %arg6[%dma_wait3A_78, %dma_wait3A_79] : memref<80x125xi32, #tpu.memory_space<vmem>> -> memref<1x125xi32, #tpu.memory_space<vmem>>
    %dma_wait3A_81 = tpu.memref_squeeze %dma_wait3A_80 : memref<1x125xi32, #tpu.memory_space<vmem>> -> memref<125xi32, #tpu.memory_space<vmem>>
    %dma_wait3A_82 = arith.constant 0 : i32
    %dma_wait3A_83 = tpu.memref_slice %arg8[%dma_wait3A_82] : memref<10240xf32, #tpu.memory_space<vmem_shared>> -> memref<10240xf32, #tpu.memory_space<vmem_shared>>
    tpu.wait_indirect_dma semaphore(%arg11 : memref<!tpu.dma_semaphore, #tpu.memory_space<semaphore_mem>>) src(%arg7 : memref<125xf32, #tpu.memory_space<vmem>>) dst(%dma_wait3A_83 : memref<10240xf32, #tpu.memory_space<vmem_shared>>)
    %dma_wait3A_84 = arith.constant 0 : i32
    %dma_wait3A_85 = arith.constant 0 : i32
    %dma_wait3A_86 = tpu.memref_slice %arg6[%dma_wait3A_84, %dma_wait3A_85] : memref<80x125xi32, #tpu.memory_space<vmem>> -> memref<1x125xi32, #tpu.memory_space<vmem>>
    %dma_wait3A_87 = tpu.memref_squeeze %dma_wait3A_86 : memref<1x125xi32, #tpu.memory_space<vmem>> -> memref<125xi32, #tpu.memory_space<vmem>>
    %dma_wait3A_88 = arith.constant 0 : i32
    %dma_wait3A_89 = tpu.memref_slice %arg8[%dma_wait3A_88] : memref<10240xf32, #tpu.memory_space<vmem_shared>> -> memref<10240xf32, #tpu.memory_space<vmem_shared>>
    tpu.wait_indirect_dma semaphore(%arg12 : memref<!tpu.dma_semaphore, #tpu.memory_space<semaphore_mem>>) src(%arg7 : memref<125xf32, #tpu.memory_space<vmem>>) dst(%dma_wait3A_89 : memref<10240xf32, #tpu.memory_space<vmem_shared>>)
    %dma_wait3A_90 = arith.constant 0 : i32
    %dma_wait3A_91 = arith.constant 0 : i32
    %dma_wait3A_92 = tpu.memref_slice %arg6[%dma_wait3A_90, %dma_wait3A_91] : memref<80x125xi32, #tpu.memory_space<vmem>> -> memref<1x125xi32, #tpu.memory_space<vmem>>
    %dma_wait3A_93 = tpu.memref_squeeze %dma_wait3A_92 : memref<1x125xi32, #tpu.memory_space<vmem>> -> memref<125xi32, #tpu.memory_space<vmem>>
    %dma_wait3A_94 = arith.constant 0 : i32
    %dma_wait3A_95 = tpu.memref_slice %arg8[%dma_wait3A_94] : memref<10240xf32, #tpu.memory_space<vmem_shared>> -> memref<10240xf32, #tpu.memory_space<vmem_shared>>
    tpu.wait_indirect_dma semaphore(%arg13 : memref<!tpu.dma_semaphore, #tpu.memory_space<semaphore_mem>>) src(%arg7 : memref<125xf32, #tpu.memory_space<vmem>>) dst(%dma_wait3A_95 : memref<10240xf32, #tpu.memory_space<vmem_shared>>)
    %dma_wait3A_96 = arith.constant 0 : i32
    %dma_wait3A_97 = arith.constant 0 : i32
    %dma_wait3A_98 = tpu.memref_slice %arg6[%dma_wait3A_96, %dma_wait3A_97] : memref<80x125xi32, #tpu.memory_space<vmem>> -> memref<1x125xi32, #tpu.memory_space<vmem>>
    %dma_wait3A_99 = tpu.memref_squeeze %dma_wait3A_98 : memref<1x125xi32, #tpu.memory_space<vmem>> -> memref<125xi32, #tpu.memory_space<vmem>>
    %dma_wait3A_100 = arith.constant 0 : i32
    %dma_wait3A_101 = tpu.memref_slice %arg8[%dma_wait3A_100] : memref<10240xf32, #tpu.memory_space<vmem_shared>> -> memref<10240xf32, #tpu.memory_space<vmem_shared>>
    tpu.wait_indirect_dma semaphore(%arg14 : memref<!tpu.dma_semaphore, #tpu.memory_space<semaphore_mem>>) src(%arg7 : memref<125xf32, #tpu.memory_space<vmem>>) dst(%dma_wait3A_101 : memref<10240xf32, #tpu.memory_space<vmem_shared>>)
    %dma_wait3A_102 = arith.constant 0 : i32
    %dma_wait3A_103 = arith.constant 0 : i32
    %dma_wait3A_104 = tpu.memref_slice %arg6[%dma_wait3A_102, %dma_wait3A_103] : memref<80x125xi32, #tpu.memory_space<vmem>> -> memref<1x125xi32, #tpu.memory_space<vmem>>
    %dma_wait3A_105 = tpu.memref_squeeze %dma_wait3A_104 : memref<1x125xi32, #tpu.memory_space<vmem>> -> memref<125xi32, #tpu.memory_space<vmem>>
    %dma_wait3A_106 = arith.constant 0 : i32
    %dma_wait3A_107 = tpu.memref_slice %arg8[%dma_wait3A_106] : memref<10240xf32, #tpu.memory_space<vmem_shared>> -> memref<10240xf32, #tpu.memory_space<vmem_shared>>
    tpu.wait_indirect_dma semaphore(%arg15 : memref<!tpu.dma_semaphore, #tpu.memory_space<semaphore_mem>>) src(%arg7 : memref<125xf32, #tpu.memory_space<vmem>>) dst(%dma_wait3A_107 : memref<10240xf32, #tpu.memory_space<vmem_shared>>)
    %dma_wait3A_108 = arith.constant 0 : i32
    %dma_wait3A_109 = arith.constant 0 : i32
    %dma_wait3A_110 = tpu.memref_slice %arg6[%dma_wait3A_108, %dma_wait3A_109] : memref<80x125xi32, #tpu.memory_space<vmem>> -> memref<1x125xi32, #tpu.memory_space<vmem>>
    %dma_wait3A_111 = tpu.memref_squeeze %dma_wait3A_110 : memref<1x125xi32, #tpu.memory_space<vmem>> -> memref<125xi32, #tpu.memory_space<vmem>>
    %dma_wait3A_112 = arith.constant 0 : i32
    %dma_wait3A_113 = tpu.memref_slice %arg8[%dma_wait3A_112] : memref<10240xf32, #tpu.memory_space<vmem_shared>> -> memref<10240xf32, #tpu.memory_space<vmem_shared>>
    tpu.wait_indirect_dma semaphore(%arg16 : memref<!tpu.dma_semaphore, #tpu.memory_space<semaphore_mem>>) src(%arg7 : memref<125xf32, #tpu.memory_space<vmem>>) dst(%dma_wait3A_113 : memref<10240xf32, #tpu.memory_space<vmem_shared>>)
    %dma_wait3A_114 = arith.constant 0 : i32
    %dma_wait3A_115 = arith.constant 0 : i32
    %dma_wait3A_116 = tpu.memref_slice %arg6[%dma_wait3A_114, %dma_wait3A_115] : memref<80x125xi32, #tpu.memory_space<vmem>> -> memref<1x125xi32, #tpu.memory_space<vmem>>
    %dma_wait3A_117 = tpu.memref_squeeze %dma_wait3A_116 : memref<1x125xi32, #tpu.memory_space<vmem>> -> memref<125xi32, #tpu.memory_space<vmem>>
    %dma_wait3A_118 = arith.constant 0 : i32
    %dma_wait3A_119 = tpu.memref_slice %arg8[%dma_wait3A_118] : memref<10240xf32, #tpu.memory_space<vmem_shared>> -> memref<10240xf32, #tpu.memory_space<vmem_shared>>
    tpu.wait_indirect_dma semaphore(%arg17 : memref<!tpu.dma_semaphore, #tpu.memory_space<semaphore_mem>>) src(%arg7 : memref<125xf32, #tpu.memory_space<vmem>>) dst(%dma_wait3A_119 : memref<10240xf32, #tpu.memory_space<vmem_shared>>)
    %barrier3A_120 = arith.constant 0 : index
    tpu.barrier barrier_id(%barrier3A_120)
    %mul3A_121 = arith.constant 640 : i32
    %mul3A_122 = arith.muli %arg1, %mul3A_121 : i32
    "tpu.region"() ({
      %run_scoped3A = tpu.sem_alloc : memref<!tpu.dma_semaphore, #tpu.memory_space<semaphore_mem>>
      %dma_start3A_123 = arith.constant 0 : i32
      %dma_start3A_124 = tpu.memref_slice %arg5[%arg0, %arg1, %dma_start3A_123] : memref<2x16x640xf32, #tpu.memory_space<hbm>> -> memref<1x1x640xf32, #tpu.memory_space<hbm>>
      %dma_start3A_125 = tpu.memref_squeeze %dma_start3A_124 : memref<1x1x640xf32, #tpu.memory_space<hbm>> -> memref<640xf32, #tpu.memory_space<hbm>>
      %dma_start3A_126 = tpu.memref_slice %arg8[%mul3A_122] : memref<10240xf32, #tpu.memory_space<vmem_shared>> -> memref<640xf32, #tpu.memory_space<vmem_shared>>
      tpu.enqueue_dma source(%dma_start3A_126 : memref<640xf32, #tpu.memory_space<vmem_shared>>) target(%dma_start3A_125 : memref<640xf32, #tpu.memory_space<hbm>>) target_semaphore(%run_scoped3A : memref<!tpu.dma_semaphore, #tpu.memory_space<semaphore_mem>>)
      %dma_wait3A_127 = arith.constant 0 : i32
      %dma_wait3A_128 = tpu.memref_slice %arg5[%arg0, %arg1, %dma_wait3A_127] : memref<2x16x640xf32, #tpu.memory_space<hbm>> -> memref<1x1x640xf32, #tpu.memory_space<hbm>>
      %dma_wait3A_129 = tpu.memref_squeeze %dma_wait3A_128 : memref<1x1x640xf32, #tpu.memory_space<hbm>> -> memref<640xf32, #tpu.memory_space<hbm>>
      %dma_wait3A_130 = tpu.memref_slice %arg8[%mul3A_122] : memref<10240xf32, #tpu.memory_space<vmem_shared>> -> memref<640xf32, #tpu.memory_space<vmem_shared>>
      tpu.wait_dma2 semaphore(%run_scoped3A : memref<!tpu.dma_semaphore, #tpu.memory_space<semaphore_mem>>) src(%dma_wait3A_130 : memref<640xf32, #tpu.memory_space<vmem_shared>>) dst(%dma_wait3A_129 : memref<640xf32, #tpu.memory_space<hbm>>)
      tpu.yield
    }) : () -> ()
    return
  }
}

#map = affine_map<(d0, d1) -> (0, 0, 0, 0)>
#map1 = affine_map<(d0, d1) -> (0, 0)>
module attributes {stable_mosaic.version = 14 : i64} {
  func.func @_agg_body(%arg0: i32, %arg1: i32, %arg2: memref<2x32x80x125xi32, #tpu.memory_space<hbm>>, %arg3: memref<10000x32xf32, #tpu.memory_space<hbm>>, %arg4: memref<640x32xf32, #tpu.memory_space<hbm>>, %arg5: memref<2x16x640x32xf32, #tpu.memory_space<hbm>>, %arg6: memref<80x125xi32, #tpu.memory_space<vmem>>, %arg7: memref<80x125xi32, #tpu.memory_space<vmem>>, %arg8: memref<8x125x32xf32, #tpu.memory_space<vmem>>, %arg9: memref<10240x32xf32, #tpu.memory_space<vmem_shared>>, %arg10: memref<!tpu.dma_semaphore, #tpu.memory_space<semaphore_mem>>, %arg11: memref<!tpu.dma_semaphore, #tpu.memory_space<semaphore_mem>>, %arg12: memref<!tpu.dma_semaphore, #tpu.memory_space<semaphore_mem>>, %arg13: memref<!tpu.dma_semaphore, #tpu.memory_space<semaphore_mem>>, %arg14: memref<!tpu.dma_semaphore, #tpu.memory_space<semaphore_mem>>, %arg15: memref<!tpu.dma_semaphore, #tpu.memory_space<semaphore_mem>>, %arg16: memref<!tpu.dma_semaphore, #tpu.memory_space<semaphore_mem>>, %arg17: memref<!tpu.dma_semaphore, #tpu.memory_space<semaphore_mem>>, %arg18: memref<!tpu.dma_semaphore, #tpu.memory_space<semaphore_mem>>, %arg19: memref<!tpu.dma_semaphore, #tpu.memory_space<semaphore_mem>>, %arg20: memref<!tpu.dma_semaphore, #tpu.memory_space<semaphore_mem>>, %arg21: memref<!tpu.dma_semaphore, #tpu.memory_space<semaphore_mem>>, %arg22: memref<!tpu.dma_semaphore, #tpu.memory_space<semaphore_mem>>, %arg23: memref<!tpu.dma_semaphore, #tpu.memory_space<semaphore_mem>>, %arg24: memref<!tpu.dma_semaphore, #tpu.memory_space<semaphore_mem>>, %arg25: memref<!tpu.dma_semaphore, #tpu.memory_space<semaphore_mem>>, %arg26: memref<!tpu.dma_semaphore, #tpu.memory_space<semaphore_mem>>) attributes {dimension_semantics = [#tpu.dimension_semantics<core_parallel>, #tpu.dimension_semantics<subcore_parallel>], iteration_bounds = array<i64: 2, 16>, scalar_prefetch = 0 : i64, scratch_operands = 21 : i64, tpu.core_type = #tpu.core_type<sc_vector_subcore>, window_params = [{transform_indices = #map}, {transform_indices = #map1}, {transform_indices = #map1}, {transform_indices = #map}]} {
    %mul3A = arith.constant 2 : i32
    %mul3A_0 = arith.muli %arg1, %mul3A : i32
    %add3A = arith.addi %mul3A_0, %arg0 : i32
    %mul3A_1 = arith.constant 640 : i32
    %mul3A_2 = arith.muli %arg1, %mul3A_1 : i32
    "tpu.region"() ({
      %run_scoped3A = tpu.sem_alloc : memref<!tpu.dma_semaphore, #tpu.memory_space<semaphore_mem>>
      %dma_start3A_237 = arith.constant 0 : i32
      %dma_start3A_238 = tpu.memref_slice %arg9[%mul3A_2, %dma_start3A_237] : memref<10240x32xf32, #tpu.memory_space<vmem_shared>> -> memref<640x32xf32, #tpu.memory_space<vmem_shared>>
      tpu.enqueue_dma source(%arg4 : memref<640x32xf32, #tpu.memory_space<hbm>>) target(%dma_start3A_238 : memref<640x32xf32, #tpu.memory_space<vmem_shared>>) target_semaphore(%run_scoped3A : memref<!tpu.dma_semaphore, #tpu.memory_space<semaphore_mem>>)
      %dma_wait3A_239 = arith.constant 0 : i32
      %dma_wait3A_240 = tpu.memref_slice %arg9[%mul3A_2, %dma_wait3A_239] : memref<10240x32xf32, #tpu.memory_space<vmem_shared>> -> memref<640x32xf32, #tpu.memory_space<vmem_shared>>
      tpu.wait_dma2 semaphore(%run_scoped3A : memref<!tpu.dma_semaphore, #tpu.memory_space<semaphore_mem>>) src(%arg4 : memref<640x32xf32, #tpu.memory_space<hbm>>) dst(%dma_wait3A_240 : memref<640x32xf32, #tpu.memory_space<vmem_shared>>)
      tpu.yield
    }) : () -> ()
    %dma_start3A = arith.constant 0 : i32
    %dma_start3A_3 = arith.constant 0 : i32
    %dma_start3A_4 = arith.constant 0 : i32
    %dma_start3A_5 = tpu.memref_slice %arg2[%dma_start3A, %add3A, %dma_start3A_3, %dma_start3A_4] : memref<2x32x80x125xi32, #tpu.memory_space<hbm>> -> memref<1x1x80x125xi32, #tpu.memory_space<hbm>>
    %dma_start3A_6 = tpu.memref_squeeze %dma_start3A_5 : memref<1x1x80x125xi32, #tpu.memory_space<hbm>> -> memref<80x125xi32, #tpu.memory_space<hbm>>
    %dma_start3A_7 = arith.constant 0 : i32
    %dma_start3A_8 = arith.constant 0 : i32
    %dma_start3A_9 = tpu.memref_slice %arg2[%dma_start3A, %add3A, %dma_start3A_7, %dma_start3A_8] : memref<2x32x80x125xi32, #tpu.memory_space<hbm>> -> memref<1x1x80x125xi32, #tpu.memory_space<hbm>>
    %dma_start3A_10 = tpu.memref_squeeze %dma_start3A_9 : memref<1x1x80x125xi32, #tpu.memory_space<hbm>> -> memref<80x125xi32, #tpu.memory_space<hbm>>
    tpu.enqueue_dma source(%dma_start3A_10 : memref<80x125xi32, #tpu.memory_space<hbm>>) target(%arg6 : memref<80x125xi32, #tpu.memory_space<vmem>>) target_semaphore(%arg10 : memref<!tpu.dma_semaphore, #tpu.memory_space<semaphore_mem>>)
    %dma_wait3A = arith.constant 0 : i32
    %dma_wait3A_11 = arith.constant 0 : i32
    %dma_wait3A_12 = arith.constant 0 : i32
    %dma_wait3A_13 = tpu.memref_slice %arg2[%dma_wait3A, %add3A, %dma_wait3A_11, %dma_wait3A_12] : memref<2x32x80x125xi32, #tpu.memory_space<hbm>> -> memref<1x1x80x125xi32, #tpu.memory_space<hbm>>
    %dma_wait3A_14 = tpu.memref_squeeze %dma_wait3A_13 : memref<1x1x80x125xi32, #tpu.memory_space<hbm>> -> memref<80x125xi32, #tpu.memory_space<hbm>>
    %dma_wait3A_15 = arith.constant 0 : i32
    %dma_wait3A_16 = arith.constant 0 : i32
    %dma_wait3A_17 = tpu.memref_slice %arg2[%dma_wait3A, %add3A, %dma_wait3A_15, %dma_wait3A_16] : memref<2x32x80x125xi32, #tpu.memory_space<hbm>> -> memref<1x1x80x125xi32, #tpu.memory_space<hbm>>
    %dma_wait3A_18 = tpu.memref_squeeze %dma_wait3A_17 : memref<1x1x80x125xi32, #tpu.memory_space<hbm>> -> memref<80x125xi32, #tpu.memory_space<hbm>>
    tpu.wait_dma2 semaphore(%arg10 : memref<!tpu.dma_semaphore, #tpu.memory_space<semaphore_mem>>) src(%dma_wait3A_18 : memref<80x125xi32, #tpu.memory_space<hbm>>) dst(%arg6 : memref<80x125xi32, #tpu.memory_space<vmem>>)
    %dma_start3A_19 = arith.constant 1 : i32
    %dma_start3A_20 = arith.constant 0 : i32
    %dma_start3A_21 = arith.constant 0 : i32
    %dma_start3A_22 = tpu.memref_slice %arg2[%dma_start3A_19, %add3A, %dma_start3A_20, %dma_start3A_21] : memref<2x32x80x125xi32, #tpu.memory_space<hbm>> -> memref<1x1x80x125xi32, #tpu.memory_space<hbm>>
    %dma_start3A_23 = tpu.memref_squeeze %dma_start3A_22 : memref<1x1x80x125xi32, #tpu.memory_space<hbm>> -> memref<80x125xi32, #tpu.memory_space<hbm>>
    %dma_start3A_24 = arith.constant 0 : i32
    %dma_start3A_25 = arith.constant 0 : i32
    %dma_start3A_26 = tpu.memref_slice %arg2[%dma_start3A_19, %add3A, %dma_start3A_24, %dma_start3A_25] : memref<2x32x80x125xi32, #tpu.memory_space<hbm>> -> memref<1x1x80x125xi32, #tpu.memory_space<hbm>>
    %dma_start3A_27 = tpu.memref_squeeze %dma_start3A_26 : memref<1x1x80x125xi32, #tpu.memory_space<hbm>> -> memref<80x125xi32, #tpu.memory_space<hbm>>
    tpu.enqueue_dma source(%dma_start3A_27 : memref<80x125xi32, #tpu.memory_space<hbm>>) target(%arg7 : memref<80x125xi32, #tpu.memory_space<vmem>>) target_semaphore(%arg10 : memref<!tpu.dma_semaphore, #tpu.memory_space<semaphore_mem>>)
    %dma_wait3A_28 = arith.constant 1 : i32
    %dma_wait3A_29 = arith.constant 0 : i32
    %dma_wait3A_30 = arith.constant 0 : i32
    %dma_wait3A_31 = tpu.memref_slice %arg2[%dma_wait3A_28, %add3A, %dma_wait3A_29, %dma_wait3A_30] : memref<2x32x80x125xi32, #tpu.memory_space<hbm>> -> memref<1x1x80x125xi32, #tpu.memory_space<hbm>>
    %dma_wait3A_32 = tpu.memref_squeeze %dma_wait3A_31 : memref<1x1x80x125xi32, #tpu.memory_space<hbm>> -> memref<80x125xi32, #tpu.memory_space<hbm>>
    %dma_wait3A_33 = arith.constant 0 : i32
    %dma_wait3A_34 = arith.constant 0 : i32
    %dma_wait3A_35 = tpu.memref_slice %arg2[%dma_wait3A_28, %add3A, %dma_wait3A_33, %dma_wait3A_34] : memref<2x32x80x125xi32, #tpu.memory_space<hbm>> -> memref<1x1x80x125xi32, #tpu.memory_space<hbm>>
    %dma_wait3A_36 = tpu.memref_squeeze %dma_wait3A_35 : memref<1x1x80x125xi32, #tpu.memory_space<hbm>> -> memref<80x125xi32, #tpu.memory_space<hbm>>
    tpu.wait_dma2 semaphore(%arg10 : memref<!tpu.dma_semaphore, #tpu.memory_space<semaphore_mem>>) src(%dma_wait3A_36 : memref<80x125xi32, #tpu.memory_space<hbm>>) dst(%arg7 : memref<80x125xi32, #tpu.memory_space<vmem>>)
    %barrier3A = arith.constant 0 : index
    tpu.barrier barrier_id(%barrier3A)
    %dma_start3A_37 = arith.constant 0 : i32
    %dma_start3A_38 = arith.constant 0 : i32
    %dma_start3A_39 = arith.constant 0 : i32
    %dma_start3A_40 = arith.constant 0 : i32
    %dma_start3A_41 = tpu.memref_slice %arg8[%dma_start3A_38, %dma_start3A_39, %dma_start3A_40] : memref<8x125x32xf32, #tpu.memory_space<vmem>> -> memref<1x125x32xf32, #tpu.memory_space<vmem>>
    %dma_start3A_42 = tpu.memref_squeeze %dma_start3A_41 : memref<1x125x32xf32, #tpu.memory_space<vmem>> -> memref<125x32xf32, #tpu.memory_space<vmem>>
    %dma_start3A_43 = arith.constant 0 : i32
    %dma_start3A_44 = tpu.memref_slice %arg6[%dma_start3A_37, %dma_start3A_43] : memref<80x125xi32, #tpu.memory_space<vmem>> -> memref<1x125xi32, #tpu.memory_space<vmem>>
    %dma_start3A_45 = tpu.memref_squeeze %dma_start3A_44 : memref<1x125xi32, #tpu.memory_space<vmem>> -> memref<125xi32, #tpu.memory_space<vmem>>
    %dma_start3A_46 = arith.constant 0 : i32
    %dma_start3A_47 = arith.constant 0 : i32
    %dma_start3A_48 = tpu.memref_slice %arg3[%dma_start3A_46, %dma_start3A_47] : memref<10000x32xf32, #tpu.memory_space<hbm>> -> memref<10000x32xf32, #tpu.memory_space<hbm>>
    tpu.enqueue_indirect_dma source(%dma_start3A_48 : memref<10000x32xf32, #tpu.memory_space<hbm>>) target(%dma_start3A_42 : memref<125x32xf32, #tpu.memory_space<vmem>>) offsets(%dma_start3A_45 : memref<125xi32, #tpu.memory_space<vmem>>) semaphore(%arg11 : memref<!tpu.dma_semaphore, #tpu.memory_space<semaphore_mem>>)
    %dma_start3A_49 = arith.constant 1 : i32
    %dma_start3A_50 = arith.constant 1 : i32
    %dma_start3A_51 = arith.constant 0 : i32
    %dma_start3A_52 = arith.constant 0 : i32
    %dma_start3A_53 = tpu.memref_slice %arg8[%dma_start3A_50, %dma_start3A_51, %dma_start3A_52] : memref<8x125x32xf32, #tpu.memory_space<vmem>> -> memref<1x125x32xf32, #tpu.memory_space<vmem>>
    %dma_start3A_54 = tpu.memref_squeeze %dma_start3A_53 : memref<1x125x32xf32, #tpu.memory_space<vmem>> -> memref<125x32xf32, #tpu.memory_space<vmem>>
    %dma_start3A_55 = arith.constant 0 : i32
    %dma_start3A_56 = tpu.memref_slice %arg6[%dma_start3A_49, %dma_start3A_55] : memref<80x125xi32, #tpu.memory_space<vmem>> -> memref<1x125xi32, #tpu.memory_space<vmem>>
    %dma_start3A_57 = tpu.memref_squeeze %dma_start3A_56 : memref<1x125xi32, #tpu.memory_space<vmem>> -> memref<125xi32, #tpu.memory_space<vmem>>
    %dma_start3A_58 = arith.constant 0 : i32
    %dma_start3A_59 = arith.constant 0 : i32
    %dma_start3A_60 = tpu.memref_slice %arg3[%dma_start3A_58, %dma_start3A_59] : memref<10000x32xf32, #tpu.memory_space<hbm>> -> memref<10000x32xf32, #tpu.memory_space<hbm>>
    tpu.enqueue_indirect_dma source(%dma_start3A_60 : memref<10000x32xf32, #tpu.memory_space<hbm>>) target(%dma_start3A_54 : memref<125x32xf32, #tpu.memory_space<vmem>>) offsets(%dma_start3A_57 : memref<125xi32, #tpu.memory_space<vmem>>) semaphore(%arg12 : memref<!tpu.dma_semaphore, #tpu.memory_space<semaphore_mem>>)
    %dma_start3A_61 = arith.constant 2 : i32
    %dma_start3A_62 = arith.constant 2 : i32
    %dma_start3A_63 = arith.constant 0 : i32
    %dma_start3A_64 = arith.constant 0 : i32
    %dma_start3A_65 = tpu.memref_slice %arg8[%dma_start3A_62, %dma_start3A_63, %dma_start3A_64] : memref<8x125x32xf32, #tpu.memory_space<vmem>> -> memref<1x125x32xf32, #tpu.memory_space<vmem>>
    %dma_start3A_66 = tpu.memref_squeeze %dma_start3A_65 : memref<1x125x32xf32, #tpu.memory_space<vmem>> -> memref<125x32xf32, #tpu.memory_space<vmem>>
    %dma_start3A_67 = arith.constant 0 : i32
    %dma_start3A_68 = tpu.memref_slice %arg6[%dma_start3A_61, %dma_start3A_67] : memref<80x125xi32, #tpu.memory_space<vmem>> -> memref<1x125xi32, #tpu.memory_space<vmem>>
    %dma_start3A_69 = tpu.memref_squeeze %dma_start3A_68 : memref<1x125xi32, #tpu.memory_space<vmem>> -> memref<125xi32, #tpu.memory_space<vmem>>
    %dma_start3A_70 = arith.constant 0 : i32
    %dma_start3A_71 = arith.constant 0 : i32
    %dma_start3A_72 = tpu.memref_slice %arg3[%dma_start3A_70, %dma_start3A_71] : memref<10000x32xf32, #tpu.memory_space<hbm>> -> memref<10000x32xf32, #tpu.memory_space<hbm>>
    tpu.enqueue_indirect_dma source(%dma_start3A_72 : memref<10000x32xf32, #tpu.memory_space<hbm>>) target(%dma_start3A_66 : memref<125x32xf32, #tpu.memory_space<vmem>>) offsets(%dma_start3A_69 : memref<125xi32, #tpu.memory_space<vmem>>) semaphore(%arg13 : memref<!tpu.dma_semaphore, #tpu.memory_space<semaphore_mem>>)
    %dma_start3A_73 = arith.constant 3 : i32
    %dma_start3A_74 = arith.constant 3 : i32
    %dma_start3A_75 = arith.constant 0 : i32
    %dma_start3A_76 = arith.constant 0 : i32
    %dma_start3A_77 = tpu.memref_slice %arg8[%dma_start3A_74, %dma_start3A_75, %dma_start3A_76] : memref<8x125x32xf32, #tpu.memory_space<vmem>> -> memref<1x125x32xf32, #tpu.memory_space<vmem>>
    %dma_start3A_78 = tpu.memref_squeeze %dma_start3A_77 : memref<1x125x32xf32, #tpu.memory_space<vmem>> -> memref<125x32xf32, #tpu.memory_space<vmem>>
    %dma_start3A_79 = arith.constant 0 : i32
    %dma_start3A_80 = tpu.memref_slice %arg6[%dma_start3A_73, %dma_start3A_79] : memref<80x125xi32, #tpu.memory_space<vmem>> -> memref<1x125xi32, #tpu.memory_space<vmem>>
    %dma_start3A_81 = tpu.memref_squeeze %dma_start3A_80 : memref<1x125xi32, #tpu.memory_space<vmem>> -> memref<125xi32, #tpu.memory_space<vmem>>
    %dma_start3A_82 = arith.constant 0 : i32
    %dma_start3A_83 = arith.constant 0 : i32
    %dma_start3A_84 = tpu.memref_slice %arg3[%dma_start3A_82, %dma_start3A_83] : memref<10000x32xf32, #tpu.memory_space<hbm>> -> memref<10000x32xf32, #tpu.memory_space<hbm>>
    tpu.enqueue_indirect_dma source(%dma_start3A_84 : memref<10000x32xf32, #tpu.memory_space<hbm>>) target(%dma_start3A_78 : memref<125x32xf32, #tpu.memory_space<vmem>>) offsets(%dma_start3A_81 : memref<125xi32, #tpu.memory_space<vmem>>) semaphore(%arg14 : memref<!tpu.dma_semaphore, #tpu.memory_space<semaphore_mem>>)
    %dma_start3A_85 = arith.constant 4 : i32
    %dma_start3A_86 = arith.constant 4 : i32
    %dma_start3A_87 = arith.constant 0 : i32
    %dma_start3A_88 = arith.constant 0 : i32
    %dma_start3A_89 = tpu.memref_slice %arg8[%dma_start3A_86, %dma_start3A_87, %dma_start3A_88] : memref<8x125x32xf32, #tpu.memory_space<vmem>> -> memref<1x125x32xf32, #tpu.memory_space<vmem>>
    %dma_start3A_90 = tpu.memref_squeeze %dma_start3A_89 : memref<1x125x32xf32, #tpu.memory_space<vmem>> -> memref<125x32xf32, #tpu.memory_space<vmem>>
    %dma_start3A_91 = arith.constant 0 : i32
    %dma_start3A_92 = tpu.memref_slice %arg6[%dma_start3A_85, %dma_start3A_91] : memref<80x125xi32, #tpu.memory_space<vmem>> -> memref<1x125xi32, #tpu.memory_space<vmem>>
    %dma_start3A_93 = tpu.memref_squeeze %dma_start3A_92 : memref<1x125xi32, #tpu.memory_space<vmem>> -> memref<125xi32, #tpu.memory_space<vmem>>
    %dma_start3A_94 = arith.constant 0 : i32
    %dma_start3A_95 = arith.constant 0 : i32
    %dma_start3A_96 = tpu.memref_slice %arg3[%dma_start3A_94, %dma_start3A_95] : memref<10000x32xf32, #tpu.memory_space<hbm>> -> memref<10000x32xf32, #tpu.memory_space<hbm>>
    tpu.enqueue_indirect_dma source(%dma_start3A_96 : memref<10000x32xf32, #tpu.memory_space<hbm>>) target(%dma_start3A_90 : memref<125x32xf32, #tpu.memory_space<vmem>>) offsets(%dma_start3A_93 : memref<125xi32, #tpu.memory_space<vmem>>) semaphore(%arg15 : memref<!tpu.dma_semaphore, #tpu.memory_space<semaphore_mem>>)
    %dma_start3A_97 = arith.constant 5 : i32
    %dma_start3A_98 = arith.constant 5 : i32
    %dma_start3A_99 = arith.constant 0 : i32
    %dma_start3A_100 = arith.constant 0 : i32
    %dma_start3A_101 = tpu.memref_slice %arg8[%dma_start3A_98, %dma_start3A_99, %dma_start3A_100] : memref<8x125x32xf32, #tpu.memory_space<vmem>> -> memref<1x125x32xf32, #tpu.memory_space<vmem>>
    %dma_start3A_102 = tpu.memref_squeeze %dma_start3A_101 : memref<1x125x32xf32, #tpu.memory_space<vmem>> -> memref<125x32xf32, #tpu.memory_space<vmem>>
    %dma_start3A_103 = arith.constant 0 : i32
    %dma_start3A_104 = tpu.memref_slice %arg6[%dma_start3A_97, %dma_start3A_103] : memref<80x125xi32, #tpu.memory_space<vmem>> -> memref<1x125xi32, #tpu.memory_space<vmem>>
    %dma_start3A_105 = tpu.memref_squeeze %dma_start3A_104 : memref<1x125xi32, #tpu.memory_space<vmem>> -> memref<125xi32, #tpu.memory_space<vmem>>
    %dma_start3A_106 = arith.constant 0 : i32
    %dma_start3A_107 = arith.constant 0 : i32
    %dma_start3A_108 = tpu.memref_slice %arg3[%dma_start3A_106, %dma_start3A_107] : memref<10000x32xf32, #tpu.memory_space<hbm>> -> memref<10000x32xf32, #tpu.memory_space<hbm>>
    tpu.enqueue_indirect_dma source(%dma_start3A_108 : memref<10000x32xf32, #tpu.memory_space<hbm>>) target(%dma_start3A_102 : memref<125x32xf32, #tpu.memory_space<vmem>>) offsets(%dma_start3A_105 : memref<125xi32, #tpu.memory_space<vmem>>) semaphore(%arg16 : memref<!tpu.dma_semaphore, #tpu.memory_space<semaphore_mem>>)
    %dma_start3A_109 = arith.constant 6 : i32
    %dma_start3A_110 = arith.constant 6 : i32
    %dma_start3A_111 = arith.constant 0 : i32
    %dma_start3A_112 = arith.constant 0 : i32
    %dma_start3A_113 = tpu.memref_slice %arg8[%dma_start3A_110, %dma_start3A_111, %dma_start3A_112] : memref<8x125x32xf32, #tpu.memory_space<vmem>> -> memref<1x125x32xf32, #tpu.memory_space<vmem>>
    %dma_start3A_114 = tpu.memref_squeeze %dma_start3A_113 : memref<1x125x32xf32, #tpu.memory_space<vmem>> -> memref<125x32xf32, #tpu.memory_space<vmem>>
    %dma_start3A_115 = arith.constant 0 : i32
    %dma_start3A_116 = tpu.memref_slice %arg6[%dma_start3A_109, %dma_start3A_115] : memref<80x125xi32, #tpu.memory_space<vmem>> -> memref<1x125xi32, #tpu.memory_space<vmem>>
    %dma_start3A_117 = tpu.memref_squeeze %dma_start3A_116 : memref<1x125xi32, #tpu.memory_space<vmem>> -> memref<125xi32, #tpu.memory_space<vmem>>
    %dma_start3A_118 = arith.constant 0 : i32
    %dma_start3A_119 = arith.constant 0 : i32
    %dma_start3A_120 = tpu.memref_slice %arg3[%dma_start3A_118, %dma_start3A_119] : memref<10000x32xf32, #tpu.memory_space<hbm>> -> memref<10000x32xf32, #tpu.memory_space<hbm>>
    tpu.enqueue_indirect_dma source(%dma_start3A_120 : memref<10000x32xf32, #tpu.memory_space<hbm>>) target(%dma_start3A_114 : memref<125x32xf32, #tpu.memory_space<vmem>>) offsets(%dma_start3A_117 : memref<125xi32, #tpu.memory_space<vmem>>) semaphore(%arg17 : memref<!tpu.dma_semaphore, #tpu.memory_space<semaphore_mem>>)
    %dma_start3A_121 = arith.constant 7 : i32
    %dma_start3A_122 = arith.constant 7 : i32
    %dma_start3A_123 = arith.constant 0 : i32
    %dma_start3A_124 = arith.constant 0 : i32
    %dma_start3A_125 = tpu.memref_slice %arg8[%dma_start3A_122, %dma_start3A_123, %dma_start3A_124] : memref<8x125x32xf32, #tpu.memory_space<vmem>> -> memref<1x125x32xf32, #tpu.memory_space<vmem>>
    %dma_start3A_126 = tpu.memref_squeeze %dma_start3A_125 : memref<1x125x32xf32, #tpu.memory_space<vmem>> -> memref<125x32xf32, #tpu.memory_space<vmem>>
    %dma_start3A_127 = arith.constant 0 : i32
    %dma_start3A_128 = tpu.memref_slice %arg6[%dma_start3A_121, %dma_start3A_127] : memref<80x125xi32, #tpu.memory_space<vmem>> -> memref<1x125xi32, #tpu.memory_space<vmem>>
    %dma_start3A_129 = tpu.memref_squeeze %dma_start3A_128 : memref<1x125xi32, #tpu.memory_space<vmem>> -> memref<125xi32, #tpu.memory_space<vmem>>
    %dma_start3A_130 = arith.constant 0 : i32
    %dma_start3A_131 = arith.constant 0 : i32
    %dma_start3A_132 = tpu.memref_slice %arg3[%dma_start3A_130, %dma_start3A_131] : memref<10000x32xf32, #tpu.memory_space<hbm>> -> memref<10000x32xf32, #tpu.memory_space<hbm>>
    tpu.enqueue_indirect_dma source(%dma_start3A_132 : memref<10000x32xf32, #tpu.memory_space<hbm>>) target(%dma_start3A_126 : memref<125x32xf32, #tpu.memory_space<vmem>>) offsets(%dma_start3A_129 : memref<125xi32, #tpu.memory_space<vmem>>) semaphore(%arg18 : memref<!tpu.dma_semaphore, #tpu.memory_space<semaphore_mem>>)
    %scan3A = arith.constant 0 : i32
    %scan3A_133 = arith.constant 0 : i32
    %scan3A_134 = arith.constant 10 : i32
    %scan3A_135 = arith.addi %scan3A_133, %scan3A_134 : i32
    %scan3A_136 = arith.constant 2 : i32
    scf.for %scan3A_237 = %scan3A_133 to %scan3A_135 step %scan3A_136  : i32 {
      %dma_wait3A_238 = arith.constant 0 : i32
      %dma_wait3A_239 = arith.constant 0 : i32
      %dma_wait3A_240 = arith.constant 0 : i32
      %dma_wait3A_241 = arith.constant 0 : i32
      %dma_wait3A_242 = tpu.memref_slice %arg8[%dma_wait3A_239, %dma_wait3A_240, %dma_wait3A_241] : memref<8x125x32xf32, #tpu.memory_space<vmem>> -> memref<1x125x32xf32, #tpu.memory_space<vmem>>
      %dma_wait3A_243 = tpu.memref_squeeze %dma_wait3A_242 : memref<1x125x32xf32, #tpu.memory_space<vmem>> -> memref<125x32xf32, #tpu.memory_space<vmem>>
      %dma_wait3A_244 = arith.constant 0 : i32
      %dma_wait3A_245 = tpu.memref_slice %arg6[%dma_wait3A_238, %dma_wait3A_244] : memref<80x125xi32, #tpu.memory_space<vmem>> -> memref<1x125xi32, #tpu.memory_space<vmem>>
      %dma_wait3A_246 = tpu.memref_squeeze %dma_wait3A_245 : memref<1x125xi32, #tpu.memory_space<vmem>> -> memref<125xi32, #tpu.memory_space<vmem>>
      %dma_wait3A_247 = arith.constant 0 : i32
      %dma_wait3A_248 = arith.constant 0 : i32
      %dma_wait3A_249 = tpu.memref_slice %arg3[%dma_wait3A_247, %dma_wait3A_248] : memref<10000x32xf32, #tpu.memory_space<hbm>> -> memref<10000x32xf32, #tpu.memory_space<hbm>>
      tpu.wait_indirect_dma semaphore(%arg11 : memref<!tpu.dma_semaphore, #tpu.memory_space<semaphore_mem>>) src(%dma_wait3A_249 : memref<10000x32xf32, #tpu.memory_space<hbm>>) dst(%dma_wait3A_243 : memref<125x32xf32, #tpu.memory_space<vmem>>)
      %mul3A_250 = arith.constant 8 : i32
      %mul3A_251 = arith.muli %scan3A_237, %mul3A_250 : i32
      %add3A_252 = arith.constant 0 : i32
      %add3A_253 = arith.addi %mul3A_251, %add3A_252 : i32
      %dma_start3A_254 = arith.constant 0 : i32
      %dma_start3A_255 = arith.constant 0 : i32
      %dma_start3A_256 = arith.constant 0 : i32
      %dma_start3A_257 = tpu.memref_slice %arg8[%dma_start3A_254, %dma_start3A_255, %dma_start3A_256] : memref<8x125x32xf32, #tpu.memory_space<vmem>> -> memref<1x125x32xf32, #tpu.memory_space<vmem>>
      %dma_start3A_258 = tpu.memref_squeeze %dma_start3A_257 : memref<1x125x32xf32, #tpu.memory_space<vmem>> -> memref<125x32xf32, #tpu.memory_space<vmem>>
      %dma_start3A_259 = arith.constant 0 : i32
      %dma_start3A_260 = tpu.memref_slice %arg7[%add3A_253, %dma_start3A_259] : memref<80x125xi32, #tpu.memory_space<vmem>> -> memref<1x125xi32, #tpu.memory_space<vmem>>
      %dma_start3A_261 = tpu.memref_squeeze %dma_start3A_260 : memref<1x125xi32, #tpu.memory_space<vmem>> -> memref<125xi32, #tpu.memory_space<vmem>>
      %dma_start3A_262 = arith.constant 0 : i32
      %dma_start3A_263 = arith.constant 0 : i32
      %dma_start3A_264 = tpu.memref_slice %arg9[%dma_start3A_262, %dma_start3A_263] : memref<10240x32xf32, #tpu.memory_space<vmem_shared>> -> memref<10240x32xf32, #tpu.memory_space<vmem_shared>>
      tpu.enqueue_indirect_dma source(%dma_start3A_258 : memref<125x32xf32, #tpu.memory_space<vmem>>) target(%dma_start3A_264 : memref<10240x32xf32, #tpu.memory_space<vmem_shared>>) offsets(%dma_start3A_261 : memref<125xi32, #tpu.memory_space<vmem>>) semaphore(%arg19 : memref<!tpu.dma_semaphore, #tpu.memory_space<semaphore_mem>>) {add = true}
      %dma_wait3A_265 = arith.constant 0 : i32
      %dma_wait3A_266 = arith.constant 1 : i32
      %dma_wait3A_267 = arith.constant 0 : i32
      %dma_wait3A_268 = arith.constant 0 : i32
      %dma_wait3A_269 = tpu.memref_slice %arg8[%dma_wait3A_266, %dma_wait3A_267, %dma_wait3A_268] : memref<8x125x32xf32, #tpu.memory_space<vmem>> -> memref<1x125x32xf32, #tpu.memory_space<vmem>>
      %dma_wait3A_270 = tpu.memref_squeeze %dma_wait3A_269 : memref<1x125x32xf32, #tpu.memory_space<vmem>> -> memref<125x32xf32, #tpu.memory_space<vmem>>
      %dma_wait3A_271 = arith.constant 0 : i32
      %dma_wait3A_272 = tpu.memref_slice %arg6[%dma_wait3A_265, %dma_wait3A_271] : memref<80x125xi32, #tpu.memory_space<vmem>> -> memref<1x125xi32, #tpu.memory_space<vmem>>
      %dma_wait3A_273 = tpu.memref_squeeze %dma_wait3A_272 : memref<1x125xi32, #tpu.memory_space<vmem>> -> memref<125xi32, #tpu.memory_space<vmem>>
      %dma_wait3A_274 = arith.constant 0 : i32
      %dma_wait3A_275 = arith.constant 0 : i32
      %dma_wait3A_276 = tpu.memref_slice %arg3[%dma_wait3A_274, %dma_wait3A_275] : memref<10000x32xf32, #tpu.memory_space<hbm>> -> memref<10000x32xf32, #tpu.memory_space<hbm>>
      tpu.wait_indirect_dma semaphore(%arg12 : memref<!tpu.dma_semaphore, #tpu.memory_space<semaphore_mem>>) src(%dma_wait3A_276 : memref<10000x32xf32, #tpu.memory_space<hbm>>) dst(%dma_wait3A_270 : memref<125x32xf32, #tpu.memory_space<vmem>>)
      %mul3A_277 = arith.constant 8 : i32
      %mul3A_278 = arith.muli %scan3A_237, %mul3A_277 : i32
      %add3A_279 = arith.constant 1 : i32
      %add3A_280 = arith.addi %mul3A_278, %add3A_279 : i32
      %dma_start3A_281 = arith.constant 1 : i32
      %dma_start3A_282 = arith.constant 0 : i32
      %dma_start3A_283 = arith.constant 0 : i32
      %dma_start3A_284 = tpu.memref_slice %arg8[%dma_start3A_281, %dma_start3A_282, %dma_start3A_283] : memref<8x125x32xf32, #tpu.memory_space<vmem>> -> memref<1x125x32xf32, #tpu.memory_space<vmem>>
      %dma_start3A_285 = tpu.memref_squeeze %dma_start3A_284 : memref<1x125x32xf32, #tpu.memory_space<vmem>> -> memref<125x32xf32, #tpu.memory_space<vmem>>
      %dma_start3A_286 = arith.constant 0 : i32
      %dma_start3A_287 = tpu.memref_slice %arg7[%add3A_280, %dma_start3A_286] : memref<80x125xi32, #tpu.memory_space<vmem>> -> memref<1x125xi32, #tpu.memory_space<vmem>>
      %dma_start3A_288 = tpu.memref_squeeze %dma_start3A_287 : memref<1x125xi32, #tpu.memory_space<vmem>> -> memref<125xi32, #tpu.memory_space<vmem>>
      %dma_start3A_289 = arith.constant 0 : i32
      %dma_start3A_290 = arith.constant 0 : i32
      %dma_start3A_291 = tpu.memref_slice %arg9[%dma_start3A_289, %dma_start3A_290] : memref<10240x32xf32, #tpu.memory_space<vmem_shared>> -> memref<10240x32xf32, #tpu.memory_space<vmem_shared>>
      tpu.enqueue_indirect_dma source(%dma_start3A_285 : memref<125x32xf32, #tpu.memory_space<vmem>>) target(%dma_start3A_291 : memref<10240x32xf32, #tpu.memory_space<vmem_shared>>) offsets(%dma_start3A_288 : memref<125xi32, #tpu.memory_space<vmem>>) semaphore(%arg20 : memref<!tpu.dma_semaphore, #tpu.memory_space<semaphore_mem>>) {add = true}
      %dma_wait3A_292 = arith.constant 0 : i32
      %dma_wait3A_293 = arith.constant 2 : i32
      %dma_wait3A_294 = arith.constant 0 : i32
      %dma_wait3A_295 = arith.constant 0 : i32
      %dma_wait3A_296 = tpu.memref_slice %arg8[%dma_wait3A_293, %dma_wait3A_294, %dma_wait3A_295] : memref<8x125x32xf32, #tpu.memory_space<vmem>> -> memref<1x125x32xf32, #tpu.memory_space<vmem>>
      %dma_wait3A_297 = tpu.memref_squeeze %dma_wait3A_296 : memref<1x125x32xf32, #tpu.memory_space<vmem>> -> memref<125x32xf32, #tpu.memory_space<vmem>>
      %dma_wait3A_298 = arith.constant 0 : i32
      %dma_wait3A_299 = tpu.memref_slice %arg6[%dma_wait3A_292, %dma_wait3A_298] : memref<80x125xi32, #tpu.memory_space<vmem>> -> memref<1x125xi32, #tpu.memory_space<vmem>>
      %dma_wait3A_300 = tpu.memref_squeeze %dma_wait3A_299 : memref<1x125xi32, #tpu.memory_space<vmem>> -> memref<125xi32, #tpu.memory_space<vmem>>
      %dma_wait3A_301 = arith.constant 0 : i32
      %dma_wait3A_302 = arith.constant 0 : i32
      %dma_wait3A_303 = tpu.memref_slice %arg3[%dma_wait3A_301, %dma_wait3A_302] : memref<10000x32xf32, #tpu.memory_space<hbm>> -> memref<10000x32xf32, #tpu.memory_space<hbm>>
      tpu.wait_indirect_dma semaphore(%arg13 : memref<!tpu.dma_semaphore, #tpu.memory_space<semaphore_mem>>) src(%dma_wait3A_303 : memref<10000x32xf32, #tpu.memory_space<hbm>>) dst(%dma_wait3A_297 : memref<125x32xf32, #tpu.memory_space<vmem>>)
      %mul3A_304 = arith.constant 8 : i32
      %mul3A_305 = arith.muli %scan3A_237, %mul3A_304 : i32
      %add3A_306 = arith.constant 2 : i32
      %add3A_307 = arith.addi %mul3A_305, %add3A_306 : i32
      %dma_start3A_308 = arith.constant 2 : i32
      %dma_start3A_309 = arith.constant 0 : i32
      %dma_start3A_310 = arith.constant 0 : i32
      %dma_start3A_311 = tpu.memref_slice %arg8[%dma_start3A_308, %dma_start3A_309, %dma_start3A_310] : memref<8x125x32xf32, #tpu.memory_space<vmem>> -> memref<1x125x32xf32, #tpu.memory_space<vmem>>
      %dma_start3A_312 = tpu.memref_squeeze %dma_start3A_311 : memref<1x125x32xf32, #tpu.memory_space<vmem>> -> memref<125x32xf32, #tpu.memory_space<vmem>>
      %dma_start3A_313 = arith.constant 0 : i32
      %dma_start3A_314 = tpu.memref_slice %arg7[%add3A_307, %dma_start3A_313] : memref<80x125xi32, #tpu.memory_space<vmem>> -> memref<1x125xi32, #tpu.memory_space<vmem>>
      %dma_start3A_315 = tpu.memref_squeeze %dma_start3A_314 : memref<1x125xi32, #tpu.memory_space<vmem>> -> memref<125xi32, #tpu.memory_space<vmem>>
      %dma_start3A_316 = arith.constant 0 : i32
      %dma_start3A_317 = arith.constant 0 : i32
      %dma_start3A_318 = tpu.memref_slice %arg9[%dma_start3A_316, %dma_start3A_317] : memref<10240x32xf32, #tpu.memory_space<vmem_shared>> -> memref<10240x32xf32, #tpu.memory_space<vmem_shared>>
      tpu.enqueue_indirect_dma source(%dma_start3A_312 : memref<125x32xf32, #tpu.memory_space<vmem>>) target(%dma_start3A_318 : memref<10240x32xf32, #tpu.memory_space<vmem_shared>>) offsets(%dma_start3A_315 : memref<125xi32, #tpu.memory_space<vmem>>) semaphore(%arg21 : memref<!tpu.dma_semaphore, #tpu.memory_space<semaphore_mem>>) {add = true}
      %dma_wait3A_319 = arith.constant 0 : i32
      %dma_wait3A_320 = arith.constant 3 : i32
      %dma_wait3A_321 = arith.constant 0 : i32
      %dma_wait3A_322 = arith.constant 0 : i32
      %dma_wait3A_323 = tpu.memref_slice %arg8[%dma_wait3A_320, %dma_wait3A_321, %dma_wait3A_322] : memref<8x125x32xf32, #tpu.memory_space<vmem>> -> memref<1x125x32xf32, #tpu.memory_space<vmem>>
      %dma_wait3A_324 = tpu.memref_squeeze %dma_wait3A_323 : memref<1x125x32xf32, #tpu.memory_space<vmem>> -> memref<125x32xf32, #tpu.memory_space<vmem>>
      %dma_wait3A_325 = arith.constant 0 : i32
      %dma_wait3A_326 = tpu.memref_slice %arg6[%dma_wait3A_319, %dma_wait3A_325] : memref<80x125xi32, #tpu.memory_space<vmem>> -> memref<1x125xi32, #tpu.memory_space<vmem>>
      %dma_wait3A_327 = tpu.memref_squeeze %dma_wait3A_326 : memref<1x125xi32, #tpu.memory_space<vmem>> -> memref<125xi32, #tpu.memory_space<vmem>>
      %dma_wait3A_328 = arith.constant 0 : i32
      %dma_wait3A_329 = arith.constant 0 : i32
      %dma_wait3A_330 = tpu.memref_slice %arg3[%dma_wait3A_328, %dma_wait3A_329] : memref<10000x32xf32, #tpu.memory_space<hbm>> -> memref<10000x32xf32, #tpu.memory_space<hbm>>
      tpu.wait_indirect_dma semaphore(%arg14 : memref<!tpu.dma_semaphore, #tpu.memory_space<semaphore_mem>>) src(%dma_wait3A_330 : memref<10000x32xf32, #tpu.memory_space<hbm>>) dst(%dma_wait3A_324 : memref<125x32xf32, #tpu.memory_space<vmem>>)
      %mul3A_331 = arith.constant 8 : i32
      %mul3A_332 = arith.muli %scan3A_237, %mul3A_331 : i32
      %add3A_333 = arith.constant 3 : i32
      %add3A_334 = arith.addi %mul3A_332, %add3A_333 : i32
      %dma_start3A_335 = arith.constant 3 : i32
      %dma_start3A_336 = arith.constant 0 : i32
      %dma_start3A_337 = arith.constant 0 : i32
      %dma_start3A_338 = tpu.memref_slice %arg8[%dma_start3A_335, %dma_start3A_336, %dma_start3A_337] : memref<8x125x32xf32, #tpu.memory_space<vmem>> -> memref<1x125x32xf32, #tpu.memory_space<vmem>>
      %dma_start3A_339 = tpu.memref_squeeze %dma_start3A_338 : memref<1x125x32xf32, #tpu.memory_space<vmem>> -> memref<125x32xf32, #tpu.memory_space<vmem>>
      %dma_start3A_340 = arith.constant 0 : i32
      %dma_start3A_341 = tpu.memref_slice %arg7[%add3A_334, %dma_start3A_340] : memref<80x125xi32, #tpu.memory_space<vmem>> -> memref<1x125xi32, #tpu.memory_space<vmem>>
      %dma_start3A_342 = tpu.memref_squeeze %dma_start3A_341 : memref<1x125xi32, #tpu.memory_space<vmem>> -> memref<125xi32, #tpu.memory_space<vmem>>
      %dma_start3A_343 = arith.constant 0 : i32
      %dma_start3A_344 = arith.constant 0 : i32
      %dma_start3A_345 = tpu.memref_slice %arg9[%dma_start3A_343, %dma_start3A_344] : memref<10240x32xf32, #tpu.memory_space<vmem_shared>> -> memref<10240x32xf32, #tpu.memory_space<vmem_shared>>
      tpu.enqueue_indirect_dma source(%dma_start3A_339 : memref<125x32xf32, #tpu.memory_space<vmem>>) target(%dma_start3A_345 : memref<10240x32xf32, #tpu.memory_space<vmem_shared>>) offsets(%dma_start3A_342 : memref<125xi32, #tpu.memory_space<vmem>>) semaphore(%arg22 : memref<!tpu.dma_semaphore, #tpu.memory_space<semaphore_mem>>) {add = true}
      %dma_wait3A_346 = arith.constant 0 : i32
      %dma_wait3A_347 = arith.constant 4 : i32
      %dma_wait3A_348 = arith.constant 0 : i32
      %dma_wait3A_349 = arith.constant 0 : i32
      %dma_wait3A_350 = tpu.memref_slice %arg8[%dma_wait3A_347, %dma_wait3A_348, %dma_wait3A_349] : memref<8x125x32xf32, #tpu.memory_space<vmem>> -> memref<1x125x32xf32, #tpu.memory_space<vmem>>
      %dma_wait3A_351 = tpu.memref_squeeze %dma_wait3A_350 : memref<1x125x32xf32, #tpu.memory_space<vmem>> -> memref<125x32xf32, #tpu.memory_space<vmem>>
      %dma_wait3A_352 = arith.constant 0 : i32
      %dma_wait3A_353 = tpu.memref_slice %arg6[%dma_wait3A_346, %dma_wait3A_352] : memref<80x125xi32, #tpu.memory_space<vmem>> -> memref<1x125xi32, #tpu.memory_space<vmem>>
      %dma_wait3A_354 = tpu.memref_squeeze %dma_wait3A_353 : memref<1x125xi32, #tpu.memory_space<vmem>> -> memref<125xi32, #tpu.memory_space<vmem>>
      %dma_wait3A_355 = arith.constant 0 : i32
      %dma_wait3A_356 = arith.constant 0 : i32
      %dma_wait3A_357 = tpu.memref_slice %arg3[%dma_wait3A_355, %dma_wait3A_356] : memref<10000x32xf32, #tpu.memory_space<hbm>> -> memref<10000x32xf32, #tpu.memory_space<hbm>>
      tpu.wait_indirect_dma semaphore(%arg15 : memref<!tpu.dma_semaphore, #tpu.memory_space<semaphore_mem>>) src(%dma_wait3A_357 : memref<10000x32xf32, #tpu.memory_space<hbm>>) dst(%dma_wait3A_351 : memref<125x32xf32, #tpu.memory_space<vmem>>)
      %mul3A_358 = arith.constant 8 : i32
      %mul3A_359 = arith.muli %scan3A_237, %mul3A_358 : i32
      %add3A_360 = arith.constant 4 : i32
      %add3A_361 = arith.addi %mul3A_359, %add3A_360 : i32
      %dma_start3A_362 = arith.constant 4 : i32
      %dma_start3A_363 = arith.constant 0 : i32
      %dma_start3A_364 = arith.constant 0 : i32
      %dma_start3A_365 = tpu.memref_slice %arg8[%dma_start3A_362, %dma_start3A_363, %dma_start3A_364] : memref<8x125x32xf32, #tpu.memory_space<vmem>> -> memref<1x125x32xf32, #tpu.memory_space<vmem>>
      %dma_start3A_366 = tpu.memref_squeeze %dma_start3A_365 : memref<1x125x32xf32, #tpu.memory_space<vmem>> -> memref<125x32xf32, #tpu.memory_space<vmem>>
      %dma_start3A_367 = arith.constant 0 : i32
      %dma_start3A_368 = tpu.memref_slice %arg7[%add3A_361, %dma_start3A_367] : memref<80x125xi32, #tpu.memory_space<vmem>> -> memref<1x125xi32, #tpu.memory_space<vmem>>
      %dma_start3A_369 = tpu.memref_squeeze %dma_start3A_368 : memref<1x125xi32, #tpu.memory_space<vmem>> -> memref<125xi32, #tpu.memory_space<vmem>>
      %dma_start3A_370 = arith.constant 0 : i32
      %dma_start3A_371 = arith.constant 0 : i32
      %dma_start3A_372 = tpu.memref_slice %arg9[%dma_start3A_370, %dma_start3A_371] : memref<10240x32xf32, #tpu.memory_space<vmem_shared>> -> memref<10240x32xf32, #tpu.memory_space<vmem_shared>>
      tpu.enqueue_indirect_dma source(%dma_start3A_366 : memref<125x32xf32, #tpu.memory_space<vmem>>) target(%dma_start3A_372 : memref<10240x32xf32, #tpu.memory_space<vmem_shared>>) offsets(%dma_start3A_369 : memref<125xi32, #tpu.memory_space<vmem>>) semaphore(%arg23 : memref<!tpu.dma_semaphore, #tpu.memory_space<semaphore_mem>>) {add = true}
      %dma_wait3A_373 = arith.constant 0 : i32
      %dma_wait3A_374 = arith.constant 5 : i32
      %dma_wait3A_375 = arith.constant 0 : i32
      %dma_wait3A_376 = arith.constant 0 : i32
      %dma_wait3A_377 = tpu.memref_slice %arg8[%dma_wait3A_374, %dma_wait3A_375, %dma_wait3A_376] : memref<8x125x32xf32, #tpu.memory_space<vmem>> -> memref<1x125x32xf32, #tpu.memory_space<vmem>>
      %dma_wait3A_378 = tpu.memref_squeeze %dma_wait3A_377 : memref<1x125x32xf32, #tpu.memory_space<vmem>> -> memref<125x32xf32, #tpu.memory_space<vmem>>
      %dma_wait3A_379 = arith.constant 0 : i32
      %dma_wait3A_380 = tpu.memref_slice %arg6[%dma_wait3A_373, %dma_wait3A_379] : memref<80x125xi32, #tpu.memory_space<vmem>> -> memref<1x125xi32, #tpu.memory_space<vmem>>
      %dma_wait3A_381 = tpu.memref_squeeze %dma_wait3A_380 : memref<1x125xi32, #tpu.memory_space<vmem>> -> memref<125xi32, #tpu.memory_space<vmem>>
      %dma_wait3A_382 = arith.constant 0 : i32
      %dma_wait3A_383 = arith.constant 0 : i32
      %dma_wait3A_384 = tpu.memref_slice %arg3[%dma_wait3A_382, %dma_wait3A_383] : memref<10000x32xf32, #tpu.memory_space<hbm>> -> memref<10000x32xf32, #tpu.memory_space<hbm>>
      tpu.wait_indirect_dma semaphore(%arg16 : memref<!tpu.dma_semaphore, #tpu.memory_space<semaphore_mem>>) src(%dma_wait3A_384 : memref<10000x32xf32, #tpu.memory_space<hbm>>) dst(%dma_wait3A_378 : memref<125x32xf32, #tpu.memory_space<vmem>>)
      %mul3A_385 = arith.constant 8 : i32
      %mul3A_386 = arith.muli %scan3A_237, %mul3A_385 : i32
      %add3A_387 = arith.constant 5 : i32
      %add3A_388 = arith.addi %mul3A_386, %add3A_387 : i32
      %dma_start3A_389 = arith.constant 5 : i32
      %dma_start3A_390 = arith.constant 0 : i32
      %dma_start3A_391 = arith.constant 0 : i32
      %dma_start3A_392 = tpu.memref_slice %arg8[%dma_start3A_389, %dma_start3A_390, %dma_start3A_391] : memref<8x125x32xf32, #tpu.memory_space<vmem>> -> memref<1x125x32xf32, #tpu.memory_space<vmem>>
      %dma_start3A_393 = tpu.memref_squeeze %dma_start3A_392 : memref<1x125x32xf32, #tpu.memory_space<vmem>> -> memref<125x32xf32, #tpu.memory_space<vmem>>
      %dma_start3A_394 = arith.constant 0 : i32
      %dma_start3A_395 = tpu.memref_slice %arg7[%add3A_388, %dma_start3A_394] : memref<80x125xi32, #tpu.memory_space<vmem>> -> memref<1x125xi32, #tpu.memory_space<vmem>>
      %dma_start3A_396 = tpu.memref_squeeze %dma_start3A_395 : memref<1x125xi32, #tpu.memory_space<vmem>> -> memref<125xi32, #tpu.memory_space<vmem>>
      %dma_start3A_397 = arith.constant 0 : i32
      %dma_start3A_398 = arith.constant 0 : i32
      %dma_start3A_399 = tpu.memref_slice %arg9[%dma_start3A_397, %dma_start3A_398] : memref<10240x32xf32, #tpu.memory_space<vmem_shared>> -> memref<10240x32xf32, #tpu.memory_space<vmem_shared>>
      tpu.enqueue_indirect_dma source(%dma_start3A_393 : memref<125x32xf32, #tpu.memory_space<vmem>>) target(%dma_start3A_399 : memref<10240x32xf32, #tpu.memory_space<vmem_shared>>) offsets(%dma_start3A_396 : memref<125xi32, #tpu.memory_space<vmem>>) semaphore(%arg24 : memref<!tpu.dma_semaphore, #tpu.memory_space<semaphore_mem>>) {add = true}
      %dma_wait3A_400 = arith.constant 0 : i32
      %dma_wait3A_401 = arith.constant 6 : i32
      %dma_wait3A_402 = arith.constant 0 : i32
      %dma_wait3A_403 = arith.constant 0 : i32
      %dma_wait3A_404 = tpu.memref_slice %arg8[%dma_wait3A_401, %dma_wait3A_402, %dma_wait3A_403] : memref<8x125x32xf32, #tpu.memory_space<vmem>> -> memref<1x125x32xf32, #tpu.memory_space<vmem>>
      %dma_wait3A_405 = tpu.memref_squeeze %dma_wait3A_404 : memref<1x125x32xf32, #tpu.memory_space<vmem>> -> memref<125x32xf32, #tpu.memory_space<vmem>>
      %dma_wait3A_406 = arith.constant 0 : i32
      %dma_wait3A_407 = tpu.memref_slice %arg6[%dma_wait3A_400, %dma_wait3A_406] : memref<80x125xi32, #tpu.memory_space<vmem>> -> memref<1x125xi32, #tpu.memory_space<vmem>>
      %dma_wait3A_408 = tpu.memref_squeeze %dma_wait3A_407 : memref<1x125xi32, #tpu.memory_space<vmem>> -> memref<125xi32, #tpu.memory_space<vmem>>
      %dma_wait3A_409 = arith.constant 0 : i32
      %dma_wait3A_410 = arith.constant 0 : i32
      %dma_wait3A_411 = tpu.memref_slice %arg3[%dma_wait3A_409, %dma_wait3A_410] : memref<10000x32xf32, #tpu.memory_space<hbm>> -> memref<10000x32xf32, #tpu.memory_space<hbm>>
      tpu.wait_indirect_dma semaphore(%arg17 : memref<!tpu.dma_semaphore, #tpu.memory_space<semaphore_mem>>) src(%dma_wait3A_411 : memref<10000x32xf32, #tpu.memory_space<hbm>>) dst(%dma_wait3A_405 : memref<125x32xf32, #tpu.memory_space<vmem>>)
      %mul3A_412 = arith.constant 8 : i32
      %mul3A_413 = arith.muli %scan3A_237, %mul3A_412 : i32
      %add3A_414 = arith.constant 6 : i32
      %add3A_415 = arith.addi %mul3A_413, %add3A_414 : i32
      %dma_start3A_416 = arith.constant 6 : i32
      %dma_start3A_417 = arith.constant 0 : i32
      %dma_start3A_418 = arith.constant 0 : i32
      %dma_start3A_419 = tpu.memref_slice %arg8[%dma_start3A_416, %dma_start3A_417, %dma_start3A_418] : memref<8x125x32xf32, #tpu.memory_space<vmem>> -> memref<1x125x32xf32, #tpu.memory_space<vmem>>
      %dma_start3A_420 = tpu.memref_squeeze %dma_start3A_419 : memref<1x125x32xf32, #tpu.memory_space<vmem>> -> memref<125x32xf32, #tpu.memory_space<vmem>>
      %dma_start3A_421 = arith.constant 0 : i32
      %dma_start3A_422 = tpu.memref_slice %arg7[%add3A_415, %dma_start3A_421] : memref<80x125xi32, #tpu.memory_space<vmem>> -> memref<1x125xi32, #tpu.memory_space<vmem>>
      %dma_start3A_423 = tpu.memref_squeeze %dma_start3A_422 : memref<1x125xi32, #tpu.memory_space<vmem>> -> memref<125xi32, #tpu.memory_space<vmem>>
      %dma_start3A_424 = arith.constant 0 : i32
      %dma_start3A_425 = arith.constant 0 : i32
      %dma_start3A_426 = tpu.memref_slice %arg9[%dma_start3A_424, %dma_start3A_425] : memref<10240x32xf32, #tpu.memory_space<vmem_shared>> -> memref<10240x32xf32, #tpu.memory_space<vmem_shared>>
      tpu.enqueue_indirect_dma source(%dma_start3A_420 : memref<125x32xf32, #tpu.memory_space<vmem>>) target(%dma_start3A_426 : memref<10240x32xf32, #tpu.memory_space<vmem_shared>>) offsets(%dma_start3A_423 : memref<125xi32, #tpu.memory_space<vmem>>) semaphore(%arg25 : memref<!tpu.dma_semaphore, #tpu.memory_space<semaphore_mem>>) {add = true}
      %dma_wait3A_427 = arith.constant 0 : i32
      %dma_wait3A_428 = arith.constant 7 : i32
      %dma_wait3A_429 = arith.constant 0 : i32
      %dma_wait3A_430 = arith.constant 0 : i32
      %dma_wait3A_431 = tpu.memref_slice %arg8[%dma_wait3A_428, %dma_wait3A_429, %dma_wait3A_430] : memref<8x125x32xf32, #tpu.memory_space<vmem>> -> memref<1x125x32xf32, #tpu.memory_space<vmem>>
      %dma_wait3A_432 = tpu.memref_squeeze %dma_wait3A_431 : memref<1x125x32xf32, #tpu.memory_space<vmem>> -> memref<125x32xf32, #tpu.memory_space<vmem>>
      %dma_wait3A_433 = arith.constant 0 : i32
      %dma_wait3A_434 = tpu.memref_slice %arg6[%dma_wait3A_427, %dma_wait3A_433] : memref<80x125xi32, #tpu.memory_space<vmem>> -> memref<1x125xi32, #tpu.memory_space<vmem>>
      %dma_wait3A_435 = tpu.memref_squeeze %dma_wait3A_434 : memref<1x125xi32, #tpu.memory_space<vmem>> -> memref<125xi32, #tpu.memory_space<vmem>>
      %dma_wait3A_436 = arith.constant 0 : i32
      %dma_wait3A_437 = arith.constant 0 : i32
      %dma_wait3A_438 = tpu.memref_slice %arg3[%dma_wait3A_436, %dma_wait3A_437] : memref<10000x32xf32, #tpu.memory_space<hbm>> -> memref<10000x32xf32, #tpu.memory_space<hbm>>
      tpu.wait_indirect_dma semaphore(%arg18 : memref<!tpu.dma_semaphore, #tpu.memory_space<semaphore_mem>>) src(%dma_wait3A_438 : memref<10000x32xf32, #tpu.memory_space<hbm>>) dst(%dma_wait3A_432 : memref<125x32xf32, #tpu.memory_space<vmem>>)
      %mul3A_439 = arith.constant 8 : i32
      %mul3A_440 = arith.muli %scan3A_237, %mul3A_439 : i32
      %add3A_441 = arith.constant 7 : i32
      %add3A_442 = arith.addi %mul3A_440, %add3A_441 : i32
      %dma_start3A_443 = arith.constant 7 : i32
      %dma_start3A_444 = arith.constant 0 : i32
      %dma_start3A_445 = arith.constant 0 : i32
      %dma_start3A_446 = tpu.memref_slice %arg8[%dma_start3A_443, %dma_start3A_444, %dma_start3A_445] : memref<8x125x32xf32, #tpu.memory_space<vmem>> -> memref<1x125x32xf32, #tpu.memory_space<vmem>>
      %dma_start3A_447 = tpu.memref_squeeze %dma_start3A_446 : memref<1x125x32xf32, #tpu.memory_space<vmem>> -> memref<125x32xf32, #tpu.memory_space<vmem>>
      %dma_start3A_448 = arith.constant 0 : i32
      %dma_start3A_449 = tpu.memref_slice %arg7[%add3A_442, %dma_start3A_448] : memref<80x125xi32, #tpu.memory_space<vmem>> -> memref<1x125xi32, #tpu.memory_space<vmem>>
      %dma_start3A_450 = tpu.memref_squeeze %dma_start3A_449 : memref<1x125xi32, #tpu.memory_space<vmem>> -> memref<125xi32, #tpu.memory_space<vmem>>
      %dma_start3A_451 = arith.constant 0 : i32
      %dma_start3A_452 = arith.constant 0 : i32
      %dma_start3A_453 = tpu.memref_slice %arg9[%dma_start3A_451, %dma_start3A_452] : memref<10240x32xf32, #tpu.memory_space<vmem_shared>> -> memref<10240x32xf32, #tpu.memory_space<vmem_shared>>
      tpu.enqueue_indirect_dma source(%dma_start3A_447 : memref<125x32xf32, #tpu.memory_space<vmem>>) target(%dma_start3A_453 : memref<10240x32xf32, #tpu.memory_space<vmem_shared>>) offsets(%dma_start3A_450 : memref<125xi32, #tpu.memory_space<vmem>>) semaphore(%arg26 : memref<!tpu.dma_semaphore, #tpu.memory_space<semaphore_mem>>) {add = true}
      %lt3A = arith.constant 9 : i32
      %lt3A_454 = arith.cmpi slt, %scan3A_237, %lt3A : i32
      %convert_element_type3A = arith.extui %lt3A_454 : i1 to i32
      %cond3A = arith.constant 0 : i32
      %cond3A_455 = arith.cmpi ne, %convert_element_type3A, %cond3A : i32
      scf.if %cond3A_455 {
        %dma_wait3A_679 = arith.constant 0 : i32
        %dma_wait3A_680 = arith.constant 0 : i32
        %dma_wait3A_681 = arith.constant 0 : i32
        %dma_wait3A_682 = arith.constant 0 : i32
        %dma_wait3A_683 = tpu.memref_slice %arg8[%dma_wait3A_679, %dma_wait3A_681, %dma_wait3A_682] : memref<8x125x32xf32, #tpu.memory_space<vmem>> -> memref<1x125x32xf32, #tpu.memory_space<vmem>>
        %dma_wait3A_684 = tpu.memref_squeeze %dma_wait3A_683 : memref<1x125x32xf32, #tpu.memory_space<vmem>> -> memref<125x32xf32, #tpu.memory_space<vmem>>
        %dma_wait3A_685 = arith.constant 0 : i32
        %dma_wait3A_686 = tpu.memref_slice %arg7[%dma_wait3A_680, %dma_wait3A_685] : memref<80x125xi32, #tpu.memory_space<vmem>> -> memref<1x125xi32, #tpu.memory_space<vmem>>
        %dma_wait3A_687 = tpu.memref_squeeze %dma_wait3A_686 : memref<1x125xi32, #tpu.memory_space<vmem>> -> memref<125xi32, #tpu.memory_space<vmem>>
        %dma_wait3A_688 = arith.constant 0 : i32
        %dma_wait3A_689 = arith.constant 0 : i32
        %dma_wait3A_690 = tpu.memref_slice %arg9[%dma_wait3A_688, %dma_wait3A_689] : memref<10240x32xf32, #tpu.memory_space<vmem_shared>> -> memref<10240x32xf32, #tpu.memory_space<vmem_shared>>
        tpu.wait_indirect_dma semaphore(%arg19 : memref<!tpu.dma_semaphore, #tpu.memory_space<semaphore_mem>>) src(%dma_wait3A_684 : memref<125x32xf32, #tpu.memory_space<vmem>>) dst(%dma_wait3A_690 : memref<10240x32xf32, #tpu.memory_space<vmem_shared>>)
        %add3A_691 = arith.constant 1 : i32
        %add3A_692 = arith.addi %scan3A_237, %add3A_691 : i32
        %mul3A_693 = arith.constant 8 : i32
        %mul3A_694 = arith.muli %add3A_692, %mul3A_693 : i32
        %add3A_695 = arith.constant 0 : i32
        %add3A_696 = arith.addi %mul3A_694, %add3A_695 : i32
        %dma_start3A_697 = arith.constant 0 : i32
        %dma_start3A_698 = arith.constant 0 : i32
        %dma_start3A_699 = arith.constant 0 : i32
        %dma_start3A_700 = tpu.memref_slice %arg8[%dma_start3A_697, %dma_start3A_698, %dma_start3A_699] : memref<8x125x32xf32, #tpu.memory_space<vmem>> -> memref<1x125x32xf32, #tpu.memory_space<vmem>>
        %dma_start3A_701 = tpu.memref_squeeze %dma_start3A_700 : memref<1x125x32xf32, #tpu.memory_space<vmem>> -> memref<125x32xf32, #tpu.memory_space<vmem>>
        %dma_start3A_702 = arith.constant 0 : i32
        %dma_start3A_703 = tpu.memref_slice %arg6[%add3A_696, %dma_start3A_702] : memref<80x125xi32, #tpu.memory_space<vmem>> -> memref<1x125xi32, #tpu.memory_space<vmem>>
        %dma_start3A_704 = tpu.memref_squeeze %dma_start3A_703 : memref<1x125xi32, #tpu.memory_space<vmem>> -> memref<125xi32, #tpu.memory_space<vmem>>
        %dma_start3A_705 = arith.constant 0 : i32
        %dma_start3A_706 = arith.constant 0 : i32
        %dma_start3A_707 = tpu.memref_slice %arg3[%dma_start3A_705, %dma_start3A_706] : memref<10000x32xf32, #tpu.memory_space<hbm>> -> memref<10000x32xf32, #tpu.memory_space<hbm>>
        tpu.enqueue_indirect_dma source(%dma_start3A_707 : memref<10000x32xf32, #tpu.memory_space<hbm>>) target(%dma_start3A_701 : memref<125x32xf32, #tpu.memory_space<vmem>>) offsets(%dma_start3A_704 : memref<125xi32, #tpu.memory_space<vmem>>) semaphore(%arg11 : memref<!tpu.dma_semaphore, #tpu.memory_space<semaphore_mem>>)
        %dma_wait3A_708 = arith.constant 1 : i32
        %dma_wait3A_709 = arith.constant 0 : i32
        %dma_wait3A_710 = arith.constant 0 : i32
        %dma_wait3A_711 = arith.constant 0 : i32
        %dma_wait3A_712 = tpu.memref_slice %arg8[%dma_wait3A_708, %dma_wait3A_710, %dma_wait3A_711] : memref<8x125x32xf32, #tpu.memory_space<vmem>> -> memref<1x125x32xf32, #tpu.memory_space<vmem>>
        %dma_wait3A_713 = tpu.memref_squeeze %dma_wait3A_712 : memref<1x125x32xf32, #tpu.memory_space<vmem>> -> memref<125x32xf32, #tpu.memory_space<vmem>>
        %dma_wait3A_714 = arith.constant 0 : i32
        %dma_wait3A_715 = tpu.memref_slice %arg7[%dma_wait3A_709, %dma_wait3A_714] : memref<80x125xi32, #tpu.memory_space<vmem>> -> memref<1x125xi32, #tpu.memory_space<vmem>>
        %dma_wait3A_716 = tpu.memref_squeeze %dma_wait3A_715 : memref<1x125xi32, #tpu.memory_space<vmem>> -> memref<125xi32, #tpu.memory_space<vmem>>
        %dma_wait3A_717 = arith.constant 0 : i32
        %dma_wait3A_718 = arith.constant 0 : i32
        %dma_wait3A_719 = tpu.memref_slice %arg9[%dma_wait3A_717, %dma_wait3A_718] : memref<10240x32xf32, #tpu.memory_space<vmem_shared>> -> memref<10240x32xf32, #tpu.memory_space<vmem_shared>>
        tpu.wait_indirect_dma semaphore(%arg20 : memref<!tpu.dma_semaphore, #tpu.memory_space<semaphore_mem>>) src(%dma_wait3A_713 : memref<125x32xf32, #tpu.memory_space<vmem>>) dst(%dma_wait3A_719 : memref<10240x32xf32, #tpu.memory_space<vmem_shared>>)
        %add3A_720 = arith.constant 1 : i32
        %add3A_721 = arith.addi %scan3A_237, %add3A_720 : i32
        %mul3A_722 = arith.constant 8 : i32
        %mul3A_723 = arith.muli %add3A_721, %mul3A_722 : i32
        %add3A_724 = arith.constant 1 : i32
        %add3A_725 = arith.addi %mul3A_723, %add3A_724 : i32
        %dma_start3A_726 = arith.constant 1 : i32
        %dma_start3A_727 = arith.constant 0 : i32
        %dma_start3A_728 = arith.constant 0 : i32
        %dma_start3A_729 = tpu.memref_slice %arg8[%dma_start3A_726, %dma_start3A_727, %dma_start3A_728] : memref<8x125x32xf32, #tpu.memory_space<vmem>> -> memref<1x125x32xf32, #tpu.memory_space<vmem>>
        %dma_start3A_730 = tpu.memref_squeeze %dma_start3A_729 : memref<1x125x32xf32, #tpu.memory_space<vmem>> -> memref<125x32xf32, #tpu.memory_space<vmem>>
        %dma_start3A_731 = arith.constant 0 : i32
        %dma_start3A_732 = tpu.memref_slice %arg6[%add3A_725, %dma_start3A_731] : memref<80x125xi32, #tpu.memory_space<vmem>> -> memref<1x125xi32, #tpu.memory_space<vmem>>
        %dma_start3A_733 = tpu.memref_squeeze %dma_start3A_732 : memref<1x125xi32, #tpu.memory_space<vmem>> -> memref<125xi32, #tpu.memory_space<vmem>>
        %dma_start3A_734 = arith.constant 0 : i32
        %dma_start3A_735 = arith.constant 0 : i32
        %dma_start3A_736 = tpu.memref_slice %arg3[%dma_start3A_734, %dma_start3A_735] : memref<10000x32xf32, #tpu.memory_space<hbm>> -> memref<10000x32xf32, #tpu.memory_space<hbm>>
        tpu.enqueue_indirect_dma source(%dma_start3A_736 : memref<10000x32xf32, #tpu.memory_space<hbm>>) target(%dma_start3A_730 : memref<125x32xf32, #tpu.memory_space<vmem>>) offsets(%dma_start3A_733 : memref<125xi32, #tpu.memory_space<vmem>>) semaphore(%arg12 : memref<!tpu.dma_semaphore, #tpu.memory_space<semaphore_mem>>)
        %dma_wait3A_737 = arith.constant 2 : i32
        %dma_wait3A_738 = arith.constant 0 : i32
        %dma_wait3A_739 = arith.constant 0 : i32
        %dma_wait3A_740 = arith.constant 0 : i32
        %dma_wait3A_741 = tpu.memref_slice %arg8[%dma_wait3A_737, %dma_wait3A_739, %dma_wait3A_740] : memref<8x125x32xf32, #tpu.memory_space<vmem>> -> memref<1x125x32xf32, #tpu.memory_space<vmem>>
        %dma_wait3A_742 = tpu.memref_squeeze %dma_wait3A_741 : memref<1x125x32xf32, #tpu.memory_space<vmem>> -> memref<125x32xf32, #tpu.memory_space<vmem>>
        %dma_wait3A_743 = arith.constant 0 : i32
        %dma_wait3A_744 = tpu.memref_slice %arg7[%dma_wait3A_738, %dma_wait3A_743] : memref<80x125xi32, #tpu.memory_space<vmem>> -> memref<1x125xi32, #tpu.memory_space<vmem>>
        %dma_wait3A_745 = tpu.memref_squeeze %dma_wait3A_744 : memref<1x125xi32, #tpu.memory_space<vmem>> -> memref<125xi32, #tpu.memory_space<vmem>>
        %dma_wait3A_746 = arith.constant 0 : i32
        %dma_wait3A_747 = arith.constant 0 : i32
        %dma_wait3A_748 = tpu.memref_slice %arg9[%dma_wait3A_746, %dma_wait3A_747] : memref<10240x32xf32, #tpu.memory_space<vmem_shared>> -> memref<10240x32xf32, #tpu.memory_space<vmem_shared>>
        tpu.wait_indirect_dma semaphore(%arg21 : memref<!tpu.dma_semaphore, #tpu.memory_space<semaphore_mem>>) src(%dma_wait3A_742 : memref<125x32xf32, #tpu.memory_space<vmem>>) dst(%dma_wait3A_748 : memref<10240x32xf32, #tpu.memory_space<vmem_shared>>)
        %add3A_749 = arith.constant 1 : i32
        %add3A_750 = arith.addi %scan3A_237, %add3A_749 : i32
        %mul3A_751 = arith.constant 8 : i32
        %mul3A_752 = arith.muli %add3A_750, %mul3A_751 : i32
        %add3A_753 = arith.constant 2 : i32
        %add3A_754 = arith.addi %mul3A_752, %add3A_753 : i32
        %dma_start3A_755 = arith.constant 2 : i32
        %dma_start3A_756 = arith.constant 0 : i32
        %dma_start3A_757 = arith.constant 0 : i32
        %dma_start3A_758 = tpu.memref_slice %arg8[%dma_start3A_755, %dma_start3A_756, %dma_start3A_757] : memref<8x125x32xf32, #tpu.memory_space<vmem>> -> memref<1x125x32xf32, #tpu.memory_space<vmem>>
        %dma_start3A_759 = tpu.memref_squeeze %dma_start3A_758 : memref<1x125x32xf32, #tpu.memory_space<vmem>> -> memref<125x32xf32, #tpu.memory_space<vmem>>
        %dma_start3A_760 = arith.constant 0 : i32
        %dma_start3A_761 = tpu.memref_slice %arg6[%add3A_754, %dma_start3A_760] : memref<80x125xi32, #tpu.memory_space<vmem>> -> memref<1x125xi32, #tpu.memory_space<vmem>>
        %dma_start3A_762 = tpu.memref_squeeze %dma_start3A_761 : memref<1x125xi32, #tpu.memory_space<vmem>> -> memref<125xi32, #tpu.memory_space<vmem>>
        %dma_start3A_763 = arith.constant 0 : i32
        %dma_start3A_764 = arith.constant 0 : i32
        %dma_start3A_765 = tpu.memref_slice %arg3[%dma_start3A_763, %dma_start3A_764] : memref<10000x32xf32, #tpu.memory_space<hbm>> -> memref<10000x32xf32, #tpu.memory_space<hbm>>
        tpu.enqueue_indirect_dma source(%dma_start3A_765 : memref<10000x32xf32, #tpu.memory_space<hbm>>) target(%dma_start3A_759 : memref<125x32xf32, #tpu.memory_space<vmem>>) offsets(%dma_start3A_762 : memref<125xi32, #tpu.memory_space<vmem>>) semaphore(%arg13 : memref<!tpu.dma_semaphore, #tpu.memory_space<semaphore_mem>>)
        %dma_wait3A_766 = arith.constant 3 : i32
        %dma_wait3A_767 = arith.constant 0 : i32
        %dma_wait3A_768 = arith.constant 0 : i32
        %dma_wait3A_769 = arith.constant 0 : i32
        %dma_wait3A_770 = tpu.memref_slice %arg8[%dma_wait3A_766, %dma_wait3A_768, %dma_wait3A_769] : memref<8x125x32xf32, #tpu.memory_space<vmem>> -> memref<1x125x32xf32, #tpu.memory_space<vmem>>
        %dma_wait3A_771 = tpu.memref_squeeze %dma_wait3A_770 : memref<1x125x32xf32, #tpu.memory_space<vmem>> -> memref<125x32xf32, #tpu.memory_space<vmem>>
        %dma_wait3A_772 = arith.constant 0 : i32
        %dma_wait3A_773 = tpu.memref_slice %arg7[%dma_wait3A_767, %dma_wait3A_772] : memref<80x125xi32, #tpu.memory_space<vmem>> -> memref<1x125xi32, #tpu.memory_space<vmem>>
        %dma_wait3A_774 = tpu.memref_squeeze %dma_wait3A_773 : memref<1x125xi32, #tpu.memory_space<vmem>> -> memref<125xi32, #tpu.memory_space<vmem>>
        %dma_wait3A_775 = arith.constant 0 : i32
        %dma_wait3A_776 = arith.constant 0 : i32
        %dma_wait3A_777 = tpu.memref_slice %arg9[%dma_wait3A_775, %dma_wait3A_776] : memref<10240x32xf32, #tpu.memory_space<vmem_shared>> -> memref<10240x32xf32, #tpu.memory_space<vmem_shared>>
        tpu.wait_indirect_dma semaphore(%arg22 : memref<!tpu.dma_semaphore, #tpu.memory_space<semaphore_mem>>) src(%dma_wait3A_771 : memref<125x32xf32, #tpu.memory_space<vmem>>) dst(%dma_wait3A_777 : memref<10240x32xf32, #tpu.memory_space<vmem_shared>>)
        %add3A_778 = arith.constant 1 : i32
        %add3A_779 = arith.addi %scan3A_237, %add3A_778 : i32
        %mul3A_780 = arith.constant 8 : i32
        %mul3A_781 = arith.muli %add3A_779, %mul3A_780 : i32
        %add3A_782 = arith.constant 3 : i32
        %add3A_783 = arith.addi %mul3A_781, %add3A_782 : i32
        %dma_start3A_784 = arith.constant 3 : i32
        %dma_start3A_785 = arith.constant 0 : i32
        %dma_start3A_786 = arith.constant 0 : i32
        %dma_start3A_787 = tpu.memref_slice %arg8[%dma_start3A_784, %dma_start3A_785, %dma_start3A_786] : memref<8x125x32xf32, #tpu.memory_space<vmem>> -> memref<1x125x32xf32, #tpu.memory_space<vmem>>
        %dma_start3A_788 = tpu.memref_squeeze %dma_start3A_787 : memref<1x125x32xf32, #tpu.memory_space<vmem>> -> memref<125x32xf32, #tpu.memory_space<vmem>>
        %dma_start3A_789 = arith.constant 0 : i32
        %dma_start3A_790 = tpu.memref_slice %arg6[%add3A_783, %dma_start3A_789] : memref<80x125xi32, #tpu.memory_space<vmem>> -> memref<1x125xi32, #tpu.memory_space<vmem>>
        %dma_start3A_791 = tpu.memref_squeeze %dma_start3A_790 : memref<1x125xi32, #tpu.memory_space<vmem>> -> memref<125xi32, #tpu.memory_space<vmem>>
        %dma_start3A_792 = arith.constant 0 : i32
        %dma_start3A_793 = arith.constant 0 : i32
        %dma_start3A_794 = tpu.memref_slice %arg3[%dma_start3A_792, %dma_start3A_793] : memref<10000x32xf32, #tpu.memory_space<hbm>> -> memref<10000x32xf32, #tpu.memory_space<hbm>>
        tpu.enqueue_indirect_dma source(%dma_start3A_794 : memref<10000x32xf32, #tpu.memory_space<hbm>>) target(%dma_start3A_788 : memref<125x32xf32, #tpu.memory_space<vmem>>) offsets(%dma_start3A_791 : memref<125xi32, #tpu.memory_space<vmem>>) semaphore(%arg14 : memref<!tpu.dma_semaphore, #tpu.memory_space<semaphore_mem>>)
        %dma_wait3A_795 = arith.constant 4 : i32
        %dma_wait3A_796 = arith.constant 0 : i32
        %dma_wait3A_797 = arith.constant 0 : i32
        %dma_wait3A_798 = arith.constant 0 : i32
        %dma_wait3A_799 = tpu.memref_slice %arg8[%dma_wait3A_795, %dma_wait3A_797, %dma_wait3A_798] : memref<8x125x32xf32, #tpu.memory_space<vmem>> -> memref<1x125x32xf32, #tpu.memory_space<vmem>>
        %dma_wait3A_800 = tpu.memref_squeeze %dma_wait3A_799 : memref<1x125x32xf32, #tpu.memory_space<vmem>> -> memref<125x32xf32, #tpu.memory_space<vmem>>
        %dma_wait3A_801 = arith.constant 0 : i32
        %dma_wait3A_802 = tpu.memref_slice %arg7[%dma_wait3A_796, %dma_wait3A_801] : memref<80x125xi32, #tpu.memory_space<vmem>> -> memref<1x125xi32, #tpu.memory_space<vmem>>
        %dma_wait3A_803 = tpu.memref_squeeze %dma_wait3A_802 : memref<1x125xi32, #tpu.memory_space<vmem>> -> memref<125xi32, #tpu.memory_space<vmem>>
        %dma_wait3A_804 = arith.constant 0 : i32
        %dma_wait3A_805 = arith.constant 0 : i32
        %dma_wait3A_806 = tpu.memref_slice %arg9[%dma_wait3A_804, %dma_wait3A_805] : memref<10240x32xf32, #tpu.memory_space<vmem_shared>> -> memref<10240x32xf32, #tpu.memory_space<vmem_shared>>
        tpu.wait_indirect_dma semaphore(%arg23 : memref<!tpu.dma_semaphore, #tpu.memory_space<semaphore_mem>>) src(%dma_wait3A_800 : memref<125x32xf32, #tpu.memory_space<vmem>>) dst(%dma_wait3A_806 : memref<10240x32xf32, #tpu.memory_space<vmem_shared>>)
        %add3A_807 = arith.constant 1 : i32
        %add3A_808 = arith.addi %scan3A_237, %add3A_807 : i32
        %mul3A_809 = arith.constant 8 : i32
        %mul3A_810 = arith.muli %add3A_808, %mul3A_809 : i32
        %add3A_811 = arith.constant 4 : i32
        %add3A_812 = arith.addi %mul3A_810, %add3A_811 : i32
        %dma_start3A_813 = arith.constant 4 : i32
        %dma_start3A_814 = arith.constant 0 : i32
        %dma_start3A_815 = arith.constant 0 : i32
        %dma_start3A_816 = tpu.memref_slice %arg8[%dma_start3A_813, %dma_start3A_814, %dma_start3A_815] : memref<8x125x32xf32, #tpu.memory_space<vmem>> -> memref<1x125x32xf32, #tpu.memory_space<vmem>>
        %dma_start3A_817 = tpu.memref_squeeze %dma_start3A_816 : memref<1x125x32xf32, #tpu.memory_space<vmem>> -> memref<125x32xf32, #tpu.memory_space<vmem>>
        %dma_start3A_818 = arith.constant 0 : i32
        %dma_start3A_819 = tpu.memref_slice %arg6[%add3A_812, %dma_start3A_818] : memref<80x125xi32, #tpu.memory_space<vmem>> -> memref<1x125xi32, #tpu.memory_space<vmem>>
        %dma_start3A_820 = tpu.memref_squeeze %dma_start3A_819 : memref<1x125xi32, #tpu.memory_space<vmem>> -> memref<125xi32, #tpu.memory_space<vmem>>
        %dma_start3A_821 = arith.constant 0 : i32
        %dma_start3A_822 = arith.constant 0 : i32
        %dma_start3A_823 = tpu.memref_slice %arg3[%dma_start3A_821, %dma_start3A_822] : memref<10000x32xf32, #tpu.memory_space<hbm>> -> memref<10000x32xf32, #tpu.memory_space<hbm>>
        tpu.enqueue_indirect_dma source(%dma_start3A_823 : memref<10000x32xf32, #tpu.memory_space<hbm>>) target(%dma_start3A_817 : memref<125x32xf32, #tpu.memory_space<vmem>>) offsets(%dma_start3A_820 : memref<125xi32, #tpu.memory_space<vmem>>) semaphore(%arg15 : memref<!tpu.dma_semaphore, #tpu.memory_space<semaphore_mem>>)
        %dma_wait3A_824 = arith.constant 5 : i32
        %dma_wait3A_825 = arith.constant 0 : i32
        %dma_wait3A_826 = arith.constant 0 : i32
        %dma_wait3A_827 = arith.constant 0 : i32
        %dma_wait3A_828 = tpu.memref_slice %arg8[%dma_wait3A_824, %dma_wait3A_826, %dma_wait3A_827] : memref<8x125x32xf32, #tpu.memory_space<vmem>> -> memref<1x125x32xf32, #tpu.memory_space<vmem>>
        %dma_wait3A_829 = tpu.memref_squeeze %dma_wait3A_828 : memref<1x125x32xf32, #tpu.memory_space<vmem>> -> memref<125x32xf32, #tpu.memory_space<vmem>>
        %dma_wait3A_830 = arith.constant 0 : i32
        %dma_wait3A_831 = tpu.memref_slice %arg7[%dma_wait3A_825, %dma_wait3A_830] : memref<80x125xi32, #tpu.memory_space<vmem>> -> memref<1x125xi32, #tpu.memory_space<vmem>>
        %dma_wait3A_832 = tpu.memref_squeeze %dma_wait3A_831 : memref<1x125xi32, #tpu.memory_space<vmem>> -> memref<125xi32, #tpu.memory_space<vmem>>
        %dma_wait3A_833 = arith.constant 0 : i32
        %dma_wait3A_834 = arith.constant 0 : i32
        %dma_wait3A_835 = tpu.memref_slice %arg9[%dma_wait3A_833, %dma_wait3A_834] : memref<10240x32xf32, #tpu.memory_space<vmem_shared>> -> memref<10240x32xf32, #tpu.memory_space<vmem_shared>>
        tpu.wait_indirect_dma semaphore(%arg24 : memref<!tpu.dma_semaphore, #tpu.memory_space<semaphore_mem>>) src(%dma_wait3A_829 : memref<125x32xf32, #tpu.memory_space<vmem>>) dst(%dma_wait3A_835 : memref<10240x32xf32, #tpu.memory_space<vmem_shared>>)
        %add3A_836 = arith.constant 1 : i32
        %add3A_837 = arith.addi %scan3A_237, %add3A_836 : i32
        %mul3A_838 = arith.constant 8 : i32
        %mul3A_839 = arith.muli %add3A_837, %mul3A_838 : i32
        %add3A_840 = arith.constant 5 : i32
        %add3A_841 = arith.addi %mul3A_839, %add3A_840 : i32
        %dma_start3A_842 = arith.constant 5 : i32
        %dma_start3A_843 = arith.constant 0 : i32
        %dma_start3A_844 = arith.constant 0 : i32
        %dma_start3A_845 = tpu.memref_slice %arg8[%dma_start3A_842, %dma_start3A_843, %dma_start3A_844] : memref<8x125x32xf32, #tpu.memory_space<vmem>> -> memref<1x125x32xf32, #tpu.memory_space<vmem>>
        %dma_start3A_846 = tpu.memref_squeeze %dma_start3A_845 : memref<1x125x32xf32, #tpu.memory_space<vmem>> -> memref<125x32xf32, #tpu.memory_space<vmem>>
        %dma_start3A_847 = arith.constant 0 : i32
        %dma_start3A_848 = tpu.memref_slice %arg6[%add3A_841, %dma_start3A_847] : memref<80x125xi32, #tpu.memory_space<vmem>> -> memref<1x125xi32, #tpu.memory_space<vmem>>
        %dma_start3A_849 = tpu.memref_squeeze %dma_start3A_848 : memref<1x125xi32, #tpu.memory_space<vmem>> -> memref<125xi32, #tpu.memory_space<vmem>>
        %dma_start3A_850 = arith.constant 0 : i32
        %dma_start3A_851 = arith.constant 0 : i32
        %dma_start3A_852 = tpu.memref_slice %arg3[%dma_start3A_850, %dma_start3A_851] : memref<10000x32xf32, #tpu.memory_space<hbm>> -> memref<10000x32xf32, #tpu.memory_space<hbm>>
        tpu.enqueue_indirect_dma source(%dma_start3A_852 : memref<10000x32xf32, #tpu.memory_space<hbm>>) target(%dma_start3A_846 : memref<125x32xf32, #tpu.memory_space<vmem>>) offsets(%dma_start3A_849 : memref<125xi32, #tpu.memory_space<vmem>>) semaphore(%arg16 : memref<!tpu.dma_semaphore, #tpu.memory_space<semaphore_mem>>)
        %dma_wait3A_853 = arith.constant 6 : i32
        %dma_wait3A_854 = arith.constant 0 : i32
        %dma_wait3A_855 = arith.constant 0 : i32
        %dma_wait3A_856 = arith.constant 0 : i32
        %dma_wait3A_857 = tpu.memref_slice %arg8[%dma_wait3A_853, %dma_wait3A_855, %dma_wait3A_856] : memref<8x125x32xf32, #tpu.memory_space<vmem>> -> memref<1x125x32xf32, #tpu.memory_space<vmem>>
        %dma_wait3A_858 = tpu.memref_squeeze %dma_wait3A_857 : memref<1x125x32xf32, #tpu.memory_space<vmem>> -> memref<125x32xf32, #tpu.memory_space<vmem>>
        %dma_wait3A_859 = arith.constant 0 : i32
        %dma_wait3A_860 = tpu.memref_slice %arg7[%dma_wait3A_854, %dma_wait3A_859] : memref<80x125xi32, #tpu.memory_space<vmem>> -> memref<1x125xi32, #tpu.memory_space<vmem>>
        %dma_wait3A_861 = tpu.memref_squeeze %dma_wait3A_860 : memref<1x125xi32, #tpu.memory_space<vmem>> -> memref<125xi32, #tpu.memory_space<vmem>>
        %dma_wait3A_862 = arith.constant 0 : i32
        %dma_wait3A_863 = arith.constant 0 : i32
        %dma_wait3A_864 = tpu.memref_slice %arg9[%dma_wait3A_862, %dma_wait3A_863] : memref<10240x32xf32, #tpu.memory_space<vmem_shared>> -> memref<10240x32xf32, #tpu.memory_space<vmem_shared>>
        tpu.wait_indirect_dma semaphore(%arg25 : memref<!tpu.dma_semaphore, #tpu.memory_space<semaphore_mem>>) src(%dma_wait3A_858 : memref<125x32xf32, #tpu.memory_space<vmem>>) dst(%dma_wait3A_864 : memref<10240x32xf32, #tpu.memory_space<vmem_shared>>)
        %add3A_865 = arith.constant 1 : i32
        %add3A_866 = arith.addi %scan3A_237, %add3A_865 : i32
        %mul3A_867 = arith.constant 8 : i32
        %mul3A_868 = arith.muli %add3A_866, %mul3A_867 : i32
        %add3A_869 = arith.constant 6 : i32
        %add3A_870 = arith.addi %mul3A_868, %add3A_869 : i32
        %dma_start3A_871 = arith.constant 6 : i32
        %dma_start3A_872 = arith.constant 0 : i32
        %dma_start3A_873 = arith.constant 0 : i32
        %dma_start3A_874 = tpu.memref_slice %arg8[%dma_start3A_871, %dma_start3A_872, %dma_start3A_873] : memref<8x125x32xf32, #tpu.memory_space<vmem>> -> memref<1x125x32xf32, #tpu.memory_space<vmem>>
        %dma_start3A_875 = tpu.memref_squeeze %dma_start3A_874 : memref<1x125x32xf32, #tpu.memory_space<vmem>> -> memref<125x32xf32, #tpu.memory_space<vmem>>
        %dma_start3A_876 = arith.constant 0 : i32
        %dma_start3A_877 = tpu.memref_slice %arg6[%add3A_870, %dma_start3A_876] : memref<80x125xi32, #tpu.memory_space<vmem>> -> memref<1x125xi32, #tpu.memory_space<vmem>>
        %dma_start3A_878 = tpu.memref_squeeze %dma_start3A_877 : memref<1x125xi32, #tpu.memory_space<vmem>> -> memref<125xi32, #tpu.memory_space<vmem>>
        %dma_start3A_879 = arith.constant 0 : i32
        %dma_start3A_880 = arith.constant 0 : i32
        %dma_start3A_881 = tpu.memref_slice %arg3[%dma_start3A_879, %dma_start3A_880] : memref<10000x32xf32, #tpu.memory_space<hbm>> -> memref<10000x32xf32, #tpu.memory_space<hbm>>
        tpu.enqueue_indirect_dma source(%dma_start3A_881 : memref<10000x32xf32, #tpu.memory_space<hbm>>) target(%dma_start3A_875 : memref<125x32xf32, #tpu.memory_space<vmem>>) offsets(%dma_start3A_878 : memref<125xi32, #tpu.memory_space<vmem>>) semaphore(%arg17 : memref<!tpu.dma_semaphore, #tpu.memory_space<semaphore_mem>>)
        %dma_wait3A_882 = arith.constant 7 : i32
        %dma_wait3A_883 = arith.constant 0 : i32
        %dma_wait3A_884 = arith.constant 0 : i32
        %dma_wait3A_885 = arith.constant 0 : i32
        %dma_wait3A_886 = tpu.memref_slice %arg8[%dma_wait3A_882, %dma_wait3A_884, %dma_wait3A_885] : memref<8x125x32xf32, #tpu.memory_space<vmem>> -> memref<1x125x32xf32, #tpu.memory_space<vmem>>
        %dma_wait3A_887 = tpu.memref_squeeze %dma_wait3A_886 : memref<1x125x32xf32, #tpu.memory_space<vmem>> -> memref<125x32xf32, #tpu.memory_space<vmem>>
        %dma_wait3A_888 = arith.constant 0 : i32
        %dma_wait3A_889 = tpu.memref_slice %arg7[%dma_wait3A_883, %dma_wait3A_888] : memref<80x125xi32, #tpu.memory_space<vmem>> -> memref<1x125xi32, #tpu.memory_space<vmem>>
        %dma_wait3A_890 = tpu.memref_squeeze %dma_wait3A_889 : memref<1x125xi32, #tpu.memory_space<vmem>> -> memref<125xi32, #tpu.memory_space<vmem>>
        %dma_wait3A_891 = arith.constant 0 : i32
        %dma_wait3A_892 = arith.constant 0 : i32
        %dma_wait3A_893 = tpu.memref_slice %arg9[%dma_wait3A_891, %dma_wait3A_892] : memref<10240x32xf32, #tpu.memory_space<vmem_shared>> -> memref<10240x32xf32, #tpu.memory_space<vmem_shared>>
        tpu.wait_indirect_dma semaphore(%arg26 : memref<!tpu.dma_semaphore, #tpu.memory_space<semaphore_mem>>) src(%dma_wait3A_887 : memref<125x32xf32, #tpu.memory_space<vmem>>) dst(%dma_wait3A_893 : memref<10240x32xf32, #tpu.memory_space<vmem_shared>>)
        %add3A_894 = arith.constant 1 : i32
        %add3A_895 = arith.addi %scan3A_237, %add3A_894 : i32
        %mul3A_896 = arith.constant 8 : i32
        %mul3A_897 = arith.muli %add3A_895, %mul3A_896 : i32
        %add3A_898 = arith.constant 7 : i32
        %add3A_899 = arith.addi %mul3A_897, %add3A_898 : i32
        %dma_start3A_900 = arith.constant 7 : i32
        %dma_start3A_901 = arith.constant 0 : i32
        %dma_start3A_902 = arith.constant 0 : i32
        %dma_start3A_903 = tpu.memref_slice %arg8[%dma_start3A_900, %dma_start3A_901, %dma_start3A_902] : memref<8x125x32xf32, #tpu.memory_space<vmem>> -> memref<1x125x32xf32, #tpu.memory_space<vmem>>
        %dma_start3A_904 = tpu.memref_squeeze %dma_start3A_903 : memref<1x125x32xf32, #tpu.memory_space<vmem>> -> memref<125x32xf32, #tpu.memory_space<vmem>>
        %dma_start3A_905 = arith.constant 0 : i32
        %dma_start3A_906 = tpu.memref_slice %arg6[%add3A_899, %dma_start3A_905] : memref<80x125xi32, #tpu.memory_space<vmem>> -> memref<1x125xi32, #tpu.memory_space<vmem>>
        %dma_start3A_907 = tpu.memref_squeeze %dma_start3A_906 : memref<1x125xi32, #tpu.memory_space<vmem>> -> memref<125xi32, #tpu.memory_space<vmem>>
        %dma_start3A_908 = arith.constant 0 : i32
        %dma_start3A_909 = arith.constant 0 : i32
        %dma_start3A_910 = tpu.memref_slice %arg3[%dma_start3A_908, %dma_start3A_909] : memref<10000x32xf32, #tpu.memory_space<hbm>> -> memref<10000x32xf32, #tpu.memory_space<hbm>>
        tpu.enqueue_indirect_dma source(%dma_start3A_910 : memref<10000x32xf32, #tpu.memory_space<hbm>>) target(%dma_start3A_904 : memref<125x32xf32, #tpu.memory_space<vmem>>) offsets(%dma_start3A_907 : memref<125xi32, #tpu.memory_space<vmem>>) semaphore(%arg18 : memref<!tpu.dma_semaphore, #tpu.memory_space<semaphore_mem>>)
      } else {
      }
      %scan3A_456 = arith.constant 1 : i32
      %scan3A_457 = arith.addi %scan3A_237, %scan3A_456 : i32
      %dma_wait3A_458 = arith.constant 0 : i32
      %dma_wait3A_459 = arith.constant 0 : i32
      %dma_wait3A_460 = arith.constant 0 : i32
      %dma_wait3A_461 = arith.constant 0 : i32
      %dma_wait3A_462 = tpu.memref_slice %arg8[%dma_wait3A_459, %dma_wait3A_460, %dma_wait3A_461] : memref<8x125x32xf32, #tpu.memory_space<vmem>> -> memref<1x125x32xf32, #tpu.memory_space<vmem>>
      %dma_wait3A_463 = tpu.memref_squeeze %dma_wait3A_462 : memref<1x125x32xf32, #tpu.memory_space<vmem>> -> memref<125x32xf32, #tpu.memory_space<vmem>>
      %dma_wait3A_464 = arith.constant 0 : i32
      %dma_wait3A_465 = tpu.memref_slice %arg6[%dma_wait3A_458, %dma_wait3A_464] : memref<80x125xi32, #tpu.memory_space<vmem>> -> memref<1x125xi32, #tpu.memory_space<vmem>>
      %dma_wait3A_466 = tpu.memref_squeeze %dma_wait3A_465 : memref<1x125xi32, #tpu.memory_space<vmem>> -> memref<125xi32, #tpu.memory_space<vmem>>
      %dma_wait3A_467 = arith.constant 0 : i32
      %dma_wait3A_468 = arith.constant 0 : i32
      %dma_wait3A_469 = tpu.memref_slice %arg3[%dma_wait3A_467, %dma_wait3A_468] : memref<10000x32xf32, #tpu.memory_space<hbm>> -> memref<10000x32xf32, #tpu.memory_space<hbm>>
      tpu.wait_indirect_dma semaphore(%arg11 : memref<!tpu.dma_semaphore, #tpu.memory_space<semaphore_mem>>) src(%dma_wait3A_469 : memref<10000x32xf32, #tpu.memory_space<hbm>>) dst(%dma_wait3A_463 : memref<125x32xf32, #tpu.memory_space<vmem>>)
      %mul3A_470 = arith.constant 8 : i32
      %mul3A_471 = arith.muli %scan3A_457, %mul3A_470 : i32
      %add3A_472 = arith.constant 0 : i32
      %add3A_473 = arith.addi %mul3A_471, %add3A_472 : i32
      %dma_start3A_474 = arith.constant 0 : i32
      %dma_start3A_475 = arith.constant 0 : i32
      %dma_start3A_476 = arith.constant 0 : i32
      %dma_start3A_477 = tpu.memref_slice %arg8[%dma_start3A_474, %dma_start3A_475, %dma_start3A_476] : memref<8x125x32xf32, #tpu.memory_space<vmem>> -> memref<1x125x32xf32, #tpu.memory_space<vmem>>
      %dma_start3A_478 = tpu.memref_squeeze %dma_start3A_477 : memref<1x125x32xf32, #tpu.memory_space<vmem>> -> memref<125x32xf32, #tpu.memory_space<vmem>>
      %dma_start3A_479 = arith.constant 0 : i32
      %dma_start3A_480 = tpu.memref_slice %arg7[%add3A_473, %dma_start3A_479] : memref<80x125xi32, #tpu.memory_space<vmem>> -> memref<1x125xi32, #tpu.memory_space<vmem>>
      %dma_start3A_481 = tpu.memref_squeeze %dma_start3A_480 : memref<1x125xi32, #tpu.memory_space<vmem>> -> memref<125xi32, #tpu.memory_space<vmem>>
      %dma_start3A_482 = arith.constant 0 : i32
      %dma_start3A_483 = arith.constant 0 : i32
      %dma_start3A_484 = tpu.memref_slice %arg9[%dma_start3A_482, %dma_start3A_483] : memref<10240x32xf32, #tpu.memory_space<vmem_shared>> -> memref<10240x32xf32, #tpu.memory_space<vmem_shared>>
      tpu.enqueue_indirect_dma source(%dma_start3A_478 : memref<125x32xf32, #tpu.memory_space<vmem>>) target(%dma_start3A_484 : memref<10240x32xf32, #tpu.memory_space<vmem_shared>>) offsets(%dma_start3A_481 : memref<125xi32, #tpu.memory_space<vmem>>) semaphore(%arg19 : memref<!tpu.dma_semaphore, #tpu.memory_space<semaphore_mem>>) {add = true}
      %dma_wait3A_485 = arith.constant 0 : i32
      %dma_wait3A_486 = arith.constant 1 : i32
      %dma_wait3A_487 = arith.constant 0 : i32
      %dma_wait3A_488 = arith.constant 0 : i32
      %dma_wait3A_489 = tpu.memref_slice %arg8[%dma_wait3A_486, %dma_wait3A_487, %dma_wait3A_488] : memref<8x125x32xf32, #tpu.memory_space<vmem>> -> memref<1x125x32xf32, #tpu.memory_space<vmem>>
      %dma_wait3A_490 = tpu.memref_squeeze %dma_wait3A_489 : memref<1x125x32xf32, #tpu.memory_space<vmem>> -> memref<125x32xf32, #tpu.memory_space<vmem>>
      %dma_wait3A_491 = arith.constant 0 : i32
      %dma_wait3A_492 = tpu.memref_slice %arg6[%dma_wait3A_485, %dma_wait3A_491] : memref<80x125xi32, #tpu.memory_space<vmem>> -> memref<1x125xi32, #tpu.memory_space<vmem>>
      %dma_wait3A_493 = tpu.memref_squeeze %dma_wait3A_492 : memref<1x125xi32, #tpu.memory_space<vmem>> -> memref<125xi32, #tpu.memory_space<vmem>>
      %dma_wait3A_494 = arith.constant 0 : i32
      %dma_wait3A_495 = arith.constant 0 : i32
      %dma_wait3A_496 = tpu.memref_slice %arg3[%dma_wait3A_494, %dma_wait3A_495] : memref<10000x32xf32, #tpu.memory_space<hbm>> -> memref<10000x32xf32, #tpu.memory_space<hbm>>
      tpu.wait_indirect_dma semaphore(%arg12 : memref<!tpu.dma_semaphore, #tpu.memory_space<semaphore_mem>>) src(%dma_wait3A_496 : memref<10000x32xf32, #tpu.memory_space<hbm>>) dst(%dma_wait3A_490 : memref<125x32xf32, #tpu.memory_space<vmem>>)
      %mul3A_497 = arith.constant 8 : i32
      %mul3A_498 = arith.muli %scan3A_457, %mul3A_497 : i32
      %add3A_499 = arith.constant 1 : i32
      %add3A_500 = arith.addi %mul3A_498, %add3A_499 : i32
      %dma_start3A_501 = arith.constant 1 : i32
      %dma_start3A_502 = arith.constant 0 : i32
      %dma_start3A_503 = arith.constant 0 : i32
      %dma_start3A_504 = tpu.memref_slice %arg8[%dma_start3A_501, %dma_start3A_502, %dma_start3A_503] : memref<8x125x32xf32, #tpu.memory_space<vmem>> -> memref<1x125x32xf32, #tpu.memory_space<vmem>>
      %dma_start3A_505 = tpu.memref_squeeze %dma_start3A_504 : memref<1x125x32xf32, #tpu.memory_space<vmem>> -> memref<125x32xf32, #tpu.memory_space<vmem>>
      %dma_start3A_506 = arith.constant 0 : i32
      %dma_start3A_507 = tpu.memref_slice %arg7[%add3A_500, %dma_start3A_506] : memref<80x125xi32, #tpu.memory_space<vmem>> -> memref<1x125xi32, #tpu.memory_space<vmem>>
      %dma_start3A_508 = tpu.memref_squeeze %dma_start3A_507 : memref<1x125xi32, #tpu.memory_space<vmem>> -> memref<125xi32, #tpu.memory_space<vmem>>
      %dma_start3A_509 = arith.constant 0 : i32
      %dma_start3A_510 = arith.constant 0 : i32
      %dma_start3A_511 = tpu.memref_slice %arg9[%dma_start3A_509, %dma_start3A_510] : memref<10240x32xf32, #tpu.memory_space<vmem_shared>> -> memref<10240x32xf32, #tpu.memory_space<vmem_shared>>
      tpu.enqueue_indirect_dma source(%dma_start3A_505 : memref<125x32xf32, #tpu.memory_space<vmem>>) target(%dma_start3A_511 : memref<10240x32xf32, #tpu.memory_space<vmem_shared>>) offsets(%dma_start3A_508 : memref<125xi32, #tpu.memory_space<vmem>>) semaphore(%arg20 : memref<!tpu.dma_semaphore, #tpu.memory_space<semaphore_mem>>) {add = true}
      %dma_wait3A_512 = arith.constant 0 : i32
      %dma_wait3A_513 = arith.constant 2 : i32
      %dma_wait3A_514 = arith.constant 0 : i32
      %dma_wait3A_515 = arith.constant 0 : i32
      %dma_wait3A_516 = tpu.memref_slice %arg8[%dma_wait3A_513, %dma_wait3A_514, %dma_wait3A_515] : memref<8x125x32xf32, #tpu.memory_space<vmem>> -> memref<1x125x32xf32, #tpu.memory_space<vmem>>
      %dma_wait3A_517 = tpu.memref_squeeze %dma_wait3A_516 : memref<1x125x32xf32, #tpu.memory_space<vmem>> -> memref<125x32xf32, #tpu.memory_space<vmem>>
      %dma_wait3A_518 = arith.constant 0 : i32
      %dma_wait3A_519 = tpu.memref_slice %arg6[%dma_wait3A_512, %dma_wait3A_518] : memref<80x125xi32, #tpu.memory_space<vmem>> -> memref<1x125xi32, #tpu.memory_space<vmem>>
      %dma_wait3A_520 = tpu.memref_squeeze %dma_wait3A_519 : memref<1x125xi32, #tpu.memory_space<vmem>> -> memref<125xi32, #tpu.memory_space<vmem>>
      %dma_wait3A_521 = arith.constant 0 : i32
      %dma_wait3A_522 = arith.constant 0 : i32
      %dma_wait3A_523 = tpu.memref_slice %arg3[%dma_wait3A_521, %dma_wait3A_522] : memref<10000x32xf32, #tpu.memory_space<hbm>> -> memref<10000x32xf32, #tpu.memory_space<hbm>>
      tpu.wait_indirect_dma semaphore(%arg13 : memref<!tpu.dma_semaphore, #tpu.memory_space<semaphore_mem>>) src(%dma_wait3A_523 : memref<10000x32xf32, #tpu.memory_space<hbm>>) dst(%dma_wait3A_517 : memref<125x32xf32, #tpu.memory_space<vmem>>)
      %mul3A_524 = arith.constant 8 : i32
      %mul3A_525 = arith.muli %scan3A_457, %mul3A_524 : i32
      %add3A_526 = arith.constant 2 : i32
      %add3A_527 = arith.addi %mul3A_525, %add3A_526 : i32
      %dma_start3A_528 = arith.constant 2 : i32
      %dma_start3A_529 = arith.constant 0 : i32
      %dma_start3A_530 = arith.constant 0 : i32
      %dma_start3A_531 = tpu.memref_slice %arg8[%dma_start3A_528, %dma_start3A_529, %dma_start3A_530] : memref<8x125x32xf32, #tpu.memory_space<vmem>> -> memref<1x125x32xf32, #tpu.memory_space<vmem>>
      %dma_start3A_532 = tpu.memref_squeeze %dma_start3A_531 : memref<1x125x32xf32, #tpu.memory_space<vmem>> -> memref<125x32xf32, #tpu.memory_space<vmem>>
      %dma_start3A_533 = arith.constant 0 : i32
      %dma_start3A_534 = tpu.memref_slice %arg7[%add3A_527, %dma_start3A_533] : memref<80x125xi32, #tpu.memory_space<vmem>> -> memref<1x125xi32, #tpu.memory_space<vmem>>
      %dma_start3A_535 = tpu.memref_squeeze %dma_start3A_534 : memref<1x125xi32, #tpu.memory_space<vmem>> -> memref<125xi32, #tpu.memory_space<vmem>>
      %dma_start3A_536 = arith.constant 0 : i32
      %dma_start3A_537 = arith.constant 0 : i32
      %dma_start3A_538 = tpu.memref_slice %arg9[%dma_start3A_536, %dma_start3A_537] : memref<10240x32xf32, #tpu.memory_space<vmem_shared>> -> memref<10240x32xf32, #tpu.memory_space<vmem_shared>>
      tpu.enqueue_indirect_dma source(%dma_start3A_532 : memref<125x32xf32, #tpu.memory_space<vmem>>) target(%dma_start3A_538 : memref<10240x32xf32, #tpu.memory_space<vmem_shared>>) offsets(%dma_start3A_535 : memref<125xi32, #tpu.memory_space<vmem>>) semaphore(%arg21 : memref<!tpu.dma_semaphore, #tpu.memory_space<semaphore_mem>>) {add = true}
      %dma_wait3A_539 = arith.constant 0 : i32
      %dma_wait3A_540 = arith.constant 3 : i32
      %dma_wait3A_541 = arith.constant 0 : i32
      %dma_wait3A_542 = arith.constant 0 : i32
      %dma_wait3A_543 = tpu.memref_slice %arg8[%dma_wait3A_540, %dma_wait3A_541, %dma_wait3A_542] : memref<8x125x32xf32, #tpu.memory_space<vmem>> -> memref<1x125x32xf32, #tpu.memory_space<vmem>>
      %dma_wait3A_544 = tpu.memref_squeeze %dma_wait3A_543 : memref<1x125x32xf32, #tpu.memory_space<vmem>> -> memref<125x32xf32, #tpu.memory_space<vmem>>
      %dma_wait3A_545 = arith.constant 0 : i32
      %dma_wait3A_546 = tpu.memref_slice %arg6[%dma_wait3A_539, %dma_wait3A_545] : memref<80x125xi32, #tpu.memory_space<vmem>> -> memref<1x125xi32, #tpu.memory_space<vmem>>
      %dma_wait3A_547 = tpu.memref_squeeze %dma_wait3A_546 : memref<1x125xi32, #tpu.memory_space<vmem>> -> memref<125xi32, #tpu.memory_space<vmem>>
      %dma_wait3A_548 = arith.constant 0 : i32
      %dma_wait3A_549 = arith.constant 0 : i32
      %dma_wait3A_550 = tpu.memref_slice %arg3[%dma_wait3A_548, %dma_wait3A_549] : memref<10000x32xf32, #tpu.memory_space<hbm>> -> memref<10000x32xf32, #tpu.memory_space<hbm>>
      tpu.wait_indirect_dma semaphore(%arg14 : memref<!tpu.dma_semaphore, #tpu.memory_space<semaphore_mem>>) src(%dma_wait3A_550 : memref<10000x32xf32, #tpu.memory_space<hbm>>) dst(%dma_wait3A_544 : memref<125x32xf32, #tpu.memory_space<vmem>>)
      %mul3A_551 = arith.constant 8 : i32
      %mul3A_552 = arith.muli %scan3A_457, %mul3A_551 : i32
      %add3A_553 = arith.constant 3 : i32
      %add3A_554 = arith.addi %mul3A_552, %add3A_553 : i32
      %dma_start3A_555 = arith.constant 3 : i32
      %dma_start3A_556 = arith.constant 0 : i32
      %dma_start3A_557 = arith.constant 0 : i32
      %dma_start3A_558 = tpu.memref_slice %arg8[%dma_start3A_555, %dma_start3A_556, %dma_start3A_557] : memref<8x125x32xf32, #tpu.memory_space<vmem>> -> memref<1x125x32xf32, #tpu.memory_space<vmem>>
      %dma_start3A_559 = tpu.memref_squeeze %dma_start3A_558 : memref<1x125x32xf32, #tpu.memory_space<vmem>> -> memref<125x32xf32, #tpu.memory_space<vmem>>
      %dma_start3A_560 = arith.constant 0 : i32
      %dma_start3A_561 = tpu.memref_slice %arg7[%add3A_554, %dma_start3A_560] : memref<80x125xi32, #tpu.memory_space<vmem>> -> memref<1x125xi32, #tpu.memory_space<vmem>>
      %dma_start3A_562 = tpu.memref_squeeze %dma_start3A_561 : memref<1x125xi32, #tpu.memory_space<vmem>> -> memref<125xi32, #tpu.memory_space<vmem>>
      %dma_start3A_563 = arith.constant 0 : i32
      %dma_start3A_564 = arith.constant 0 : i32
      %dma_start3A_565 = tpu.memref_slice %arg9[%dma_start3A_563, %dma_start3A_564] : memref<10240x32xf32, #tpu.memory_space<vmem_shared>> -> memref<10240x32xf32, #tpu.memory_space<vmem_shared>>
      tpu.enqueue_indirect_dma source(%dma_start3A_559 : memref<125x32xf32, #tpu.memory_space<vmem>>) target(%dma_start3A_565 : memref<10240x32xf32, #tpu.memory_space<vmem_shared>>) offsets(%dma_start3A_562 : memref<125xi32, #tpu.memory_space<vmem>>) semaphore(%arg22 : memref<!tpu.dma_semaphore, #tpu.memory_space<semaphore_mem>>) {add = true}
      %dma_wait3A_566 = arith.constant 0 : i32
      %dma_wait3A_567 = arith.constant 4 : i32
      %dma_wait3A_568 = arith.constant 0 : i32
      %dma_wait3A_569 = arith.constant 0 : i32
      %dma_wait3A_570 = tpu.memref_slice %arg8[%dma_wait3A_567, %dma_wait3A_568, %dma_wait3A_569] : memref<8x125x32xf32, #tpu.memory_space<vmem>> -> memref<1x125x32xf32, #tpu.memory_space<vmem>>
      %dma_wait3A_571 = tpu.memref_squeeze %dma_wait3A_570 : memref<1x125x32xf32, #tpu.memory_space<vmem>> -> memref<125x32xf32, #tpu.memory_space<vmem>>
      %dma_wait3A_572 = arith.constant 0 : i32
      %dma_wait3A_573 = tpu.memref_slice %arg6[%dma_wait3A_566, %dma_wait3A_572] : memref<80x125xi32, #tpu.memory_space<vmem>> -> memref<1x125xi32, #tpu.memory_space<vmem>>
      %dma_wait3A_574 = tpu.memref_squeeze %dma_wait3A_573 : memref<1x125xi32, #tpu.memory_space<vmem>> -> memref<125xi32, #tpu.memory_space<vmem>>
      %dma_wait3A_575 = arith.constant 0 : i32
      %dma_wait3A_576 = arith.constant 0 : i32
      %dma_wait3A_577 = tpu.memref_slice %arg3[%dma_wait3A_575, %dma_wait3A_576] : memref<10000x32xf32, #tpu.memory_space<hbm>> -> memref<10000x32xf32, #tpu.memory_space<hbm>>
      tpu.wait_indirect_dma semaphore(%arg15 : memref<!tpu.dma_semaphore, #tpu.memory_space<semaphore_mem>>) src(%dma_wait3A_577 : memref<10000x32xf32, #tpu.memory_space<hbm>>) dst(%dma_wait3A_571 : memref<125x32xf32, #tpu.memory_space<vmem>>)
      %mul3A_578 = arith.constant 8 : i32
      %mul3A_579 = arith.muli %scan3A_457, %mul3A_578 : i32
      %add3A_580 = arith.constant 4 : i32
      %add3A_581 = arith.addi %mul3A_579, %add3A_580 : i32
      %dma_start3A_582 = arith.constant 4 : i32
      %dma_start3A_583 = arith.constant 0 : i32
      %dma_start3A_584 = arith.constant 0 : i32
      %dma_start3A_585 = tpu.memref_slice %arg8[%dma_start3A_582, %dma_start3A_583, %dma_start3A_584] : memref<8x125x32xf32, #tpu.memory_space<vmem>> -> memref<1x125x32xf32, #tpu.memory_space<vmem>>
      %dma_start3A_586 = tpu.memref_squeeze %dma_start3A_585 : memref<1x125x32xf32, #tpu.memory_space<vmem>> -> memref<125x32xf32, #tpu.memory_space<vmem>>
      %dma_start3A_587 = arith.constant 0 : i32
      %dma_start3A_588 = tpu.memref_slice %arg7[%add3A_581, %dma_start3A_587] : memref<80x125xi32, #tpu.memory_space<vmem>> -> memref<1x125xi32, #tpu.memory_space<vmem>>
      %dma_start3A_589 = tpu.memref_squeeze %dma_start3A_588 : memref<1x125xi32, #tpu.memory_space<vmem>> -> memref<125xi32, #tpu.memory_space<vmem>>
      %dma_start3A_590 = arith.constant 0 : i32
      %dma_start3A_591 = arith.constant 0 : i32
      %dma_start3A_592 = tpu.memref_slice %arg9[%dma_start3A_590, %dma_start3A_591] : memref<10240x32xf32, #tpu.memory_space<vmem_shared>> -> memref<10240x32xf32, #tpu.memory_space<vmem_shared>>
      tpu.enqueue_indirect_dma source(%dma_start3A_586 : memref<125x32xf32, #tpu.memory_space<vmem>>) target(%dma_start3A_592 : memref<10240x32xf32, #tpu.memory_space<vmem_shared>>) offsets(%dma_start3A_589 : memref<125xi32, #tpu.memory_space<vmem>>) semaphore(%arg23 : memref<!tpu.dma_semaphore, #tpu.memory_space<semaphore_mem>>) {add = true}
      %dma_wait3A_593 = arith.constant 0 : i32
      %dma_wait3A_594 = arith.constant 5 : i32
      %dma_wait3A_595 = arith.constant 0 : i32
      %dma_wait3A_596 = arith.constant 0 : i32
      %dma_wait3A_597 = tpu.memref_slice %arg8[%dma_wait3A_594, %dma_wait3A_595, %dma_wait3A_596] : memref<8x125x32xf32, #tpu.memory_space<vmem>> -> memref<1x125x32xf32, #tpu.memory_space<vmem>>
      %dma_wait3A_598 = tpu.memref_squeeze %dma_wait3A_597 : memref<1x125x32xf32, #tpu.memory_space<vmem>> -> memref<125x32xf32, #tpu.memory_space<vmem>>
      %dma_wait3A_599 = arith.constant 0 : i32
      %dma_wait3A_600 = tpu.memref_slice %arg6[%dma_wait3A_593, %dma_wait3A_599] : memref<80x125xi32, #tpu.memory_space<vmem>> -> memref<1x125xi32, #tpu.memory_space<vmem>>
      %dma_wait3A_601 = tpu.memref_squeeze %dma_wait3A_600 : memref<1x125xi32, #tpu.memory_space<vmem>> -> memref<125xi32, #tpu.memory_space<vmem>>
      %dma_wait3A_602 = arith.constant 0 : i32
      %dma_wait3A_603 = arith.constant 0 : i32
      %dma_wait3A_604 = tpu.memref_slice %arg3[%dma_wait3A_602, %dma_wait3A_603] : memref<10000x32xf32, #tpu.memory_space<hbm>> -> memref<10000x32xf32, #tpu.memory_space<hbm>>
      tpu.wait_indirect_dma semaphore(%arg16 : memref<!tpu.dma_semaphore, #tpu.memory_space<semaphore_mem>>) src(%dma_wait3A_604 : memref<10000x32xf32, #tpu.memory_space<hbm>>) dst(%dma_wait3A_598 : memref<125x32xf32, #tpu.memory_space<vmem>>)
      %mul3A_605 = arith.constant 8 : i32
      %mul3A_606 = arith.muli %scan3A_457, %mul3A_605 : i32
      %add3A_607 = arith.constant 5 : i32
      %add3A_608 = arith.addi %mul3A_606, %add3A_607 : i32
      %dma_start3A_609 = arith.constant 5 : i32
      %dma_start3A_610 = arith.constant 0 : i32
      %dma_start3A_611 = arith.constant 0 : i32
      %dma_start3A_612 = tpu.memref_slice %arg8[%dma_start3A_609, %dma_start3A_610, %dma_start3A_611] : memref<8x125x32xf32, #tpu.memory_space<vmem>> -> memref<1x125x32xf32, #tpu.memory_space<vmem>>
      %dma_start3A_613 = tpu.memref_squeeze %dma_start3A_612 : memref<1x125x32xf32, #tpu.memory_space<vmem>> -> memref<125x32xf32, #tpu.memory_space<vmem>>
      %dma_start3A_614 = arith.constant 0 : i32
      %dma_start3A_615 = tpu.memref_slice %arg7[%add3A_608, %dma_start3A_614] : memref<80x125xi32, #tpu.memory_space<vmem>> -> memref<1x125xi32, #tpu.memory_space<vmem>>
      %dma_start3A_616 = tpu.memref_squeeze %dma_start3A_615 : memref<1x125xi32, #tpu.memory_space<vmem>> -> memref<125xi32, #tpu.memory_space<vmem>>
      %dma_start3A_617 = arith.constant 0 : i32
      %dma_start3A_618 = arith.constant 0 : i32
      %dma_start3A_619 = tpu.memref_slice %arg9[%dma_start3A_617, %dma_start3A_618] : memref<10240x32xf32, #tpu.memory_space<vmem_shared>> -> memref<10240x32xf32, #tpu.memory_space<vmem_shared>>
      tpu.enqueue_indirect_dma source(%dma_start3A_613 : memref<125x32xf32, #tpu.memory_space<vmem>>) target(%dma_start3A_619 : memref<10240x32xf32, #tpu.memory_space<vmem_shared>>) offsets(%dma_start3A_616 : memref<125xi32, #tpu.memory_space<vmem>>) semaphore(%arg24 : memref<!tpu.dma_semaphore, #tpu.memory_space<semaphore_mem>>) {add = true}
      %dma_wait3A_620 = arith.constant 0 : i32
      %dma_wait3A_621 = arith.constant 6 : i32
      %dma_wait3A_622 = arith.constant 0 : i32
      %dma_wait3A_623 = arith.constant 0 : i32
      %dma_wait3A_624 = tpu.memref_slice %arg8[%dma_wait3A_621, %dma_wait3A_622, %dma_wait3A_623] : memref<8x125x32xf32, #tpu.memory_space<vmem>> -> memref<1x125x32xf32, #tpu.memory_space<vmem>>
      %dma_wait3A_625 = tpu.memref_squeeze %dma_wait3A_624 : memref<1x125x32xf32, #tpu.memory_space<vmem>> -> memref<125x32xf32, #tpu.memory_space<vmem>>
      %dma_wait3A_626 = arith.constant 0 : i32
      %dma_wait3A_627 = tpu.memref_slice %arg6[%dma_wait3A_620, %dma_wait3A_626] : memref<80x125xi32, #tpu.memory_space<vmem>> -> memref<1x125xi32, #tpu.memory_space<vmem>>
      %dma_wait3A_628 = tpu.memref_squeeze %dma_wait3A_627 : memref<1x125xi32, #tpu.memory_space<vmem>> -> memref<125xi32, #tpu.memory_space<vmem>>
      %dma_wait3A_629 = arith.constant 0 : i32
      %dma_wait3A_630 = arith.constant 0 : i32
      %dma_wait3A_631 = tpu.memref_slice %arg3[%dma_wait3A_629, %dma_wait3A_630] : memref<10000x32xf32, #tpu.memory_space<hbm>> -> memref<10000x32xf32, #tpu.memory_space<hbm>>
      tpu.wait_indirect_dma semaphore(%arg17 : memref<!tpu.dma_semaphore, #tpu.memory_space<semaphore_mem>>) src(%dma_wait3A_631 : memref<10000x32xf32, #tpu.memory_space<hbm>>) dst(%dma_wait3A_625 : memref<125x32xf32, #tpu.memory_space<vmem>>)
      %mul3A_632 = arith.constant 8 : i32
      %mul3A_633 = arith.muli %scan3A_457, %mul3A_632 : i32
      %add3A_634 = arith.constant 6 : i32
      %add3A_635 = arith.addi %mul3A_633, %add3A_634 : i32
      %dma_start3A_636 = arith.constant 6 : i32
      %dma_start3A_637 = arith.constant 0 : i32
      %dma_start3A_638 = arith.constant 0 : i32
      %dma_start3A_639 = tpu.memref_slice %arg8[%dma_start3A_636, %dma_start3A_637, %dma_start3A_638] : memref<8x125x32xf32, #tpu.memory_space<vmem>> -> memref<1x125x32xf32, #tpu.memory_space<vmem>>
      %dma_start3A_640 = tpu.memref_squeeze %dma_start3A_639 : memref<1x125x32xf32, #tpu.memory_space<vmem>> -> memref<125x32xf32, #tpu.memory_space<vmem>>
      %dma_start3A_641 = arith.constant 0 : i32
      %dma_start3A_642 = tpu.memref_slice %arg7[%add3A_635, %dma_start3A_641] : memref<80x125xi32, #tpu.memory_space<vmem>> -> memref<1x125xi32, #tpu.memory_space<vmem>>
      %dma_start3A_643 = tpu.memref_squeeze %dma_start3A_642 : memref<1x125xi32, #tpu.memory_space<vmem>> -> memref<125xi32, #tpu.memory_space<vmem>>
      %dma_start3A_644 = arith.constant 0 : i32
      %dma_start3A_645 = arith.constant 0 : i32
      %dma_start3A_646 = tpu.memref_slice %arg9[%dma_start3A_644, %dma_start3A_645] : memref<10240x32xf32, #tpu.memory_space<vmem_shared>> -> memref<10240x32xf32, #tpu.memory_space<vmem_shared>>
      tpu.enqueue_indirect_dma source(%dma_start3A_640 : memref<125x32xf32, #tpu.memory_space<vmem>>) target(%dma_start3A_646 : memref<10240x32xf32, #tpu.memory_space<vmem_shared>>) offsets(%dma_start3A_643 : memref<125xi32, #tpu.memory_space<vmem>>) semaphore(%arg25 : memref<!tpu.dma_semaphore, #tpu.memory_space<semaphore_mem>>) {add = true}
      %dma_wait3A_647 = arith.constant 0 : i32
      %dma_wait3A_648 = arith.constant 7 : i32
      %dma_wait3A_649 = arith.constant 0 : i32
      %dma_wait3A_650 = arith.constant 0 : i32
      %dma_wait3A_651 = tpu.memref_slice %arg8[%dma_wait3A_648, %dma_wait3A_649, %dma_wait3A_650] : memref<8x125x32xf32, #tpu.memory_space<vmem>> -> memref<1x125x32xf32, #tpu.memory_space<vmem>>
      %dma_wait3A_652 = tpu.memref_squeeze %dma_wait3A_651 : memref<1x125x32xf32, #tpu.memory_space<vmem>> -> memref<125x32xf32, #tpu.memory_space<vmem>>
      %dma_wait3A_653 = arith.constant 0 : i32
      %dma_wait3A_654 = tpu.memref_slice %arg6[%dma_wait3A_647, %dma_wait3A_653] : memref<80x125xi32, #tpu.memory_space<vmem>> -> memref<1x125xi32, #tpu.memory_space<vmem>>
      %dma_wait3A_655 = tpu.memref_squeeze %dma_wait3A_654 : memref<1x125xi32, #tpu.memory_space<vmem>> -> memref<125xi32, #tpu.memory_space<vmem>>
      %dma_wait3A_656 = arith.constant 0 : i32
      %dma_wait3A_657 = arith.constant 0 : i32
      %dma_wait3A_658 = tpu.memref_slice %arg3[%dma_wait3A_656, %dma_wait3A_657] : memref<10000x32xf32, #tpu.memory_space<hbm>> -> memref<10000x32xf32, #tpu.memory_space<hbm>>
      tpu.wait_indirect_dma semaphore(%arg18 : memref<!tpu.dma_semaphore, #tpu.memory_space<semaphore_mem>>) src(%dma_wait3A_658 : memref<10000x32xf32, #tpu.memory_space<hbm>>) dst(%dma_wait3A_652 : memref<125x32xf32, #tpu.memory_space<vmem>>)
      %mul3A_659 = arith.constant 8 : i32
      %mul3A_660 = arith.muli %scan3A_457, %mul3A_659 : i32
      %add3A_661 = arith.constant 7 : i32
      %add3A_662 = arith.addi %mul3A_660, %add3A_661 : i32
      %dma_start3A_663 = arith.constant 7 : i32
      %dma_start3A_664 = arith.constant 0 : i32
      %dma_start3A_665 = arith.constant 0 : i32
      %dma_start3A_666 = tpu.memref_slice %arg8[%dma_start3A_663, %dma_start3A_664, %dma_start3A_665] : memref<8x125x32xf32, #tpu.memory_space<vmem>> -> memref<1x125x32xf32, #tpu.memory_space<vmem>>
      %dma_start3A_667 = tpu.memref_squeeze %dma_start3A_666 : memref<1x125x32xf32, #tpu.memory_space<vmem>> -> memref<125x32xf32, #tpu.memory_space<vmem>>
      %dma_start3A_668 = arith.constant 0 : i32
      %dma_start3A_669 = tpu.memref_slice %arg7[%add3A_662, %dma_start3A_668] : memref<80x125xi32, #tpu.memory_space<vmem>> -> memref<1x125xi32, #tpu.memory_space<vmem>>
      %dma_start3A_670 = tpu.memref_squeeze %dma_start3A_669 : memref<1x125xi32, #tpu.memory_space<vmem>> -> memref<125xi32, #tpu.memory_space<vmem>>
      %dma_start3A_671 = arith.constant 0 : i32
      %dma_start3A_672 = arith.constant 0 : i32
      %dma_start3A_673 = tpu.memref_slice %arg9[%dma_start3A_671, %dma_start3A_672] : memref<10240x32xf32, #tpu.memory_space<vmem_shared>> -> memref<10240x32xf32, #tpu.memory_space<vmem_shared>>
      tpu.enqueue_indirect_dma source(%dma_start3A_667 : memref<125x32xf32, #tpu.memory_space<vmem>>) target(%dma_start3A_673 : memref<10240x32xf32, #tpu.memory_space<vmem_shared>>) offsets(%dma_start3A_670 : memref<125xi32, #tpu.memory_space<vmem>>) semaphore(%arg26 : memref<!tpu.dma_semaphore, #tpu.memory_space<semaphore_mem>>) {add = true}
      %lt3A_674 = arith.constant 9 : i32
      %lt3A_675 = arith.cmpi slt, %scan3A_457, %lt3A_674 : i32
      %convert_element_type3A_676 = arith.extui %lt3A_675 : i1 to i32
      %cond3A_677 = arith.constant 0 : i32
      %cond3A_678 = arith.cmpi ne, %convert_element_type3A_676, %cond3A_677 : i32
      scf.if %cond3A_678 {
        %dma_wait3A_679 = arith.constant 0 : i32
        %dma_wait3A_680 = arith.constant 0 : i32
        %dma_wait3A_681 = arith.constant 0 : i32
        %dma_wait3A_682 = arith.constant 0 : i32
        %dma_wait3A_683 = tpu.memref_slice %arg8[%dma_wait3A_679, %dma_wait3A_681, %dma_wait3A_682] : memref<8x125x32xf32, #tpu.memory_space<vmem>> -> memref<1x125x32xf32, #tpu.memory_space<vmem>>
        %dma_wait3A_684 = tpu.memref_squeeze %dma_wait3A_683 : memref<1x125x32xf32, #tpu.memory_space<vmem>> -> memref<125x32xf32, #tpu.memory_space<vmem>>
        %dma_wait3A_685 = arith.constant 0 : i32
        %dma_wait3A_686 = tpu.memref_slice %arg7[%dma_wait3A_680, %dma_wait3A_685] : memref<80x125xi32, #tpu.memory_space<vmem>> -> memref<1x125xi32, #tpu.memory_space<vmem>>
        %dma_wait3A_687 = tpu.memref_squeeze %dma_wait3A_686 : memref<1x125xi32, #tpu.memory_space<vmem>> -> memref<125xi32, #tpu.memory_space<vmem>>
        %dma_wait3A_688 = arith.constant 0 : i32
        %dma_wait3A_689 = arith.constant 0 : i32
        %dma_wait3A_690 = tpu.memref_slice %arg9[%dma_wait3A_688, %dma_wait3A_689] : memref<10240x32xf32, #tpu.memory_space<vmem_shared>> -> memref<10240x32xf32, #tpu.memory_space<vmem_shared>>
        tpu.wait_indirect_dma semaphore(%arg19 : memref<!tpu.dma_semaphore, #tpu.memory_space<semaphore_mem>>) src(%dma_wait3A_684 : memref<125x32xf32, #tpu.memory_space<vmem>>) dst(%dma_wait3A_690 : memref<10240x32xf32, #tpu.memory_space<vmem_shared>>)
        %add3A_691 = arith.constant 1 : i32
        %add3A_692 = arith.addi %scan3A_457, %add3A_691 : i32
        %mul3A_693 = arith.constant 8 : i32
        %mul3A_694 = arith.muli %add3A_692, %mul3A_693 : i32
        %add3A_695 = arith.constant 0 : i32
        %add3A_696 = arith.addi %mul3A_694, %add3A_695 : i32
        %dma_start3A_697 = arith.constant 0 : i32
        %dma_start3A_698 = arith.constant 0 : i32
        %dma_start3A_699 = arith.constant 0 : i32
        %dma_start3A_700 = tpu.memref_slice %arg8[%dma_start3A_697, %dma_start3A_698, %dma_start3A_699] : memref<8x125x32xf32, #tpu.memory_space<vmem>> -> memref<1x125x32xf32, #tpu.memory_space<vmem>>
        %dma_start3A_701 = tpu.memref_squeeze %dma_start3A_700 : memref<1x125x32xf32, #tpu.memory_space<vmem>> -> memref<125x32xf32, #tpu.memory_space<vmem>>
        %dma_start3A_702 = arith.constant 0 : i32
        %dma_start3A_703 = tpu.memref_slice %arg6[%add3A_696, %dma_start3A_702] : memref<80x125xi32, #tpu.memory_space<vmem>> -> memref<1x125xi32, #tpu.memory_space<vmem>>
        %dma_start3A_704 = tpu.memref_squeeze %dma_start3A_703 : memref<1x125xi32, #tpu.memory_space<vmem>> -> memref<125xi32, #tpu.memory_space<vmem>>
        %dma_start3A_705 = arith.constant 0 : i32
        %dma_start3A_706 = arith.constant 0 : i32
        %dma_start3A_707 = tpu.memref_slice %arg3[%dma_start3A_705, %dma_start3A_706] : memref<10000x32xf32, #tpu.memory_space<hbm>> -> memref<10000x32xf32, #tpu.memory_space<hbm>>
        tpu.enqueue_indirect_dma source(%dma_start3A_707 : memref<10000x32xf32, #tpu.memory_space<hbm>>) target(%dma_start3A_701 : memref<125x32xf32, #tpu.memory_space<vmem>>) offsets(%dma_start3A_704 : memref<125xi32, #tpu.memory_space<vmem>>) semaphore(%arg11 : memref<!tpu.dma_semaphore, #tpu.memory_space<semaphore_mem>>)
        %dma_wait3A_708 = arith.constant 1 : i32
        %dma_wait3A_709 = arith.constant 0 : i32
        %dma_wait3A_710 = arith.constant 0 : i32
        %dma_wait3A_711 = arith.constant 0 : i32
        %dma_wait3A_712 = tpu.memref_slice %arg8[%dma_wait3A_708, %dma_wait3A_710, %dma_wait3A_711] : memref<8x125x32xf32, #tpu.memory_space<vmem>> -> memref<1x125x32xf32, #tpu.memory_space<vmem>>
        %dma_wait3A_713 = tpu.memref_squeeze %dma_wait3A_712 : memref<1x125x32xf32, #tpu.memory_space<vmem>> -> memref<125x32xf32, #tpu.memory_space<vmem>>
        %dma_wait3A_714 = arith.constant 0 : i32
        %dma_wait3A_715 = tpu.memref_slice %arg7[%dma_wait3A_709, %dma_wait3A_714] : memref<80x125xi32, #tpu.memory_space<vmem>> -> memref<1x125xi32, #tpu.memory_space<vmem>>
        %dma_wait3A_716 = tpu.memref_squeeze %dma_wait3A_715 : memref<1x125xi32, #tpu.memory_space<vmem>> -> memref<125xi32, #tpu.memory_space<vmem>>
        %dma_wait3A_717 = arith.constant 0 : i32
        %dma_wait3A_718 = arith.constant 0 : i32
        %dma_wait3A_719 = tpu.memref_slice %arg9[%dma_wait3A_717, %dma_wait3A_718] : memref<10240x32xf32, #tpu.memory_space<vmem_shared>> -> memref<10240x32xf32, #tpu.memory_space<vmem_shared>>
        tpu.wait_indirect_dma semaphore(%arg20 : memref<!tpu.dma_semaphore, #tpu.memory_space<semaphore_mem>>) src(%dma_wait3A_713 : memref<125x32xf32, #tpu.memory_space<vmem>>) dst(%dma_wait3A_719 : memref<10240x32xf32, #tpu.memory_space<vmem_shared>>)
        %add3A_720 = arith.constant 1 : i32
        %add3A_721 = arith.addi %scan3A_457, %add3A_720 : i32
        %mul3A_722 = arith.constant 8 : i32
        %mul3A_723 = arith.muli %add3A_721, %mul3A_722 : i32
        %add3A_724 = arith.constant 1 : i32
        %add3A_725 = arith.addi %mul3A_723, %add3A_724 : i32
        %dma_start3A_726 = arith.constant 1 : i32
        %dma_start3A_727 = arith.constant 0 : i32
        %dma_start3A_728 = arith.constant 0 : i32
        %dma_start3A_729 = tpu.memref_slice %arg8[%dma_start3A_726, %dma_start3A_727, %dma_start3A_728] : memref<8x125x32xf32, #tpu.memory_space<vmem>> -> memref<1x125x32xf32, #tpu.memory_space<vmem>>
        %dma_start3A_730 = tpu.memref_squeeze %dma_start3A_729 : memref<1x125x32xf32, #tpu.memory_space<vmem>> -> memref<125x32xf32, #tpu.memory_space<vmem>>
        %dma_start3A_731 = arith.constant 0 : i32
        %dma_start3A_732 = tpu.memref_slice %arg6[%add3A_725, %dma_start3A_731] : memref<80x125xi32, #tpu.memory_space<vmem>> -> memref<1x125xi32, #tpu.memory_space<vmem>>
        %dma_start3A_733 = tpu.memref_squeeze %dma_start3A_732 : memref<1x125xi32, #tpu.memory_space<vmem>> -> memref<125xi32, #tpu.memory_space<vmem>>
        %dma_start3A_734 = arith.constant 0 : i32
        %dma_start3A_735 = arith.constant 0 : i32
        %dma_start3A_736 = tpu.memref_slice %arg3[%dma_start3A_734, %dma_start3A_735] : memref<10000x32xf32, #tpu.memory_space<hbm>> -> memref<10000x32xf32, #tpu.memory_space<hbm>>
        tpu.enqueue_indirect_dma source(%dma_start3A_736 : memref<10000x32xf32, #tpu.memory_space<hbm>>) target(%dma_start3A_730 : memref<125x32xf32, #tpu.memory_space<vmem>>) offsets(%dma_start3A_733 : memref<125xi32, #tpu.memory_space<vmem>>) semaphore(%arg12 : memref<!tpu.dma_semaphore, #tpu.memory_space<semaphore_mem>>)
        %dma_wait3A_737 = arith.constant 2 : i32
        %dma_wait3A_738 = arith.constant 0 : i32
        %dma_wait3A_739 = arith.constant 0 : i32
        %dma_wait3A_740 = arith.constant 0 : i32
        %dma_wait3A_741 = tpu.memref_slice %arg8[%dma_wait3A_737, %dma_wait3A_739, %dma_wait3A_740] : memref<8x125x32xf32, #tpu.memory_space<vmem>> -> memref<1x125x32xf32, #tpu.memory_space<vmem>>
        %dma_wait3A_742 = tpu.memref_squeeze %dma_wait3A_741 : memref<1x125x32xf32, #tpu.memory_space<vmem>> -> memref<125x32xf32, #tpu.memory_space<vmem>>
        %dma_wait3A_743 = arith.constant 0 : i32
        %dma_wait3A_744 = tpu.memref_slice %arg7[%dma_wait3A_738, %dma_wait3A_743] : memref<80x125xi32, #tpu.memory_space<vmem>> -> memref<1x125xi32, #tpu.memory_space<vmem>>
        %dma_wait3A_745 = tpu.memref_squeeze %dma_wait3A_744 : memref<1x125xi32, #tpu.memory_space<vmem>> -> memref<125xi32, #tpu.memory_space<vmem>>
        %dma_wait3A_746 = arith.constant 0 : i32
        %dma_wait3A_747 = arith.constant 0 : i32
        %dma_wait3A_748 = tpu.memref_slice %arg9[%dma_wait3A_746, %dma_wait3A_747] : memref<10240x32xf32, #tpu.memory_space<vmem_shared>> -> memref<10240x32xf32, #tpu.memory_space<vmem_shared>>
        tpu.wait_indirect_dma semaphore(%arg21 : memref<!tpu.dma_semaphore, #tpu.memory_space<semaphore_mem>>) src(%dma_wait3A_742 : memref<125x32xf32, #tpu.memory_space<vmem>>) dst(%dma_wait3A_748 : memref<10240x32xf32, #tpu.memory_space<vmem_shared>>)
        %add3A_749 = arith.constant 1 : i32
        %add3A_750 = arith.addi %scan3A_457, %add3A_749 : i32
        %mul3A_751 = arith.constant 8 : i32
        %mul3A_752 = arith.muli %add3A_750, %mul3A_751 : i32
        %add3A_753 = arith.constant 2 : i32
        %add3A_754 = arith.addi %mul3A_752, %add3A_753 : i32
        %dma_start3A_755 = arith.constant 2 : i32
        %dma_start3A_756 = arith.constant 0 : i32
        %dma_start3A_757 = arith.constant 0 : i32
        %dma_start3A_758 = tpu.memref_slice %arg8[%dma_start3A_755, %dma_start3A_756, %dma_start3A_757] : memref<8x125x32xf32, #tpu.memory_space<vmem>> -> memref<1x125x32xf32, #tpu.memory_space<vmem>>
        %dma_start3A_759 = tpu.memref_squeeze %dma_start3A_758 : memref<1x125x32xf32, #tpu.memory_space<vmem>> -> memref<125x32xf32, #tpu.memory_space<vmem>>
        %dma_start3A_760 = arith.constant 0 : i32
        %dma_start3A_761 = tpu.memref_slice %arg6[%add3A_754, %dma_start3A_760] : memref<80x125xi32, #tpu.memory_space<vmem>> -> memref<1x125xi32, #tpu.memory_space<vmem>>
        %dma_start3A_762 = tpu.memref_squeeze %dma_start3A_761 : memref<1x125xi32, #tpu.memory_space<vmem>> -> memref<125xi32, #tpu.memory_space<vmem>>
        %dma_start3A_763 = arith.constant 0 : i32
        %dma_start3A_764 = arith.constant 0 : i32
        %dma_start3A_765 = tpu.memref_slice %arg3[%dma_start3A_763, %dma_start3A_764] : memref<10000x32xf32, #tpu.memory_space<hbm>> -> memref<10000x32xf32, #tpu.memory_space<hbm>>
        tpu.enqueue_indirect_dma source(%dma_start3A_765 : memref<10000x32xf32, #tpu.memory_space<hbm>>) target(%dma_start3A_759 : memref<125x32xf32, #tpu.memory_space<vmem>>) offsets(%dma_start3A_762 : memref<125xi32, #tpu.memory_space<vmem>>) semaphore(%arg13 : memref<!tpu.dma_semaphore, #tpu.memory_space<semaphore_mem>>)
        %dma_wait3A_766 = arith.constant 3 : i32
        %dma_wait3A_767 = arith.constant 0 : i32
        %dma_wait3A_768 = arith.constant 0 : i32
        %dma_wait3A_769 = arith.constant 0 : i32
        %dma_wait3A_770 = tpu.memref_slice %arg8[%dma_wait3A_766, %dma_wait3A_768, %dma_wait3A_769] : memref<8x125x32xf32, #tpu.memory_space<vmem>> -> memref<1x125x32xf32, #tpu.memory_space<vmem>>
        %dma_wait3A_771 = tpu.memref_squeeze %dma_wait3A_770 : memref<1x125x32xf32, #tpu.memory_space<vmem>> -> memref<125x32xf32, #tpu.memory_space<vmem>>
        %dma_wait3A_772 = arith.constant 0 : i32
        %dma_wait3A_773 = tpu.memref_slice %arg7[%dma_wait3A_767, %dma_wait3A_772] : memref<80x125xi32, #tpu.memory_space<vmem>> -> memref<1x125xi32, #tpu.memory_space<vmem>>
        %dma_wait3A_774 = tpu.memref_squeeze %dma_wait3A_773 : memref<1x125xi32, #tpu.memory_space<vmem>> -> memref<125xi32, #tpu.memory_space<vmem>>
        %dma_wait3A_775 = arith.constant 0 : i32
        %dma_wait3A_776 = arith.constant 0 : i32
        %dma_wait3A_777 = tpu.memref_slice %arg9[%dma_wait3A_775, %dma_wait3A_776] : memref<10240x32xf32, #tpu.memory_space<vmem_shared>> -> memref<10240x32xf32, #tpu.memory_space<vmem_shared>>
        tpu.wait_indirect_dma semaphore(%arg22 : memref<!tpu.dma_semaphore, #tpu.memory_space<semaphore_mem>>) src(%dma_wait3A_771 : memref<125x32xf32, #tpu.memory_space<vmem>>) dst(%dma_wait3A_777 : memref<10240x32xf32, #tpu.memory_space<vmem_shared>>)
        %add3A_778 = arith.constant 1 : i32
        %add3A_779 = arith.addi %scan3A_457, %add3A_778 : i32
        %mul3A_780 = arith.constant 8 : i32
        %mul3A_781 = arith.muli %add3A_779, %mul3A_780 : i32
        %add3A_782 = arith.constant 3 : i32
        %add3A_783 = arith.addi %mul3A_781, %add3A_782 : i32
        %dma_start3A_784 = arith.constant 3 : i32
        %dma_start3A_785 = arith.constant 0 : i32
        %dma_start3A_786 = arith.constant 0 : i32
        %dma_start3A_787 = tpu.memref_slice %arg8[%dma_start3A_784, %dma_start3A_785, %dma_start3A_786] : memref<8x125x32xf32, #tpu.memory_space<vmem>> -> memref<1x125x32xf32, #tpu.memory_space<vmem>>
        %dma_start3A_788 = tpu.memref_squeeze %dma_start3A_787 : memref<1x125x32xf32, #tpu.memory_space<vmem>> -> memref<125x32xf32, #tpu.memory_space<vmem>>
        %dma_start3A_789 = arith.constant 0 : i32
        %dma_start3A_790 = tpu.memref_slice %arg6[%add3A_783, %dma_start3A_789] : memref<80x125xi32, #tpu.memory_space<vmem>> -> memref<1x125xi32, #tpu.memory_space<vmem>>
        %dma_start3A_791 = tpu.memref_squeeze %dma_start3A_790 : memref<1x125xi32, #tpu.memory_space<vmem>> -> memref<125xi32, #tpu.memory_space<vmem>>
        %dma_start3A_792 = arith.constant 0 : i32
        %dma_start3A_793 = arith.constant 0 : i32
        %dma_start3A_794 = tpu.memref_slice %arg3[%dma_start3A_792, %dma_start3A_793] : memref<10000x32xf32, #tpu.memory_space<hbm>> -> memref<10000x32xf32, #tpu.memory_space<hbm>>
        tpu.enqueue_indirect_dma source(%dma_start3A_794 : memref<10000x32xf32, #tpu.memory_space<hbm>>) target(%dma_start3A_788 : memref<125x32xf32, #tpu.memory_space<vmem>>) offsets(%dma_start3A_791 : memref<125xi32, #tpu.memory_space<vmem>>) semaphore(%arg14 : memref<!tpu.dma_semaphore, #tpu.memory_space<semaphore_mem>>)
        %dma_wait3A_795 = arith.constant 4 : i32
        %dma_wait3A_796 = arith.constant 0 : i32
        %dma_wait3A_797 = arith.constant 0 : i32
        %dma_wait3A_798 = arith.constant 0 : i32
        %dma_wait3A_799 = tpu.memref_slice %arg8[%dma_wait3A_795, %dma_wait3A_797, %dma_wait3A_798] : memref<8x125x32xf32, #tpu.memory_space<vmem>> -> memref<1x125x32xf32, #tpu.memory_space<vmem>>
        %dma_wait3A_800 = tpu.memref_squeeze %dma_wait3A_799 : memref<1x125x32xf32, #tpu.memory_space<vmem>> -> memref<125x32xf32, #tpu.memory_space<vmem>>
        %dma_wait3A_801 = arith.constant 0 : i32
        %dma_wait3A_802 = tpu.memref_slice %arg7[%dma_wait3A_796, %dma_wait3A_801] : memref<80x125xi32, #tpu.memory_space<vmem>> -> memref<1x125xi32, #tpu.memory_space<vmem>>
        %dma_wait3A_803 = tpu.memref_squeeze %dma_wait3A_802 : memref<1x125xi32, #tpu.memory_space<vmem>> -> memref<125xi32, #tpu.memory_space<vmem>>
        %dma_wait3A_804 = arith.constant 0 : i32
        %dma_wait3A_805 = arith.constant 0 : i32
        %dma_wait3A_806 = tpu.memref_slice %arg9[%dma_wait3A_804, %dma_wait3A_805] : memref<10240x32xf32, #tpu.memory_space<vmem_shared>> -> memref<10240x32xf32, #tpu.memory_space<vmem_shared>>
        tpu.wait_indirect_dma semaphore(%arg23 : memref<!tpu.dma_semaphore, #tpu.memory_space<semaphore_mem>>) src(%dma_wait3A_800 : memref<125x32xf32, #tpu.memory_space<vmem>>) dst(%dma_wait3A_806 : memref<10240x32xf32, #tpu.memory_space<vmem_shared>>)
        %add3A_807 = arith.constant 1 : i32
        %add3A_808 = arith.addi %scan3A_457, %add3A_807 : i32
        %mul3A_809 = arith.constant 8 : i32
        %mul3A_810 = arith.muli %add3A_808, %mul3A_809 : i32
        %add3A_811 = arith.constant 4 : i32
        %add3A_812 = arith.addi %mul3A_810, %add3A_811 : i32
        %dma_start3A_813 = arith.constant 4 : i32
        %dma_start3A_814 = arith.constant 0 : i32
        %dma_start3A_815 = arith.constant 0 : i32
        %dma_start3A_816 = tpu.memref_slice %arg8[%dma_start3A_813, %dma_start3A_814, %dma_start3A_815] : memref<8x125x32xf32, #tpu.memory_space<vmem>> -> memref<1x125x32xf32, #tpu.memory_space<vmem>>
        %dma_start3A_817 = tpu.memref_squeeze %dma_start3A_816 : memref<1x125x32xf32, #tpu.memory_space<vmem>> -> memref<125x32xf32, #tpu.memory_space<vmem>>
        %dma_start3A_818 = arith.constant 0 : i32
        %dma_start3A_819 = tpu.memref_slice %arg6[%add3A_812, %dma_start3A_818] : memref<80x125xi32, #tpu.memory_space<vmem>> -> memref<1x125xi32, #tpu.memory_space<vmem>>
        %dma_start3A_820 = tpu.memref_squeeze %dma_start3A_819 : memref<1x125xi32, #tpu.memory_space<vmem>> -> memref<125xi32, #tpu.memory_space<vmem>>
        %dma_start3A_821 = arith.constant 0 : i32
        %dma_start3A_822 = arith.constant 0 : i32
        %dma_start3A_823 = tpu.memref_slice %arg3[%dma_start3A_821, %dma_start3A_822] : memref<10000x32xf32, #tpu.memory_space<hbm>> -> memref<10000x32xf32, #tpu.memory_space<hbm>>
        tpu.enqueue_indirect_dma source(%dma_start3A_823 : memref<10000x32xf32, #tpu.memory_space<hbm>>) target(%dma_start3A_817 : memref<125x32xf32, #tpu.memory_space<vmem>>) offsets(%dma_start3A_820 : memref<125xi32, #tpu.memory_space<vmem>>) semaphore(%arg15 : memref<!tpu.dma_semaphore, #tpu.memory_space<semaphore_mem>>)
        %dma_wait3A_824 = arith.constant 5 : i32
        %dma_wait3A_825 = arith.constant 0 : i32
        %dma_wait3A_826 = arith.constant 0 : i32
        %dma_wait3A_827 = arith.constant 0 : i32
        %dma_wait3A_828 = tpu.memref_slice %arg8[%dma_wait3A_824, %dma_wait3A_826, %dma_wait3A_827] : memref<8x125x32xf32, #tpu.memory_space<vmem>> -> memref<1x125x32xf32, #tpu.memory_space<vmem>>
        %dma_wait3A_829 = tpu.memref_squeeze %dma_wait3A_828 : memref<1x125x32xf32, #tpu.memory_space<vmem>> -> memref<125x32xf32, #tpu.memory_space<vmem>>
        %dma_wait3A_830 = arith.constant 0 : i32
        %dma_wait3A_831 = tpu.memref_slice %arg7[%dma_wait3A_825, %dma_wait3A_830] : memref<80x125xi32, #tpu.memory_space<vmem>> -> memref<1x125xi32, #tpu.memory_space<vmem>>
        %dma_wait3A_832 = tpu.memref_squeeze %dma_wait3A_831 : memref<1x125xi32, #tpu.memory_space<vmem>> -> memref<125xi32, #tpu.memory_space<vmem>>
        %dma_wait3A_833 = arith.constant 0 : i32
        %dma_wait3A_834 = arith.constant 0 : i32
        %dma_wait3A_835 = tpu.memref_slice %arg9[%dma_wait3A_833, %dma_wait3A_834] : memref<10240x32xf32, #tpu.memory_space<vmem_shared>> -> memref<10240x32xf32, #tpu.memory_space<vmem_shared>>
        tpu.wait_indirect_dma semaphore(%arg24 : memref<!tpu.dma_semaphore, #tpu.memory_space<semaphore_mem>>) src(%dma_wait3A_829 : memref<125x32xf32, #tpu.memory_space<vmem>>) dst(%dma_wait3A_835 : memref<10240x32xf32, #tpu.memory_space<vmem_shared>>)
        %add3A_836 = arith.constant 1 : i32
        %add3A_837 = arith.addi %scan3A_457, %add3A_836 : i32
        %mul3A_838 = arith.constant 8 : i32
        %mul3A_839 = arith.muli %add3A_837, %mul3A_838 : i32
        %add3A_840 = arith.constant 5 : i32
        %add3A_841 = arith.addi %mul3A_839, %add3A_840 : i32
        %dma_start3A_842 = arith.constant 5 : i32
        %dma_start3A_843 = arith.constant 0 : i32
        %dma_start3A_844 = arith.constant 0 : i32
        %dma_start3A_845 = tpu.memref_slice %arg8[%dma_start3A_842, %dma_start3A_843, %dma_start3A_844] : memref<8x125x32xf32, #tpu.memory_space<vmem>> -> memref<1x125x32xf32, #tpu.memory_space<vmem>>
        %dma_start3A_846 = tpu.memref_squeeze %dma_start3A_845 : memref<1x125x32xf32, #tpu.memory_space<vmem>> -> memref<125x32xf32, #tpu.memory_space<vmem>>
        %dma_start3A_847 = arith.constant 0 : i32
        %dma_start3A_848 = tpu.memref_slice %arg6[%add3A_841, %dma_start3A_847] : memref<80x125xi32, #tpu.memory_space<vmem>> -> memref<1x125xi32, #tpu.memory_space<vmem>>
        %dma_start3A_849 = tpu.memref_squeeze %dma_start3A_848 : memref<1x125xi32, #tpu.memory_space<vmem>> -> memref<125xi32, #tpu.memory_space<vmem>>
        %dma_start3A_850 = arith.constant 0 : i32
        %dma_start3A_851 = arith.constant 0 : i32
        %dma_start3A_852 = tpu.memref_slice %arg3[%dma_start3A_850, %dma_start3A_851] : memref<10000x32xf32, #tpu.memory_space<hbm>> -> memref<10000x32xf32, #tpu.memory_space<hbm>>
        tpu.enqueue_indirect_dma source(%dma_start3A_852 : memref<10000x32xf32, #tpu.memory_space<hbm>>) target(%dma_start3A_846 : memref<125x32xf32, #tpu.memory_space<vmem>>) offsets(%dma_start3A_849 : memref<125xi32, #tpu.memory_space<vmem>>) semaphore(%arg16 : memref<!tpu.dma_semaphore, #tpu.memory_space<semaphore_mem>>)
        %dma_wait3A_853 = arith.constant 6 : i32
        %dma_wait3A_854 = arith.constant 0 : i32
        %dma_wait3A_855 = arith.constant 0 : i32
        %dma_wait3A_856 = arith.constant 0 : i32
        %dma_wait3A_857 = tpu.memref_slice %arg8[%dma_wait3A_853, %dma_wait3A_855, %dma_wait3A_856] : memref<8x125x32xf32, #tpu.memory_space<vmem>> -> memref<1x125x32xf32, #tpu.memory_space<vmem>>
        %dma_wait3A_858 = tpu.memref_squeeze %dma_wait3A_857 : memref<1x125x32xf32, #tpu.memory_space<vmem>> -> memref<125x32xf32, #tpu.memory_space<vmem>>
        %dma_wait3A_859 = arith.constant 0 : i32
        %dma_wait3A_860 = tpu.memref_slice %arg7[%dma_wait3A_854, %dma_wait3A_859] : memref<80x125xi32, #tpu.memory_space<vmem>> -> memref<1x125xi32, #tpu.memory_space<vmem>>
        %dma_wait3A_861 = tpu.memref_squeeze %dma_wait3A_860 : memref<1x125xi32, #tpu.memory_space<vmem>> -> memref<125xi32, #tpu.memory_space<vmem>>
        %dma_wait3A_862 = arith.constant 0 : i32
        %dma_wait3A_863 = arith.constant 0 : i32
        %dma_wait3A_864 = tpu.memref_slice %arg9[%dma_wait3A_862, %dma_wait3A_863] : memref<10240x32xf32, #tpu.memory_space<vmem_shared>> -> memref<10240x32xf32, #tpu.memory_space<vmem_shared>>
        tpu.wait_indirect_dma semaphore(%arg25 : memref<!tpu.dma_semaphore, #tpu.memory_space<semaphore_mem>>) src(%dma_wait3A_858 : memref<125x32xf32, #tpu.memory_space<vmem>>) dst(%dma_wait3A_864 : memref<10240x32xf32, #tpu.memory_space<vmem_shared>>)
        %add3A_865 = arith.constant 1 : i32
        %add3A_866 = arith.addi %scan3A_457, %add3A_865 : i32
        %mul3A_867 = arith.constant 8 : i32
        %mul3A_868 = arith.muli %add3A_866, %mul3A_867 : i32
        %add3A_869 = arith.constant 6 : i32
        %add3A_870 = arith.addi %mul3A_868, %add3A_869 : i32
        %dma_start3A_871 = arith.constant 6 : i32
        %dma_start3A_872 = arith.constant 0 : i32
        %dma_start3A_873 = arith.constant 0 : i32
        %dma_start3A_874 = tpu.memref_slice %arg8[%dma_start3A_871, %dma_start3A_872, %dma_start3A_873] : memref<8x125x32xf32, #tpu.memory_space<vmem>> -> memref<1x125x32xf32, #tpu.memory_space<vmem>>
        %dma_start3A_875 = tpu.memref_squeeze %dma_start3A_874 : memref<1x125x32xf32, #tpu.memory_space<vmem>> -> memref<125x32xf32, #tpu.memory_space<vmem>>
        %dma_start3A_876 = arith.constant 0 : i32
        %dma_start3A_877 = tpu.memref_slice %arg6[%add3A_870, %dma_start3A_876] : memref<80x125xi32, #tpu.memory_space<vmem>> -> memref<1x125xi32, #tpu.memory_space<vmem>>
        %dma_start3A_878 = tpu.memref_squeeze %dma_start3A_877 : memref<1x125xi32, #tpu.memory_space<vmem>> -> memref<125xi32, #tpu.memory_space<vmem>>
        %dma_start3A_879 = arith.constant 0 : i32
        %dma_start3A_880 = arith.constant 0 : i32
        %dma_start3A_881 = tpu.memref_slice %arg3[%dma_start3A_879, %dma_start3A_880] : memref<10000x32xf32, #tpu.memory_space<hbm>> -> memref<10000x32xf32, #tpu.memory_space<hbm>>
        tpu.enqueue_indirect_dma source(%dma_start3A_881 : memref<10000x32xf32, #tpu.memory_space<hbm>>) target(%dma_start3A_875 : memref<125x32xf32, #tpu.memory_space<vmem>>) offsets(%dma_start3A_878 : memref<125xi32, #tpu.memory_space<vmem>>) semaphore(%arg17 : memref<!tpu.dma_semaphore, #tpu.memory_space<semaphore_mem>>)
        %dma_wait3A_882 = arith.constant 7 : i32
        %dma_wait3A_883 = arith.constant 0 : i32
        %dma_wait3A_884 = arith.constant 0 : i32
        %dma_wait3A_885 = arith.constant 0 : i32
        %dma_wait3A_886 = tpu.memref_slice %arg8[%dma_wait3A_882, %dma_wait3A_884, %dma_wait3A_885] : memref<8x125x32xf32, #tpu.memory_space<vmem>> -> memref<1x125x32xf32, #tpu.memory_space<vmem>>
        %dma_wait3A_887 = tpu.memref_squeeze %dma_wait3A_886 : memref<1x125x32xf32, #tpu.memory_space<vmem>> -> memref<125x32xf32, #tpu.memory_space<vmem>>
        %dma_wait3A_888 = arith.constant 0 : i32
        %dma_wait3A_889 = tpu.memref_slice %arg7[%dma_wait3A_883, %dma_wait3A_888] : memref<80x125xi32, #tpu.memory_space<vmem>> -> memref<1x125xi32, #tpu.memory_space<vmem>>
        %dma_wait3A_890 = tpu.memref_squeeze %dma_wait3A_889 : memref<1x125xi32, #tpu.memory_space<vmem>> -> memref<125xi32, #tpu.memory_space<vmem>>
        %dma_wait3A_891 = arith.constant 0 : i32
        %dma_wait3A_892 = arith.constant 0 : i32
        %dma_wait3A_893 = tpu.memref_slice %arg9[%dma_wait3A_891, %dma_wait3A_892] : memref<10240x32xf32, #tpu.memory_space<vmem_shared>> -> memref<10240x32xf32, #tpu.memory_space<vmem_shared>>
        tpu.wait_indirect_dma semaphore(%arg26 : memref<!tpu.dma_semaphore, #tpu.memory_space<semaphore_mem>>) src(%dma_wait3A_887 : memref<125x32xf32, #tpu.memory_space<vmem>>) dst(%dma_wait3A_893 : memref<10240x32xf32, #tpu.memory_space<vmem_shared>>)
        %add3A_894 = arith.constant 1 : i32
        %add3A_895 = arith.addi %scan3A_457, %add3A_894 : i32
        %mul3A_896 = arith.constant 8 : i32
        %mul3A_897 = arith.muli %add3A_895, %mul3A_896 : i32
        %add3A_898 = arith.constant 7 : i32
        %add3A_899 = arith.addi %mul3A_897, %add3A_898 : i32
        %dma_start3A_900 = arith.constant 7 : i32
        %dma_start3A_901 = arith.constant 0 : i32
        %dma_start3A_902 = arith.constant 0 : i32
        %dma_start3A_903 = tpu.memref_slice %arg8[%dma_start3A_900, %dma_start3A_901, %dma_start3A_902] : memref<8x125x32xf32, #tpu.memory_space<vmem>> -> memref<1x125x32xf32, #tpu.memory_space<vmem>>
        %dma_start3A_904 = tpu.memref_squeeze %dma_start3A_903 : memref<1x125x32xf32, #tpu.memory_space<vmem>> -> memref<125x32xf32, #tpu.memory_space<vmem>>
        %dma_start3A_905 = arith.constant 0 : i32
        %dma_start3A_906 = tpu.memref_slice %arg6[%add3A_899, %dma_start3A_905] : memref<80x125xi32, #tpu.memory_space<vmem>> -> memref<1x125xi32, #tpu.memory_space<vmem>>
        %dma_start3A_907 = tpu.memref_squeeze %dma_start3A_906 : memref<1x125xi32, #tpu.memory_space<vmem>> -> memref<125xi32, #tpu.memory_space<vmem>>
        %dma_start3A_908 = arith.constant 0 : i32
        %dma_start3A_909 = arith.constant 0 : i32
        %dma_start3A_910 = tpu.memref_slice %arg3[%dma_start3A_908, %dma_start3A_909] : memref<10000x32xf32, #tpu.memory_space<hbm>> -> memref<10000x32xf32, #tpu.memory_space<hbm>>
        tpu.enqueue_indirect_dma source(%dma_start3A_910 : memref<10000x32xf32, #tpu.memory_space<hbm>>) target(%dma_start3A_904 : memref<125x32xf32, #tpu.memory_space<vmem>>) offsets(%dma_start3A_907 : memref<125xi32, #tpu.memory_space<vmem>>) semaphore(%arg18 : memref<!tpu.dma_semaphore, #tpu.memory_space<semaphore_mem>>)
      } else {
      }
    }
    %scan3A_137 = arith.constant 10 : i32
    %dma_wait3A_138 = arith.constant 0 : i32
    %dma_wait3A_139 = arith.constant 0 : i32
    %dma_wait3A_140 = arith.constant 0 : i32
    %dma_wait3A_141 = arith.constant 0 : i32
    %dma_wait3A_142 = tpu.memref_slice %arg8[%dma_wait3A_138, %dma_wait3A_140, %dma_wait3A_141] : memref<8x125x32xf32, #tpu.memory_space<vmem>> -> memref<1x125x32xf32, #tpu.memory_space<vmem>>
    %dma_wait3A_143 = tpu.memref_squeeze %dma_wait3A_142 : memref<1x125x32xf32, #tpu.memory_space<vmem>> -> memref<125x32xf32, #tpu.memory_space<vmem>>
    %dma_wait3A_144 = arith.constant 0 : i32
    %dma_wait3A_145 = tpu.memref_slice %arg7[%dma_wait3A_139, %dma_wait3A_144] : memref<80x125xi32, #tpu.memory_space<vmem>> -> memref<1x125xi32, #tpu.memory_space<vmem>>
    %dma_wait3A_146 = tpu.memref_squeeze %dma_wait3A_145 : memref<1x125xi32, #tpu.memory_space<vmem>> -> memref<125xi32, #tpu.memory_space<vmem>>
    %dma_wait3A_147 = arith.constant 0 : i32
    %dma_wait3A_148 = arith.constant 0 : i32
    %dma_wait3A_149 = tpu.memref_slice %arg9[%dma_wait3A_147, %dma_wait3A_148] : memref<10240x32xf32, #tpu.memory_space<vmem_shared>> -> memref<10240x32xf32, #tpu.memory_space<vmem_shared>>
    tpu.wait_indirect_dma semaphore(%arg19 : memref<!tpu.dma_semaphore, #tpu.memory_space<semaphore_mem>>) src(%dma_wait3A_143 : memref<125x32xf32, #tpu.memory_space<vmem>>) dst(%dma_wait3A_149 : memref<10240x32xf32, #tpu.memory_space<vmem_shared>>)
    %dma_wait3A_150 = arith.constant 1 : i32
    %dma_wait3A_151 = arith.constant 0 : i32
    %dma_wait3A_152 = arith.constant 0 : i32
    %dma_wait3A_153 = arith.constant 0 : i32
    %dma_wait3A_154 = tpu.memref_slice %arg8[%dma_wait3A_150, %dma_wait3A_152, %dma_wait3A_153] : memref<8x125x32xf32, #tpu.memory_space<vmem>> -> memref<1x125x32xf32, #tpu.memory_space<vmem>>
    %dma_wait3A_155 = tpu.memref_squeeze %dma_wait3A_154 : memref<1x125x32xf32, #tpu.memory_space<vmem>> -> memref<125x32xf32, #tpu.memory_space<vmem>>
    %dma_wait3A_156 = arith.constant 0 : i32
    %dma_wait3A_157 = tpu.memref_slice %arg7[%dma_wait3A_151, %dma_wait3A_156] : memref<80x125xi32, #tpu.memory_space<vmem>> -> memref<1x125xi32, #tpu.memory_space<vmem>>
    %dma_wait3A_158 = tpu.memref_squeeze %dma_wait3A_157 : memref<1x125xi32, #tpu.memory_space<vmem>> -> memref<125xi32, #tpu.memory_space<vmem>>
    %dma_wait3A_159 = arith.constant 0 : i32
    %dma_wait3A_160 = arith.constant 0 : i32
    %dma_wait3A_161 = tpu.memref_slice %arg9[%dma_wait3A_159, %dma_wait3A_160] : memref<10240x32xf32, #tpu.memory_space<vmem_shared>> -> memref<10240x32xf32, #tpu.memory_space<vmem_shared>>
    tpu.wait_indirect_dma semaphore(%arg20 : memref<!tpu.dma_semaphore, #tpu.memory_space<semaphore_mem>>) src(%dma_wait3A_155 : memref<125x32xf32, #tpu.memory_space<vmem>>) dst(%dma_wait3A_161 : memref<10240x32xf32, #tpu.memory_space<vmem_shared>>)
    %dma_wait3A_162 = arith.constant 2 : i32
    %dma_wait3A_163 = arith.constant 0 : i32
    %dma_wait3A_164 = arith.constant 0 : i32
    %dma_wait3A_165 = arith.constant 0 : i32
    %dma_wait3A_166 = tpu.memref_slice %arg8[%dma_wait3A_162, %dma_wait3A_164, %dma_wait3A_165] : memref<8x125x32xf32, #tpu.memory_space<vmem>> -> memref<1x125x32xf32, #tpu.memory_space<vmem>>
    %dma_wait3A_167 = tpu.memref_squeeze %dma_wait3A_166 : memref<1x125x32xf32, #tpu.memory_space<vmem>> -> memref<125x32xf32, #tpu.memory_space<vmem>>
    %dma_wait3A_168 = arith.constant 0 : i32
    %dma_wait3A_169 = tpu.memref_slice %arg7[%dma_wait3A_163, %dma_wait3A_168] : memref<80x125xi32, #tpu.memory_space<vmem>> -> memref<1x125xi32, #tpu.memory_space<vmem>>
    %dma_wait3A_170 = tpu.memref_squeeze %dma_wait3A_169 : memref<1x125xi32, #tpu.memory_space<vmem>> -> memref<125xi32, #tpu.memory_space<vmem>>
    %dma_wait3A_171 = arith.constant 0 : i32
    %dma_wait3A_172 = arith.constant 0 : i32
    %dma_wait3A_173 = tpu.memref_slice %arg9[%dma_wait3A_171, %dma_wait3A_172] : memref<10240x32xf32, #tpu.memory_space<vmem_shared>> -> memref<10240x32xf32, #tpu.memory_space<vmem_shared>>
    tpu.wait_indirect_dma semaphore(%arg21 : memref<!tpu.dma_semaphore, #tpu.memory_space<semaphore_mem>>) src(%dma_wait3A_167 : memref<125x32xf32, #tpu.memory_space<vmem>>) dst(%dma_wait3A_173 : memref<10240x32xf32, #tpu.memory_space<vmem_shared>>)
    %dma_wait3A_174 = arith.constant 3 : i32
    %dma_wait3A_175 = arith.constant 0 : i32
    %dma_wait3A_176 = arith.constant 0 : i32
    %dma_wait3A_177 = arith.constant 0 : i32
    %dma_wait3A_178 = tpu.memref_slice %arg8[%dma_wait3A_174, %dma_wait3A_176, %dma_wait3A_177] : memref<8x125x32xf32, #tpu.memory_space<vmem>> -> memref<1x125x32xf32, #tpu.memory_space<vmem>>
    %dma_wait3A_179 = tpu.memref_squeeze %dma_wait3A_178 : memref<1x125x32xf32, #tpu.memory_space<vmem>> -> memref<125x32xf32, #tpu.memory_space<vmem>>
    %dma_wait3A_180 = arith.constant 0 : i32
    %dma_wait3A_181 = tpu.memref_slice %arg7[%dma_wait3A_175, %dma_wait3A_180] : memref<80x125xi32, #tpu.memory_space<vmem>> -> memref<1x125xi32, #tpu.memory_space<vmem>>
    %dma_wait3A_182 = tpu.memref_squeeze %dma_wait3A_181 : memref<1x125xi32, #tpu.memory_space<vmem>> -> memref<125xi32, #tpu.memory_space<vmem>>
    %dma_wait3A_183 = arith.constant 0 : i32
    %dma_wait3A_184 = arith.constant 0 : i32
    %dma_wait3A_185 = tpu.memref_slice %arg9[%dma_wait3A_183, %dma_wait3A_184] : memref<10240x32xf32, #tpu.memory_space<vmem_shared>> -> memref<10240x32xf32, #tpu.memory_space<vmem_shared>>
    tpu.wait_indirect_dma semaphore(%arg22 : memref<!tpu.dma_semaphore, #tpu.memory_space<semaphore_mem>>) src(%dma_wait3A_179 : memref<125x32xf32, #tpu.memory_space<vmem>>) dst(%dma_wait3A_185 : memref<10240x32xf32, #tpu.memory_space<vmem_shared>>)
    %dma_wait3A_186 = arith.constant 4 : i32
    %dma_wait3A_187 = arith.constant 0 : i32
    %dma_wait3A_188 = arith.constant 0 : i32
    %dma_wait3A_189 = arith.constant 0 : i32
    %dma_wait3A_190 = tpu.memref_slice %arg8[%dma_wait3A_186, %dma_wait3A_188, %dma_wait3A_189] : memref<8x125x32xf32, #tpu.memory_space<vmem>> -> memref<1x125x32xf32, #tpu.memory_space<vmem>>
    %dma_wait3A_191 = tpu.memref_squeeze %dma_wait3A_190 : memref<1x125x32xf32, #tpu.memory_space<vmem>> -> memref<125x32xf32, #tpu.memory_space<vmem>>
    %dma_wait3A_192 = arith.constant 0 : i32
    %dma_wait3A_193 = tpu.memref_slice %arg7[%dma_wait3A_187, %dma_wait3A_192] : memref<80x125xi32, #tpu.memory_space<vmem>> -> memref<1x125xi32, #tpu.memory_space<vmem>>
    %dma_wait3A_194 = tpu.memref_squeeze %dma_wait3A_193 : memref<1x125xi32, #tpu.memory_space<vmem>> -> memref<125xi32, #tpu.memory_space<vmem>>
    %dma_wait3A_195 = arith.constant 0 : i32
    %dma_wait3A_196 = arith.constant 0 : i32
    %dma_wait3A_197 = tpu.memref_slice %arg9[%dma_wait3A_195, %dma_wait3A_196] : memref<10240x32xf32, #tpu.memory_space<vmem_shared>> -> memref<10240x32xf32, #tpu.memory_space<vmem_shared>>
    tpu.wait_indirect_dma semaphore(%arg23 : memref<!tpu.dma_semaphore, #tpu.memory_space<semaphore_mem>>) src(%dma_wait3A_191 : memref<125x32xf32, #tpu.memory_space<vmem>>) dst(%dma_wait3A_197 : memref<10240x32xf32, #tpu.memory_space<vmem_shared>>)
    %dma_wait3A_198 = arith.constant 5 : i32
    %dma_wait3A_199 = arith.constant 0 : i32
    %dma_wait3A_200 = arith.constant 0 : i32
    %dma_wait3A_201 = arith.constant 0 : i32
    %dma_wait3A_202 = tpu.memref_slice %arg8[%dma_wait3A_198, %dma_wait3A_200, %dma_wait3A_201] : memref<8x125x32xf32, #tpu.memory_space<vmem>> -> memref<1x125x32xf32, #tpu.memory_space<vmem>>
    %dma_wait3A_203 = tpu.memref_squeeze %dma_wait3A_202 : memref<1x125x32xf32, #tpu.memory_space<vmem>> -> memref<125x32xf32, #tpu.memory_space<vmem>>
    %dma_wait3A_204 = arith.constant 0 : i32
    %dma_wait3A_205 = tpu.memref_slice %arg7[%dma_wait3A_199, %dma_wait3A_204] : memref<80x125xi32, #tpu.memory_space<vmem>> -> memref<1x125xi32, #tpu.memory_space<vmem>>
    %dma_wait3A_206 = tpu.memref_squeeze %dma_wait3A_205 : memref<1x125xi32, #tpu.memory_space<vmem>> -> memref<125xi32, #tpu.memory_space<vmem>>
    %dma_wait3A_207 = arith.constant 0 : i32
    %dma_wait3A_208 = arith.constant 0 : i32
    %dma_wait3A_209 = tpu.memref_slice %arg9[%dma_wait3A_207, %dma_wait3A_208] : memref<10240x32xf32, #tpu.memory_space<vmem_shared>> -> memref<10240x32xf32, #tpu.memory_space<vmem_shared>>
    tpu.wait_indirect_dma semaphore(%arg24 : memref<!tpu.dma_semaphore, #tpu.memory_space<semaphore_mem>>) src(%dma_wait3A_203 : memref<125x32xf32, #tpu.memory_space<vmem>>) dst(%dma_wait3A_209 : memref<10240x32xf32, #tpu.memory_space<vmem_shared>>)
    %dma_wait3A_210 = arith.constant 6 : i32
    %dma_wait3A_211 = arith.constant 0 : i32
    %dma_wait3A_212 = arith.constant 0 : i32
    %dma_wait3A_213 = arith.constant 0 : i32
    %dma_wait3A_214 = tpu.memref_slice %arg8[%dma_wait3A_210, %dma_wait3A_212, %dma_wait3A_213] : memref<8x125x32xf32, #tpu.memory_space<vmem>> -> memref<1x125x32xf32, #tpu.memory_space<vmem>>
    %dma_wait3A_215 = tpu.memref_squeeze %dma_wait3A_214 : memref<1x125x32xf32, #tpu.memory_space<vmem>> -> memref<125x32xf32, #tpu.memory_space<vmem>>
    %dma_wait3A_216 = arith.constant 0 : i32
    %dma_wait3A_217 = tpu.memref_slice %arg7[%dma_wait3A_211, %dma_wait3A_216] : memref<80x125xi32, #tpu.memory_space<vmem>> -> memref<1x125xi32, #tpu.memory_space<vmem>>
    %dma_wait3A_218 = tpu.memref_squeeze %dma_wait3A_217 : memref<1x125xi32, #tpu.memory_space<vmem>> -> memref<125xi32, #tpu.memory_space<vmem>>
    %dma_wait3A_219 = arith.constant 0 : i32
    %dma_wait3A_220 = arith.constant 0 : i32
    %dma_wait3A_221 = tpu.memref_slice %arg9[%dma_wait3A_219, %dma_wait3A_220] : memref<10240x32xf32, #tpu.memory_space<vmem_shared>> -> memref<10240x32xf32, #tpu.memory_space<vmem_shared>>
    tpu.wait_indirect_dma semaphore(%arg25 : memref<!tpu.dma_semaphore, #tpu.memory_space<semaphore_mem>>) src(%dma_wait3A_215 : memref<125x32xf32, #tpu.memory_space<vmem>>) dst(%dma_wait3A_221 : memref<10240x32xf32, #tpu.memory_space<vmem_shared>>)
    %dma_wait3A_222 = arith.constant 7 : i32
    %dma_wait3A_223 = arith.constant 0 : i32
    %dma_wait3A_224 = arith.constant 0 : i32
    %dma_wait3A_225 = arith.constant 0 : i32
    %dma_wait3A_226 = tpu.memref_slice %arg8[%dma_wait3A_222, %dma_wait3A_224, %dma_wait3A_225] : memref<8x125x32xf32, #tpu.memory_space<vmem>> -> memref<1x125x32xf32, #tpu.memory_space<vmem>>
    %dma_wait3A_227 = tpu.memref_squeeze %dma_wait3A_226 : memref<1x125x32xf32, #tpu.memory_space<vmem>> -> memref<125x32xf32, #tpu.memory_space<vmem>>
    %dma_wait3A_228 = arith.constant 0 : i32
    %dma_wait3A_229 = tpu.memref_slice %arg7[%dma_wait3A_223, %dma_wait3A_228] : memref<80x125xi32, #tpu.memory_space<vmem>> -> memref<1x125xi32, #tpu.memory_space<vmem>>
    %dma_wait3A_230 = tpu.memref_squeeze %dma_wait3A_229 : memref<1x125xi32, #tpu.memory_space<vmem>> -> memref<125xi32, #tpu.memory_space<vmem>>
    %dma_wait3A_231 = arith.constant 0 : i32
    %dma_wait3A_232 = arith.constant 0 : i32
    %dma_wait3A_233 = tpu.memref_slice %arg9[%dma_wait3A_231, %dma_wait3A_232] : memref<10240x32xf32, #tpu.memory_space<vmem_shared>> -> memref<10240x32xf32, #tpu.memory_space<vmem_shared>>
    tpu.wait_indirect_dma semaphore(%arg26 : memref<!tpu.dma_semaphore, #tpu.memory_space<semaphore_mem>>) src(%dma_wait3A_227 : memref<125x32xf32, #tpu.memory_space<vmem>>) dst(%dma_wait3A_233 : memref<10240x32xf32, #tpu.memory_space<vmem_shared>>)
    %barrier3A_234 = arith.constant 0 : index
    tpu.barrier barrier_id(%barrier3A_234)
    %mul3A_235 = arith.constant 640 : i32
    %mul3A_236 = arith.muli %arg1, %mul3A_235 : i32
    "tpu.region"() ({
      %run_scoped3A = tpu.sem_alloc : memref<!tpu.dma_semaphore, #tpu.memory_space<semaphore_mem>>
      %dma_start3A_237 = arith.constant 0 : i32
      %dma_start3A_238 = arith.constant 0 : i32
      %dma_start3A_239 = tpu.memref_slice %arg5[%arg0, %arg1, %dma_start3A_237, %dma_start3A_238] : memref<2x16x640x32xf32, #tpu.memory_space<hbm>> -> memref<1x1x640x32xf32, #tpu.memory_space<hbm>>
      %dma_start3A_240 = tpu.memref_squeeze %dma_start3A_239 : memref<1x1x640x32xf32, #tpu.memory_space<hbm>> -> memref<640x32xf32, #tpu.memory_space<hbm>>
      %dma_start3A_241 = arith.constant 0 : i32
      %dma_start3A_242 = tpu.memref_slice %arg9[%mul3A_236, %dma_start3A_241] : memref<10240x32xf32, #tpu.memory_space<vmem_shared>> -> memref<640x32xf32, #tpu.memory_space<vmem_shared>>
      tpu.enqueue_dma source(%dma_start3A_242 : memref<640x32xf32, #tpu.memory_space<vmem_shared>>) target(%dma_start3A_240 : memref<640x32xf32, #tpu.memory_space<hbm>>) target_semaphore(%run_scoped3A : memref<!tpu.dma_semaphore, #tpu.memory_space<semaphore_mem>>)
      %dma_wait3A_243 = arith.constant 0 : i32
      %dma_wait3A_244 = arith.constant 0 : i32
      %dma_wait3A_245 = tpu.memref_slice %arg5[%arg0, %arg1, %dma_wait3A_243, %dma_wait3A_244] : memref<2x16x640x32xf32, #tpu.memory_space<hbm>> -> memref<1x1x640x32xf32, #tpu.memory_space<hbm>>
      %dma_wait3A_246 = tpu.memref_squeeze %dma_wait3A_245 : memref<1x1x640x32xf32, #tpu.memory_space<hbm>> -> memref<640x32xf32, #tpu.memory_space<hbm>>
      %dma_wait3A_247 = arith.constant 0 : i32
      %dma_wait3A_248 = tpu.memref_slice %arg9[%mul3A_236, %dma_wait3A_247] : memref<10240x32xf32, #tpu.memory_space<vmem_shared>> -> memref<640x32xf32, #tpu.memory_space<vmem_shared>>
      tpu.wait_dma2 semaphore(%run_scoped3A : memref<!tpu.dma_semaphore, #tpu.memory_space<semaphore_mem>>) src(%dma_wait3A_248 : memref<640x32xf32, #tpu.memory_space<vmem_shared>>) dst(%dma_wait3A_246 : memref<640x32xf32, #tpu.memory_space<hbm>>)
      tpu.yield
    }) : () -> ()
    return
  }
}

#map = affine_map<(d0, d1) -> (0, 0, 0, 0)>
#map1 = affine_map<(d0, d1) -> (0, 0)>
module attributes {stable_mosaic.version = 14 : i64} {
  func.func @_agg_body(%arg0: i32, %arg1: i32, %arg2: memref<2x32x80x125xi32, #tpu.memory_space<hbm>>, %arg3: memref<10000x32xf32, #tpu.memory_space<hbm>>, %arg4: memref<640x32xf32, #tpu.memory_space<hbm>>, %arg5: memref<2x16x640x32xf32, #tpu.memory_space<hbm>>, %arg6: memref<80x125xi32, #tpu.memory_space<vmem>>, %arg7: memref<80x125xi32, #tpu.memory_space<vmem>>, %arg8: memref<8x125x32xf32, #tpu.memory_space<vmem>>, %arg9: memref<10240x32xf32, #tpu.memory_space<vmem_shared>>, %arg10: memref<!tpu.dma_semaphore, #tpu.memory_space<semaphore_mem>>, %arg11: memref<!tpu.dma_semaphore, #tpu.memory_space<semaphore_mem>>, %arg12: memref<!tpu.dma_semaphore, #tpu.memory_space<semaphore_mem>>, %arg13: memref<!tpu.dma_semaphore, #tpu.memory_space<semaphore_mem>>, %arg14: memref<!tpu.dma_semaphore, #tpu.memory_space<semaphore_mem>>, %arg15: memref<!tpu.dma_semaphore, #tpu.memory_space<semaphore_mem>>, %arg16: memref<!tpu.dma_semaphore, #tpu.memory_space<semaphore_mem>>, %arg17: memref<!tpu.dma_semaphore, #tpu.memory_space<semaphore_mem>>, %arg18: memref<!tpu.dma_semaphore, #tpu.memory_space<semaphore_mem>>, %arg19: memref<!tpu.dma_semaphore, #tpu.memory_space<semaphore_mem>>, %arg20: memref<!tpu.dma_semaphore, #tpu.memory_space<semaphore_mem>>, %arg21: memref<!tpu.dma_semaphore, #tpu.memory_space<semaphore_mem>>, %arg22: memref<!tpu.dma_semaphore, #tpu.memory_space<semaphore_mem>>, %arg23: memref<!tpu.dma_semaphore, #tpu.memory_space<semaphore_mem>>, %arg24: memref<!tpu.dma_semaphore, #tpu.memory_space<semaphore_mem>>, %arg25: memref<!tpu.dma_semaphore, #tpu.memory_space<semaphore_mem>>, %arg26: memref<!tpu.dma_semaphore, #tpu.memory_space<semaphore_mem>>) attributes {dimension_semantics = [#tpu.dimension_semantics<core_parallel>, #tpu.dimension_semantics<subcore_parallel>], iteration_bounds = array<i64: 2, 16>, scalar_prefetch = 0 : i64, scratch_operands = 21 : i64, tpu.core_type = #tpu.core_type<sc_vector_subcore>, window_params = [{transform_indices = #map}, {transform_indices = #map1}, {transform_indices = #map1}, {transform_indices = #map}]} {
    %mul3A = arith.constant 2 : i32
    %mul3A_0 = arith.muli %arg1, %mul3A : i32
    %add3A = arith.addi %mul3A_0, %arg0 : i32
    %mul3A_1 = arith.constant 640 : i32
    %mul3A_2 = arith.muli %arg1, %mul3A_1 : i32
    "tpu.region"() ({
      %run_scoped3A = tpu.sem_alloc : memref<!tpu.dma_semaphore, #tpu.memory_space<semaphore_mem>>
      %dma_start3A_237 = arith.constant 0 : i32
      %dma_start3A_238 = tpu.memref_slice %arg9[%mul3A_2, %dma_start3A_237] : memref<10240x32xf32, #tpu.memory_space<vmem_shared>> -> memref<640x32xf32, #tpu.memory_space<vmem_shared>>
      tpu.enqueue_dma source(%arg4 : memref<640x32xf32, #tpu.memory_space<hbm>>) target(%dma_start3A_238 : memref<640x32xf32, #tpu.memory_space<vmem_shared>>) target_semaphore(%run_scoped3A : memref<!tpu.dma_semaphore, #tpu.memory_space<semaphore_mem>>)
      %dma_wait3A_239 = arith.constant 0 : i32
      %dma_wait3A_240 = tpu.memref_slice %arg9[%mul3A_2, %dma_wait3A_239] : memref<10240x32xf32, #tpu.memory_space<vmem_shared>> -> memref<640x32xf32, #tpu.memory_space<vmem_shared>>
      tpu.wait_dma2 semaphore(%run_scoped3A : memref<!tpu.dma_semaphore, #tpu.memory_space<semaphore_mem>>) src(%arg4 : memref<640x32xf32, #tpu.memory_space<hbm>>) dst(%dma_wait3A_240 : memref<640x32xf32, #tpu.memory_space<vmem_shared>>)
      tpu.yield
    }) : () -> ()
    %dma_start3A = arith.constant 0 : i32
    %dma_start3A_3 = arith.constant 0 : i32
    %dma_start3A_4 = arith.constant 0 : i32
    %dma_start3A_5 = tpu.memref_slice %arg2[%dma_start3A, %add3A, %dma_start3A_3, %dma_start3A_4] : memref<2x32x80x125xi32, #tpu.memory_space<hbm>> -> memref<1x1x80x125xi32, #tpu.memory_space<hbm>>
    %dma_start3A_6 = tpu.memref_squeeze %dma_start3A_5 : memref<1x1x80x125xi32, #tpu.memory_space<hbm>> -> memref<80x125xi32, #tpu.memory_space<hbm>>
    %dma_start3A_7 = arith.constant 0 : i32
    %dma_start3A_8 = arith.constant 0 : i32
    %dma_start3A_9 = tpu.memref_slice %arg2[%dma_start3A, %add3A, %dma_start3A_7, %dma_start3A_8] : memref<2x32x80x125xi32, #tpu.memory_space<hbm>> -> memref<1x1x80x125xi32, #tpu.memory_space<hbm>>
    %dma_start3A_10 = tpu.memref_squeeze %dma_start3A_9 : memref<1x1x80x125xi32, #tpu.memory_space<hbm>> -> memref<80x125xi32, #tpu.memory_space<hbm>>
    tpu.enqueue_dma source(%dma_start3A_10 : memref<80x125xi32, #tpu.memory_space<hbm>>) target(%arg6 : memref<80x125xi32, #tpu.memory_space<vmem>>) target_semaphore(%arg10 : memref<!tpu.dma_semaphore, #tpu.memory_space<semaphore_mem>>)
    %dma_wait3A = arith.constant 0 : i32
    %dma_wait3A_11 = arith.constant 0 : i32
    %dma_wait3A_12 = arith.constant 0 : i32
    %dma_wait3A_13 = tpu.memref_slice %arg2[%dma_wait3A, %add3A, %dma_wait3A_11, %dma_wait3A_12] : memref<2x32x80x125xi32, #tpu.memory_space<hbm>> -> memref<1x1x80x125xi32, #tpu.memory_space<hbm>>
    %dma_wait3A_14 = tpu.memref_squeeze %dma_wait3A_13 : memref<1x1x80x125xi32, #tpu.memory_space<hbm>> -> memref<80x125xi32, #tpu.memory_space<hbm>>
    %dma_wait3A_15 = arith.constant 0 : i32
    %dma_wait3A_16 = arith.constant 0 : i32
    %dma_wait3A_17 = tpu.memref_slice %arg2[%dma_wait3A, %add3A, %dma_wait3A_15, %dma_wait3A_16] : memref<2x32x80x125xi32, #tpu.memory_space<hbm>> -> memref<1x1x80x125xi32, #tpu.memory_space<hbm>>
    %dma_wait3A_18 = tpu.memref_squeeze %dma_wait3A_17 : memref<1x1x80x125xi32, #tpu.memory_space<hbm>> -> memref<80x125xi32, #tpu.memory_space<hbm>>
    tpu.wait_dma2 semaphore(%arg10 : memref<!tpu.dma_semaphore, #tpu.memory_space<semaphore_mem>>) src(%dma_wait3A_18 : memref<80x125xi32, #tpu.memory_space<hbm>>) dst(%arg6 : memref<80x125xi32, #tpu.memory_space<vmem>>)
    %dma_start3A_19 = arith.constant 1 : i32
    %dma_start3A_20 = arith.constant 0 : i32
    %dma_start3A_21 = arith.constant 0 : i32
    %dma_start3A_22 = tpu.memref_slice %arg2[%dma_start3A_19, %add3A, %dma_start3A_20, %dma_start3A_21] : memref<2x32x80x125xi32, #tpu.memory_space<hbm>> -> memref<1x1x80x125xi32, #tpu.memory_space<hbm>>
    %dma_start3A_23 = tpu.memref_squeeze %dma_start3A_22 : memref<1x1x80x125xi32, #tpu.memory_space<hbm>> -> memref<80x125xi32, #tpu.memory_space<hbm>>
    %dma_start3A_24 = arith.constant 0 : i32
    %dma_start3A_25 = arith.constant 0 : i32
    %dma_start3A_26 = tpu.memref_slice %arg2[%dma_start3A_19, %add3A, %dma_start3A_24, %dma_start3A_25] : memref<2x32x80x125xi32, #tpu.memory_space<hbm>> -> memref<1x1x80x125xi32, #tpu.memory_space<hbm>>
    %dma_start3A_27 = tpu.memref_squeeze %dma_start3A_26 : memref<1x1x80x125xi32, #tpu.memory_space<hbm>> -> memref<80x125xi32, #tpu.memory_space<hbm>>
    tpu.enqueue_dma source(%dma_start3A_27 : memref<80x125xi32, #tpu.memory_space<hbm>>) target(%arg7 : memref<80x125xi32, #tpu.memory_space<vmem>>) target_semaphore(%arg10 : memref<!tpu.dma_semaphore, #tpu.memory_space<semaphore_mem>>)
    %dma_wait3A_28 = arith.constant 1 : i32
    %dma_wait3A_29 = arith.constant 0 : i32
    %dma_wait3A_30 = arith.constant 0 : i32
    %dma_wait3A_31 = tpu.memref_slice %arg2[%dma_wait3A_28, %add3A, %dma_wait3A_29, %dma_wait3A_30] : memref<2x32x80x125xi32, #tpu.memory_space<hbm>> -> memref<1x1x80x125xi32, #tpu.memory_space<hbm>>
    %dma_wait3A_32 = tpu.memref_squeeze %dma_wait3A_31 : memref<1x1x80x125xi32, #tpu.memory_space<hbm>> -> memref<80x125xi32, #tpu.memory_space<hbm>>
    %dma_wait3A_33 = arith.constant 0 : i32
    %dma_wait3A_34 = arith.constant 0 : i32
    %dma_wait3A_35 = tpu.memref_slice %arg2[%dma_wait3A_28, %add3A, %dma_wait3A_33, %dma_wait3A_34] : memref<2x32x80x125xi32, #tpu.memory_space<hbm>> -> memref<1x1x80x125xi32, #tpu.memory_space<hbm>>
    %dma_wait3A_36 = tpu.memref_squeeze %dma_wait3A_35 : memref<1x1x80x125xi32, #tpu.memory_space<hbm>> -> memref<80x125xi32, #tpu.memory_space<hbm>>
    tpu.wait_dma2 semaphore(%arg10 : memref<!tpu.dma_semaphore, #tpu.memory_space<semaphore_mem>>) src(%dma_wait3A_36 : memref<80x125xi32, #tpu.memory_space<hbm>>) dst(%arg7 : memref<80x125xi32, #tpu.memory_space<vmem>>)
    %barrier3A = arith.constant 0 : index
    tpu.barrier barrier_id(%barrier3A)
    %dma_start3A_37 = arith.constant 0 : i32
    %dma_start3A_38 = arith.constant 0 : i32
    %dma_start3A_39 = arith.constant 0 : i32
    %dma_start3A_40 = arith.constant 0 : i32
    %dma_start3A_41 = tpu.memref_slice %arg8[%dma_start3A_38, %dma_start3A_39, %dma_start3A_40] : memref<8x125x32xf32, #tpu.memory_space<vmem>> -> memref<1x125x32xf32, #tpu.memory_space<vmem>>
    %dma_start3A_42 = tpu.memref_squeeze %dma_start3A_41 : memref<1x125x32xf32, #tpu.memory_space<vmem>> -> memref<125x32xf32, #tpu.memory_space<vmem>>
    %dma_start3A_43 = arith.constant 0 : i32
    %dma_start3A_44 = tpu.memref_slice %arg6[%dma_start3A_37, %dma_start3A_43] : memref<80x125xi32, #tpu.memory_space<vmem>> -> memref<1x125xi32, #tpu.memory_space<vmem>>
    %dma_start3A_45 = tpu.memref_squeeze %dma_start3A_44 : memref<1x125xi32, #tpu.memory_space<vmem>> -> memref<125xi32, #tpu.memory_space<vmem>>
    %dma_start3A_46 = arith.constant 0 : i32
    %dma_start3A_47 = arith.constant 0 : i32
    %dma_start3A_48 = tpu.memref_slice %arg3[%dma_start3A_46, %dma_start3A_47] : memref<10000x32xf32, #tpu.memory_space<hbm>> -> memref<10000x32xf32, #tpu.memory_space<hbm>>
    tpu.enqueue_indirect_dma source(%dma_start3A_48 : memref<10000x32xf32, #tpu.memory_space<hbm>>) target(%dma_start3A_42 : memref<125x32xf32, #tpu.memory_space<vmem>>) offsets(%dma_start3A_45 : memref<125xi32, #tpu.memory_space<vmem>>) semaphore(%arg11 : memref<!tpu.dma_semaphore, #tpu.memory_space<semaphore_mem>>)
    %dma_start3A_49 = arith.constant 1 : i32
    %dma_start3A_50 = arith.constant 1 : i32
    %dma_start3A_51 = arith.constant 0 : i32
    %dma_start3A_52 = arith.constant 0 : i32
    %dma_start3A_53 = tpu.memref_slice %arg8[%dma_start3A_50, %dma_start3A_51, %dma_start3A_52] : memref<8x125x32xf32, #tpu.memory_space<vmem>> -> memref<1x125x32xf32, #tpu.memory_space<vmem>>
    %dma_start3A_54 = tpu.memref_squeeze %dma_start3A_53 : memref<1x125x32xf32, #tpu.memory_space<vmem>> -> memref<125x32xf32, #tpu.memory_space<vmem>>
    %dma_start3A_55 = arith.constant 0 : i32
    %dma_start3A_56 = tpu.memref_slice %arg6[%dma_start3A_49, %dma_start3A_55] : memref<80x125xi32, #tpu.memory_space<vmem>> -> memref<1x125xi32, #tpu.memory_space<vmem>>
    %dma_start3A_57 = tpu.memref_squeeze %dma_start3A_56 : memref<1x125xi32, #tpu.memory_space<vmem>> -> memref<125xi32, #tpu.memory_space<vmem>>
    %dma_start3A_58 = arith.constant 0 : i32
    %dma_start3A_59 = arith.constant 0 : i32
    %dma_start3A_60 = tpu.memref_slice %arg3[%dma_start3A_58, %dma_start3A_59] : memref<10000x32xf32, #tpu.memory_space<hbm>> -> memref<10000x32xf32, #tpu.memory_space<hbm>>
    tpu.enqueue_indirect_dma source(%dma_start3A_60 : memref<10000x32xf32, #tpu.memory_space<hbm>>) target(%dma_start3A_54 : memref<125x32xf32, #tpu.memory_space<vmem>>) offsets(%dma_start3A_57 : memref<125xi32, #tpu.memory_space<vmem>>) semaphore(%arg12 : memref<!tpu.dma_semaphore, #tpu.memory_space<semaphore_mem>>)
    %dma_start3A_61 = arith.constant 2 : i32
    %dma_start3A_62 = arith.constant 2 : i32
    %dma_start3A_63 = arith.constant 0 : i32
    %dma_start3A_64 = arith.constant 0 : i32
    %dma_start3A_65 = tpu.memref_slice %arg8[%dma_start3A_62, %dma_start3A_63, %dma_start3A_64] : memref<8x125x32xf32, #tpu.memory_space<vmem>> -> memref<1x125x32xf32, #tpu.memory_space<vmem>>
    %dma_start3A_66 = tpu.memref_squeeze %dma_start3A_65 : memref<1x125x32xf32, #tpu.memory_space<vmem>> -> memref<125x32xf32, #tpu.memory_space<vmem>>
    %dma_start3A_67 = arith.constant 0 : i32
    %dma_start3A_68 = tpu.memref_slice %arg6[%dma_start3A_61, %dma_start3A_67] : memref<80x125xi32, #tpu.memory_space<vmem>> -> memref<1x125xi32, #tpu.memory_space<vmem>>
    %dma_start3A_69 = tpu.memref_squeeze %dma_start3A_68 : memref<1x125xi32, #tpu.memory_space<vmem>> -> memref<125xi32, #tpu.memory_space<vmem>>
    %dma_start3A_70 = arith.constant 0 : i32
    %dma_start3A_71 = arith.constant 0 : i32
    %dma_start3A_72 = tpu.memref_slice %arg3[%dma_start3A_70, %dma_start3A_71] : memref<10000x32xf32, #tpu.memory_space<hbm>> -> memref<10000x32xf32, #tpu.memory_space<hbm>>
    tpu.enqueue_indirect_dma source(%dma_start3A_72 : memref<10000x32xf32, #tpu.memory_space<hbm>>) target(%dma_start3A_66 : memref<125x32xf32, #tpu.memory_space<vmem>>) offsets(%dma_start3A_69 : memref<125xi32, #tpu.memory_space<vmem>>) semaphore(%arg13 : memref<!tpu.dma_semaphore, #tpu.memory_space<semaphore_mem>>)
    %dma_start3A_73 = arith.constant 3 : i32
    %dma_start3A_74 = arith.constant 3 : i32
    %dma_start3A_75 = arith.constant 0 : i32
    %dma_start3A_76 = arith.constant 0 : i32
    %dma_start3A_77 = tpu.memref_slice %arg8[%dma_start3A_74, %dma_start3A_75, %dma_start3A_76] : memref<8x125x32xf32, #tpu.memory_space<vmem>> -> memref<1x125x32xf32, #tpu.memory_space<vmem>>
    %dma_start3A_78 = tpu.memref_squeeze %dma_start3A_77 : memref<1x125x32xf32, #tpu.memory_space<vmem>> -> memref<125x32xf32, #tpu.memory_space<vmem>>
    %dma_start3A_79 = arith.constant 0 : i32
    %dma_start3A_80 = tpu.memref_slice %arg6[%dma_start3A_73, %dma_start3A_79] : memref<80x125xi32, #tpu.memory_space<vmem>> -> memref<1x125xi32, #tpu.memory_space<vmem>>
    %dma_start3A_81 = tpu.memref_squeeze %dma_start3A_80 : memref<1x125xi32, #tpu.memory_space<vmem>> -> memref<125xi32, #tpu.memory_space<vmem>>
    %dma_start3A_82 = arith.constant 0 : i32
    %dma_start3A_83 = arith.constant 0 : i32
    %dma_start3A_84 = tpu.memref_slice %arg3[%dma_start3A_82, %dma_start3A_83] : memref<10000x32xf32, #tpu.memory_space<hbm>> -> memref<10000x32xf32, #tpu.memory_space<hbm>>
    tpu.enqueue_indirect_dma source(%dma_start3A_84 : memref<10000x32xf32, #tpu.memory_space<hbm>>) target(%dma_start3A_78 : memref<125x32xf32, #tpu.memory_space<vmem>>) offsets(%dma_start3A_81 : memref<125xi32, #tpu.memory_space<vmem>>) semaphore(%arg14 : memref<!tpu.dma_semaphore, #tpu.memory_space<semaphore_mem>>)
    %dma_start3A_85 = arith.constant 4 : i32
    %dma_start3A_86 = arith.constant 4 : i32
    %dma_start3A_87 = arith.constant 0 : i32
    %dma_start3A_88 = arith.constant 0 : i32
    %dma_start3A_89 = tpu.memref_slice %arg8[%dma_start3A_86, %dma_start3A_87, %dma_start3A_88] : memref<8x125x32xf32, #tpu.memory_space<vmem>> -> memref<1x125x32xf32, #tpu.memory_space<vmem>>
    %dma_start3A_90 = tpu.memref_squeeze %dma_start3A_89 : memref<1x125x32xf32, #tpu.memory_space<vmem>> -> memref<125x32xf32, #tpu.memory_space<vmem>>
    %dma_start3A_91 = arith.constant 0 : i32
    %dma_start3A_92 = tpu.memref_slice %arg6[%dma_start3A_85, %dma_start3A_91] : memref<80x125xi32, #tpu.memory_space<vmem>> -> memref<1x125xi32, #tpu.memory_space<vmem>>
    %dma_start3A_93 = tpu.memref_squeeze %dma_start3A_92 : memref<1x125xi32, #tpu.memory_space<vmem>> -> memref<125xi32, #tpu.memory_space<vmem>>
    %dma_start3A_94 = arith.constant 0 : i32
    %dma_start3A_95 = arith.constant 0 : i32
    %dma_start3A_96 = tpu.memref_slice %arg3[%dma_start3A_94, %dma_start3A_95] : memref<10000x32xf32, #tpu.memory_space<hbm>> -> memref<10000x32xf32, #tpu.memory_space<hbm>>
    tpu.enqueue_indirect_dma source(%dma_start3A_96 : memref<10000x32xf32, #tpu.memory_space<hbm>>) target(%dma_start3A_90 : memref<125x32xf32, #tpu.memory_space<vmem>>) offsets(%dma_start3A_93 : memref<125xi32, #tpu.memory_space<vmem>>) semaphore(%arg15 : memref<!tpu.dma_semaphore, #tpu.memory_space<semaphore_mem>>)
    %dma_start3A_97 = arith.constant 5 : i32
    %dma_start3A_98 = arith.constant 5 : i32
    %dma_start3A_99 = arith.constant 0 : i32
    %dma_start3A_100 = arith.constant 0 : i32
    %dma_start3A_101 = tpu.memref_slice %arg8[%dma_start3A_98, %dma_start3A_99, %dma_start3A_100] : memref<8x125x32xf32, #tpu.memory_space<vmem>> -> memref<1x125x32xf32, #tpu.memory_space<vmem>>
    %dma_start3A_102 = tpu.memref_squeeze %dma_start3A_101 : memref<1x125x32xf32, #tpu.memory_space<vmem>> -> memref<125x32xf32, #tpu.memory_space<vmem>>
    %dma_start3A_103 = arith.constant 0 : i32
    %dma_start3A_104 = tpu.memref_slice %arg6[%dma_start3A_97, %dma_start3A_103] : memref<80x125xi32, #tpu.memory_space<vmem>> -> memref<1x125xi32, #tpu.memory_space<vmem>>
    %dma_start3A_105 = tpu.memref_squeeze %dma_start3A_104 : memref<1x125xi32, #tpu.memory_space<vmem>> -> memref<125xi32, #tpu.memory_space<vmem>>
    %dma_start3A_106 = arith.constant 0 : i32
    %dma_start3A_107 = arith.constant 0 : i32
    %dma_start3A_108 = tpu.memref_slice %arg3[%dma_start3A_106, %dma_start3A_107] : memref<10000x32xf32, #tpu.memory_space<hbm>> -> memref<10000x32xf32, #tpu.memory_space<hbm>>
    tpu.enqueue_indirect_dma source(%dma_start3A_108 : memref<10000x32xf32, #tpu.memory_space<hbm>>) target(%dma_start3A_102 : memref<125x32xf32, #tpu.memory_space<vmem>>) offsets(%dma_start3A_105 : memref<125xi32, #tpu.memory_space<vmem>>) semaphore(%arg16 : memref<!tpu.dma_semaphore, #tpu.memory_space<semaphore_mem>>)
    %dma_start3A_109 = arith.constant 6 : i32
    %dma_start3A_110 = arith.constant 6 : i32
    %dma_start3A_111 = arith.constant 0 : i32
    %dma_start3A_112 = arith.constant 0 : i32
    %dma_start3A_113 = tpu.memref_slice %arg8[%dma_start3A_110, %dma_start3A_111, %dma_start3A_112] : memref<8x125x32xf32, #tpu.memory_space<vmem>> -> memref<1x125x32xf32, #tpu.memory_space<vmem>>
    %dma_start3A_114 = tpu.memref_squeeze %dma_start3A_113 : memref<1x125x32xf32, #tpu.memory_space<vmem>> -> memref<125x32xf32, #tpu.memory_space<vmem>>
    %dma_start3A_115 = arith.constant 0 : i32
    %dma_start3A_116 = tpu.memref_slice %arg6[%dma_start3A_109, %dma_start3A_115] : memref<80x125xi32, #tpu.memory_space<vmem>> -> memref<1x125xi32, #tpu.memory_space<vmem>>
    %dma_start3A_117 = tpu.memref_squeeze %dma_start3A_116 : memref<1x125xi32, #tpu.memory_space<vmem>> -> memref<125xi32, #tpu.memory_space<vmem>>
    %dma_start3A_118 = arith.constant 0 : i32
    %dma_start3A_119 = arith.constant 0 : i32
    %dma_start3A_120 = tpu.memref_slice %arg3[%dma_start3A_118, %dma_start3A_119] : memref<10000x32xf32, #tpu.memory_space<hbm>> -> memref<10000x32xf32, #tpu.memory_space<hbm>>
    tpu.enqueue_indirect_dma source(%dma_start3A_120 : memref<10000x32xf32, #tpu.memory_space<hbm>>) target(%dma_start3A_114 : memref<125x32xf32, #tpu.memory_space<vmem>>) offsets(%dma_start3A_117 : memref<125xi32, #tpu.memory_space<vmem>>) semaphore(%arg17 : memref<!tpu.dma_semaphore, #tpu.memory_space<semaphore_mem>>)
    %dma_start3A_121 = arith.constant 7 : i32
    %dma_start3A_122 = arith.constant 7 : i32
    %dma_start3A_123 = arith.constant 0 : i32
    %dma_start3A_124 = arith.constant 0 : i32
    %dma_start3A_125 = tpu.memref_slice %arg8[%dma_start3A_122, %dma_start3A_123, %dma_start3A_124] : memref<8x125x32xf32, #tpu.memory_space<vmem>> -> memref<1x125x32xf32, #tpu.memory_space<vmem>>
    %dma_start3A_126 = tpu.memref_squeeze %dma_start3A_125 : memref<1x125x32xf32, #tpu.memory_space<vmem>> -> memref<125x32xf32, #tpu.memory_space<vmem>>
    %dma_start3A_127 = arith.constant 0 : i32
    %dma_start3A_128 = tpu.memref_slice %arg6[%dma_start3A_121, %dma_start3A_127] : memref<80x125xi32, #tpu.memory_space<vmem>> -> memref<1x125xi32, #tpu.memory_space<vmem>>
    %dma_start3A_129 = tpu.memref_squeeze %dma_start3A_128 : memref<1x125xi32, #tpu.memory_space<vmem>> -> memref<125xi32, #tpu.memory_space<vmem>>
    %dma_start3A_130 = arith.constant 0 : i32
    %dma_start3A_131 = arith.constant 0 : i32
    %dma_start3A_132 = tpu.memref_slice %arg3[%dma_start3A_130, %dma_start3A_131] : memref<10000x32xf32, #tpu.memory_space<hbm>> -> memref<10000x32xf32, #tpu.memory_space<hbm>>
    tpu.enqueue_indirect_dma source(%dma_start3A_132 : memref<10000x32xf32, #tpu.memory_space<hbm>>) target(%dma_start3A_126 : memref<125x32xf32, #tpu.memory_space<vmem>>) offsets(%dma_start3A_129 : memref<125xi32, #tpu.memory_space<vmem>>) semaphore(%arg18 : memref<!tpu.dma_semaphore, #tpu.memory_space<semaphore_mem>>)
    %scan3A = arith.constant 0 : i32
    %scan3A_133 = arith.constant 0 : i32
    %scan3A_134 = arith.constant 10 : i32
    %scan3A_135 = arith.addi %scan3A_133, %scan3A_134 : i32
    %scan3A_136 = arith.constant 2 : i32
    scf.for %scan3A_237 = %scan3A_133 to %scan3A_135 step %scan3A_136  : i32 {
      %dma_wait3A_238 = arith.constant 0 : i32
      %dma_wait3A_239 = arith.constant 0 : i32
      %dma_wait3A_240 = arith.constant 0 : i32
      %dma_wait3A_241 = arith.constant 0 : i32
      %dma_wait3A_242 = tpu.memref_slice %arg8[%dma_wait3A_239, %dma_wait3A_240, %dma_wait3A_241] : memref<8x125x32xf32, #tpu.memory_space<vmem>> -> memref<1x125x32xf32, #tpu.memory_space<vmem>>
      %dma_wait3A_243 = tpu.memref_squeeze %dma_wait3A_242 : memref<1x125x32xf32, #tpu.memory_space<vmem>> -> memref<125x32xf32, #tpu.memory_space<vmem>>
      %dma_wait3A_244 = arith.constant 0 : i32
      %dma_wait3A_245 = tpu.memref_slice %arg6[%dma_wait3A_238, %dma_wait3A_244] : memref<80x125xi32, #tpu.memory_space<vmem>> -> memref<1x125xi32, #tpu.memory_space<vmem>>
      %dma_wait3A_246 = tpu.memref_squeeze %dma_wait3A_245 : memref<1x125xi32, #tpu.memory_space<vmem>> -> memref<125xi32, #tpu.memory_space<vmem>>
      %dma_wait3A_247 = arith.constant 0 : i32
      %dma_wait3A_248 = arith.constant 0 : i32
      %dma_wait3A_249 = tpu.memref_slice %arg3[%dma_wait3A_247, %dma_wait3A_248] : memref<10000x32xf32, #tpu.memory_space<hbm>> -> memref<10000x32xf32, #tpu.memory_space<hbm>>
      tpu.wait_indirect_dma semaphore(%arg11 : memref<!tpu.dma_semaphore, #tpu.memory_space<semaphore_mem>>) src(%dma_wait3A_249 : memref<10000x32xf32, #tpu.memory_space<hbm>>) dst(%dma_wait3A_243 : memref<125x32xf32, #tpu.memory_space<vmem>>)
      %mul3A_250 = arith.constant 8 : i32
      %mul3A_251 = arith.muli %scan3A_237, %mul3A_250 : i32
      %add3A_252 = arith.constant 0 : i32
      %add3A_253 = arith.addi %mul3A_251, %add3A_252 : i32
      %dma_start3A_254 = arith.constant 0 : i32
      %dma_start3A_255 = arith.constant 0 : i32
      %dma_start3A_256 = arith.constant 0 : i32
      %dma_start3A_257 = tpu.memref_slice %arg8[%dma_start3A_254, %dma_start3A_255, %dma_start3A_256] : memref<8x125x32xf32, #tpu.memory_space<vmem>> -> memref<1x125x32xf32, #tpu.memory_space<vmem>>
      %dma_start3A_258 = tpu.memref_squeeze %dma_start3A_257 : memref<1x125x32xf32, #tpu.memory_space<vmem>> -> memref<125x32xf32, #tpu.memory_space<vmem>>
      %dma_start3A_259 = arith.constant 0 : i32
      %dma_start3A_260 = tpu.memref_slice %arg7[%add3A_253, %dma_start3A_259] : memref<80x125xi32, #tpu.memory_space<vmem>> -> memref<1x125xi32, #tpu.memory_space<vmem>>
      %dma_start3A_261 = tpu.memref_squeeze %dma_start3A_260 : memref<1x125xi32, #tpu.memory_space<vmem>> -> memref<125xi32, #tpu.memory_space<vmem>>
      %dma_start3A_262 = arith.constant 0 : i32
      %dma_start3A_263 = arith.constant 0 : i32
      %dma_start3A_264 = tpu.memref_slice %arg9[%dma_start3A_262, %dma_start3A_263] : memref<10240x32xf32, #tpu.memory_space<vmem_shared>> -> memref<10240x32xf32, #tpu.memory_space<vmem_shared>>
      tpu.enqueue_indirect_dma source(%dma_start3A_258 : memref<125x32xf32, #tpu.memory_space<vmem>>) target(%dma_start3A_264 : memref<10240x32xf32, #tpu.memory_space<vmem_shared>>) offsets(%dma_start3A_261 : memref<125xi32, #tpu.memory_space<vmem>>) semaphore(%arg19 : memref<!tpu.dma_semaphore, #tpu.memory_space<semaphore_mem>>) {add = true}
      %dma_wait3A_265 = arith.constant 0 : i32
      %dma_wait3A_266 = arith.constant 1 : i32
      %dma_wait3A_267 = arith.constant 0 : i32
      %dma_wait3A_268 = arith.constant 0 : i32
      %dma_wait3A_269 = tpu.memref_slice %arg8[%dma_wait3A_266, %dma_wait3A_267, %dma_wait3A_268] : memref<8x125x32xf32, #tpu.memory_space<vmem>> -> memref<1x125x32xf32, #tpu.memory_space<vmem>>
      %dma_wait3A_270 = tpu.memref_squeeze %dma_wait3A_269 : memref<1x125x32xf32, #tpu.memory_space<vmem>> -> memref<125x32xf32, #tpu.memory_space<vmem>>
      %dma_wait3A_271 = arith.constant 0 : i32
      %dma_wait3A_272 = tpu.memref_slice %arg6[%dma_wait3A_265, %dma_wait3A_271] : memref<80x125xi32, #tpu.memory_space<vmem>> -> memref<1x125xi32, #tpu.memory_space<vmem>>
      %dma_wait3A_273 = tpu.memref_squeeze %dma_wait3A_272 : memref<1x125xi32, #tpu.memory_space<vmem>> -> memref<125xi32, #tpu.memory_space<vmem>>
      %dma_wait3A_274 = arith.constant 0 : i32
      %dma_wait3A_275 = arith.constant 0 : i32
      %dma_wait3A_276 = tpu.memref_slice %arg3[%dma_wait3A_274, %dma_wait3A_275] : memref<10000x32xf32, #tpu.memory_space<hbm>> -> memref<10000x32xf32, #tpu.memory_space<hbm>>
      tpu.wait_indirect_dma semaphore(%arg12 : memref<!tpu.dma_semaphore, #tpu.memory_space<semaphore_mem>>) src(%dma_wait3A_276 : memref<10000x32xf32, #tpu.memory_space<hbm>>) dst(%dma_wait3A_270 : memref<125x32xf32, #tpu.memory_space<vmem>>)
      %mul3A_277 = arith.constant 8 : i32
      %mul3A_278 = arith.muli %scan3A_237, %mul3A_277 : i32
      %add3A_279 = arith.constant 1 : i32
      %add3A_280 = arith.addi %mul3A_278, %add3A_279 : i32
      %dma_start3A_281 = arith.constant 1 : i32
      %dma_start3A_282 = arith.constant 0 : i32
      %dma_start3A_283 = arith.constant 0 : i32
      %dma_start3A_284 = tpu.memref_slice %arg8[%dma_start3A_281, %dma_start3A_282, %dma_start3A_283] : memref<8x125x32xf32, #tpu.memory_space<vmem>> -> memref<1x125x32xf32, #tpu.memory_space<vmem>>
      %dma_start3A_285 = tpu.memref_squeeze %dma_start3A_284 : memref<1x125x32xf32, #tpu.memory_space<vmem>> -> memref<125x32xf32, #tpu.memory_space<vmem>>
      %dma_start3A_286 = arith.constant 0 : i32
      %dma_start3A_287 = tpu.memref_slice %arg7[%add3A_280, %dma_start3A_286] : memref<80x125xi32, #tpu.memory_space<vmem>> -> memref<1x125xi32, #tpu.memory_space<vmem>>
      %dma_start3A_288 = tpu.memref_squeeze %dma_start3A_287 : memref<1x125xi32, #tpu.memory_space<vmem>> -> memref<125xi32, #tpu.memory_space<vmem>>
      %dma_start3A_289 = arith.constant 0 : i32
      %dma_start3A_290 = arith.constant 0 : i32
      %dma_start3A_291 = tpu.memref_slice %arg9[%dma_start3A_289, %dma_start3A_290] : memref<10240x32xf32, #tpu.memory_space<vmem_shared>> -> memref<10240x32xf32, #tpu.memory_space<vmem_shared>>
      tpu.enqueue_indirect_dma source(%dma_start3A_285 : memref<125x32xf32, #tpu.memory_space<vmem>>) target(%dma_start3A_291 : memref<10240x32xf32, #tpu.memory_space<vmem_shared>>) offsets(%dma_start3A_288 : memref<125xi32, #tpu.memory_space<vmem>>) semaphore(%arg20 : memref<!tpu.dma_semaphore, #tpu.memory_space<semaphore_mem>>) {add = true}
      %dma_wait3A_292 = arith.constant 0 : i32
      %dma_wait3A_293 = arith.constant 2 : i32
      %dma_wait3A_294 = arith.constant 0 : i32
      %dma_wait3A_295 = arith.constant 0 : i32
      %dma_wait3A_296 = tpu.memref_slice %arg8[%dma_wait3A_293, %dma_wait3A_294, %dma_wait3A_295] : memref<8x125x32xf32, #tpu.memory_space<vmem>> -> memref<1x125x32xf32, #tpu.memory_space<vmem>>
      %dma_wait3A_297 = tpu.memref_squeeze %dma_wait3A_296 : memref<1x125x32xf32, #tpu.memory_space<vmem>> -> memref<125x32xf32, #tpu.memory_space<vmem>>
      %dma_wait3A_298 = arith.constant 0 : i32
      %dma_wait3A_299 = tpu.memref_slice %arg6[%dma_wait3A_292, %dma_wait3A_298] : memref<80x125xi32, #tpu.memory_space<vmem>> -> memref<1x125xi32, #tpu.memory_space<vmem>>
      %dma_wait3A_300 = tpu.memref_squeeze %dma_wait3A_299 : memref<1x125xi32, #tpu.memory_space<vmem>> -> memref<125xi32, #tpu.memory_space<vmem>>
      %dma_wait3A_301 = arith.constant 0 : i32
      %dma_wait3A_302 = arith.constant 0 : i32
      %dma_wait3A_303 = tpu.memref_slice %arg3[%dma_wait3A_301, %dma_wait3A_302] : memref<10000x32xf32, #tpu.memory_space<hbm>> -> memref<10000x32xf32, #tpu.memory_space<hbm>>
      tpu.wait_indirect_dma semaphore(%arg13 : memref<!tpu.dma_semaphore, #tpu.memory_space<semaphore_mem>>) src(%dma_wait3A_303 : memref<10000x32xf32, #tpu.memory_space<hbm>>) dst(%dma_wait3A_297 : memref<125x32xf32, #tpu.memory_space<vmem>>)
      %mul3A_304 = arith.constant 8 : i32
      %mul3A_305 = arith.muli %scan3A_237, %mul3A_304 : i32
      %add3A_306 = arith.constant 2 : i32
      %add3A_307 = arith.addi %mul3A_305, %add3A_306 : i32
      %dma_start3A_308 = arith.constant 2 : i32
      %dma_start3A_309 = arith.constant 0 : i32
      %dma_start3A_310 = arith.constant 0 : i32
      %dma_start3A_311 = tpu.memref_slice %arg8[%dma_start3A_308, %dma_start3A_309, %dma_start3A_310] : memref<8x125x32xf32, #tpu.memory_space<vmem>> -> memref<1x125x32xf32, #tpu.memory_space<vmem>>
      %dma_start3A_312 = tpu.memref_squeeze %dma_start3A_311 : memref<1x125x32xf32, #tpu.memory_space<vmem>> -> memref<125x32xf32, #tpu.memory_space<vmem>>
      %dma_start3A_313 = arith.constant 0 : i32
      %dma_start3A_314 = tpu.memref_slice %arg7[%add3A_307, %dma_start3A_313] : memref<80x125xi32, #tpu.memory_space<vmem>> -> memref<1x125xi32, #tpu.memory_space<vmem>>
      %dma_start3A_315 = tpu.memref_squeeze %dma_start3A_314 : memref<1x125xi32, #tpu.memory_space<vmem>> -> memref<125xi32, #tpu.memory_space<vmem>>
      %dma_start3A_316 = arith.constant 0 : i32
      %dma_start3A_317 = arith.constant 0 : i32
      %dma_start3A_318 = tpu.memref_slice %arg9[%dma_start3A_316, %dma_start3A_317] : memref<10240x32xf32, #tpu.memory_space<vmem_shared>> -> memref<10240x32xf32, #tpu.memory_space<vmem_shared>>
      tpu.enqueue_indirect_dma source(%dma_start3A_312 : memref<125x32xf32, #tpu.memory_space<vmem>>) target(%dma_start3A_318 : memref<10240x32xf32, #tpu.memory_space<vmem_shared>>) offsets(%dma_start3A_315 : memref<125xi32, #tpu.memory_space<vmem>>) semaphore(%arg21 : memref<!tpu.dma_semaphore, #tpu.memory_space<semaphore_mem>>) {add = true}
      %dma_wait3A_319 = arith.constant 0 : i32
      %dma_wait3A_320 = arith.constant 3 : i32
      %dma_wait3A_321 = arith.constant 0 : i32
      %dma_wait3A_322 = arith.constant 0 : i32
      %dma_wait3A_323 = tpu.memref_slice %arg8[%dma_wait3A_320, %dma_wait3A_321, %dma_wait3A_322] : memref<8x125x32xf32, #tpu.memory_space<vmem>> -> memref<1x125x32xf32, #tpu.memory_space<vmem>>
      %dma_wait3A_324 = tpu.memref_squeeze %dma_wait3A_323 : memref<1x125x32xf32, #tpu.memory_space<vmem>> -> memref<125x32xf32, #tpu.memory_space<vmem>>
      %dma_wait3A_325 = arith.constant 0 : i32
      %dma_wait3A_326 = tpu.memref_slice %arg6[%dma_wait3A_319, %dma_wait3A_325] : memref<80x125xi32, #tpu.memory_space<vmem>> -> memref<1x125xi32, #tpu.memory_space<vmem>>
      %dma_wait3A_327 = tpu.memref_squeeze %dma_wait3A_326 : memref<1x125xi32, #tpu.memory_space<vmem>> -> memref<125xi32, #tpu.memory_space<vmem>>
      %dma_wait3A_328 = arith.constant 0 : i32
      %dma_wait3A_329 = arith.constant 0 : i32
      %dma_wait3A_330 = tpu.memref_slice %arg3[%dma_wait3A_328, %dma_wait3A_329] : memref<10000x32xf32, #tpu.memory_space<hbm>> -> memref<10000x32xf32, #tpu.memory_space<hbm>>
      tpu.wait_indirect_dma semaphore(%arg14 : memref<!tpu.dma_semaphore, #tpu.memory_space<semaphore_mem>>) src(%dma_wait3A_330 : memref<10000x32xf32, #tpu.memory_space<hbm>>) dst(%dma_wait3A_324 : memref<125x32xf32, #tpu.memory_space<vmem>>)
      %mul3A_331 = arith.constant 8 : i32
      %mul3A_332 = arith.muli %scan3A_237, %mul3A_331 : i32
      %add3A_333 = arith.constant 3 : i32
      %add3A_334 = arith.addi %mul3A_332, %add3A_333 : i32
      %dma_start3A_335 = arith.constant 3 : i32
      %dma_start3A_336 = arith.constant 0 : i32
      %dma_start3A_337 = arith.constant 0 : i32
      %dma_start3A_338 = tpu.memref_slice %arg8[%dma_start3A_335, %dma_start3A_336, %dma_start3A_337] : memref<8x125x32xf32, #tpu.memory_space<vmem>> -> memref<1x125x32xf32, #tpu.memory_space<vmem>>
      %dma_start3A_339 = tpu.memref_squeeze %dma_start3A_338 : memref<1x125x32xf32, #tpu.memory_space<vmem>> -> memref<125x32xf32, #tpu.memory_space<vmem>>
      %dma_start3A_340 = arith.constant 0 : i32
      %dma_start3A_341 = tpu.memref_slice %arg7[%add3A_334, %dma_start3A_340] : memref<80x125xi32, #tpu.memory_space<vmem>> -> memref<1x125xi32, #tpu.memory_space<vmem>>
      %dma_start3A_342 = tpu.memref_squeeze %dma_start3A_341 : memref<1x125xi32, #tpu.memory_space<vmem>> -> memref<125xi32, #tpu.memory_space<vmem>>
      %dma_start3A_343 = arith.constant 0 : i32
      %dma_start3A_344 = arith.constant 0 : i32
      %dma_start3A_345 = tpu.memref_slice %arg9[%dma_start3A_343, %dma_start3A_344] : memref<10240x32xf32, #tpu.memory_space<vmem_shared>> -> memref<10240x32xf32, #tpu.memory_space<vmem_shared>>
      tpu.enqueue_indirect_dma source(%dma_start3A_339 : memref<125x32xf32, #tpu.memory_space<vmem>>) target(%dma_start3A_345 : memref<10240x32xf32, #tpu.memory_space<vmem_shared>>) offsets(%dma_start3A_342 : memref<125xi32, #tpu.memory_space<vmem>>) semaphore(%arg22 : memref<!tpu.dma_semaphore, #tpu.memory_space<semaphore_mem>>) {add = true}
      %dma_wait3A_346 = arith.constant 0 : i32
      %dma_wait3A_347 = arith.constant 4 : i32
      %dma_wait3A_348 = arith.constant 0 : i32
      %dma_wait3A_349 = arith.constant 0 : i32
      %dma_wait3A_350 = tpu.memref_slice %arg8[%dma_wait3A_347, %dma_wait3A_348, %dma_wait3A_349] : memref<8x125x32xf32, #tpu.memory_space<vmem>> -> memref<1x125x32xf32, #tpu.memory_space<vmem>>
      %dma_wait3A_351 = tpu.memref_squeeze %dma_wait3A_350 : memref<1x125x32xf32, #tpu.memory_space<vmem>> -> memref<125x32xf32, #tpu.memory_space<vmem>>
      %dma_wait3A_352 = arith.constant 0 : i32
      %dma_wait3A_353 = tpu.memref_slice %arg6[%dma_wait3A_346, %dma_wait3A_352] : memref<80x125xi32, #tpu.memory_space<vmem>> -> memref<1x125xi32, #tpu.memory_space<vmem>>
      %dma_wait3A_354 = tpu.memref_squeeze %dma_wait3A_353 : memref<1x125xi32, #tpu.memory_space<vmem>> -> memref<125xi32, #tpu.memory_space<vmem>>
      %dma_wait3A_355 = arith.constant 0 : i32
      %dma_wait3A_356 = arith.constant 0 : i32
      %dma_wait3A_357 = tpu.memref_slice %arg3[%dma_wait3A_355, %dma_wait3A_356] : memref<10000x32xf32, #tpu.memory_space<hbm>> -> memref<10000x32xf32, #tpu.memory_space<hbm>>
      tpu.wait_indirect_dma semaphore(%arg15 : memref<!tpu.dma_semaphore, #tpu.memory_space<semaphore_mem>>) src(%dma_wait3A_357 : memref<10000x32xf32, #tpu.memory_space<hbm>>) dst(%dma_wait3A_351 : memref<125x32xf32, #tpu.memory_space<vmem>>)
      %mul3A_358 = arith.constant 8 : i32
      %mul3A_359 = arith.muli %scan3A_237, %mul3A_358 : i32
      %add3A_360 = arith.constant 4 : i32
      %add3A_361 = arith.addi %mul3A_359, %add3A_360 : i32
      %dma_start3A_362 = arith.constant 4 : i32
      %dma_start3A_363 = arith.constant 0 : i32
      %dma_start3A_364 = arith.constant 0 : i32
      %dma_start3A_365 = tpu.memref_slice %arg8[%dma_start3A_362, %dma_start3A_363, %dma_start3A_364] : memref<8x125x32xf32, #tpu.memory_space<vmem>> -> memref<1x125x32xf32, #tpu.memory_space<vmem>>
      %dma_start3A_366 = tpu.memref_squeeze %dma_start3A_365 : memref<1x125x32xf32, #tpu.memory_space<vmem>> -> memref<125x32xf32, #tpu.memory_space<vmem>>
      %dma_start3A_367 = arith.constant 0 : i32
      %dma_start3A_368 = tpu.memref_slice %arg7[%add3A_361, %dma_start3A_367] : memref<80x125xi32, #tpu.memory_space<vmem>> -> memref<1x125xi32, #tpu.memory_space<vmem>>
      %dma_start3A_369 = tpu.memref_squeeze %dma_start3A_368 : memref<1x125xi32, #tpu.memory_space<vmem>> -> memref<125xi32, #tpu.memory_space<vmem>>
      %dma_start3A_370 = arith.constant 0 : i32
      %dma_start3A_371 = arith.constant 0 : i32
      %dma_start3A_372 = tpu.memref_slice %arg9[%dma_start3A_370, %dma_start3A_371] : memref<10240x32xf32, #tpu.memory_space<vmem_shared>> -> memref<10240x32xf32, #tpu.memory_space<vmem_shared>>
      tpu.enqueue_indirect_dma source(%dma_start3A_366 : memref<125x32xf32, #tpu.memory_space<vmem>>) target(%dma_start3A_372 : memref<10240x32xf32, #tpu.memory_space<vmem_shared>>) offsets(%dma_start3A_369 : memref<125xi32, #tpu.memory_space<vmem>>) semaphore(%arg23 : memref<!tpu.dma_semaphore, #tpu.memory_space<semaphore_mem>>) {add = true}
      %dma_wait3A_373 = arith.constant 0 : i32
      %dma_wait3A_374 = arith.constant 5 : i32
      %dma_wait3A_375 = arith.constant 0 : i32
      %dma_wait3A_376 = arith.constant 0 : i32
      %dma_wait3A_377 = tpu.memref_slice %arg8[%dma_wait3A_374, %dma_wait3A_375, %dma_wait3A_376] : memref<8x125x32xf32, #tpu.memory_space<vmem>> -> memref<1x125x32xf32, #tpu.memory_space<vmem>>
      %dma_wait3A_378 = tpu.memref_squeeze %dma_wait3A_377 : memref<1x125x32xf32, #tpu.memory_space<vmem>> -> memref<125x32xf32, #tpu.memory_space<vmem>>
      %dma_wait3A_379 = arith.constant 0 : i32
      %dma_wait3A_380 = tpu.memref_slice %arg6[%dma_wait3A_373, %dma_wait3A_379] : memref<80x125xi32, #tpu.memory_space<vmem>> -> memref<1x125xi32, #tpu.memory_space<vmem>>
      %dma_wait3A_381 = tpu.memref_squeeze %dma_wait3A_380 : memref<1x125xi32, #tpu.memory_space<vmem>> -> memref<125xi32, #tpu.memory_space<vmem>>
      %dma_wait3A_382 = arith.constant 0 : i32
      %dma_wait3A_383 = arith.constant 0 : i32
      %dma_wait3A_384 = tpu.memref_slice %arg3[%dma_wait3A_382, %dma_wait3A_383] : memref<10000x32xf32, #tpu.memory_space<hbm>> -> memref<10000x32xf32, #tpu.memory_space<hbm>>
      tpu.wait_indirect_dma semaphore(%arg16 : memref<!tpu.dma_semaphore, #tpu.memory_space<semaphore_mem>>) src(%dma_wait3A_384 : memref<10000x32xf32, #tpu.memory_space<hbm>>) dst(%dma_wait3A_378 : memref<125x32xf32, #tpu.memory_space<vmem>>)
      %mul3A_385 = arith.constant 8 : i32
      %mul3A_386 = arith.muli %scan3A_237, %mul3A_385 : i32
      %add3A_387 = arith.constant 5 : i32
      %add3A_388 = arith.addi %mul3A_386, %add3A_387 : i32
      %dma_start3A_389 = arith.constant 5 : i32
      %dma_start3A_390 = arith.constant 0 : i32
      %dma_start3A_391 = arith.constant 0 : i32
      %dma_start3A_392 = tpu.memref_slice %arg8[%dma_start3A_389, %dma_start3A_390, %dma_start3A_391] : memref<8x125x32xf32, #tpu.memory_space<vmem>> -> memref<1x125x32xf32, #tpu.memory_space<vmem>>
      %dma_start3A_393 = tpu.memref_squeeze %dma_start3A_392 : memref<1x125x32xf32, #tpu.memory_space<vmem>> -> memref<125x32xf32, #tpu.memory_space<vmem>>
      %dma_start3A_394 = arith.constant 0 : i32
      %dma_start3A_395 = tpu.memref_slice %arg7[%add3A_388, %dma_start3A_394] : memref<80x125xi32, #tpu.memory_space<vmem>> -> memref<1x125xi32, #tpu.memory_space<vmem>>
      %dma_start3A_396 = tpu.memref_squeeze %dma_start3A_395 : memref<1x125xi32, #tpu.memory_space<vmem>> -> memref<125xi32, #tpu.memory_space<vmem>>
      %dma_start3A_397 = arith.constant 0 : i32
      %dma_start3A_398 = arith.constant 0 : i32
      %dma_start3A_399 = tpu.memref_slice %arg9[%dma_start3A_397, %dma_start3A_398] : memref<10240x32xf32, #tpu.memory_space<vmem_shared>> -> memref<10240x32xf32, #tpu.memory_space<vmem_shared>>
      tpu.enqueue_indirect_dma source(%dma_start3A_393 : memref<125x32xf32, #tpu.memory_space<vmem>>) target(%dma_start3A_399 : memref<10240x32xf32, #tpu.memory_space<vmem_shared>>) offsets(%dma_start3A_396 : memref<125xi32, #tpu.memory_space<vmem>>) semaphore(%arg24 : memref<!tpu.dma_semaphore, #tpu.memory_space<semaphore_mem>>) {add = true}
      %dma_wait3A_400 = arith.constant 0 : i32
      %dma_wait3A_401 = arith.constant 6 : i32
      %dma_wait3A_402 = arith.constant 0 : i32
      %dma_wait3A_403 = arith.constant 0 : i32
      %dma_wait3A_404 = tpu.memref_slice %arg8[%dma_wait3A_401, %dma_wait3A_402, %dma_wait3A_403] : memref<8x125x32xf32, #tpu.memory_space<vmem>> -> memref<1x125x32xf32, #tpu.memory_space<vmem>>
      %dma_wait3A_405 = tpu.memref_squeeze %dma_wait3A_404 : memref<1x125x32xf32, #tpu.memory_space<vmem>> -> memref<125x32xf32, #tpu.memory_space<vmem>>
      %dma_wait3A_406 = arith.constant 0 : i32
      %dma_wait3A_407 = tpu.memref_slice %arg6[%dma_wait3A_400, %dma_wait3A_406] : memref<80x125xi32, #tpu.memory_space<vmem>> -> memref<1x125xi32, #tpu.memory_space<vmem>>
      %dma_wait3A_408 = tpu.memref_squeeze %dma_wait3A_407 : memref<1x125xi32, #tpu.memory_space<vmem>> -> memref<125xi32, #tpu.memory_space<vmem>>
      %dma_wait3A_409 = arith.constant 0 : i32
      %dma_wait3A_410 = arith.constant 0 : i32
      %dma_wait3A_411 = tpu.memref_slice %arg3[%dma_wait3A_409, %dma_wait3A_410] : memref<10000x32xf32, #tpu.memory_space<hbm>> -> memref<10000x32xf32, #tpu.memory_space<hbm>>
      tpu.wait_indirect_dma semaphore(%arg17 : memref<!tpu.dma_semaphore, #tpu.memory_space<semaphore_mem>>) src(%dma_wait3A_411 : memref<10000x32xf32, #tpu.memory_space<hbm>>) dst(%dma_wait3A_405 : memref<125x32xf32, #tpu.memory_space<vmem>>)
      %mul3A_412 = arith.constant 8 : i32
      %mul3A_413 = arith.muli %scan3A_237, %mul3A_412 : i32
      %add3A_414 = arith.constant 6 : i32
      %add3A_415 = arith.addi %mul3A_413, %add3A_414 : i32
      %dma_start3A_416 = arith.constant 6 : i32
      %dma_start3A_417 = arith.constant 0 : i32
      %dma_start3A_418 = arith.constant 0 : i32
      %dma_start3A_419 = tpu.memref_slice %arg8[%dma_start3A_416, %dma_start3A_417, %dma_start3A_418] : memref<8x125x32xf32, #tpu.memory_space<vmem>> -> memref<1x125x32xf32, #tpu.memory_space<vmem>>
      %dma_start3A_420 = tpu.memref_squeeze %dma_start3A_419 : memref<1x125x32xf32, #tpu.memory_space<vmem>> -> memref<125x32xf32, #tpu.memory_space<vmem>>
      %dma_start3A_421 = arith.constant 0 : i32
      %dma_start3A_422 = tpu.memref_slice %arg7[%add3A_415, %dma_start3A_421] : memref<80x125xi32, #tpu.memory_space<vmem>> -> memref<1x125xi32, #tpu.memory_space<vmem>>
      %dma_start3A_423 = tpu.memref_squeeze %dma_start3A_422 : memref<1x125xi32, #tpu.memory_space<vmem>> -> memref<125xi32, #tpu.memory_space<vmem>>
      %dma_start3A_424 = arith.constant 0 : i32
      %dma_start3A_425 = arith.constant 0 : i32
      %dma_start3A_426 = tpu.memref_slice %arg9[%dma_start3A_424, %dma_start3A_425] : memref<10240x32xf32, #tpu.memory_space<vmem_shared>> -> memref<10240x32xf32, #tpu.memory_space<vmem_shared>>
      tpu.enqueue_indirect_dma source(%dma_start3A_420 : memref<125x32xf32, #tpu.memory_space<vmem>>) target(%dma_start3A_426 : memref<10240x32xf32, #tpu.memory_space<vmem_shared>>) offsets(%dma_start3A_423 : memref<125xi32, #tpu.memory_space<vmem>>) semaphore(%arg25 : memref<!tpu.dma_semaphore, #tpu.memory_space<semaphore_mem>>) {add = true}
      %dma_wait3A_427 = arith.constant 0 : i32
      %dma_wait3A_428 = arith.constant 7 : i32
      %dma_wait3A_429 = arith.constant 0 : i32
      %dma_wait3A_430 = arith.constant 0 : i32
      %dma_wait3A_431 = tpu.memref_slice %arg8[%dma_wait3A_428, %dma_wait3A_429, %dma_wait3A_430] : memref<8x125x32xf32, #tpu.memory_space<vmem>> -> memref<1x125x32xf32, #tpu.memory_space<vmem>>
      %dma_wait3A_432 = tpu.memref_squeeze %dma_wait3A_431 : memref<1x125x32xf32, #tpu.memory_space<vmem>> -> memref<125x32xf32, #tpu.memory_space<vmem>>
      %dma_wait3A_433 = arith.constant 0 : i32
      %dma_wait3A_434 = tpu.memref_slice %arg6[%dma_wait3A_427, %dma_wait3A_433] : memref<80x125xi32, #tpu.memory_space<vmem>> -> memref<1x125xi32, #tpu.memory_space<vmem>>
      %dma_wait3A_435 = tpu.memref_squeeze %dma_wait3A_434 : memref<1x125xi32, #tpu.memory_space<vmem>> -> memref<125xi32, #tpu.memory_space<vmem>>
      %dma_wait3A_436 = arith.constant 0 : i32
      %dma_wait3A_437 = arith.constant 0 : i32
      %dma_wait3A_438 = tpu.memref_slice %arg3[%dma_wait3A_436, %dma_wait3A_437] : memref<10000x32xf32, #tpu.memory_space<hbm>> -> memref<10000x32xf32, #tpu.memory_space<hbm>>
      tpu.wait_indirect_dma semaphore(%arg18 : memref<!tpu.dma_semaphore, #tpu.memory_space<semaphore_mem>>) src(%dma_wait3A_438 : memref<10000x32xf32, #tpu.memory_space<hbm>>) dst(%dma_wait3A_432 : memref<125x32xf32, #tpu.memory_space<vmem>>)
      %mul3A_439 = arith.constant 8 : i32
      %mul3A_440 = arith.muli %scan3A_237, %mul3A_439 : i32
      %add3A_441 = arith.constant 7 : i32
      %add3A_442 = arith.addi %mul3A_440, %add3A_441 : i32
      %dma_start3A_443 = arith.constant 7 : i32
      %dma_start3A_444 = arith.constant 0 : i32
      %dma_start3A_445 = arith.constant 0 : i32
      %dma_start3A_446 = tpu.memref_slice %arg8[%dma_start3A_443, %dma_start3A_444, %dma_start3A_445] : memref<8x125x32xf32, #tpu.memory_space<vmem>> -> memref<1x125x32xf32, #tpu.memory_space<vmem>>
      %dma_start3A_447 = tpu.memref_squeeze %dma_start3A_446 : memref<1x125x32xf32, #tpu.memory_space<vmem>> -> memref<125x32xf32, #tpu.memory_space<vmem>>
      %dma_start3A_448 = arith.constant 0 : i32
      %dma_start3A_449 = tpu.memref_slice %arg7[%add3A_442, %dma_start3A_448] : memref<80x125xi32, #tpu.memory_space<vmem>> -> memref<1x125xi32, #tpu.memory_space<vmem>>
      %dma_start3A_450 = tpu.memref_squeeze %dma_start3A_449 : memref<1x125xi32, #tpu.memory_space<vmem>> -> memref<125xi32, #tpu.memory_space<vmem>>
      %dma_start3A_451 = arith.constant 0 : i32
      %dma_start3A_452 = arith.constant 0 : i32
      %dma_start3A_453 = tpu.memref_slice %arg9[%dma_start3A_451, %dma_start3A_452] : memref<10240x32xf32, #tpu.memory_space<vmem_shared>> -> memref<10240x32xf32, #tpu.memory_space<vmem_shared>>
      tpu.enqueue_indirect_dma source(%dma_start3A_447 : memref<125x32xf32, #tpu.memory_space<vmem>>) target(%dma_start3A_453 : memref<10240x32xf32, #tpu.memory_space<vmem_shared>>) offsets(%dma_start3A_450 : memref<125xi32, #tpu.memory_space<vmem>>) semaphore(%arg26 : memref<!tpu.dma_semaphore, #tpu.memory_space<semaphore_mem>>) {add = true}
      %lt3A = arith.constant 9 : i32
      %lt3A_454 = arith.cmpi slt, %scan3A_237, %lt3A : i32
      %convert_element_type3A = arith.extui %lt3A_454 : i1 to i32
      %cond3A = arith.constant 0 : i32
      %cond3A_455 = arith.cmpi ne, %convert_element_type3A, %cond3A : i32
      scf.if %cond3A_455 {
        %dma_wait3A_679 = arith.constant 0 : i32
        %dma_wait3A_680 = arith.constant 0 : i32
        %dma_wait3A_681 = arith.constant 0 : i32
        %dma_wait3A_682 = arith.constant 0 : i32
        %dma_wait3A_683 = tpu.memref_slice %arg8[%dma_wait3A_679, %dma_wait3A_681, %dma_wait3A_682] : memref<8x125x32xf32, #tpu.memory_space<vmem>> -> memref<1x125x32xf32, #tpu.memory_space<vmem>>
        %dma_wait3A_684 = tpu.memref_squeeze %dma_wait3A_683 : memref<1x125x32xf32, #tpu.memory_space<vmem>> -> memref<125x32xf32, #tpu.memory_space<vmem>>
        %dma_wait3A_685 = arith.constant 0 : i32
        %dma_wait3A_686 = tpu.memref_slice %arg7[%dma_wait3A_680, %dma_wait3A_685] : memref<80x125xi32, #tpu.memory_space<vmem>> -> memref<1x125xi32, #tpu.memory_space<vmem>>
        %dma_wait3A_687 = tpu.memref_squeeze %dma_wait3A_686 : memref<1x125xi32, #tpu.memory_space<vmem>> -> memref<125xi32, #tpu.memory_space<vmem>>
        %dma_wait3A_688 = arith.constant 0 : i32
        %dma_wait3A_689 = arith.constant 0 : i32
        %dma_wait3A_690 = tpu.memref_slice %arg9[%dma_wait3A_688, %dma_wait3A_689] : memref<10240x32xf32, #tpu.memory_space<vmem_shared>> -> memref<10240x32xf32, #tpu.memory_space<vmem_shared>>
        tpu.wait_indirect_dma semaphore(%arg19 : memref<!tpu.dma_semaphore, #tpu.memory_space<semaphore_mem>>) src(%dma_wait3A_684 : memref<125x32xf32, #tpu.memory_space<vmem>>) dst(%dma_wait3A_690 : memref<10240x32xf32, #tpu.memory_space<vmem_shared>>)
        %add3A_691 = arith.constant 1 : i32
        %add3A_692 = arith.addi %scan3A_237, %add3A_691 : i32
        %mul3A_693 = arith.constant 8 : i32
        %mul3A_694 = arith.muli %add3A_692, %mul3A_693 : i32
        %add3A_695 = arith.constant 0 : i32
        %add3A_696 = arith.addi %mul3A_694, %add3A_695 : i32
        %dma_start3A_697 = arith.constant 0 : i32
        %dma_start3A_698 = arith.constant 0 : i32
        %dma_start3A_699 = arith.constant 0 : i32
        %dma_start3A_700 = tpu.memref_slice %arg8[%dma_start3A_697, %dma_start3A_698, %dma_start3A_699] : memref<8x125x32xf32, #tpu.memory_space<vmem>> -> memref<1x125x32xf32, #tpu.memory_space<vmem>>
        %dma_start3A_701 = tpu.memref_squeeze %dma_start3A_700 : memref<1x125x32xf32, #tpu.memory_space<vmem>> -> memref<125x32xf32, #tpu.memory_space<vmem>>
        %dma_start3A_702 = arith.constant 0 : i32
        %dma_start3A_703 = tpu.memref_slice %arg6[%add3A_696, %dma_start3A_702] : memref<80x125xi32, #tpu.memory_space<vmem>> -> memref<1x125xi32, #tpu.memory_space<vmem>>
        %dma_start3A_704 = tpu.memref_squeeze %dma_start3A_703 : memref<1x125xi32, #tpu.memory_space<vmem>> -> memref<125xi32, #tpu.memory_space<vmem>>
        %dma_start3A_705 = arith.constant 0 : i32
        %dma_start3A_706 = arith.constant 0 : i32
        %dma_start3A_707 = tpu.memref_slice %arg3[%dma_start3A_705, %dma_start3A_706] : memref<10000x32xf32, #tpu.memory_space<hbm>> -> memref<10000x32xf32, #tpu.memory_space<hbm>>
        tpu.enqueue_indirect_dma source(%dma_start3A_707 : memref<10000x32xf32, #tpu.memory_space<hbm>>) target(%dma_start3A_701 : memref<125x32xf32, #tpu.memory_space<vmem>>) offsets(%dma_start3A_704 : memref<125xi32, #tpu.memory_space<vmem>>) semaphore(%arg11 : memref<!tpu.dma_semaphore, #tpu.memory_space<semaphore_mem>>)
        %dma_wait3A_708 = arith.constant 1 : i32
        %dma_wait3A_709 = arith.constant 0 : i32
        %dma_wait3A_710 = arith.constant 0 : i32
        %dma_wait3A_711 = arith.constant 0 : i32
        %dma_wait3A_712 = tpu.memref_slice %arg8[%dma_wait3A_708, %dma_wait3A_710, %dma_wait3A_711] : memref<8x125x32xf32, #tpu.memory_space<vmem>> -> memref<1x125x32xf32, #tpu.memory_space<vmem>>
        %dma_wait3A_713 = tpu.memref_squeeze %dma_wait3A_712 : memref<1x125x32xf32, #tpu.memory_space<vmem>> -> memref<125x32xf32, #tpu.memory_space<vmem>>
        %dma_wait3A_714 = arith.constant 0 : i32
        %dma_wait3A_715 = tpu.memref_slice %arg7[%dma_wait3A_709, %dma_wait3A_714] : memref<80x125xi32, #tpu.memory_space<vmem>> -> memref<1x125xi32, #tpu.memory_space<vmem>>
        %dma_wait3A_716 = tpu.memref_squeeze %dma_wait3A_715 : memref<1x125xi32, #tpu.memory_space<vmem>> -> memref<125xi32, #tpu.memory_space<vmem>>
        %dma_wait3A_717 = arith.constant 0 : i32
        %dma_wait3A_718 = arith.constant 0 : i32
        %dma_wait3A_719 = tpu.memref_slice %arg9[%dma_wait3A_717, %dma_wait3A_718] : memref<10240x32xf32, #tpu.memory_space<vmem_shared>> -> memref<10240x32xf32, #tpu.memory_space<vmem_shared>>
        tpu.wait_indirect_dma semaphore(%arg20 : memref<!tpu.dma_semaphore, #tpu.memory_space<semaphore_mem>>) src(%dma_wait3A_713 : memref<125x32xf32, #tpu.memory_space<vmem>>) dst(%dma_wait3A_719 : memref<10240x32xf32, #tpu.memory_space<vmem_shared>>)
        %add3A_720 = arith.constant 1 : i32
        %add3A_721 = arith.addi %scan3A_237, %add3A_720 : i32
        %mul3A_722 = arith.constant 8 : i32
        %mul3A_723 = arith.muli %add3A_721, %mul3A_722 : i32
        %add3A_724 = arith.constant 1 : i32
        %add3A_725 = arith.addi %mul3A_723, %add3A_724 : i32
        %dma_start3A_726 = arith.constant 1 : i32
        %dma_start3A_727 = arith.constant 0 : i32
        %dma_start3A_728 = arith.constant 0 : i32
        %dma_start3A_729 = tpu.memref_slice %arg8[%dma_start3A_726, %dma_start3A_727, %dma_start3A_728] : memref<8x125x32xf32, #tpu.memory_space<vmem>> -> memref<1x125x32xf32, #tpu.memory_space<vmem>>
        %dma_start3A_730 = tpu.memref_squeeze %dma_start3A_729 : memref<1x125x32xf32, #tpu.memory_space<vmem>> -> memref<125x32xf32, #tpu.memory_space<vmem>>
        %dma_start3A_731 = arith.constant 0 : i32
        %dma_start3A_732 = tpu.memref_slice %arg6[%add3A_725, %dma_start3A_731] : memref<80x125xi32, #tpu.memory_space<vmem>> -> memref<1x125xi32, #tpu.memory_space<vmem>>
        %dma_start3A_733 = tpu.memref_squeeze %dma_start3A_732 : memref<1x125xi32, #tpu.memory_space<vmem>> -> memref<125xi32, #tpu.memory_space<vmem>>
        %dma_start3A_734 = arith.constant 0 : i32
        %dma_start3A_735 = arith.constant 0 : i32
        %dma_start3A_736 = tpu.memref_slice %arg3[%dma_start3A_734, %dma_start3A_735] : memref<10000x32xf32, #tpu.memory_space<hbm>> -> memref<10000x32xf32, #tpu.memory_space<hbm>>
        tpu.enqueue_indirect_dma source(%dma_start3A_736 : memref<10000x32xf32, #tpu.memory_space<hbm>>) target(%dma_start3A_730 : memref<125x32xf32, #tpu.memory_space<vmem>>) offsets(%dma_start3A_733 : memref<125xi32, #tpu.memory_space<vmem>>) semaphore(%arg12 : memref<!tpu.dma_semaphore, #tpu.memory_space<semaphore_mem>>)
        %dma_wait3A_737 = arith.constant 2 : i32
        %dma_wait3A_738 = arith.constant 0 : i32
        %dma_wait3A_739 = arith.constant 0 : i32
        %dma_wait3A_740 = arith.constant 0 : i32
        %dma_wait3A_741 = tpu.memref_slice %arg8[%dma_wait3A_737, %dma_wait3A_739, %dma_wait3A_740] : memref<8x125x32xf32, #tpu.memory_space<vmem>> -> memref<1x125x32xf32, #tpu.memory_space<vmem>>
        %dma_wait3A_742 = tpu.memref_squeeze %dma_wait3A_741 : memref<1x125x32xf32, #tpu.memory_space<vmem>> -> memref<125x32xf32, #tpu.memory_space<vmem>>
        %dma_wait3A_743 = arith.constant 0 : i32
        %dma_wait3A_744 = tpu.memref_slice %arg7[%dma_wait3A_738, %dma_wait3A_743] : memref<80x125xi32, #tpu.memory_space<vmem>> -> memref<1x125xi32, #tpu.memory_space<vmem>>
        %dma_wait3A_745 = tpu.memref_squeeze %dma_wait3A_744 : memref<1x125xi32, #tpu.memory_space<vmem>> -> memref<125xi32, #tpu.memory_space<vmem>>
        %dma_wait3A_746 = arith.constant 0 : i32
        %dma_wait3A_747 = arith.constant 0 : i32
        %dma_wait3A_748 = tpu.memref_slice %arg9[%dma_wait3A_746, %dma_wait3A_747] : memref<10240x32xf32, #tpu.memory_space<vmem_shared>> -> memref<10240x32xf32, #tpu.memory_space<vmem_shared>>
        tpu.wait_indirect_dma semaphore(%arg21 : memref<!tpu.dma_semaphore, #tpu.memory_space<semaphore_mem>>) src(%dma_wait3A_742 : memref<125x32xf32, #tpu.memory_space<vmem>>) dst(%dma_wait3A_748 : memref<10240x32xf32, #tpu.memory_space<vmem_shared>>)
        %add3A_749 = arith.constant 1 : i32
        %add3A_750 = arith.addi %scan3A_237, %add3A_749 : i32
        %mul3A_751 = arith.constant 8 : i32
        %mul3A_752 = arith.muli %add3A_750, %mul3A_751 : i32
        %add3A_753 = arith.constant 2 : i32
        %add3A_754 = arith.addi %mul3A_752, %add3A_753 : i32
        %dma_start3A_755 = arith.constant 2 : i32
        %dma_start3A_756 = arith.constant 0 : i32
        %dma_start3A_757 = arith.constant 0 : i32
        %dma_start3A_758 = tpu.memref_slice %arg8[%dma_start3A_755, %dma_start3A_756, %dma_start3A_757] : memref<8x125x32xf32, #tpu.memory_space<vmem>> -> memref<1x125x32xf32, #tpu.memory_space<vmem>>
        %dma_start3A_759 = tpu.memref_squeeze %dma_start3A_758 : memref<1x125x32xf32, #tpu.memory_space<vmem>> -> memref<125x32xf32, #tpu.memory_space<vmem>>
        %dma_start3A_760 = arith.constant 0 : i32
        %dma_start3A_761 = tpu.memref_slice %arg6[%add3A_754, %dma_start3A_760] : memref<80x125xi32, #tpu.memory_space<vmem>> -> memref<1x125xi32, #tpu.memory_space<vmem>>
        %dma_start3A_762 = tpu.memref_squeeze %dma_start3A_761 : memref<1x125xi32, #tpu.memory_space<vmem>> -> memref<125xi32, #tpu.memory_space<vmem>>
        %dma_start3A_763 = arith.constant 0 : i32
        %dma_start3A_764 = arith.constant 0 : i32
        %dma_start3A_765 = tpu.memref_slice %arg3[%dma_start3A_763, %dma_start3A_764] : memref<10000x32xf32, #tpu.memory_space<hbm>> -> memref<10000x32xf32, #tpu.memory_space<hbm>>
        tpu.enqueue_indirect_dma source(%dma_start3A_765 : memref<10000x32xf32, #tpu.memory_space<hbm>>) target(%dma_start3A_759 : memref<125x32xf32, #tpu.memory_space<vmem>>) offsets(%dma_start3A_762 : memref<125xi32, #tpu.memory_space<vmem>>) semaphore(%arg13 : memref<!tpu.dma_semaphore, #tpu.memory_space<semaphore_mem>>)
        %dma_wait3A_766 = arith.constant 3 : i32
        %dma_wait3A_767 = arith.constant 0 : i32
        %dma_wait3A_768 = arith.constant 0 : i32
        %dma_wait3A_769 = arith.constant 0 : i32
        %dma_wait3A_770 = tpu.memref_slice %arg8[%dma_wait3A_766, %dma_wait3A_768, %dma_wait3A_769] : memref<8x125x32xf32, #tpu.memory_space<vmem>> -> memref<1x125x32xf32, #tpu.memory_space<vmem>>
        %dma_wait3A_771 = tpu.memref_squeeze %dma_wait3A_770 : memref<1x125x32xf32, #tpu.memory_space<vmem>> -> memref<125x32xf32, #tpu.memory_space<vmem>>
        %dma_wait3A_772 = arith.constant 0 : i32
        %dma_wait3A_773 = tpu.memref_slice %arg7[%dma_wait3A_767, %dma_wait3A_772] : memref<80x125xi32, #tpu.memory_space<vmem>> -> memref<1x125xi32, #tpu.memory_space<vmem>>
        %dma_wait3A_774 = tpu.memref_squeeze %dma_wait3A_773 : memref<1x125xi32, #tpu.memory_space<vmem>> -> memref<125xi32, #tpu.memory_space<vmem>>
        %dma_wait3A_775 = arith.constant 0 : i32
        %dma_wait3A_776 = arith.constant 0 : i32
        %dma_wait3A_777 = tpu.memref_slice %arg9[%dma_wait3A_775, %dma_wait3A_776] : memref<10240x32xf32, #tpu.memory_space<vmem_shared>> -> memref<10240x32xf32, #tpu.memory_space<vmem_shared>>
        tpu.wait_indirect_dma semaphore(%arg22 : memref<!tpu.dma_semaphore, #tpu.memory_space<semaphore_mem>>) src(%dma_wait3A_771 : memref<125x32xf32, #tpu.memory_space<vmem>>) dst(%dma_wait3A_777 : memref<10240x32xf32, #tpu.memory_space<vmem_shared>>)
        %add3A_778 = arith.constant 1 : i32
        %add3A_779 = arith.addi %scan3A_237, %add3A_778 : i32
        %mul3A_780 = arith.constant 8 : i32
        %mul3A_781 = arith.muli %add3A_779, %mul3A_780 : i32
        %add3A_782 = arith.constant 3 : i32
        %add3A_783 = arith.addi %mul3A_781, %add3A_782 : i32
        %dma_start3A_784 = arith.constant 3 : i32
        %dma_start3A_785 = arith.constant 0 : i32
        %dma_start3A_786 = arith.constant 0 : i32
        %dma_start3A_787 = tpu.memref_slice %arg8[%dma_start3A_784, %dma_start3A_785, %dma_start3A_786] : memref<8x125x32xf32, #tpu.memory_space<vmem>> -> memref<1x125x32xf32, #tpu.memory_space<vmem>>
        %dma_start3A_788 = tpu.memref_squeeze %dma_start3A_787 : memref<1x125x32xf32, #tpu.memory_space<vmem>> -> memref<125x32xf32, #tpu.memory_space<vmem>>
        %dma_start3A_789 = arith.constant 0 : i32
        %dma_start3A_790 = tpu.memref_slice %arg6[%add3A_783, %dma_start3A_789] : memref<80x125xi32, #tpu.memory_space<vmem>> -> memref<1x125xi32, #tpu.memory_space<vmem>>
        %dma_start3A_791 = tpu.memref_squeeze %dma_start3A_790 : memref<1x125xi32, #tpu.memory_space<vmem>> -> memref<125xi32, #tpu.memory_space<vmem>>
        %dma_start3A_792 = arith.constant 0 : i32
        %dma_start3A_793 = arith.constant 0 : i32
        %dma_start3A_794 = tpu.memref_slice %arg3[%dma_start3A_792, %dma_start3A_793] : memref<10000x32xf32, #tpu.memory_space<hbm>> -> memref<10000x32xf32, #tpu.memory_space<hbm>>
        tpu.enqueue_indirect_dma source(%dma_start3A_794 : memref<10000x32xf32, #tpu.memory_space<hbm>>) target(%dma_start3A_788 : memref<125x32xf32, #tpu.memory_space<vmem>>) offsets(%dma_start3A_791 : memref<125xi32, #tpu.memory_space<vmem>>) semaphore(%arg14 : memref<!tpu.dma_semaphore, #tpu.memory_space<semaphore_mem>>)
        %dma_wait3A_795 = arith.constant 4 : i32
        %dma_wait3A_796 = arith.constant 0 : i32
        %dma_wait3A_797 = arith.constant 0 : i32
        %dma_wait3A_798 = arith.constant 0 : i32
        %dma_wait3A_799 = tpu.memref_slice %arg8[%dma_wait3A_795, %dma_wait3A_797, %dma_wait3A_798] : memref<8x125x32xf32, #tpu.memory_space<vmem>> -> memref<1x125x32xf32, #tpu.memory_space<vmem>>
        %dma_wait3A_800 = tpu.memref_squeeze %dma_wait3A_799 : memref<1x125x32xf32, #tpu.memory_space<vmem>> -> memref<125x32xf32, #tpu.memory_space<vmem>>
        %dma_wait3A_801 = arith.constant 0 : i32
        %dma_wait3A_802 = tpu.memref_slice %arg7[%dma_wait3A_796, %dma_wait3A_801] : memref<80x125xi32, #tpu.memory_space<vmem>> -> memref<1x125xi32, #tpu.memory_space<vmem>>
        %dma_wait3A_803 = tpu.memref_squeeze %dma_wait3A_802 : memref<1x125xi32, #tpu.memory_space<vmem>> -> memref<125xi32, #tpu.memory_space<vmem>>
        %dma_wait3A_804 = arith.constant 0 : i32
        %dma_wait3A_805 = arith.constant 0 : i32
        %dma_wait3A_806 = tpu.memref_slice %arg9[%dma_wait3A_804, %dma_wait3A_805] : memref<10240x32xf32, #tpu.memory_space<vmem_shared>> -> memref<10240x32xf32, #tpu.memory_space<vmem_shared>>
        tpu.wait_indirect_dma semaphore(%arg23 : memref<!tpu.dma_semaphore, #tpu.memory_space<semaphore_mem>>) src(%dma_wait3A_800 : memref<125x32xf32, #tpu.memory_space<vmem>>) dst(%dma_wait3A_806 : memref<10240x32xf32, #tpu.memory_space<vmem_shared>>)
        %add3A_807 = arith.constant 1 : i32
        %add3A_808 = arith.addi %scan3A_237, %add3A_807 : i32
        %mul3A_809 = arith.constant 8 : i32
        %mul3A_810 = arith.muli %add3A_808, %mul3A_809 : i32
        %add3A_811 = arith.constant 4 : i32
        %add3A_812 = arith.addi %mul3A_810, %add3A_811 : i32
        %dma_start3A_813 = arith.constant 4 : i32
        %dma_start3A_814 = arith.constant 0 : i32
        %dma_start3A_815 = arith.constant 0 : i32
        %dma_start3A_816 = tpu.memref_slice %arg8[%dma_start3A_813, %dma_start3A_814, %dma_start3A_815] : memref<8x125x32xf32, #tpu.memory_space<vmem>> -> memref<1x125x32xf32, #tpu.memory_space<vmem>>
        %dma_start3A_817 = tpu.memref_squeeze %dma_start3A_816 : memref<1x125x32xf32, #tpu.memory_space<vmem>> -> memref<125x32xf32, #tpu.memory_space<vmem>>
        %dma_start3A_818 = arith.constant 0 : i32
        %dma_start3A_819 = tpu.memref_slice %arg6[%add3A_812, %dma_start3A_818] : memref<80x125xi32, #tpu.memory_space<vmem>> -> memref<1x125xi32, #tpu.memory_space<vmem>>
        %dma_start3A_820 = tpu.memref_squeeze %dma_start3A_819 : memref<1x125xi32, #tpu.memory_space<vmem>> -> memref<125xi32, #tpu.memory_space<vmem>>
        %dma_start3A_821 = arith.constant 0 : i32
        %dma_start3A_822 = arith.constant 0 : i32
        %dma_start3A_823 = tpu.memref_slice %arg3[%dma_start3A_821, %dma_start3A_822] : memref<10000x32xf32, #tpu.memory_space<hbm>> -> memref<10000x32xf32, #tpu.memory_space<hbm>>
        tpu.enqueue_indirect_dma source(%dma_start3A_823 : memref<10000x32xf32, #tpu.memory_space<hbm>>) target(%dma_start3A_817 : memref<125x32xf32, #tpu.memory_space<vmem>>) offsets(%dma_start3A_820 : memref<125xi32, #tpu.memory_space<vmem>>) semaphore(%arg15 : memref<!tpu.dma_semaphore, #tpu.memory_space<semaphore_mem>>)
        %dma_wait3A_824 = arith.constant 5 : i32
        %dma_wait3A_825 = arith.constant 0 : i32
        %dma_wait3A_826 = arith.constant 0 : i32
        %dma_wait3A_827 = arith.constant 0 : i32
        %dma_wait3A_828 = tpu.memref_slice %arg8[%dma_wait3A_824, %dma_wait3A_826, %dma_wait3A_827] : memref<8x125x32xf32, #tpu.memory_space<vmem>> -> memref<1x125x32xf32, #tpu.memory_space<vmem>>
        %dma_wait3A_829 = tpu.memref_squeeze %dma_wait3A_828 : memref<1x125x32xf32, #tpu.memory_space<vmem>> -> memref<125x32xf32, #tpu.memory_space<vmem>>
        %dma_wait3A_830 = arith.constant 0 : i32
        %dma_wait3A_831 = tpu.memref_slice %arg7[%dma_wait3A_825, %dma_wait3A_830] : memref<80x125xi32, #tpu.memory_space<vmem>> -> memref<1x125xi32, #tpu.memory_space<vmem>>
        %dma_wait3A_832 = tpu.memref_squeeze %dma_wait3A_831 : memref<1x125xi32, #tpu.memory_space<vmem>> -> memref<125xi32, #tpu.memory_space<vmem>>
        %dma_wait3A_833 = arith.constant 0 : i32
        %dma_wait3A_834 = arith.constant 0 : i32
        %dma_wait3A_835 = tpu.memref_slice %arg9[%dma_wait3A_833, %dma_wait3A_834] : memref<10240x32xf32, #tpu.memory_space<vmem_shared>> -> memref<10240x32xf32, #tpu.memory_space<vmem_shared>>
        tpu.wait_indirect_dma semaphore(%arg24 : memref<!tpu.dma_semaphore, #tpu.memory_space<semaphore_mem>>) src(%dma_wait3A_829 : memref<125x32xf32, #tpu.memory_space<vmem>>) dst(%dma_wait3A_835 : memref<10240x32xf32, #tpu.memory_space<vmem_shared>>)
        %add3A_836 = arith.constant 1 : i32
        %add3A_837 = arith.addi %scan3A_237, %add3A_836 : i32
        %mul3A_838 = arith.constant 8 : i32
        %mul3A_839 = arith.muli %add3A_837, %mul3A_838 : i32
        %add3A_840 = arith.constant 5 : i32
        %add3A_841 = arith.addi %mul3A_839, %add3A_840 : i32
        %dma_start3A_842 = arith.constant 5 : i32
        %dma_start3A_843 = arith.constant 0 : i32
        %dma_start3A_844 = arith.constant 0 : i32
        %dma_start3A_845 = tpu.memref_slice %arg8[%dma_start3A_842, %dma_start3A_843, %dma_start3A_844] : memref<8x125x32xf32, #tpu.memory_space<vmem>> -> memref<1x125x32xf32, #tpu.memory_space<vmem>>
        %dma_start3A_846 = tpu.memref_squeeze %dma_start3A_845 : memref<1x125x32xf32, #tpu.memory_space<vmem>> -> memref<125x32xf32, #tpu.memory_space<vmem>>
        %dma_start3A_847 = arith.constant 0 : i32
        %dma_start3A_848 = tpu.memref_slice %arg6[%add3A_841, %dma_start3A_847] : memref<80x125xi32, #tpu.memory_space<vmem>> -> memref<1x125xi32, #tpu.memory_space<vmem>>
        %dma_start3A_849 = tpu.memref_squeeze %dma_start3A_848 : memref<1x125xi32, #tpu.memory_space<vmem>> -> memref<125xi32, #tpu.memory_space<vmem>>
        %dma_start3A_850 = arith.constant 0 : i32
        %dma_start3A_851 = arith.constant 0 : i32
        %dma_start3A_852 = tpu.memref_slice %arg3[%dma_start3A_850, %dma_start3A_851] : memref<10000x32xf32, #tpu.memory_space<hbm>> -> memref<10000x32xf32, #tpu.memory_space<hbm>>
        tpu.enqueue_indirect_dma source(%dma_start3A_852 : memref<10000x32xf32, #tpu.memory_space<hbm>>) target(%dma_start3A_846 : memref<125x32xf32, #tpu.memory_space<vmem>>) offsets(%dma_start3A_849 : memref<125xi32, #tpu.memory_space<vmem>>) semaphore(%arg16 : memref<!tpu.dma_semaphore, #tpu.memory_space<semaphore_mem>>)
        %dma_wait3A_853 = arith.constant 6 : i32
        %dma_wait3A_854 = arith.constant 0 : i32
        %dma_wait3A_855 = arith.constant 0 : i32
        %dma_wait3A_856 = arith.constant 0 : i32
        %dma_wait3A_857 = tpu.memref_slice %arg8[%dma_wait3A_853, %dma_wait3A_855, %dma_wait3A_856] : memref<8x125x32xf32, #tpu.memory_space<vmem>> -> memref<1x125x32xf32, #tpu.memory_space<vmem>>
        %dma_wait3A_858 = tpu.memref_squeeze %dma_wait3A_857 : memref<1x125x32xf32, #tpu.memory_space<vmem>> -> memref<125x32xf32, #tpu.memory_space<vmem>>
        %dma_wait3A_859 = arith.constant 0 : i32
        %dma_wait3A_860 = tpu.memref_slice %arg7[%dma_wait3A_854, %dma_wait3A_859] : memref<80x125xi32, #tpu.memory_space<vmem>> -> memref<1x125xi32, #tpu.memory_space<vmem>>
        %dma_wait3A_861 = tpu.memref_squeeze %dma_wait3A_860 : memref<1x125xi32, #tpu.memory_space<vmem>> -> memref<125xi32, #tpu.memory_space<vmem>>
        %dma_wait3A_862 = arith.constant 0 : i32
        %dma_wait3A_863 = arith.constant 0 : i32
        %dma_wait3A_864 = tpu.memref_slice %arg9[%dma_wait3A_862, %dma_wait3A_863] : memref<10240x32xf32, #tpu.memory_space<vmem_shared>> -> memref<10240x32xf32, #tpu.memory_space<vmem_shared>>
        tpu.wait_indirect_dma semaphore(%arg25 : memref<!tpu.dma_semaphore, #tpu.memory_space<semaphore_mem>>) src(%dma_wait3A_858 : memref<125x32xf32, #tpu.memory_space<vmem>>) dst(%dma_wait3A_864 : memref<10240x32xf32, #tpu.memory_space<vmem_shared>>)
        %add3A_865 = arith.constant 1 : i32
        %add3A_866 = arith.addi %scan3A_237, %add3A_865 : i32
        %mul3A_867 = arith.constant 8 : i32
        %mul3A_868 = arith.muli %add3A_866, %mul3A_867 : i32
        %add3A_869 = arith.constant 6 : i32
        %add3A_870 = arith.addi %mul3A_868, %add3A_869 : i32
        %dma_start3A_871 = arith.constant 6 : i32
        %dma_start3A_872 = arith.constant 0 : i32
        %dma_start3A_873 = arith.constant 0 : i32
        %dma_start3A_874 = tpu.memref_slice %arg8[%dma_start3A_871, %dma_start3A_872, %dma_start3A_873] : memref<8x125x32xf32, #tpu.memory_space<vmem>> -> memref<1x125x32xf32, #tpu.memory_space<vmem>>
        %dma_start3A_875 = tpu.memref_squeeze %dma_start3A_874 : memref<1x125x32xf32, #tpu.memory_space<vmem>> -> memref<125x32xf32, #tpu.memory_space<vmem>>
        %dma_start3A_876 = arith.constant 0 : i32
        %dma_start3A_877 = tpu.memref_slice %arg6[%add3A_870, %dma_start3A_876] : memref<80x125xi32, #tpu.memory_space<vmem>> -> memref<1x125xi32, #tpu.memory_space<vmem>>
        %dma_start3A_878 = tpu.memref_squeeze %dma_start3A_877 : memref<1x125xi32, #tpu.memory_space<vmem>> -> memref<125xi32, #tpu.memory_space<vmem>>
        %dma_start3A_879 = arith.constant 0 : i32
        %dma_start3A_880 = arith.constant 0 : i32
        %dma_start3A_881 = tpu.memref_slice %arg3[%dma_start3A_879, %dma_start3A_880] : memref<10000x32xf32, #tpu.memory_space<hbm>> -> memref<10000x32xf32, #tpu.memory_space<hbm>>
        tpu.enqueue_indirect_dma source(%dma_start3A_881 : memref<10000x32xf32, #tpu.memory_space<hbm>>) target(%dma_start3A_875 : memref<125x32xf32, #tpu.memory_space<vmem>>) offsets(%dma_start3A_878 : memref<125xi32, #tpu.memory_space<vmem>>) semaphore(%arg17 : memref<!tpu.dma_semaphore, #tpu.memory_space<semaphore_mem>>)
        %dma_wait3A_882 = arith.constant 7 : i32
        %dma_wait3A_883 = arith.constant 0 : i32
        %dma_wait3A_884 = arith.constant 0 : i32
        %dma_wait3A_885 = arith.constant 0 : i32
        %dma_wait3A_886 = tpu.memref_slice %arg8[%dma_wait3A_882, %dma_wait3A_884, %dma_wait3A_885] : memref<8x125x32xf32, #tpu.memory_space<vmem>> -> memref<1x125x32xf32, #tpu.memory_space<vmem>>
        %dma_wait3A_887 = tpu.memref_squeeze %dma_wait3A_886 : memref<1x125x32xf32, #tpu.memory_space<vmem>> -> memref<125x32xf32, #tpu.memory_space<vmem>>
        %dma_wait3A_888 = arith.constant 0 : i32
        %dma_wait3A_889 = tpu.memref_slice %arg7[%dma_wait3A_883, %dma_wait3A_888] : memref<80x125xi32, #tpu.memory_space<vmem>> -> memref<1x125xi32, #tpu.memory_space<vmem>>
        %dma_wait3A_890 = tpu.memref_squeeze %dma_wait3A_889 : memref<1x125xi32, #tpu.memory_space<vmem>> -> memref<125xi32, #tpu.memory_space<vmem>>
        %dma_wait3A_891 = arith.constant 0 : i32
        %dma_wait3A_892 = arith.constant 0 : i32
        %dma_wait3A_893 = tpu.memref_slice %arg9[%dma_wait3A_891, %dma_wait3A_892] : memref<10240x32xf32, #tpu.memory_space<vmem_shared>> -> memref<10240x32xf32, #tpu.memory_space<vmem_shared>>
        tpu.wait_indirect_dma semaphore(%arg26 : memref<!tpu.dma_semaphore, #tpu.memory_space<semaphore_mem>>) src(%dma_wait3A_887 : memref<125x32xf32, #tpu.memory_space<vmem>>) dst(%dma_wait3A_893 : memref<10240x32xf32, #tpu.memory_space<vmem_shared>>)
        %add3A_894 = arith.constant 1 : i32
        %add3A_895 = arith.addi %scan3A_237, %add3A_894 : i32
        %mul3A_896 = arith.constant 8 : i32
        %mul3A_897 = arith.muli %add3A_895, %mul3A_896 : i32
        %add3A_898 = arith.constant 7 : i32
        %add3A_899 = arith.addi %mul3A_897, %add3A_898 : i32
        %dma_start3A_900 = arith.constant 7 : i32
        %dma_start3A_901 = arith.constant 0 : i32
        %dma_start3A_902 = arith.constant 0 : i32
        %dma_start3A_903 = tpu.memref_slice %arg8[%dma_start3A_900, %dma_start3A_901, %dma_start3A_902] : memref<8x125x32xf32, #tpu.memory_space<vmem>> -> memref<1x125x32xf32, #tpu.memory_space<vmem>>
        %dma_start3A_904 = tpu.memref_squeeze %dma_start3A_903 : memref<1x125x32xf32, #tpu.memory_space<vmem>> -> memref<125x32xf32, #tpu.memory_space<vmem>>
        %dma_start3A_905 = arith.constant 0 : i32
        %dma_start3A_906 = tpu.memref_slice %arg6[%add3A_899, %dma_start3A_905] : memref<80x125xi32, #tpu.memory_space<vmem>> -> memref<1x125xi32, #tpu.memory_space<vmem>>
        %dma_start3A_907 = tpu.memref_squeeze %dma_start3A_906 : memref<1x125xi32, #tpu.memory_space<vmem>> -> memref<125xi32, #tpu.memory_space<vmem>>
        %dma_start3A_908 = arith.constant 0 : i32
        %dma_start3A_909 = arith.constant 0 : i32
        %dma_start3A_910 = tpu.memref_slice %arg3[%dma_start3A_908, %dma_start3A_909] : memref<10000x32xf32, #tpu.memory_space<hbm>> -> memref<10000x32xf32, #tpu.memory_space<hbm>>
        tpu.enqueue_indirect_dma source(%dma_start3A_910 : memref<10000x32xf32, #tpu.memory_space<hbm>>) target(%dma_start3A_904 : memref<125x32xf32, #tpu.memory_space<vmem>>) offsets(%dma_start3A_907 : memref<125xi32, #tpu.memory_space<vmem>>) semaphore(%arg18 : memref<!tpu.dma_semaphore, #tpu.memory_space<semaphore_mem>>)
      } else {
      }
      %scan3A_456 = arith.constant 1 : i32
      %scan3A_457 = arith.addi %scan3A_237, %scan3A_456 : i32
      %dma_wait3A_458 = arith.constant 0 : i32
      %dma_wait3A_459 = arith.constant 0 : i32
      %dma_wait3A_460 = arith.constant 0 : i32
      %dma_wait3A_461 = arith.constant 0 : i32
      %dma_wait3A_462 = tpu.memref_slice %arg8[%dma_wait3A_459, %dma_wait3A_460, %dma_wait3A_461] : memref<8x125x32xf32, #tpu.memory_space<vmem>> -> memref<1x125x32xf32, #tpu.memory_space<vmem>>
      %dma_wait3A_463 = tpu.memref_squeeze %dma_wait3A_462 : memref<1x125x32xf32, #tpu.memory_space<vmem>> -> memref<125x32xf32, #tpu.memory_space<vmem>>
      %dma_wait3A_464 = arith.constant 0 : i32
      %dma_wait3A_465 = tpu.memref_slice %arg6[%dma_wait3A_458, %dma_wait3A_464] : memref<80x125xi32, #tpu.memory_space<vmem>> -> memref<1x125xi32, #tpu.memory_space<vmem>>
      %dma_wait3A_466 = tpu.memref_squeeze %dma_wait3A_465 : memref<1x125xi32, #tpu.memory_space<vmem>> -> memref<125xi32, #tpu.memory_space<vmem>>
      %dma_wait3A_467 = arith.constant 0 : i32
      %dma_wait3A_468 = arith.constant 0 : i32
      %dma_wait3A_469 = tpu.memref_slice %arg3[%dma_wait3A_467, %dma_wait3A_468] : memref<10000x32xf32, #tpu.memory_space<hbm>> -> memref<10000x32xf32, #tpu.memory_space<hbm>>
      tpu.wait_indirect_dma semaphore(%arg11 : memref<!tpu.dma_semaphore, #tpu.memory_space<semaphore_mem>>) src(%dma_wait3A_469 : memref<10000x32xf32, #tpu.memory_space<hbm>>) dst(%dma_wait3A_463 : memref<125x32xf32, #tpu.memory_space<vmem>>)
      %mul3A_470 = arith.constant 8 : i32
      %mul3A_471 = arith.muli %scan3A_457, %mul3A_470 : i32
      %add3A_472 = arith.constant 0 : i32
      %add3A_473 = arith.addi %mul3A_471, %add3A_472 : i32
      %dma_start3A_474 = arith.constant 0 : i32
      %dma_start3A_475 = arith.constant 0 : i32
      %dma_start3A_476 = arith.constant 0 : i32
      %dma_start3A_477 = tpu.memref_slice %arg8[%dma_start3A_474, %dma_start3A_475, %dma_start3A_476] : memref<8x125x32xf32, #tpu.memory_space<vmem>> -> memref<1x125x32xf32, #tpu.memory_space<vmem>>
      %dma_start3A_478 = tpu.memref_squeeze %dma_start3A_477 : memref<1x125x32xf32, #tpu.memory_space<vmem>> -> memref<125x32xf32, #tpu.memory_space<vmem>>
      %dma_start3A_479 = arith.constant 0 : i32
      %dma_start3A_480 = tpu.memref_slice %arg7[%add3A_473, %dma_start3A_479] : memref<80x125xi32, #tpu.memory_space<vmem>> -> memref<1x125xi32, #tpu.memory_space<vmem>>
      %dma_start3A_481 = tpu.memref_squeeze %dma_start3A_480 : memref<1x125xi32, #tpu.memory_space<vmem>> -> memref<125xi32, #tpu.memory_space<vmem>>
      %dma_start3A_482 = arith.constant 0 : i32
      %dma_start3A_483 = arith.constant 0 : i32
      %dma_start3A_484 = tpu.memref_slice %arg9[%dma_start3A_482, %dma_start3A_483] : memref<10240x32xf32, #tpu.memory_space<vmem_shared>> -> memref<10240x32xf32, #tpu.memory_space<vmem_shared>>
      tpu.enqueue_indirect_dma source(%dma_start3A_478 : memref<125x32xf32, #tpu.memory_space<vmem>>) target(%dma_start3A_484 : memref<10240x32xf32, #tpu.memory_space<vmem_shared>>) offsets(%dma_start3A_481 : memref<125xi32, #tpu.memory_space<vmem>>) semaphore(%arg19 : memref<!tpu.dma_semaphore, #tpu.memory_space<semaphore_mem>>) {add = true}
      %dma_wait3A_485 = arith.constant 0 : i32
      %dma_wait3A_486 = arith.constant 1 : i32
      %dma_wait3A_487 = arith.constant 0 : i32
      %dma_wait3A_488 = arith.constant 0 : i32
      %dma_wait3A_489 = tpu.memref_slice %arg8[%dma_wait3A_486, %dma_wait3A_487, %dma_wait3A_488] : memref<8x125x32xf32, #tpu.memory_space<vmem>> -> memref<1x125x32xf32, #tpu.memory_space<vmem>>
      %dma_wait3A_490 = tpu.memref_squeeze %dma_wait3A_489 : memref<1x125x32xf32, #tpu.memory_space<vmem>> -> memref<125x32xf32, #tpu.memory_space<vmem>>
      %dma_wait3A_491 = arith.constant 0 : i32
      %dma_wait3A_492 = tpu.memref_slice %arg6[%dma_wait3A_485, %dma_wait3A_491] : memref<80x125xi32, #tpu.memory_space<vmem>> -> memref<1x125xi32, #tpu.memory_space<vmem>>
      %dma_wait3A_493 = tpu.memref_squeeze %dma_wait3A_492 : memref<1x125xi32, #tpu.memory_space<vmem>> -> memref<125xi32, #tpu.memory_space<vmem>>
      %dma_wait3A_494 = arith.constant 0 : i32
      %dma_wait3A_495 = arith.constant 0 : i32
      %dma_wait3A_496 = tpu.memref_slice %arg3[%dma_wait3A_494, %dma_wait3A_495] : memref<10000x32xf32, #tpu.memory_space<hbm>> -> memref<10000x32xf32, #tpu.memory_space<hbm>>
      tpu.wait_indirect_dma semaphore(%arg12 : memref<!tpu.dma_semaphore, #tpu.memory_space<semaphore_mem>>) src(%dma_wait3A_496 : memref<10000x32xf32, #tpu.memory_space<hbm>>) dst(%dma_wait3A_490 : memref<125x32xf32, #tpu.memory_space<vmem>>)
      %mul3A_497 = arith.constant 8 : i32
      %mul3A_498 = arith.muli %scan3A_457, %mul3A_497 : i32
      %add3A_499 = arith.constant 1 : i32
      %add3A_500 = arith.addi %mul3A_498, %add3A_499 : i32
      %dma_start3A_501 = arith.constant 1 : i32
      %dma_start3A_502 = arith.constant 0 : i32
      %dma_start3A_503 = arith.constant 0 : i32
      %dma_start3A_504 = tpu.memref_slice %arg8[%dma_start3A_501, %dma_start3A_502, %dma_start3A_503] : memref<8x125x32xf32, #tpu.memory_space<vmem>> -> memref<1x125x32xf32, #tpu.memory_space<vmem>>
      %dma_start3A_505 = tpu.memref_squeeze %dma_start3A_504 : memref<1x125x32xf32, #tpu.memory_space<vmem>> -> memref<125x32xf32, #tpu.memory_space<vmem>>
      %dma_start3A_506 = arith.constant 0 : i32
      %dma_start3A_507 = tpu.memref_slice %arg7[%add3A_500, %dma_start3A_506] : memref<80x125xi32, #tpu.memory_space<vmem>> -> memref<1x125xi32, #tpu.memory_space<vmem>>
      %dma_start3A_508 = tpu.memref_squeeze %dma_start3A_507 : memref<1x125xi32, #tpu.memory_space<vmem>> -> memref<125xi32, #tpu.memory_space<vmem>>
      %dma_start3A_509 = arith.constant 0 : i32
      %dma_start3A_510 = arith.constant 0 : i32
      %dma_start3A_511 = tpu.memref_slice %arg9[%dma_start3A_509, %dma_start3A_510] : memref<10240x32xf32, #tpu.memory_space<vmem_shared>> -> memref<10240x32xf32, #tpu.memory_space<vmem_shared>>
      tpu.enqueue_indirect_dma source(%dma_start3A_505 : memref<125x32xf32, #tpu.memory_space<vmem>>) target(%dma_start3A_511 : memref<10240x32xf32, #tpu.memory_space<vmem_shared>>) offsets(%dma_start3A_508 : memref<125xi32, #tpu.memory_space<vmem>>) semaphore(%arg20 : memref<!tpu.dma_semaphore, #tpu.memory_space<semaphore_mem>>) {add = true}
      %dma_wait3A_512 = arith.constant 0 : i32
      %dma_wait3A_513 = arith.constant 2 : i32
      %dma_wait3A_514 = arith.constant 0 : i32
      %dma_wait3A_515 = arith.constant 0 : i32
      %dma_wait3A_516 = tpu.memref_slice %arg8[%dma_wait3A_513, %dma_wait3A_514, %dma_wait3A_515] : memref<8x125x32xf32, #tpu.memory_space<vmem>> -> memref<1x125x32xf32, #tpu.memory_space<vmem>>
      %dma_wait3A_517 = tpu.memref_squeeze %dma_wait3A_516 : memref<1x125x32xf32, #tpu.memory_space<vmem>> -> memref<125x32xf32, #tpu.memory_space<vmem>>
      %dma_wait3A_518 = arith.constant 0 : i32
      %dma_wait3A_519 = tpu.memref_slice %arg6[%dma_wait3A_512, %dma_wait3A_518] : memref<80x125xi32, #tpu.memory_space<vmem>> -> memref<1x125xi32, #tpu.memory_space<vmem>>
      %dma_wait3A_520 = tpu.memref_squeeze %dma_wait3A_519 : memref<1x125xi32, #tpu.memory_space<vmem>> -> memref<125xi32, #tpu.memory_space<vmem>>
      %dma_wait3A_521 = arith.constant 0 : i32
      %dma_wait3A_522 = arith.constant 0 : i32
      %dma_wait3A_523 = tpu.memref_slice %arg3[%dma_wait3A_521, %dma_wait3A_522] : memref<10000x32xf32, #tpu.memory_space<hbm>> -> memref<10000x32xf32, #tpu.memory_space<hbm>>
      tpu.wait_indirect_dma semaphore(%arg13 : memref<!tpu.dma_semaphore, #tpu.memory_space<semaphore_mem>>) src(%dma_wait3A_523 : memref<10000x32xf32, #tpu.memory_space<hbm>>) dst(%dma_wait3A_517 : memref<125x32xf32, #tpu.memory_space<vmem>>)
      %mul3A_524 = arith.constant 8 : i32
      %mul3A_525 = arith.muli %scan3A_457, %mul3A_524 : i32
      %add3A_526 = arith.constant 2 : i32
      %add3A_527 = arith.addi %mul3A_525, %add3A_526 : i32
      %dma_start3A_528 = arith.constant 2 : i32
      %dma_start3A_529 = arith.constant 0 : i32
      %dma_start3A_530 = arith.constant 0 : i32
      %dma_start3A_531 = tpu.memref_slice %arg8[%dma_start3A_528, %dma_start3A_529, %dma_start3A_530] : memref<8x125x32xf32, #tpu.memory_space<vmem>> -> memref<1x125x32xf32, #tpu.memory_space<vmem>>
      %dma_start3A_532 = tpu.memref_squeeze %dma_start3A_531 : memref<1x125x32xf32, #tpu.memory_space<vmem>> -> memref<125x32xf32, #tpu.memory_space<vmem>>
      %dma_start3A_533 = arith.constant 0 : i32
      %dma_start3A_534 = tpu.memref_slice %arg7[%add3A_527, %dma_start3A_533] : memref<80x125xi32, #tpu.memory_space<vmem>> -> memref<1x125xi32, #tpu.memory_space<vmem>>
      %dma_start3A_535 = tpu.memref_squeeze %dma_start3A_534 : memref<1x125xi32, #tpu.memory_space<vmem>> -> memref<125xi32, #tpu.memory_space<vmem>>
      %dma_start3A_536 = arith.constant 0 : i32
      %dma_start3A_537 = arith.constant 0 : i32
      %dma_start3A_538 = tpu.memref_slice %arg9[%dma_start3A_536, %dma_start3A_537] : memref<10240x32xf32, #tpu.memory_space<vmem_shared>> -> memref<10240x32xf32, #tpu.memory_space<vmem_shared>>
      tpu.enqueue_indirect_dma source(%dma_start3A_532 : memref<125x32xf32, #tpu.memory_space<vmem>>) target(%dma_start3A_538 : memref<10240x32xf32, #tpu.memory_space<vmem_shared>>) offsets(%dma_start3A_535 : memref<125xi32, #tpu.memory_space<vmem>>) semaphore(%arg21 : memref<!tpu.dma_semaphore, #tpu.memory_space<semaphore_mem>>) {add = true}
      %dma_wait3A_539 = arith.constant 0 : i32
      %dma_wait3A_540 = arith.constant 3 : i32
      %dma_wait3A_541 = arith.constant 0 : i32
      %dma_wait3A_542 = arith.constant 0 : i32
      %dma_wait3A_543 = tpu.memref_slice %arg8[%dma_wait3A_540, %dma_wait3A_541, %dma_wait3A_542] : memref<8x125x32xf32, #tpu.memory_space<vmem>> -> memref<1x125x32xf32, #tpu.memory_space<vmem>>
      %dma_wait3A_544 = tpu.memref_squeeze %dma_wait3A_543 : memref<1x125x32xf32, #tpu.memory_space<vmem>> -> memref<125x32xf32, #tpu.memory_space<vmem>>
      %dma_wait3A_545 = arith.constant 0 : i32
      %dma_wait3A_546 = tpu.memref_slice %arg6[%dma_wait3A_539, %dma_wait3A_545] : memref<80x125xi32, #tpu.memory_space<vmem>> -> memref<1x125xi32, #tpu.memory_space<vmem>>
      %dma_wait3A_547 = tpu.memref_squeeze %dma_wait3A_546 : memref<1x125xi32, #tpu.memory_space<vmem>> -> memref<125xi32, #tpu.memory_space<vmem>>
      %dma_wait3A_548 = arith.constant 0 : i32
      %dma_wait3A_549 = arith.constant 0 : i32
      %dma_wait3A_550 = tpu.memref_slice %arg3[%dma_wait3A_548, %dma_wait3A_549] : memref<10000x32xf32, #tpu.memory_space<hbm>> -> memref<10000x32xf32, #tpu.memory_space<hbm>>
      tpu.wait_indirect_dma semaphore(%arg14 : memref<!tpu.dma_semaphore, #tpu.memory_space<semaphore_mem>>) src(%dma_wait3A_550 : memref<10000x32xf32, #tpu.memory_space<hbm>>) dst(%dma_wait3A_544 : memref<125x32xf32, #tpu.memory_space<vmem>>)
      %mul3A_551 = arith.constant 8 : i32
      %mul3A_552 = arith.muli %scan3A_457, %mul3A_551 : i32
      %add3A_553 = arith.constant 3 : i32
      %add3A_554 = arith.addi %mul3A_552, %add3A_553 : i32
      %dma_start3A_555 = arith.constant 3 : i32
      %dma_start3A_556 = arith.constant 0 : i32
      %dma_start3A_557 = arith.constant 0 : i32
      %dma_start3A_558 = tpu.memref_slice %arg8[%dma_start3A_555, %dma_start3A_556, %dma_start3A_557] : memref<8x125x32xf32, #tpu.memory_space<vmem>> -> memref<1x125x32xf32, #tpu.memory_space<vmem>>
      %dma_start3A_559 = tpu.memref_squeeze %dma_start3A_558 : memref<1x125x32xf32, #tpu.memory_space<vmem>> -> memref<125x32xf32, #tpu.memory_space<vmem>>
      %dma_start3A_560 = arith.constant 0 : i32
      %dma_start3A_561 = tpu.memref_slice %arg7[%add3A_554, %dma_start3A_560] : memref<80x125xi32, #tpu.memory_space<vmem>> -> memref<1x125xi32, #tpu.memory_space<vmem>>
      %dma_start3A_562 = tpu.memref_squeeze %dma_start3A_561 : memref<1x125xi32, #tpu.memory_space<vmem>> -> memref<125xi32, #tpu.memory_space<vmem>>
      %dma_start3A_563 = arith.constant 0 : i32
      %dma_start3A_564 = arith.constant 0 : i32
      %dma_start3A_565 = tpu.memref_slice %arg9[%dma_start3A_563, %dma_start3A_564] : memref<10240x32xf32, #tpu.memory_space<vmem_shared>> -> memref<10240x32xf32, #tpu.memory_space<vmem_shared>>
      tpu.enqueue_indirect_dma source(%dma_start3A_559 : memref<125x32xf32, #tpu.memory_space<vmem>>) target(%dma_start3A_565 : memref<10240x32xf32, #tpu.memory_space<vmem_shared>>) offsets(%dma_start3A_562 : memref<125xi32, #tpu.memory_space<vmem>>) semaphore(%arg22 : memref<!tpu.dma_semaphore, #tpu.memory_space<semaphore_mem>>) {add = true}
      %dma_wait3A_566 = arith.constant 0 : i32
      %dma_wait3A_567 = arith.constant 4 : i32
      %dma_wait3A_568 = arith.constant 0 : i32
      %dma_wait3A_569 = arith.constant 0 : i32
      %dma_wait3A_570 = tpu.memref_slice %arg8[%dma_wait3A_567, %dma_wait3A_568, %dma_wait3A_569] : memref<8x125x32xf32, #tpu.memory_space<vmem>> -> memref<1x125x32xf32, #tpu.memory_space<vmem>>
      %dma_wait3A_571 = tpu.memref_squeeze %dma_wait3A_570 : memref<1x125x32xf32, #tpu.memory_space<vmem>> -> memref<125x32xf32, #tpu.memory_space<vmem>>
      %dma_wait3A_572 = arith.constant 0 : i32
      %dma_wait3A_573 = tpu.memref_slice %arg6[%dma_wait3A_566, %dma_wait3A_572] : memref<80x125xi32, #tpu.memory_space<vmem>> -> memref<1x125xi32, #tpu.memory_space<vmem>>
      %dma_wait3A_574 = tpu.memref_squeeze %dma_wait3A_573 : memref<1x125xi32, #tpu.memory_space<vmem>> -> memref<125xi32, #tpu.memory_space<vmem>>
      %dma_wait3A_575 = arith.constant 0 : i32
      %dma_wait3A_576 = arith.constant 0 : i32
      %dma_wait3A_577 = tpu.memref_slice %arg3[%dma_wait3A_575, %dma_wait3A_576] : memref<10000x32xf32, #tpu.memory_space<hbm>> -> memref<10000x32xf32, #tpu.memory_space<hbm>>
      tpu.wait_indirect_dma semaphore(%arg15 : memref<!tpu.dma_semaphore, #tpu.memory_space<semaphore_mem>>) src(%dma_wait3A_577 : memref<10000x32xf32, #tpu.memory_space<hbm>>) dst(%dma_wait3A_571 : memref<125x32xf32, #tpu.memory_space<vmem>>)
      %mul3A_578 = arith.constant 8 : i32
      %mul3A_579 = arith.muli %scan3A_457, %mul3A_578 : i32
      %add3A_580 = arith.constant 4 : i32
      %add3A_581 = arith.addi %mul3A_579, %add3A_580 : i32
      %dma_start3A_582 = arith.constant 4 : i32
      %dma_start3A_583 = arith.constant 0 : i32
      %dma_start3A_584 = arith.constant 0 : i32
      %dma_start3A_585 = tpu.memref_slice %arg8[%dma_start3A_582, %dma_start3A_583, %dma_start3A_584] : memref<8x125x32xf32, #tpu.memory_space<vmem>> -> memref<1x125x32xf32, #tpu.memory_space<vmem>>
      %dma_start3A_586 = tpu.memref_squeeze %dma_start3A_585 : memref<1x125x32xf32, #tpu.memory_space<vmem>> -> memref<125x32xf32, #tpu.memory_space<vmem>>
      %dma_start3A_587 = arith.constant 0 : i32
      %dma_start3A_588 = tpu.memref_slice %arg7[%add3A_581, %dma_start3A_587] : memref<80x125xi32, #tpu.memory_space<vmem>> -> memref<1x125xi32, #tpu.memory_space<vmem>>
      %dma_start3A_589 = tpu.memref_squeeze %dma_start3A_588 : memref<1x125xi32, #tpu.memory_space<vmem>> -> memref<125xi32, #tpu.memory_space<vmem>>
      %dma_start3A_590 = arith.constant 0 : i32
      %dma_start3A_591 = arith.constant 0 : i32
      %dma_start3A_592 = tpu.memref_slice %arg9[%dma_start3A_590, %dma_start3A_591] : memref<10240x32xf32, #tpu.memory_space<vmem_shared>> -> memref<10240x32xf32, #tpu.memory_space<vmem_shared>>
      tpu.enqueue_indirect_dma source(%dma_start3A_586 : memref<125x32xf32, #tpu.memory_space<vmem>>) target(%dma_start3A_592 : memref<10240x32xf32, #tpu.memory_space<vmem_shared>>) offsets(%dma_start3A_589 : memref<125xi32, #tpu.memory_space<vmem>>) semaphore(%arg23 : memref<!tpu.dma_semaphore, #tpu.memory_space<semaphore_mem>>) {add = true}
      %dma_wait3A_593 = arith.constant 0 : i32
      %dma_wait3A_594 = arith.constant 5 : i32
      %dma_wait3A_595 = arith.constant 0 : i32
      %dma_wait3A_596 = arith.constant 0 : i32
      %dma_wait3A_597 = tpu.memref_slice %arg8[%dma_wait3A_594, %dma_wait3A_595, %dma_wait3A_596] : memref<8x125x32xf32, #tpu.memory_space<vmem>> -> memref<1x125x32xf32, #tpu.memory_space<vmem>>
      %dma_wait3A_598 = tpu.memref_squeeze %dma_wait3A_597 : memref<1x125x32xf32, #tpu.memory_space<vmem>> -> memref<125x32xf32, #tpu.memory_space<vmem>>
      %dma_wait3A_599 = arith.constant 0 : i32
      %dma_wait3A_600 = tpu.memref_slice %arg6[%dma_wait3A_593, %dma_wait3A_599] : memref<80x125xi32, #tpu.memory_space<vmem>> -> memref<1x125xi32, #tpu.memory_space<vmem>>
      %dma_wait3A_601 = tpu.memref_squeeze %dma_wait3A_600 : memref<1x125xi32, #tpu.memory_space<vmem>> -> memref<125xi32, #tpu.memory_space<vmem>>
      %dma_wait3A_602 = arith.constant 0 : i32
      %dma_wait3A_603 = arith.constant 0 : i32
      %dma_wait3A_604 = tpu.memref_slice %arg3[%dma_wait3A_602, %dma_wait3A_603] : memref<10000x32xf32, #tpu.memory_space<hbm>> -> memref<10000x32xf32, #tpu.memory_space<hbm>>
      tpu.wait_indirect_dma semaphore(%arg16 : memref<!tpu.dma_semaphore, #tpu.memory_space<semaphore_mem>>) src(%dma_wait3A_604 : memref<10000x32xf32, #tpu.memory_space<hbm>>) dst(%dma_wait3A_598 : memref<125x32xf32, #tpu.memory_space<vmem>>)
      %mul3A_605 = arith.constant 8 : i32
      %mul3A_606 = arith.muli %scan3A_457, %mul3A_605 : i32
      %add3A_607 = arith.constant 5 : i32
      %add3A_608 = arith.addi %mul3A_606, %add3A_607 : i32
      %dma_start3A_609 = arith.constant 5 : i32
      %dma_start3A_610 = arith.constant 0 : i32
      %dma_start3A_611 = arith.constant 0 : i32
      %dma_start3A_612 = tpu.memref_slice %arg8[%dma_start3A_609, %dma_start3A_610, %dma_start3A_611] : memref<8x125x32xf32, #tpu.memory_space<vmem>> -> memref<1x125x32xf32, #tpu.memory_space<vmem>>
      %dma_start3A_613 = tpu.memref_squeeze %dma_start3A_612 : memref<1x125x32xf32, #tpu.memory_space<vmem>> -> memref<125x32xf32, #tpu.memory_space<vmem>>
      %dma_start3A_614 = arith.constant 0 : i32
      %dma_start3A_615 = tpu.memref_slice %arg7[%add3A_608, %dma_start3A_614] : memref<80x125xi32, #tpu.memory_space<vmem>> -> memref<1x125xi32, #tpu.memory_space<vmem>>
      %dma_start3A_616 = tpu.memref_squeeze %dma_start3A_615 : memref<1x125xi32, #tpu.memory_space<vmem>> -> memref<125xi32, #tpu.memory_space<vmem>>
      %dma_start3A_617 = arith.constant 0 : i32
      %dma_start3A_618 = arith.constant 0 : i32
      %dma_start3A_619 = tpu.memref_slice %arg9[%dma_start3A_617, %dma_start3A_618] : memref<10240x32xf32, #tpu.memory_space<vmem_shared>> -> memref<10240x32xf32, #tpu.memory_space<vmem_shared>>
      tpu.enqueue_indirect_dma source(%dma_start3A_613 : memref<125x32xf32, #tpu.memory_space<vmem>>) target(%dma_start3A_619 : memref<10240x32xf32, #tpu.memory_space<vmem_shared>>) offsets(%dma_start3A_616 : memref<125xi32, #tpu.memory_space<vmem>>) semaphore(%arg24 : memref<!tpu.dma_semaphore, #tpu.memory_space<semaphore_mem>>) {add = true}
      %dma_wait3A_620 = arith.constant 0 : i32
      %dma_wait3A_621 = arith.constant 6 : i32
      %dma_wait3A_622 = arith.constant 0 : i32
      %dma_wait3A_623 = arith.constant 0 : i32
      %dma_wait3A_624 = tpu.memref_slice %arg8[%dma_wait3A_621, %dma_wait3A_622, %dma_wait3A_623] : memref<8x125x32xf32, #tpu.memory_space<vmem>> -> memref<1x125x32xf32, #tpu.memory_space<vmem>>
      %dma_wait3A_625 = tpu.memref_squeeze %dma_wait3A_624 : memref<1x125x32xf32, #tpu.memory_space<vmem>> -> memref<125x32xf32, #tpu.memory_space<vmem>>
      %dma_wait3A_626 = arith.constant 0 : i32
      %dma_wait3A_627 = tpu.memref_slice %arg6[%dma_wait3A_620, %dma_wait3A_626] : memref<80x125xi32, #tpu.memory_space<vmem>> -> memref<1x125xi32, #tpu.memory_space<vmem>>
      %dma_wait3A_628 = tpu.memref_squeeze %dma_wait3A_627 : memref<1x125xi32, #tpu.memory_space<vmem>> -> memref<125xi32, #tpu.memory_space<vmem>>
      %dma_wait3A_629 = arith.constant 0 : i32
      %dma_wait3A_630 = arith.constant 0 : i32
      %dma_wait3A_631 = tpu.memref_slice %arg3[%dma_wait3A_629, %dma_wait3A_630] : memref<10000x32xf32, #tpu.memory_space<hbm>> -> memref<10000x32xf32, #tpu.memory_space<hbm>>
      tpu.wait_indirect_dma semaphore(%arg17 : memref<!tpu.dma_semaphore, #tpu.memory_space<semaphore_mem>>) src(%dma_wait3A_631 : memref<10000x32xf32, #tpu.memory_space<hbm>>) dst(%dma_wait3A_625 : memref<125x32xf32, #tpu.memory_space<vmem>>)
      %mul3A_632 = arith.constant 8 : i32
      %mul3A_633 = arith.muli %scan3A_457, %mul3A_632 : i32
      %add3A_634 = arith.constant 6 : i32
      %add3A_635 = arith.addi %mul3A_633, %add3A_634 : i32
      %dma_start3A_636 = arith.constant 6 : i32
      %dma_start3A_637 = arith.constant 0 : i32
      %dma_start3A_638 = arith.constant 0 : i32
      %dma_start3A_639 = tpu.memref_slice %arg8[%dma_start3A_636, %dma_start3A_637, %dma_start3A_638] : memref<8x125x32xf32, #tpu.memory_space<vmem>> -> memref<1x125x32xf32, #tpu.memory_space<vmem>>
      %dma_start3A_640 = tpu.memref_squeeze %dma_start3A_639 : memref<1x125x32xf32, #tpu.memory_space<vmem>> -> memref<125x32xf32, #tpu.memory_space<vmem>>
      %dma_start3A_641 = arith.constant 0 : i32
      %dma_start3A_642 = tpu.memref_slice %arg7[%add3A_635, %dma_start3A_641] : memref<80x125xi32, #tpu.memory_space<vmem>> -> memref<1x125xi32, #tpu.memory_space<vmem>>
      %dma_start3A_643 = tpu.memref_squeeze %dma_start3A_642 : memref<1x125xi32, #tpu.memory_space<vmem>> -> memref<125xi32, #tpu.memory_space<vmem>>
      %dma_start3A_644 = arith.constant 0 : i32
      %dma_start3A_645 = arith.constant 0 : i32
      %dma_start3A_646 = tpu.memref_slice %arg9[%dma_start3A_644, %dma_start3A_645] : memref<10240x32xf32, #tpu.memory_space<vmem_shared>> -> memref<10240x32xf32, #tpu.memory_space<vmem_shared>>
      tpu.enqueue_indirect_dma source(%dma_start3A_640 : memref<125x32xf32, #tpu.memory_space<vmem>>) target(%dma_start3A_646 : memref<10240x32xf32, #tpu.memory_space<vmem_shared>>) offsets(%dma_start3A_643 : memref<125xi32, #tpu.memory_space<vmem>>) semaphore(%arg25 : memref<!tpu.dma_semaphore, #tpu.memory_space<semaphore_mem>>) {add = true}
      %dma_wait3A_647 = arith.constant 0 : i32
      %dma_wait3A_648 = arith.constant 7 : i32
      %dma_wait3A_649 = arith.constant 0 : i32
      %dma_wait3A_650 = arith.constant 0 : i32
      %dma_wait3A_651 = tpu.memref_slice %arg8[%dma_wait3A_648, %dma_wait3A_649, %dma_wait3A_650] : memref<8x125x32xf32, #tpu.memory_space<vmem>> -> memref<1x125x32xf32, #tpu.memory_space<vmem>>
      %dma_wait3A_652 = tpu.memref_squeeze %dma_wait3A_651 : memref<1x125x32xf32, #tpu.memory_space<vmem>> -> memref<125x32xf32, #tpu.memory_space<vmem>>
      %dma_wait3A_653 = arith.constant 0 : i32
      %dma_wait3A_654 = tpu.memref_slice %arg6[%dma_wait3A_647, %dma_wait3A_653] : memref<80x125xi32, #tpu.memory_space<vmem>> -> memref<1x125xi32, #tpu.memory_space<vmem>>
      %dma_wait3A_655 = tpu.memref_squeeze %dma_wait3A_654 : memref<1x125xi32, #tpu.memory_space<vmem>> -> memref<125xi32, #tpu.memory_space<vmem>>
      %dma_wait3A_656 = arith.constant 0 : i32
      %dma_wait3A_657 = arith.constant 0 : i32
      %dma_wait3A_658 = tpu.memref_slice %arg3[%dma_wait3A_656, %dma_wait3A_657] : memref<10000x32xf32, #tpu.memory_space<hbm>> -> memref<10000x32xf32, #tpu.memory_space<hbm>>
      tpu.wait_indirect_dma semaphore(%arg18 : memref<!tpu.dma_semaphore, #tpu.memory_space<semaphore_mem>>) src(%dma_wait3A_658 : memref<10000x32xf32, #tpu.memory_space<hbm>>) dst(%dma_wait3A_652 : memref<125x32xf32, #tpu.memory_space<vmem>>)
      %mul3A_659 = arith.constant 8 : i32
      %mul3A_660 = arith.muli %scan3A_457, %mul3A_659 : i32
      %add3A_661 = arith.constant 7 : i32
      %add3A_662 = arith.addi %mul3A_660, %add3A_661 : i32
      %dma_start3A_663 = arith.constant 7 : i32
      %dma_start3A_664 = arith.constant 0 : i32
      %dma_start3A_665 = arith.constant 0 : i32
      %dma_start3A_666 = tpu.memref_slice %arg8[%dma_start3A_663, %dma_start3A_664, %dma_start3A_665] : memref<8x125x32xf32, #tpu.memory_space<vmem>> -> memref<1x125x32xf32, #tpu.memory_space<vmem>>
      %dma_start3A_667 = tpu.memref_squeeze %dma_start3A_666 : memref<1x125x32xf32, #tpu.memory_space<vmem>> -> memref<125x32xf32, #tpu.memory_space<vmem>>
      %dma_start3A_668 = arith.constant 0 : i32
      %dma_start3A_669 = tpu.memref_slice %arg7[%add3A_662, %dma_start3A_668] : memref<80x125xi32, #tpu.memory_space<vmem>> -> memref<1x125xi32, #tpu.memory_space<vmem>>
      %dma_start3A_670 = tpu.memref_squeeze %dma_start3A_669 : memref<1x125xi32, #tpu.memory_space<vmem>> -> memref<125xi32, #tpu.memory_space<vmem>>
      %dma_start3A_671 = arith.constant 0 : i32
      %dma_start3A_672 = arith.constant 0 : i32
      %dma_start3A_673 = tpu.memref_slice %arg9[%dma_start3A_671, %dma_start3A_672] : memref<10240x32xf32, #tpu.memory_space<vmem_shared>> -> memref<10240x32xf32, #tpu.memory_space<vmem_shared>>
      tpu.enqueue_indirect_dma source(%dma_start3A_667 : memref<125x32xf32, #tpu.memory_space<vmem>>) target(%dma_start3A_673 : memref<10240x32xf32, #tpu.memory_space<vmem_shared>>) offsets(%dma_start3A_670 : memref<125xi32, #tpu.memory_space<vmem>>) semaphore(%arg26 : memref<!tpu.dma_semaphore, #tpu.memory_space<semaphore_mem>>) {add = true}
      %lt3A_674 = arith.constant 9 : i32
      %lt3A_675 = arith.cmpi slt, %scan3A_457, %lt3A_674 : i32
      %convert_element_type3A_676 = arith.extui %lt3A_675 : i1 to i32
      %cond3A_677 = arith.constant 0 : i32
      %cond3A_678 = arith.cmpi ne, %convert_element_type3A_676, %cond3A_677 : i32
      scf.if %cond3A_678 {
        %dma_wait3A_679 = arith.constant 0 : i32
        %dma_wait3A_680 = arith.constant 0 : i32
        %dma_wait3A_681 = arith.constant 0 : i32
        %dma_wait3A_682 = arith.constant 0 : i32
        %dma_wait3A_683 = tpu.memref_slice %arg8[%dma_wait3A_679, %dma_wait3A_681, %dma_wait3A_682] : memref<8x125x32xf32, #tpu.memory_space<vmem>> -> memref<1x125x32xf32, #tpu.memory_space<vmem>>
        %dma_wait3A_684 = tpu.memref_squeeze %dma_wait3A_683 : memref<1x125x32xf32, #tpu.memory_space<vmem>> -> memref<125x32xf32, #tpu.memory_space<vmem>>
        %dma_wait3A_685 = arith.constant 0 : i32
        %dma_wait3A_686 = tpu.memref_slice %arg7[%dma_wait3A_680, %dma_wait3A_685] : memref<80x125xi32, #tpu.memory_space<vmem>> -> memref<1x125xi32, #tpu.memory_space<vmem>>
        %dma_wait3A_687 = tpu.memref_squeeze %dma_wait3A_686 : memref<1x125xi32, #tpu.memory_space<vmem>> -> memref<125xi32, #tpu.memory_space<vmem>>
        %dma_wait3A_688 = arith.constant 0 : i32
        %dma_wait3A_689 = arith.constant 0 : i32
        %dma_wait3A_690 = tpu.memref_slice %arg9[%dma_wait3A_688, %dma_wait3A_689] : memref<10240x32xf32, #tpu.memory_space<vmem_shared>> -> memref<10240x32xf32, #tpu.memory_space<vmem_shared>>
        tpu.wait_indirect_dma semaphore(%arg19 : memref<!tpu.dma_semaphore, #tpu.memory_space<semaphore_mem>>) src(%dma_wait3A_684 : memref<125x32xf32, #tpu.memory_space<vmem>>) dst(%dma_wait3A_690 : memref<10240x32xf32, #tpu.memory_space<vmem_shared>>)
        %add3A_691 = arith.constant 1 : i32
        %add3A_692 = arith.addi %scan3A_457, %add3A_691 : i32
        %mul3A_693 = arith.constant 8 : i32
        %mul3A_694 = arith.muli %add3A_692, %mul3A_693 : i32
        %add3A_695 = arith.constant 0 : i32
        %add3A_696 = arith.addi %mul3A_694, %add3A_695 : i32
        %dma_start3A_697 = arith.constant 0 : i32
        %dma_start3A_698 = arith.constant 0 : i32
        %dma_start3A_699 = arith.constant 0 : i32
        %dma_start3A_700 = tpu.memref_slice %arg8[%dma_start3A_697, %dma_start3A_698, %dma_start3A_699] : memref<8x125x32xf32, #tpu.memory_space<vmem>> -> memref<1x125x32xf32, #tpu.memory_space<vmem>>
        %dma_start3A_701 = tpu.memref_squeeze %dma_start3A_700 : memref<1x125x32xf32, #tpu.memory_space<vmem>> -> memref<125x32xf32, #tpu.memory_space<vmem>>
        %dma_start3A_702 = arith.constant 0 : i32
        %dma_start3A_703 = tpu.memref_slice %arg6[%add3A_696, %dma_start3A_702] : memref<80x125xi32, #tpu.memory_space<vmem>> -> memref<1x125xi32, #tpu.memory_space<vmem>>
        %dma_start3A_704 = tpu.memref_squeeze %dma_start3A_703 : memref<1x125xi32, #tpu.memory_space<vmem>> -> memref<125xi32, #tpu.memory_space<vmem>>
        %dma_start3A_705 = arith.constant 0 : i32
        %dma_start3A_706 = arith.constant 0 : i32
        %dma_start3A_707 = tpu.memref_slice %arg3[%dma_start3A_705, %dma_start3A_706] : memref<10000x32xf32, #tpu.memory_space<hbm>> -> memref<10000x32xf32, #tpu.memory_space<hbm>>
        tpu.enqueue_indirect_dma source(%dma_start3A_707 : memref<10000x32xf32, #tpu.memory_space<hbm>>) target(%dma_start3A_701 : memref<125x32xf32, #tpu.memory_space<vmem>>) offsets(%dma_start3A_704 : memref<125xi32, #tpu.memory_space<vmem>>) semaphore(%arg11 : memref<!tpu.dma_semaphore, #tpu.memory_space<semaphore_mem>>)
        %dma_wait3A_708 = arith.constant 1 : i32
        %dma_wait3A_709 = arith.constant 0 : i32
        %dma_wait3A_710 = arith.constant 0 : i32
        %dma_wait3A_711 = arith.constant 0 : i32
        %dma_wait3A_712 = tpu.memref_slice %arg8[%dma_wait3A_708, %dma_wait3A_710, %dma_wait3A_711] : memref<8x125x32xf32, #tpu.memory_space<vmem>> -> memref<1x125x32xf32, #tpu.memory_space<vmem>>
        %dma_wait3A_713 = tpu.memref_squeeze %dma_wait3A_712 : memref<1x125x32xf32, #tpu.memory_space<vmem>> -> memref<125x32xf32, #tpu.memory_space<vmem>>
        %dma_wait3A_714 = arith.constant 0 : i32
        %dma_wait3A_715 = tpu.memref_slice %arg7[%dma_wait3A_709, %dma_wait3A_714] : memref<80x125xi32, #tpu.memory_space<vmem>> -> memref<1x125xi32, #tpu.memory_space<vmem>>
        %dma_wait3A_716 = tpu.memref_squeeze %dma_wait3A_715 : memref<1x125xi32, #tpu.memory_space<vmem>> -> memref<125xi32, #tpu.memory_space<vmem>>
        %dma_wait3A_717 = arith.constant 0 : i32
        %dma_wait3A_718 = arith.constant 0 : i32
        %dma_wait3A_719 = tpu.memref_slice %arg9[%dma_wait3A_717, %dma_wait3A_718] : memref<10240x32xf32, #tpu.memory_space<vmem_shared>> -> memref<10240x32xf32, #tpu.memory_space<vmem_shared>>
        tpu.wait_indirect_dma semaphore(%arg20 : memref<!tpu.dma_semaphore, #tpu.memory_space<semaphore_mem>>) src(%dma_wait3A_713 : memref<125x32xf32, #tpu.memory_space<vmem>>) dst(%dma_wait3A_719 : memref<10240x32xf32, #tpu.memory_space<vmem_shared>>)
        %add3A_720 = arith.constant 1 : i32
        %add3A_721 = arith.addi %scan3A_457, %add3A_720 : i32
        %mul3A_722 = arith.constant 8 : i32
        %mul3A_723 = arith.muli %add3A_721, %mul3A_722 : i32
        %add3A_724 = arith.constant 1 : i32
        %add3A_725 = arith.addi %mul3A_723, %add3A_724 : i32
        %dma_start3A_726 = arith.constant 1 : i32
        %dma_start3A_727 = arith.constant 0 : i32
        %dma_start3A_728 = arith.constant 0 : i32
        %dma_start3A_729 = tpu.memref_slice %arg8[%dma_start3A_726, %dma_start3A_727, %dma_start3A_728] : memref<8x125x32xf32, #tpu.memory_space<vmem>> -> memref<1x125x32xf32, #tpu.memory_space<vmem>>
        %dma_start3A_730 = tpu.memref_squeeze %dma_start3A_729 : memref<1x125x32xf32, #tpu.memory_space<vmem>> -> memref<125x32xf32, #tpu.memory_space<vmem>>
        %dma_start3A_731 = arith.constant 0 : i32
        %dma_start3A_732 = tpu.memref_slice %arg6[%add3A_725, %dma_start3A_731] : memref<80x125xi32, #tpu.memory_space<vmem>> -> memref<1x125xi32, #tpu.memory_space<vmem>>
        %dma_start3A_733 = tpu.memref_squeeze %dma_start3A_732 : memref<1x125xi32, #tpu.memory_space<vmem>> -> memref<125xi32, #tpu.memory_space<vmem>>
        %dma_start3A_734 = arith.constant 0 : i32
        %dma_start3A_735 = arith.constant 0 : i32
        %dma_start3A_736 = tpu.memref_slice %arg3[%dma_start3A_734, %dma_start3A_735] : memref<10000x32xf32, #tpu.memory_space<hbm>> -> memref<10000x32xf32, #tpu.memory_space<hbm>>
        tpu.enqueue_indirect_dma source(%dma_start3A_736 : memref<10000x32xf32, #tpu.memory_space<hbm>>) target(%dma_start3A_730 : memref<125x32xf32, #tpu.memory_space<vmem>>) offsets(%dma_start3A_733 : memref<125xi32, #tpu.memory_space<vmem>>) semaphore(%arg12 : memref<!tpu.dma_semaphore, #tpu.memory_space<semaphore_mem>>)
        %dma_wait3A_737 = arith.constant 2 : i32
        %dma_wait3A_738 = arith.constant 0 : i32
        %dma_wait3A_739 = arith.constant 0 : i32
        %dma_wait3A_740 = arith.constant 0 : i32
        %dma_wait3A_741 = tpu.memref_slice %arg8[%dma_wait3A_737, %dma_wait3A_739, %dma_wait3A_740] : memref<8x125x32xf32, #tpu.memory_space<vmem>> -> memref<1x125x32xf32, #tpu.memory_space<vmem>>
        %dma_wait3A_742 = tpu.memref_squeeze %dma_wait3A_741 : memref<1x125x32xf32, #tpu.memory_space<vmem>> -> memref<125x32xf32, #tpu.memory_space<vmem>>
        %dma_wait3A_743 = arith.constant 0 : i32
        %dma_wait3A_744 = tpu.memref_slice %arg7[%dma_wait3A_738, %dma_wait3A_743] : memref<80x125xi32, #tpu.memory_space<vmem>> -> memref<1x125xi32, #tpu.memory_space<vmem>>
        %dma_wait3A_745 = tpu.memref_squeeze %dma_wait3A_744 : memref<1x125xi32, #tpu.memory_space<vmem>> -> memref<125xi32, #tpu.memory_space<vmem>>
        %dma_wait3A_746 = arith.constant 0 : i32
        %dma_wait3A_747 = arith.constant 0 : i32
        %dma_wait3A_748 = tpu.memref_slice %arg9[%dma_wait3A_746, %dma_wait3A_747] : memref<10240x32xf32, #tpu.memory_space<vmem_shared>> -> memref<10240x32xf32, #tpu.memory_space<vmem_shared>>
        tpu.wait_indirect_dma semaphore(%arg21 : memref<!tpu.dma_semaphore, #tpu.memory_space<semaphore_mem>>) src(%dma_wait3A_742 : memref<125x32xf32, #tpu.memory_space<vmem>>) dst(%dma_wait3A_748 : memref<10240x32xf32, #tpu.memory_space<vmem_shared>>)
        %add3A_749 = arith.constant 1 : i32
        %add3A_750 = arith.addi %scan3A_457, %add3A_749 : i32
        %mul3A_751 = arith.constant 8 : i32
        %mul3A_752 = arith.muli %add3A_750, %mul3A_751 : i32
        %add3A_753 = arith.constant 2 : i32
        %add3A_754 = arith.addi %mul3A_752, %add3A_753 : i32
        %dma_start3A_755 = arith.constant 2 : i32
        %dma_start3A_756 = arith.constant 0 : i32
        %dma_start3A_757 = arith.constant 0 : i32
        %dma_start3A_758 = tpu.memref_slice %arg8[%dma_start3A_755, %dma_start3A_756, %dma_start3A_757] : memref<8x125x32xf32, #tpu.memory_space<vmem>> -> memref<1x125x32xf32, #tpu.memory_space<vmem>>
        %dma_start3A_759 = tpu.memref_squeeze %dma_start3A_758 : memref<1x125x32xf32, #tpu.memory_space<vmem>> -> memref<125x32xf32, #tpu.memory_space<vmem>>
        %dma_start3A_760 = arith.constant 0 : i32
        %dma_start3A_761 = tpu.memref_slice %arg6[%add3A_754, %dma_start3A_760] : memref<80x125xi32, #tpu.memory_space<vmem>> -> memref<1x125xi32, #tpu.memory_space<vmem>>
        %dma_start3A_762 = tpu.memref_squeeze %dma_start3A_761 : memref<1x125xi32, #tpu.memory_space<vmem>> -> memref<125xi32, #tpu.memory_space<vmem>>
        %dma_start3A_763 = arith.constant 0 : i32
        %dma_start3A_764 = arith.constant 0 : i32
        %dma_start3A_765 = tpu.memref_slice %arg3[%dma_start3A_763, %dma_start3A_764] : memref<10000x32xf32, #tpu.memory_space<hbm>> -> memref<10000x32xf32, #tpu.memory_space<hbm>>
        tpu.enqueue_indirect_dma source(%dma_start3A_765 : memref<10000x32xf32, #tpu.memory_space<hbm>>) target(%dma_start3A_759 : memref<125x32xf32, #tpu.memory_space<vmem>>) offsets(%dma_start3A_762 : memref<125xi32, #tpu.memory_space<vmem>>) semaphore(%arg13 : memref<!tpu.dma_semaphore, #tpu.memory_space<semaphore_mem>>)
        %dma_wait3A_766 = arith.constant 3 : i32
        %dma_wait3A_767 = arith.constant 0 : i32
        %dma_wait3A_768 = arith.constant 0 : i32
        %dma_wait3A_769 = arith.constant 0 : i32
        %dma_wait3A_770 = tpu.memref_slice %arg8[%dma_wait3A_766, %dma_wait3A_768, %dma_wait3A_769] : memref<8x125x32xf32, #tpu.memory_space<vmem>> -> memref<1x125x32xf32, #tpu.memory_space<vmem>>
        %dma_wait3A_771 = tpu.memref_squeeze %dma_wait3A_770 : memref<1x125x32xf32, #tpu.memory_space<vmem>> -> memref<125x32xf32, #tpu.memory_space<vmem>>
        %dma_wait3A_772 = arith.constant 0 : i32
        %dma_wait3A_773 = tpu.memref_slice %arg7[%dma_wait3A_767, %dma_wait3A_772] : memref<80x125xi32, #tpu.memory_space<vmem>> -> memref<1x125xi32, #tpu.memory_space<vmem>>
        %dma_wait3A_774 = tpu.memref_squeeze %dma_wait3A_773 : memref<1x125xi32, #tpu.memory_space<vmem>> -> memref<125xi32, #tpu.memory_space<vmem>>
        %dma_wait3A_775 = arith.constant 0 : i32
        %dma_wait3A_776 = arith.constant 0 : i32
        %dma_wait3A_777 = tpu.memref_slice %arg9[%dma_wait3A_775, %dma_wait3A_776] : memref<10240x32xf32, #tpu.memory_space<vmem_shared>> -> memref<10240x32xf32, #tpu.memory_space<vmem_shared>>
        tpu.wait_indirect_dma semaphore(%arg22 : memref<!tpu.dma_semaphore, #tpu.memory_space<semaphore_mem>>) src(%dma_wait3A_771 : memref<125x32xf32, #tpu.memory_space<vmem>>) dst(%dma_wait3A_777 : memref<10240x32xf32, #tpu.memory_space<vmem_shared>>)
        %add3A_778 = arith.constant 1 : i32
        %add3A_779 = arith.addi %scan3A_457, %add3A_778 : i32
        %mul3A_780 = arith.constant 8 : i32
        %mul3A_781 = arith.muli %add3A_779, %mul3A_780 : i32
        %add3A_782 = arith.constant 3 : i32
        %add3A_783 = arith.addi %mul3A_781, %add3A_782 : i32
        %dma_start3A_784 = arith.constant 3 : i32
        %dma_start3A_785 = arith.constant 0 : i32
        %dma_start3A_786 = arith.constant 0 : i32
        %dma_start3A_787 = tpu.memref_slice %arg8[%dma_start3A_784, %dma_start3A_785, %dma_start3A_786] : memref<8x125x32xf32, #tpu.memory_space<vmem>> -> memref<1x125x32xf32, #tpu.memory_space<vmem>>
        %dma_start3A_788 = tpu.memref_squeeze %dma_start3A_787 : memref<1x125x32xf32, #tpu.memory_space<vmem>> -> memref<125x32xf32, #tpu.memory_space<vmem>>
        %dma_start3A_789 = arith.constant 0 : i32
        %dma_start3A_790 = tpu.memref_slice %arg6[%add3A_783, %dma_start3A_789] : memref<80x125xi32, #tpu.memory_space<vmem>> -> memref<1x125xi32, #tpu.memory_space<vmem>>
        %dma_start3A_791 = tpu.memref_squeeze %dma_start3A_790 : memref<1x125xi32, #tpu.memory_space<vmem>> -> memref<125xi32, #tpu.memory_space<vmem>>
        %dma_start3A_792 = arith.constant 0 : i32
        %dma_start3A_793 = arith.constant 0 : i32
        %dma_start3A_794 = tpu.memref_slice %arg3[%dma_start3A_792, %dma_start3A_793] : memref<10000x32xf32, #tpu.memory_space<hbm>> -> memref<10000x32xf32, #tpu.memory_space<hbm>>
        tpu.enqueue_indirect_dma source(%dma_start3A_794 : memref<10000x32xf32, #tpu.memory_space<hbm>>) target(%dma_start3A_788 : memref<125x32xf32, #tpu.memory_space<vmem>>) offsets(%dma_start3A_791 : memref<125xi32, #tpu.memory_space<vmem>>) semaphore(%arg14 : memref<!tpu.dma_semaphore, #tpu.memory_space<semaphore_mem>>)
        %dma_wait3A_795 = arith.constant 4 : i32
        %dma_wait3A_796 = arith.constant 0 : i32
        %dma_wait3A_797 = arith.constant 0 : i32
        %dma_wait3A_798 = arith.constant 0 : i32
        %dma_wait3A_799 = tpu.memref_slice %arg8[%dma_wait3A_795, %dma_wait3A_797, %dma_wait3A_798] : memref<8x125x32xf32, #tpu.memory_space<vmem>> -> memref<1x125x32xf32, #tpu.memory_space<vmem>>
        %dma_wait3A_800 = tpu.memref_squeeze %dma_wait3A_799 : memref<1x125x32xf32, #tpu.memory_space<vmem>> -> memref<125x32xf32, #tpu.memory_space<vmem>>
        %dma_wait3A_801 = arith.constant 0 : i32
        %dma_wait3A_802 = tpu.memref_slice %arg7[%dma_wait3A_796, %dma_wait3A_801] : memref<80x125xi32, #tpu.memory_space<vmem>> -> memref<1x125xi32, #tpu.memory_space<vmem>>
        %dma_wait3A_803 = tpu.memref_squeeze %dma_wait3A_802 : memref<1x125xi32, #tpu.memory_space<vmem>> -> memref<125xi32, #tpu.memory_space<vmem>>
        %dma_wait3A_804 = arith.constant 0 : i32
        %dma_wait3A_805 = arith.constant 0 : i32
        %dma_wait3A_806 = tpu.memref_slice %arg9[%dma_wait3A_804, %dma_wait3A_805] : memref<10240x32xf32, #tpu.memory_space<vmem_shared>> -> memref<10240x32xf32, #tpu.memory_space<vmem_shared>>
        tpu.wait_indirect_dma semaphore(%arg23 : memref<!tpu.dma_semaphore, #tpu.memory_space<semaphore_mem>>) src(%dma_wait3A_800 : memref<125x32xf32, #tpu.memory_space<vmem>>) dst(%dma_wait3A_806 : memref<10240x32xf32, #tpu.memory_space<vmem_shared>>)
        %add3A_807 = arith.constant 1 : i32
        %add3A_808 = arith.addi %scan3A_457, %add3A_807 : i32
        %mul3A_809 = arith.constant 8 : i32
        %mul3A_810 = arith.muli %add3A_808, %mul3A_809 : i32
        %add3A_811 = arith.constant 4 : i32
        %add3A_812 = arith.addi %mul3A_810, %add3A_811 : i32
        %dma_start3A_813 = arith.constant 4 : i32
        %dma_start3A_814 = arith.constant 0 : i32
        %dma_start3A_815 = arith.constant 0 : i32
        %dma_start3A_816 = tpu.memref_slice %arg8[%dma_start3A_813, %dma_start3A_814, %dma_start3A_815] : memref<8x125x32xf32, #tpu.memory_space<vmem>> -> memref<1x125x32xf32, #tpu.memory_space<vmem>>
        %dma_start3A_817 = tpu.memref_squeeze %dma_start3A_816 : memref<1x125x32xf32, #tpu.memory_space<vmem>> -> memref<125x32xf32, #tpu.memory_space<vmem>>
        %dma_start3A_818 = arith.constant 0 : i32
        %dma_start3A_819 = tpu.memref_slice %arg6[%add3A_812, %dma_start3A_818] : memref<80x125xi32, #tpu.memory_space<vmem>> -> memref<1x125xi32, #tpu.memory_space<vmem>>
        %dma_start3A_820 = tpu.memref_squeeze %dma_start3A_819 : memref<1x125xi32, #tpu.memory_space<vmem>> -> memref<125xi32, #tpu.memory_space<vmem>>
        %dma_start3A_821 = arith.constant 0 : i32
        %dma_start3A_822 = arith.constant 0 : i32
        %dma_start3A_823 = tpu.memref_slice %arg3[%dma_start3A_821, %dma_start3A_822] : memref<10000x32xf32, #tpu.memory_space<hbm>> -> memref<10000x32xf32, #tpu.memory_space<hbm>>
        tpu.enqueue_indirect_dma source(%dma_start3A_823 : memref<10000x32xf32, #tpu.memory_space<hbm>>) target(%dma_start3A_817 : memref<125x32xf32, #tpu.memory_space<vmem>>) offsets(%dma_start3A_820 : memref<125xi32, #tpu.memory_space<vmem>>) semaphore(%arg15 : memref<!tpu.dma_semaphore, #tpu.memory_space<semaphore_mem>>)
        %dma_wait3A_824 = arith.constant 5 : i32
        %dma_wait3A_825 = arith.constant 0 : i32
        %dma_wait3A_826 = arith.constant 0 : i32
        %dma_wait3A_827 = arith.constant 0 : i32
        %dma_wait3A_828 = tpu.memref_slice %arg8[%dma_wait3A_824, %dma_wait3A_826, %dma_wait3A_827] : memref<8x125x32xf32, #tpu.memory_space<vmem>> -> memref<1x125x32xf32, #tpu.memory_space<vmem>>
        %dma_wait3A_829 = tpu.memref_squeeze %dma_wait3A_828 : memref<1x125x32xf32, #tpu.memory_space<vmem>> -> memref<125x32xf32, #tpu.memory_space<vmem>>
        %dma_wait3A_830 = arith.constant 0 : i32
        %dma_wait3A_831 = tpu.memref_slice %arg7[%dma_wait3A_825, %dma_wait3A_830] : memref<80x125xi32, #tpu.memory_space<vmem>> -> memref<1x125xi32, #tpu.memory_space<vmem>>
        %dma_wait3A_832 = tpu.memref_squeeze %dma_wait3A_831 : memref<1x125xi32, #tpu.memory_space<vmem>> -> memref<125xi32, #tpu.memory_space<vmem>>
        %dma_wait3A_833 = arith.constant 0 : i32
        %dma_wait3A_834 = arith.constant 0 : i32
        %dma_wait3A_835 = tpu.memref_slice %arg9[%dma_wait3A_833, %dma_wait3A_834] : memref<10240x32xf32, #tpu.memory_space<vmem_shared>> -> memref<10240x32xf32, #tpu.memory_space<vmem_shared>>
        tpu.wait_indirect_dma semaphore(%arg24 : memref<!tpu.dma_semaphore, #tpu.memory_space<semaphore_mem>>) src(%dma_wait3A_829 : memref<125x32xf32, #tpu.memory_space<vmem>>) dst(%dma_wait3A_835 : memref<10240x32xf32, #tpu.memory_space<vmem_shared>>)
        %add3A_836 = arith.constant 1 : i32
        %add3A_837 = arith.addi %scan3A_457, %add3A_836 : i32
        %mul3A_838 = arith.constant 8 : i32
        %mul3A_839 = arith.muli %add3A_837, %mul3A_838 : i32
        %add3A_840 = arith.constant 5 : i32
        %add3A_841 = arith.addi %mul3A_839, %add3A_840 : i32
        %dma_start3A_842 = arith.constant 5 : i32
        %dma_start3A_843 = arith.constant 0 : i32
        %dma_start3A_844 = arith.constant 0 : i32
        %dma_start3A_845 = tpu.memref_slice %arg8[%dma_start3A_842, %dma_start3A_843, %dma_start3A_844] : memref<8x125x32xf32, #tpu.memory_space<vmem>> -> memref<1x125x32xf32, #tpu.memory_space<vmem>>
        %dma_start3A_846 = tpu.memref_squeeze %dma_start3A_845 : memref<1x125x32xf32, #tpu.memory_space<vmem>> -> memref<125x32xf32, #tpu.memory_space<vmem>>
        %dma_start3A_847 = arith.constant 0 : i32
        %dma_start3A_848 = tpu.memref_slice %arg6[%add3A_841, %dma_start3A_847] : memref<80x125xi32, #tpu.memory_space<vmem>> -> memref<1x125xi32, #tpu.memory_space<vmem>>
        %dma_start3A_849 = tpu.memref_squeeze %dma_start3A_848 : memref<1x125xi32, #tpu.memory_space<vmem>> -> memref<125xi32, #tpu.memory_space<vmem>>
        %dma_start3A_850 = arith.constant 0 : i32
        %dma_start3A_851 = arith.constant 0 : i32
        %dma_start3A_852 = tpu.memref_slice %arg3[%dma_start3A_850, %dma_start3A_851] : memref<10000x32xf32, #tpu.memory_space<hbm>> -> memref<10000x32xf32, #tpu.memory_space<hbm>>
        tpu.enqueue_indirect_dma source(%dma_start3A_852 : memref<10000x32xf32, #tpu.memory_space<hbm>>) target(%dma_start3A_846 : memref<125x32xf32, #tpu.memory_space<vmem>>) offsets(%dma_start3A_849 : memref<125xi32, #tpu.memory_space<vmem>>) semaphore(%arg16 : memref<!tpu.dma_semaphore, #tpu.memory_space<semaphore_mem>>)
        %dma_wait3A_853 = arith.constant 6 : i32
        %dma_wait3A_854 = arith.constant 0 : i32
        %dma_wait3A_855 = arith.constant 0 : i32
        %dma_wait3A_856 = arith.constant 0 : i32
        %dma_wait3A_857 = tpu.memref_slice %arg8[%dma_wait3A_853, %dma_wait3A_855, %dma_wait3A_856] : memref<8x125x32xf32, #tpu.memory_space<vmem>> -> memref<1x125x32xf32, #tpu.memory_space<vmem>>
        %dma_wait3A_858 = tpu.memref_squeeze %dma_wait3A_857 : memref<1x125x32xf32, #tpu.memory_space<vmem>> -> memref<125x32xf32, #tpu.memory_space<vmem>>
        %dma_wait3A_859 = arith.constant 0 : i32
        %dma_wait3A_860 = tpu.memref_slice %arg7[%dma_wait3A_854, %dma_wait3A_859] : memref<80x125xi32, #tpu.memory_space<vmem>> -> memref<1x125xi32, #tpu.memory_space<vmem>>
        %dma_wait3A_861 = tpu.memref_squeeze %dma_wait3A_860 : memref<1x125xi32, #tpu.memory_space<vmem>> -> memref<125xi32, #tpu.memory_space<vmem>>
        %dma_wait3A_862 = arith.constant 0 : i32
        %dma_wait3A_863 = arith.constant 0 : i32
        %dma_wait3A_864 = tpu.memref_slice %arg9[%dma_wait3A_862, %dma_wait3A_863] : memref<10240x32xf32, #tpu.memory_space<vmem_shared>> -> memref<10240x32xf32, #tpu.memory_space<vmem_shared>>
        tpu.wait_indirect_dma semaphore(%arg25 : memref<!tpu.dma_semaphore, #tpu.memory_space<semaphore_mem>>) src(%dma_wait3A_858 : memref<125x32xf32, #tpu.memory_space<vmem>>) dst(%dma_wait3A_864 : memref<10240x32xf32, #tpu.memory_space<vmem_shared>>)
        %add3A_865 = arith.constant 1 : i32
        %add3A_866 = arith.addi %scan3A_457, %add3A_865 : i32
        %mul3A_867 = arith.constant 8 : i32
        %mul3A_868 = arith.muli %add3A_866, %mul3A_867 : i32
        %add3A_869 = arith.constant 6 : i32
        %add3A_870 = arith.addi %mul3A_868, %add3A_869 : i32
        %dma_start3A_871 = arith.constant 6 : i32
        %dma_start3A_872 = arith.constant 0 : i32
        %dma_start3A_873 = arith.constant 0 : i32
        %dma_start3A_874 = tpu.memref_slice %arg8[%dma_start3A_871, %dma_start3A_872, %dma_start3A_873] : memref<8x125x32xf32, #tpu.memory_space<vmem>> -> memref<1x125x32xf32, #tpu.memory_space<vmem>>
        %dma_start3A_875 = tpu.memref_squeeze %dma_start3A_874 : memref<1x125x32xf32, #tpu.memory_space<vmem>> -> memref<125x32xf32, #tpu.memory_space<vmem>>
        %dma_start3A_876 = arith.constant 0 : i32
        %dma_start3A_877 = tpu.memref_slice %arg6[%add3A_870, %dma_start3A_876] : memref<80x125xi32, #tpu.memory_space<vmem>> -> memref<1x125xi32, #tpu.memory_space<vmem>>
        %dma_start3A_878 = tpu.memref_squeeze %dma_start3A_877 : memref<1x125xi32, #tpu.memory_space<vmem>> -> memref<125xi32, #tpu.memory_space<vmem>>
        %dma_start3A_879 = arith.constant 0 : i32
        %dma_start3A_880 = arith.constant 0 : i32
        %dma_start3A_881 = tpu.memref_slice %arg3[%dma_start3A_879, %dma_start3A_880] : memref<10000x32xf32, #tpu.memory_space<hbm>> -> memref<10000x32xf32, #tpu.memory_space<hbm>>
        tpu.enqueue_indirect_dma source(%dma_start3A_881 : memref<10000x32xf32, #tpu.memory_space<hbm>>) target(%dma_start3A_875 : memref<125x32xf32, #tpu.memory_space<vmem>>) offsets(%dma_start3A_878 : memref<125xi32, #tpu.memory_space<vmem>>) semaphore(%arg17 : memref<!tpu.dma_semaphore, #tpu.memory_space<semaphore_mem>>)
        %dma_wait3A_882 = arith.constant 7 : i32
        %dma_wait3A_883 = arith.constant 0 : i32
        %dma_wait3A_884 = arith.constant 0 : i32
        %dma_wait3A_885 = arith.constant 0 : i32
        %dma_wait3A_886 = tpu.memref_slice %arg8[%dma_wait3A_882, %dma_wait3A_884, %dma_wait3A_885] : memref<8x125x32xf32, #tpu.memory_space<vmem>> -> memref<1x125x32xf32, #tpu.memory_space<vmem>>
        %dma_wait3A_887 = tpu.memref_squeeze %dma_wait3A_886 : memref<1x125x32xf32, #tpu.memory_space<vmem>> -> memref<125x32xf32, #tpu.memory_space<vmem>>
        %dma_wait3A_888 = arith.constant 0 : i32
        %dma_wait3A_889 = tpu.memref_slice %arg7[%dma_wait3A_883, %dma_wait3A_888] : memref<80x125xi32, #tpu.memory_space<vmem>> -> memref<1x125xi32, #tpu.memory_space<vmem>>
        %dma_wait3A_890 = tpu.memref_squeeze %dma_wait3A_889 : memref<1x125xi32, #tpu.memory_space<vmem>> -> memref<125xi32, #tpu.memory_space<vmem>>
        %dma_wait3A_891 = arith.constant 0 : i32
        %dma_wait3A_892 = arith.constant 0 : i32
        %dma_wait3A_893 = tpu.memref_slice %arg9[%dma_wait3A_891, %dma_wait3A_892] : memref<10240x32xf32, #tpu.memory_space<vmem_shared>> -> memref<10240x32xf32, #tpu.memory_space<vmem_shared>>
        tpu.wait_indirect_dma semaphore(%arg26 : memref<!tpu.dma_semaphore, #tpu.memory_space<semaphore_mem>>) src(%dma_wait3A_887 : memref<125x32xf32, #tpu.memory_space<vmem>>) dst(%dma_wait3A_893 : memref<10240x32xf32, #tpu.memory_space<vmem_shared>>)
        %add3A_894 = arith.constant 1 : i32
        %add3A_895 = arith.addi %scan3A_457, %add3A_894 : i32
        %mul3A_896 = arith.constant 8 : i32
        %mul3A_897 = arith.muli %add3A_895, %mul3A_896 : i32
        %add3A_898 = arith.constant 7 : i32
        %add3A_899 = arith.addi %mul3A_897, %add3A_898 : i32
        %dma_start3A_900 = arith.constant 7 : i32
        %dma_start3A_901 = arith.constant 0 : i32
        %dma_start3A_902 = arith.constant 0 : i32
        %dma_start3A_903 = tpu.memref_slice %arg8[%dma_start3A_900, %dma_start3A_901, %dma_start3A_902] : memref<8x125x32xf32, #tpu.memory_space<vmem>> -> memref<1x125x32xf32, #tpu.memory_space<vmem>>
        %dma_start3A_904 = tpu.memref_squeeze %dma_start3A_903 : memref<1x125x32xf32, #tpu.memory_space<vmem>> -> memref<125x32xf32, #tpu.memory_space<vmem>>
        %dma_start3A_905 = arith.constant 0 : i32
        %dma_start3A_906 = tpu.memref_slice %arg6[%add3A_899, %dma_start3A_905] : memref<80x125xi32, #tpu.memory_space<vmem>> -> memref<1x125xi32, #tpu.memory_space<vmem>>
        %dma_start3A_907 = tpu.memref_squeeze %dma_start3A_906 : memref<1x125xi32, #tpu.memory_space<vmem>> -> memref<125xi32, #tpu.memory_space<vmem>>
        %dma_start3A_908 = arith.constant 0 : i32
        %dma_start3A_909 = arith.constant 0 : i32
        %dma_start3A_910 = tpu.memref_slice %arg3[%dma_start3A_908, %dma_start3A_909] : memref<10000x32xf32, #tpu.memory_space<hbm>> -> memref<10000x32xf32, #tpu.memory_space<hbm>>
        tpu.enqueue_indirect_dma source(%dma_start3A_910 : memref<10000x32xf32, #tpu.memory_space<hbm>>) target(%dma_start3A_904 : memref<125x32xf32, #tpu.memory_space<vmem>>) offsets(%dma_start3A_907 : memref<125xi32, #tpu.memory_space<vmem>>) semaphore(%arg18 : memref<!tpu.dma_semaphore, #tpu.memory_space<semaphore_mem>>)
      } else {
      }
    }
    %scan3A_137 = arith.constant 10 : i32
    %dma_wait3A_138 = arith.constant 0 : i32
    %dma_wait3A_139 = arith.constant 0 : i32
    %dma_wait3A_140 = arith.constant 0 : i32
    %dma_wait3A_141 = arith.constant 0 : i32
    %dma_wait3A_142 = tpu.memref_slice %arg8[%dma_wait3A_138, %dma_wait3A_140, %dma_wait3A_141] : memref<8x125x32xf32, #tpu.memory_space<vmem>> -> memref<1x125x32xf32, #tpu.memory_space<vmem>>
    %dma_wait3A_143 = tpu.memref_squeeze %dma_wait3A_142 : memref<1x125x32xf32, #tpu.memory_space<vmem>> -> memref<125x32xf32, #tpu.memory_space<vmem>>
    %dma_wait3A_144 = arith.constant 0 : i32
    %dma_wait3A_145 = tpu.memref_slice %arg7[%dma_wait3A_139, %dma_wait3A_144] : memref<80x125xi32, #tpu.memory_space<vmem>> -> memref<1x125xi32, #tpu.memory_space<vmem>>
    %dma_wait3A_146 = tpu.memref_squeeze %dma_wait3A_145 : memref<1x125xi32, #tpu.memory_space<vmem>> -> memref<125xi32, #tpu.memory_space<vmem>>
    %dma_wait3A_147 = arith.constant 0 : i32
    %dma_wait3A_148 = arith.constant 0 : i32
    %dma_wait3A_149 = tpu.memref_slice %arg9[%dma_wait3A_147, %dma_wait3A_148] : memref<10240x32xf32, #tpu.memory_space<vmem_shared>> -> memref<10240x32xf32, #tpu.memory_space<vmem_shared>>
    tpu.wait_indirect_dma semaphore(%arg19 : memref<!tpu.dma_semaphore, #tpu.memory_space<semaphore_mem>>) src(%dma_wait3A_143 : memref<125x32xf32, #tpu.memory_space<vmem>>) dst(%dma_wait3A_149 : memref<10240x32xf32, #tpu.memory_space<vmem_shared>>)
    %dma_wait3A_150 = arith.constant 1 : i32
    %dma_wait3A_151 = arith.constant 0 : i32
    %dma_wait3A_152 = arith.constant 0 : i32
    %dma_wait3A_153 = arith.constant 0 : i32
    %dma_wait3A_154 = tpu.memref_slice %arg8[%dma_wait3A_150, %dma_wait3A_152, %dma_wait3A_153] : memref<8x125x32xf32, #tpu.memory_space<vmem>> -> memref<1x125x32xf32, #tpu.memory_space<vmem>>
    %dma_wait3A_155 = tpu.memref_squeeze %dma_wait3A_154 : memref<1x125x32xf32, #tpu.memory_space<vmem>> -> memref<125x32xf32, #tpu.memory_space<vmem>>
    %dma_wait3A_156 = arith.constant 0 : i32
    %dma_wait3A_157 = tpu.memref_slice %arg7[%dma_wait3A_151, %dma_wait3A_156] : memref<80x125xi32, #tpu.memory_space<vmem>> -> memref<1x125xi32, #tpu.memory_space<vmem>>
    %dma_wait3A_158 = tpu.memref_squeeze %dma_wait3A_157 : memref<1x125xi32, #tpu.memory_space<vmem>> -> memref<125xi32, #tpu.memory_space<vmem>>
    %dma_wait3A_159 = arith.constant 0 : i32
    %dma_wait3A_160 = arith.constant 0 : i32
    %dma_wait3A_161 = tpu.memref_slice %arg9[%dma_wait3A_159, %dma_wait3A_160] : memref<10240x32xf32, #tpu.memory_space<vmem_shared>> -> memref<10240x32xf32, #tpu.memory_space<vmem_shared>>
    tpu.wait_indirect_dma semaphore(%arg20 : memref<!tpu.dma_semaphore, #tpu.memory_space<semaphore_mem>>) src(%dma_wait3A_155 : memref<125x32xf32, #tpu.memory_space<vmem>>) dst(%dma_wait3A_161 : memref<10240x32xf32, #tpu.memory_space<vmem_shared>>)
    %dma_wait3A_162 = arith.constant 2 : i32
    %dma_wait3A_163 = arith.constant 0 : i32
    %dma_wait3A_164 = arith.constant 0 : i32
    %dma_wait3A_165 = arith.constant 0 : i32
    %dma_wait3A_166 = tpu.memref_slice %arg8[%dma_wait3A_162, %dma_wait3A_164, %dma_wait3A_165] : memref<8x125x32xf32, #tpu.memory_space<vmem>> -> memref<1x125x32xf32, #tpu.memory_space<vmem>>
    %dma_wait3A_167 = tpu.memref_squeeze %dma_wait3A_166 : memref<1x125x32xf32, #tpu.memory_space<vmem>> -> memref<125x32xf32, #tpu.memory_space<vmem>>
    %dma_wait3A_168 = arith.constant 0 : i32
    %dma_wait3A_169 = tpu.memref_slice %arg7[%dma_wait3A_163, %dma_wait3A_168] : memref<80x125xi32, #tpu.memory_space<vmem>> -> memref<1x125xi32, #tpu.memory_space<vmem>>
    %dma_wait3A_170 = tpu.memref_squeeze %dma_wait3A_169 : memref<1x125xi32, #tpu.memory_space<vmem>> -> memref<125xi32, #tpu.memory_space<vmem>>
    %dma_wait3A_171 = arith.constant 0 : i32
    %dma_wait3A_172 = arith.constant 0 : i32
    %dma_wait3A_173 = tpu.memref_slice %arg9[%dma_wait3A_171, %dma_wait3A_172] : memref<10240x32xf32, #tpu.memory_space<vmem_shared>> -> memref<10240x32xf32, #tpu.memory_space<vmem_shared>>
    tpu.wait_indirect_dma semaphore(%arg21 : memref<!tpu.dma_semaphore, #tpu.memory_space<semaphore_mem>>) src(%dma_wait3A_167 : memref<125x32xf32, #tpu.memory_space<vmem>>) dst(%dma_wait3A_173 : memref<10240x32xf32, #tpu.memory_space<vmem_shared>>)
    %dma_wait3A_174 = arith.constant 3 : i32
    %dma_wait3A_175 = arith.constant 0 : i32
    %dma_wait3A_176 = arith.constant 0 : i32
    %dma_wait3A_177 = arith.constant 0 : i32
    %dma_wait3A_178 = tpu.memref_slice %arg8[%dma_wait3A_174, %dma_wait3A_176, %dma_wait3A_177] : memref<8x125x32xf32, #tpu.memory_space<vmem>> -> memref<1x125x32xf32, #tpu.memory_space<vmem>>
    %dma_wait3A_179 = tpu.memref_squeeze %dma_wait3A_178 : memref<1x125x32xf32, #tpu.memory_space<vmem>> -> memref<125x32xf32, #tpu.memory_space<vmem>>
    %dma_wait3A_180 = arith.constant 0 : i32
    %dma_wait3A_181 = tpu.memref_slice %arg7[%dma_wait3A_175, %dma_wait3A_180] : memref<80x125xi32, #tpu.memory_space<vmem>> -> memref<1x125xi32, #tpu.memory_space<vmem>>
    %dma_wait3A_182 = tpu.memref_squeeze %dma_wait3A_181 : memref<1x125xi32, #tpu.memory_space<vmem>> -> memref<125xi32, #tpu.memory_space<vmem>>
    %dma_wait3A_183 = arith.constant 0 : i32
    %dma_wait3A_184 = arith.constant 0 : i32
    %dma_wait3A_185 = tpu.memref_slice %arg9[%dma_wait3A_183, %dma_wait3A_184] : memref<10240x32xf32, #tpu.memory_space<vmem_shared>> -> memref<10240x32xf32, #tpu.memory_space<vmem_shared>>
    tpu.wait_indirect_dma semaphore(%arg22 : memref<!tpu.dma_semaphore, #tpu.memory_space<semaphore_mem>>) src(%dma_wait3A_179 : memref<125x32xf32, #tpu.memory_space<vmem>>) dst(%dma_wait3A_185 : memref<10240x32xf32, #tpu.memory_space<vmem_shared>>)
    %dma_wait3A_186 = arith.constant 4 : i32
    %dma_wait3A_187 = arith.constant 0 : i32
    %dma_wait3A_188 = arith.constant 0 : i32
    %dma_wait3A_189 = arith.constant 0 : i32
    %dma_wait3A_190 = tpu.memref_slice %arg8[%dma_wait3A_186, %dma_wait3A_188, %dma_wait3A_189] : memref<8x125x32xf32, #tpu.memory_space<vmem>> -> memref<1x125x32xf32, #tpu.memory_space<vmem>>
    %dma_wait3A_191 = tpu.memref_squeeze %dma_wait3A_190 : memref<1x125x32xf32, #tpu.memory_space<vmem>> -> memref<125x32xf32, #tpu.memory_space<vmem>>
    %dma_wait3A_192 = arith.constant 0 : i32
    %dma_wait3A_193 = tpu.memref_slice %arg7[%dma_wait3A_187, %dma_wait3A_192] : memref<80x125xi32, #tpu.memory_space<vmem>> -> memref<1x125xi32, #tpu.memory_space<vmem>>
    %dma_wait3A_194 = tpu.memref_squeeze %dma_wait3A_193 : memref<1x125xi32, #tpu.memory_space<vmem>> -> memref<125xi32, #tpu.memory_space<vmem>>
    %dma_wait3A_195 = arith.constant 0 : i32
    %dma_wait3A_196 = arith.constant 0 : i32
    %dma_wait3A_197 = tpu.memref_slice %arg9[%dma_wait3A_195, %dma_wait3A_196] : memref<10240x32xf32, #tpu.memory_space<vmem_shared>> -> memref<10240x32xf32, #tpu.memory_space<vmem_shared>>
    tpu.wait_indirect_dma semaphore(%arg23 : memref<!tpu.dma_semaphore, #tpu.memory_space<semaphore_mem>>) src(%dma_wait3A_191 : memref<125x32xf32, #tpu.memory_space<vmem>>) dst(%dma_wait3A_197 : memref<10240x32xf32, #tpu.memory_space<vmem_shared>>)
    %dma_wait3A_198 = arith.constant 5 : i32
    %dma_wait3A_199 = arith.constant 0 : i32
    %dma_wait3A_200 = arith.constant 0 : i32
    %dma_wait3A_201 = arith.constant 0 : i32
    %dma_wait3A_202 = tpu.memref_slice %arg8[%dma_wait3A_198, %dma_wait3A_200, %dma_wait3A_201] : memref<8x125x32xf32, #tpu.memory_space<vmem>> -> memref<1x125x32xf32, #tpu.memory_space<vmem>>
    %dma_wait3A_203 = tpu.memref_squeeze %dma_wait3A_202 : memref<1x125x32xf32, #tpu.memory_space<vmem>> -> memref<125x32xf32, #tpu.memory_space<vmem>>
    %dma_wait3A_204 = arith.constant 0 : i32
    %dma_wait3A_205 = tpu.memref_slice %arg7[%dma_wait3A_199, %dma_wait3A_204] : memref<80x125xi32, #tpu.memory_space<vmem>> -> memref<1x125xi32, #tpu.memory_space<vmem>>
    %dma_wait3A_206 = tpu.memref_squeeze %dma_wait3A_205 : memref<1x125xi32, #tpu.memory_space<vmem>> -> memref<125xi32, #tpu.memory_space<vmem>>
    %dma_wait3A_207 = arith.constant 0 : i32
    %dma_wait3A_208 = arith.constant 0 : i32
    %dma_wait3A_209 = tpu.memref_slice %arg9[%dma_wait3A_207, %dma_wait3A_208] : memref<10240x32xf32, #tpu.memory_space<vmem_shared>> -> memref<10240x32xf32, #tpu.memory_space<vmem_shared>>
    tpu.wait_indirect_dma semaphore(%arg24 : memref<!tpu.dma_semaphore, #tpu.memory_space<semaphore_mem>>) src(%dma_wait3A_203 : memref<125x32xf32, #tpu.memory_space<vmem>>) dst(%dma_wait3A_209 : memref<10240x32xf32, #tpu.memory_space<vmem_shared>>)
    %dma_wait3A_210 = arith.constant 6 : i32
    %dma_wait3A_211 = arith.constant 0 : i32
    %dma_wait3A_212 = arith.constant 0 : i32
    %dma_wait3A_213 = arith.constant 0 : i32
    %dma_wait3A_214 = tpu.memref_slice %arg8[%dma_wait3A_210, %dma_wait3A_212, %dma_wait3A_213] : memref<8x125x32xf32, #tpu.memory_space<vmem>> -> memref<1x125x32xf32, #tpu.memory_space<vmem>>
    %dma_wait3A_215 = tpu.memref_squeeze %dma_wait3A_214 : memref<1x125x32xf32, #tpu.memory_space<vmem>> -> memref<125x32xf32, #tpu.memory_space<vmem>>
    %dma_wait3A_216 = arith.constant 0 : i32
    %dma_wait3A_217 = tpu.memref_slice %arg7[%dma_wait3A_211, %dma_wait3A_216] : memref<80x125xi32, #tpu.memory_space<vmem>> -> memref<1x125xi32, #tpu.memory_space<vmem>>
    %dma_wait3A_218 = tpu.memref_squeeze %dma_wait3A_217 : memref<1x125xi32, #tpu.memory_space<vmem>> -> memref<125xi32, #tpu.memory_space<vmem>>
    %dma_wait3A_219 = arith.constant 0 : i32
    %dma_wait3A_220 = arith.constant 0 : i32
    %dma_wait3A_221 = tpu.memref_slice %arg9[%dma_wait3A_219, %dma_wait3A_220] : memref<10240x32xf32, #tpu.memory_space<vmem_shared>> -> memref<10240x32xf32, #tpu.memory_space<vmem_shared>>
    tpu.wait_indirect_dma semaphore(%arg25 : memref<!tpu.dma_semaphore, #tpu.memory_space<semaphore_mem>>) src(%dma_wait3A_215 : memref<125x32xf32, #tpu.memory_space<vmem>>) dst(%dma_wait3A_221 : memref<10240x32xf32, #tpu.memory_space<vmem_shared>>)
    %dma_wait3A_222 = arith.constant 7 : i32
    %dma_wait3A_223 = arith.constant 0 : i32
    %dma_wait3A_224 = arith.constant 0 : i32
    %dma_wait3A_225 = arith.constant 0 : i32
    %dma_wait3A_226 = tpu.memref_slice %arg8[%dma_wait3A_222, %dma_wait3A_224, %dma_wait3A_225] : memref<8x125x32xf32, #tpu.memory_space<vmem>> -> memref<1x125x32xf32, #tpu.memory_space<vmem>>
    %dma_wait3A_227 = tpu.memref_squeeze %dma_wait3A_226 : memref<1x125x32xf32, #tpu.memory_space<vmem>> -> memref<125x32xf32, #tpu.memory_space<vmem>>
    %dma_wait3A_228 = arith.constant 0 : i32
    %dma_wait3A_229 = tpu.memref_slice %arg7[%dma_wait3A_223, %dma_wait3A_228] : memref<80x125xi32, #tpu.memory_space<vmem>> -> memref<1x125xi32, #tpu.memory_space<vmem>>
    %dma_wait3A_230 = tpu.memref_squeeze %dma_wait3A_229 : memref<1x125xi32, #tpu.memory_space<vmem>> -> memref<125xi32, #tpu.memory_space<vmem>>
    %dma_wait3A_231 = arith.constant 0 : i32
    %dma_wait3A_232 = arith.constant 0 : i32
    %dma_wait3A_233 = tpu.memref_slice %arg9[%dma_wait3A_231, %dma_wait3A_232] : memref<10240x32xf32, #tpu.memory_space<vmem_shared>> -> memref<10240x32xf32, #tpu.memory_space<vmem_shared>>
    tpu.wait_indirect_dma semaphore(%arg26 : memref<!tpu.dma_semaphore, #tpu.memory_space<semaphore_mem>>) src(%dma_wait3A_227 : memref<125x32xf32, #tpu.memory_space<vmem>>) dst(%dma_wait3A_233 : memref<10240x32xf32, #tpu.memory_space<vmem_shared>>)
    %barrier3A_234 = arith.constant 0 : index
    tpu.barrier barrier_id(%barrier3A_234)
    %mul3A_235 = arith.constant 640 : i32
    %mul3A_236 = arith.muli %arg1, %mul3A_235 : i32
    "tpu.region"() ({
      %run_scoped3A = tpu.sem_alloc : memref<!tpu.dma_semaphore, #tpu.memory_space<semaphore_mem>>
      %dma_start3A_237 = arith.constant 0 : i32
      %dma_start3A_238 = arith.constant 0 : i32
      %dma_start3A_239 = tpu.memref_slice %arg5[%arg0, %arg1, %dma_start3A_237, %dma_start3A_238] : memref<2x16x640x32xf32, #tpu.memory_space<hbm>> -> memref<1x1x640x32xf32, #tpu.memory_space<hbm>>
      %dma_start3A_240 = tpu.memref_squeeze %dma_start3A_239 : memref<1x1x640x32xf32, #tpu.memory_space<hbm>> -> memref<640x32xf32, #tpu.memory_space<hbm>>
      %dma_start3A_241 = arith.constant 0 : i32
      %dma_start3A_242 = tpu.memref_slice %arg9[%mul3A_236, %dma_start3A_241] : memref<10240x32xf32, #tpu.memory_space<vmem_shared>> -> memref<640x32xf32, #tpu.memory_space<vmem_shared>>
      tpu.enqueue_dma source(%dma_start3A_242 : memref<640x32xf32, #tpu.memory_space<vmem_shared>>) target(%dma_start3A_240 : memref<640x32xf32, #tpu.memory_space<hbm>>) target_semaphore(%run_scoped3A : memref<!tpu.dma_semaphore, #tpu.memory_space<semaphore_mem>>)
      %dma_wait3A_243 = arith.constant 0 : i32
      %dma_wait3A_244 = arith.constant 0 : i32
      %dma_wait3A_245 = tpu.memref_slice %arg5[%arg0, %arg1, %dma_wait3A_243, %dma_wait3A_244] : memref<2x16x640x32xf32, #tpu.memory_space<hbm>> -> memref<1x1x640x32xf32, #tpu.memory_space<hbm>>
      %dma_wait3A_246 = tpu.memref_squeeze %dma_wait3A_245 : memref<1x1x640x32xf32, #tpu.memory_space<hbm>> -> memref<640x32xf32, #tpu.memory_space<hbm>>
      %dma_wait3A_247 = arith.constant 0 : i32
      %dma_wait3A_248 = tpu.memref_slice %arg9[%mul3A_236, %dma_wait3A_247] : memref<10240x32xf32, #tpu.memory_space<vmem_shared>> -> memref<640x32xf32, #tpu.memory_space<vmem_shared>>
      tpu.wait_dma2 semaphore(%run_scoped3A : memref<!tpu.dma_semaphore, #tpu.memory_space<semaphore_mem>>) src(%dma_wait3A_248 : memref<640x32xf32, #tpu.memory_space<vmem_shared>>) dst(%dma_wait3A_246 : memref<640x32xf32, #tpu.memory_space<hbm>>)
      tpu.yield
    }) : () -> ()
    return
  }
}

module attributes {stable_mosaic.version = 14 : i64} {
  func.func @_enc1_body(%arg0: i32, %arg1: memref<5000x128xf32, #tpu.memory_space<vmem>>, %arg2: memref<128x32xf32, #tpu.memory_space<vmem>>, %arg3: memref<5000x32xf32, #tpu.memory_space<vmem>>, %arg4: memref<5000x32xf32, #tpu.memory_space<vmem>>) attributes {dimension_semantics = [#tpu.dimension_semantics<arbitrary>], iteration_bounds = array<i64: 2>, scalar_prefetch = 0 : i64, scratch_operands = 0 : i64, tpu.core_type = #tpu.core_type<tc>, window_params = [{transform_indices = @transform_0, window_bounds = array<i64: 5000, 128>}, {pipeline_mode = #tpu.pipeline_mode<synchronous>, transform_indices = @transform_1, window_bounds = array<i64: 128, 32>}, {transform_indices = @transform_2, window_bounds = array<i64: 5000, 32>}, {transform_indices = @transform_3, window_bounds = array<i64: 5000, 32>}]} {
    %get3A = arith.constant 0 : index
    %get3A_0 = arith.constant 0 : index
    %get3A_1 = vector.load %arg1[%get3A, %get3A_0] : memref<5000x128xf32, #tpu.memory_space<vmem>>, vector<5000x128xf32>
    %get3A_2 = arith.constant 0 : index
    %get3A_3 = arith.constant 0 : index
    %get3A_4 = vector.load %arg2[%get3A_2, %get3A_3] : memref<128x32xf32, #tpu.memory_space<vmem>>, vector<128x32xf32>
    %dot_general3A = arith.constant dense<0.000000e+00> : vector<5000x32xf32>
    %dot_general3A_5 = tpu.matmul %get3A_1, %get3A_4, %dot_general3A {dimension_numbers = #tpu.dot_dimension_numbers<[1], [0], [0], [1], [0, 0, 1, 1], [], []>, transpose_lhs_hint = false} : vector<5000x128xf32>, vector<128x32xf32>, vector<5000x32xf32> -> vector<5000x32xf32>
    %get3A_6 = arith.constant 0 : index
    %get3A_7 = arith.constant 0 : index
    %get3A_8 = vector.load %arg3[%get3A_6, %get3A_7] : memref<5000x32xf32, #tpu.memory_space<vmem>>, vector<5000x32xf32>
    %mul3A = arith.mulf %dot_general3A_5, %get3A_8 : vector<5000x32xf32>
    %swap3A = arith.constant 0 : index
    %swap3A_9 = arith.constant 0 : index
    %swap3A_10 = vector.load %arg4[%swap3A, %swap3A_9] : memref<5000x32xf32, #tpu.memory_space<vmem>>, vector<5000x32xf32>
    tpu.vector_store %arg4[%swap3A, %swap3A_9], %mul3A {strides = array<i32>} : memref<5000x32xf32, #tpu.memory_space<vmem>>, vector<5000x32xf32>,
    return
  }
  func.func @transform_0(%arg0: i32) -> (i32, i32) {
    %c0_i32 = arith.constant 0 : i32
    %c0_i32_0 = arith.constant 0 : i32
    return %arg0, %c0_i32 : i32, i32
  }
  func.func @transform_1(%arg0: i32) -> (i32, i32) {
    %c0_i32 = arith.constant 0 : i32
    %c0_i32_0 = arith.constant 0 : i32
    %c0_i32_1 = arith.constant 0 : i32
    return %c0_i32, %c0_i32_0 : i32, i32
  }
  func.func @transform_2(%arg0: i32) -> (i32, i32) {
    %c0_i32 = arith.constant 0 : i32
    %c0_i32_0 = arith.constant 0 : i32
    return %arg0, %c0_i32 : i32, i32
  }
  func.func @transform_3(%arg0: i32) -> (i32, i32) {
    %c0_i32 = arith.constant 0 : i32
    %c0_i32_0 = arith.constant 0 : i32
    return %arg0, %c0_i32 : i32, i32
  }
}

module attributes {stable_mosaic.version = 14 : i64} {
  func.func @_enc2_body(%arg0: i32, %arg1: memref<5000x32xf32, #tpu.memory_space<vmem>>, %arg2: memref<5000x32xf32, #tpu.memory_space<vmem>>, %arg3: memref<5000x32xf32, #tpu.memory_space<vmem>>, %arg4: memref<5000x32xf32, #tpu.memory_space<vmem>>, %arg5: memref<1x32xf32, #tpu.memory_space<vmem>>, %arg6: memref<5000x32xf32, #tpu.memory_space<vmem>>) attributes {dimension_semantics = [#tpu.dimension_semantics<arbitrary>], iteration_bounds = array<i64: 2>, scalar_prefetch = 0 : i64, scratch_operands = 0 : i64, tpu.core_type = #tpu.core_type<tc>, window_params = [{transform_indices = @transform_0, window_bounds = array<i64: 5000, 32>}, {transform_indices = @transform_1, window_bounds = array<i64: 5000, 32>}, {transform_indices = @transform_2, window_bounds = array<i64: 5000, 32>}, {transform_indices = @transform_3, window_bounds = array<i64: 5000, 32>}, {pipeline_mode = #tpu.pipeline_mode<synchronous>, transform_indices = @transform_4, window_bounds = array<i64: 1, 32>}, {transform_indices = @transform_5, window_bounds = array<i64: 5000, 32>}]} {
    %get3A = arith.constant 0 : index
    %get3A_0 = arith.constant 0 : index
    %get3A_1 = vector.load %arg4[%get3A, %get3A_0] : memref<5000x32xf32, #tpu.memory_space<vmem>>, vector<5000x32xf32>
    %get3A_2 = arith.constant 0 : index
    %get3A_3 = arith.constant 0 : index
    %get3A_4 = vector.load %arg1[%get3A_2, %get3A_3] : memref<5000x32xf32, #tpu.memory_space<vmem>>, vector<5000x32xf32>
    %get3A_5 = arith.constant 0 : index
    %get3A_6 = arith.constant 0 : index
    %get3A_7 = vector.load %arg2[%get3A_5, %get3A_6] : memref<5000x32xf32, #tpu.memory_space<vmem>>, vector<5000x32xf32>
    %add3A = arith.addf %get3A_4, %get3A_7 : vector<5000x32xf32>
    %get3A_8 = arith.constant 0 : index
    %get3A_9 = arith.constant 0 : index
    %get3A_10 = vector.load %arg3[%get3A_8, %get3A_9] : memref<5000x32xf32, #tpu.memory_space<vmem>>, vector<5000x32xf32>
    %add3A_11 = arith.addf %add3A, %get3A_10 : vector<5000x32xf32>
    %mul3A = arith.mulf %add3A_11, %get3A_1 : vector<5000x32xf32>
    %get3A_12 = arith.constant 0 : index
    %get3A_13 = arith.constant 0 : index
    %get3A_14 = vector.load %arg5[%get3A_12, %get3A_13] : memref<1x32xf32, #tpu.memory_space<vmem>>, vector<1x32xf32>
    %add3A_15 = vector.broadcast %get3A_14 : vector<1x32xf32> to vector<5000x32xf32>
    %add3A_16 = arith.addf %mul3A, %add3A_15 : vector<5000x32xf32>
    %max3A = arith.constant 0.000000e+00 : f32
    %max3A_17 = vector.broadcast %max3A : f32 to vector<5000x32xf32>
    %max3A_18 = arith.maximumf %add3A_16, %max3A_17 : vector<5000x32xf32>
    %mul3A_19 = arith.mulf %max3A_18, %get3A_1 : vector<5000x32xf32>
    %swap3A = arith.constant 0 : index
    %swap3A_20 = arith.constant 0 : index
    %swap3A_21 = vector.load %arg6[%swap3A, %swap3A_20] : memref<5000x32xf32, #tpu.memory_space<vmem>>, vector<5000x32xf32>
    tpu.vector_store %arg6[%swap3A, %swap3A_20], %mul3A_19 {strides = array<i32>} : memref<5000x32xf32, #tpu.memory_space<vmem>>, vector<5000x32xf32>,
    return
  }
  func.func @transform_0(%arg0: i32) -> (i32, i32) {
    %c0_i32 = arith.constant 0 : i32
    %c0_i32_0 = arith.constant 0 : i32
    return %arg0, %c0_i32 : i32, i32
  }
  func.func @transform_1(%arg0: i32) -> (i32, i32) {
    %c0_i32 = arith.constant 0 : i32
    %c0_i32_0 = arith.constant 0 : i32
    return %arg0, %c0_i32 : i32, i32
  }
  func.func @transform_2(%arg0: i32) -> (i32, i32) {
    %c0_i32 = arith.constant 0 : i32
    %c0_i32_0 = arith.constant 0 : i32
    return %arg0, %c0_i32 : i32, i32
  }
  func.func @transform_3(%arg0: i32) -> (i32, i32) {
    %c0_i32 = arith.constant 0 : i32
    %c0_i32_0 = arith.constant 0 : i32
    return %arg0, %c0_i32 : i32, i32
  }
  func.func @transform_4(%arg0: i32) -> (i32, i32) {
    %c0_i32 = arith.constant 0 : i32
    %c0_i32_0 = arith.constant 0 : i32
    %c0_i32_1 = arith.constant 0 : i32
    return %c0_i32, %c0_i32_0 : i32, i32
  }
  func.func @transform_5(%arg0: i32) -> (i32, i32) {
    %c0_i32 = arith.constant 0 : i32
    %c0_i32_0 = arith.constant 0 : i32
    return %arg0, %c0_i32 : i32, i32
  }
}

module attributes {stable_mosaic.version = 14 : i64} {
  func.func @_enc3_body(%arg0: i32, %arg1: memref<5000x32xf32, #tpu.memory_space<vmem>>, %arg2: memref<5000x32xf32, #tpu.memory_space<vmem>>, %arg3: memref<5000x32xf32, #tpu.memory_space<vmem>>, %arg4: memref<5000x32xf32, #tpu.memory_space<vmem>>, %arg5: memref<32x64xf32, #tpu.memory_space<vmem>>, %arg6: memref<1x64xf32, #tpu.memory_space<vmem>>, %arg7: memref<32x1xf32, #tpu.memory_space<vmem>>, %arg8: memref<1x1xf32, #tpu.memory_space<vmem>>, %arg9: memref<5000x64xf32, #tpu.memory_space<vmem>>, %arg10: memref<5000x64xf32, #tpu.memory_space<vmem>>, %arg11: memref<5000x1xf32, #tpu.memory_space<vmem>>, %arg12: memref<5000x64xf32, #tpu.memory_space<vmem>>) attributes {dimension_semantics = [#tpu.dimension_semantics<arbitrary>], iteration_bounds = array<i64: 2>, scalar_prefetch = 0 : i64, scratch_operands = 0 : i64, tpu.core_type = #tpu.core_type<tc>, window_params = [{transform_indices = @transform_0, window_bounds = array<i64: 5000, 32>}, {transform_indices = @transform_1, window_bounds = array<i64: 5000, 32>}, {transform_indices = @transform_2, window_bounds = array<i64: 5000, 32>}, {transform_indices = @transform_3, window_bounds = array<i64: 5000, 32>}, {pipeline_mode = #tpu.pipeline_mode<synchronous>, transform_indices = @transform_4, window_bounds = array<i64: 32, 64>}, {pipeline_mode = #tpu.pipeline_mode<synchronous>, transform_indices = @transform_5, window_bounds = array<i64: 1, 64>}, {pipeline_mode = #tpu.pipeline_mode<synchronous>, transform_indices = @transform_6, window_bounds = array<i64: 32, 1>}, {pipeline_mode = #tpu.pipeline_mode<synchronous>, transform_indices = @transform_7, window_bounds = array<i64: 1, 1>}, {transform_indices = @transform_8, window_bounds = array<i64: 5000, 64>}, {transform_indices = @transform_9, window_bounds = array<i64: 5000, 64>}, {transform_indices = @transform_10, window_bounds = array<i64: 5000, 1>}, {transform_indices = @transform_11, window_bounds = array<i64: 5000, 64>}]} {
    %get3A = arith.constant 0 : index
    %get3A_0 = arith.constant 0 : index
    %get3A_1 = vector.load %arg1[%get3A, %get3A_0] : memref<5000x32xf32, #tpu.memory_space<vmem>>, vector<5000x32xf32>
    %get3A_2 = arith.constant 0 : index
    %get3A_3 = arith.constant 0 : index
    %get3A_4 = vector.load %arg2[%get3A_2, %get3A_3] : memref<5000x32xf32, #tpu.memory_space<vmem>>, vector<5000x32xf32>
    %add3A = arith.addf %get3A_1, %get3A_4 : vector<5000x32xf32>
    %get3A_5 = arith.constant 0 : index
    %get3A_6 = arith.constant 0 : index
    %get3A_7 = vector.load %arg3[%get3A_5, %get3A_6] : memref<5000x32xf32, #tpu.memory_space<vmem>>, vector<5000x32xf32>
    %add3A_8 = arith.addf %add3A, %get3A_7 : vector<5000x32xf32>
    %get3A_9 = arith.constant 0 : index
    %get3A_10 = arith.constant 0 : index
    %get3A_11 = vector.load %arg4[%get3A_9, %get3A_10] : memref<5000x32xf32, #tpu.memory_space<vmem>>, vector<5000x32xf32>
    %mul3A = arith.mulf %add3A_8, %get3A_11 : vector<5000x32xf32>
    %get3A_12 = arith.constant 0 : index
    %get3A_13 = arith.constant 0 : index
    %get3A_14 = vector.load %arg5[%get3A_12, %get3A_13] : memref<32x64xf32, #tpu.memory_space<vmem>>, vector<32x64xf32>
    %dot_general3A = arith.constant dense<0.000000e+00> : vector<5000x64xf32>
    %dot_general3A_15 = tpu.matmul %mul3A, %get3A_14, %dot_general3A {dimension_numbers = #tpu.dot_dimension_numbers<[1], [0], [0], [1], [0, 0, 1, 1], [], []>, transpose_lhs_hint = false} : vector<5000x32xf32>, vector<32x64xf32>, vector<5000x64xf32> -> vector<5000x64xf32>
    %get3A_16 = arith.constant 0 : index
    %get3A_17 = arith.constant 0 : index
    %get3A_18 = vector.load %arg6[%get3A_16, %get3A_17] : memref<1x64xf32, #tpu.memory_space<vmem>>, vector<1x64xf32>
    %add3A_19 = vector.broadcast %get3A_18 : vector<1x64xf32> to vector<5000x64xf32>
    %add3A_20 = arith.addf %dot_general3A_15, %add3A_19 : vector<5000x64xf32>
    %get3A_21 = arith.constant 0 : index
    %get3A_22 = arith.constant 0 : index
    %get3A_23 = vector.load %arg7[%get3A_21, %get3A_22] : memref<32x1xf32, #tpu.memory_space<vmem>>, vector<32x1xf32>
    %dot_general3A_24 = arith.constant dense<0.000000e+00> : vector<5000x1xf32>
    %dot_general3A_25 = tpu.matmul %mul3A, %get3A_23, %dot_general3A_24 {dimension_numbers = #tpu.dot_dimension_numbers<[1], [0], [0], [1], [0, 0, 1, 1], [], []>, transpose_lhs_hint = false} : vector<5000x32xf32>, vector<32x1xf32>, vector<5000x1xf32> -> vector<5000x1xf32>
    %get3A_26 = arith.constant 0 : index
    %get3A_27 = arith.constant 0 : index
    %get3A_28 = vector.load %arg8[%get3A_26, %get3A_27] : memref<1x1xf32, #tpu.memory_space<vmem>>, vector<1x1xf32>
    %add3A_29 = vector.broadcast %get3A_28 : vector<1x1xf32> to vector<5000x1xf32>
    %add3A_30 = arith.addf %dot_general3A_25, %add3A_29 : vector<5000x1xf32>
    %swap3A = arith.constant 0 : index
    %swap3A_31 = arith.constant 0 : index
    %swap3A_32 = vector.load %arg10[%swap3A, %swap3A_31] : memref<5000x64xf32, #tpu.memory_space<vmem>>, vector<5000x64xf32>
    tpu.vector_store %arg10[%swap3A, %swap3A_31], %add3A_20 {strides = array<i32>} : memref<5000x64xf32, #tpu.memory_space<vmem>>, vector<5000x64xf32>,
    %swap3A_33 = arith.constant 0 : index
    %swap3A_34 = arith.constant 0 : index
    %swap3A_35 = vector.load %arg11[%swap3A_33, %swap3A_34] : memref<5000x1xf32, #tpu.memory_space<vmem>>, vector<5000x1xf32>
    tpu.vector_store %arg11[%swap3A_33, %swap3A_34], %add3A_30 {strides = array<i32>} : memref<5000x1xf32, #tpu.memory_space<vmem>>, vector<5000x1xf32>,
    %mul3A_36 = arith.constant 5.000000e-01 : f32
    %mul3A_37 = vector.broadcast %mul3A_36 : f32 to vector<5000x1xf32>
    %mul3A_38 = arith.mulf %mul3A_37, %add3A_30 : vector<5000x1xf32>
    %exp3A = math.exp %mul3A_38 : vector<5000x1xf32>
    %get3A_39 = arith.constant 0 : index
    %get3A_40 = arith.constant 0 : index
    %get3A_41 = vector.load %arg9[%get3A_39, %get3A_40] : memref<5000x64xf32, #tpu.memory_space<vmem>>, vector<5000x64xf32>
    %mul3A_42 = vector.broadcast %exp3A : vector<5000x1xf32> to vector<5000x64xf32>
    %mul3A_43 = arith.mulf %mul3A_42, %get3A_41 : vector<5000x64xf32>
    %add3A_44 = arith.addf %add3A_20, %mul3A_43 : vector<5000x64xf32>
    %swap3A_45 = arith.constant 0 : index
    %swap3A_46 = arith.constant 0 : index
    %swap3A_47 = vector.load %arg12[%swap3A_45, %swap3A_46] : memref<5000x64xf32, #tpu.memory_space<vmem>>, vector<5000x64xf32>
    tpu.vector_store %arg12[%swap3A_45, %swap3A_46], %add3A_44 {strides = array<i32>} : memref<5000x64xf32, #tpu.memory_space<vmem>>, vector<5000x64xf32>,
    return
  }
  func.func @transform_0(%arg0: i32) -> (i32, i32) {
    %c0_i32 = arith.constant 0 : i32
    %c0_i32_0 = arith.constant 0 : i32
    return %arg0, %c0_i32 : i32, i32
  }
  func.func @transform_1(%arg0: i32) -> (i32, i32) {
    %c0_i32 = arith.constant 0 : i32
    %c0_i32_0 = arith.constant 0 : i32
    return %arg0, %c0_i32 : i32, i32
  }
  func.func @transform_2(%arg0: i32) -> (i32, i32) {
    %c0_i32 = arith.constant 0 : i32
    %c0_i32_0 = arith.constant 0 : i32
    return %arg0, %c0_i32 : i32, i32
  }
  func.func @transform_3(%arg0: i32) -> (i32, i32) {
    %c0_i32 = arith.constant 0 : i32
    %c0_i32_0 = arith.constant 0 : i32
    return %arg0, %c0_i32 : i32, i32
  }
  func.func @transform_4(%arg0: i32) -> (i32, i32) {
    %c0_i32 = arith.constant 0 : i32
    %c0_i32_0 = arith.constant 0 : i32
    %c0_i32_1 = arith.constant 0 : i32
    return %c0_i32, %c0_i32_0 : i32, i32
  }
  func.func @transform_5(%arg0: i32) -> (i32, i32) {
    %c0_i32 = arith.constant 0 : i32
    %c0_i32_0 = arith.constant 0 : i32
    %c0_i32_1 = arith.constant 0 : i32
    return %c0_i32, %c0_i32_0 : i32, i32
  }
  func.func @transform_6(%arg0: i32) -> (i32, i32) {
    %c0_i32 = arith.constant 0 : i32
    %c0_i32_0 = arith.constant 0 : i32
    %c0_i32_1 = arith.constant 0 : i32
    return %c0_i32, %c0_i32_0 : i32, i32
  }
  func.func @transform_7(%arg0: i32) -> (i32, i32) {
    %c0_i32 = arith.constant 0 : i32
    %c0_i32_0 = arith.constant 0 : i32
    %c0_i32_1 = arith.constant 0 : i32
    return %c0_i32, %c0_i32_0 : i32, i32
  }
  func.func @transform_8(%arg0: i32) -> (i32, i32) {
    %c0_i32 = arith.constant 0 : i32
    %c0_i32_0 = arith.constant 0 : i32
    return %arg0, %c0_i32 : i32, i32
  }
  func.func @transform_9(%arg0: i32) -> (i32, i32) {
    %c0_i32 = arith.constant 0 : i32
    %c0_i32_0 = arith.constant 0 : i32
    return %arg0, %c0_i32 : i32, i32
  }
  func.func @transform_10(%arg0: i32) -> (i32, i32) {
    %c0_i32 = arith.constant 0 : i32
    %c0_i32_0 = arith.constant 0 : i32
    return %arg0, %c0_i32 : i32, i32
  }
  func.func @transform_11(%arg0: i32) -> (i32, i32) {
    %c0_i32 = arith.constant 0 : i32
    %c0_i32_0 = arith.constant 0 : i32
    return %arg0, %c0_i32 : i32, i32
  }
}

module attributes {stable_mosaic.version = 14 : i64} {
  func.func @_zzt_body(%arg0: i32, %arg1: memref<200x64xf32, #tpu.memory_space<vmem>>, %arg2: memref<64x10000xf32, #tpu.memory_space<vmem>>, %arg3: memref<200x10000xf32, #tpu.memory_space<vmem>>) attributes {dimension_semantics = [#tpu.dimension_semantics<arbitrary>], iteration_bounds = array<i64: 50>, scalar_prefetch = 0 : i64, scratch_operands = 0 : i64, tpu.core_type = #tpu.core_type<tc>, window_params = [{transform_indices = @transform_0, window_bounds = array<i64: 200, 64>}, {pipeline_mode = #tpu.pipeline_mode<synchronous>, transform_indices = @transform_1, window_bounds = array<i64: 64, 10000>}, {transform_indices = @transform_2, window_bounds = array<i64: 200, 10000>}]} {
    %get3A = arith.constant 0 : index
    %get3A_0 = arith.constant 0 : index
    %get3A_1 = vector.load %arg1[%get3A, %get3A_0] : memref<200x64xf32, #tpu.memory_space<vmem>>, vector<200x64xf32>
    %get3A_2 = arith.constant 0 : index
    %get3A_3 = arith.constant 0 : index
    %get3A_4 = vector.load %arg2[%get3A_2, %get3A_3] : memref<64x10000xf32, #tpu.memory_space<vmem>>, vector<64x10000xf32>
    %dot_general3A = arith.constant dense<0.000000e+00> : vector<200x10000xf32>
    %dot_general3A_5 = tpu.matmul %get3A_1, %get3A_4, %dot_general3A {dimension_numbers = #tpu.dot_dimension_numbers<[1], [0], [0], [1], [0, 0, 1, 1], [], []>, transpose_lhs_hint = false} : vector<200x64xf32>, vector<64x10000xf32>, vector<200x10000xf32> -> vector<200x10000xf32>
    %swap3A = arith.constant 0 : index
    %swap3A_6 = arith.constant 0 : index
    %swap3A_7 = vector.load %arg3[%swap3A, %swap3A_6] : memref<200x10000xf32, #tpu.memory_space<vmem>>, vector<200x10000xf32>
    tpu.vector_store %arg3[%swap3A, %swap3A_6], %dot_general3A_5 {strides = array<i32>} : memref<200x10000xf32, #tpu.memory_space<vmem>>, vector<200x10000xf32>,
    return
  }
  func.func @transform_0(%arg0: i32) -> (i32, i32) {
    %c0_i32 = arith.constant 0 : i32
    %c0_i32_0 = arith.constant 0 : i32
    return %arg0, %c0_i32 : i32, i32
  }
  func.func @transform_1(%arg0: i32) -> (i32, i32) {
    %c0_i32 = arith.constant 0 : i32
    %c0_i32_0 = arith.constant 0 : i32
    %c0_i32_1 = arith.constant 0 : i32
    return %c0_i32, %c0_i32_0 : i32, i32
  }
  func.func @transform_2(%arg0: i32) -> (i32, i32) {
    %c0_i32 = arith.constant 0 : i32
    %c0_i32_0 = arith.constant 0 : i32
    return %arg0, %c0_i32 : i32, i32
  }
}

</mosaic_0001>

<sc_bundles>
// kernel: kernel.12.cloned.1.call-start
scs
__scs_entry_jumppad:
0x0: {  	(pc) =	sbr.rel $0x88, $3  }
0x1: {  	(tag) =	ssettag $0x0;
	lr =	simm.s32 $0x1  }
0x2: {  	[smem:$0x3F99] =	sst lr;
	_ =	strace $0xD0000000  }
0x3: {  	_ = 	snop  }
0x4: {  	_ = 	snop  }
0x5: {  	_ = 	snop  }
0x6: {  	_ = 	snop  }
0x7: {  	_ = 	snop  }
__scs_overlays_trampoline_lowered:
0x8: {  	[smem:$0x3FA8] =	sst s0  }
0x9: {  	[smem:$0x3FA9] =	sst s1  }
0xa: {  	[smem:$0x3FAA] =	sst s2  }
0xb: {  	[smem:$0x3FAB] =	sst s3  }
0xc: {  	[smem:$0x3FAC] =	sst s4  }
0xd: {  	[smem:$0x3FAD] =	sst s5  }
0xe: {  	[smem:$0x3FAE] =	sst s6  }
0xf: {  	[smem:$0x3FAF] =	sst s7  }
0x10: {  	[smem:$0x3FB0] =	sst s8  }
0x11: {  	[smem:$0x3FB1] =	sst s9;
	s0 =	simm.s32 @!p0 $0x0  }
0x12: {  	s1 =	sld [smem:$0x3F97];
	s0 =	simm.s32 @p0 $0x1  }
0x13: {  	[smem:$0x3FB2] =	sst s0;
	s0 =	simm.s32 @!p1 $0x0  }
0x14: {  	s2 =	sld [smem:$0x3F96];
	s0 =	simm.s32 @p1 $0x1  }
0x15: {  	[smem:$0x3FB3] =	sst s0;
	s0 =	simm.s32 @!p2 $0x0  }
0x16: {  	s3 =	sld [smem:$0x3FDB];
	s0 =	simm.s32 @p2 $0x1  }
0x17: {  	s4 =	simm.s32 $0x1BF5;
	[smem:$0x3FB5] =	sst s0  }
0x18: {  	s0 =	sld [smem:$0x3F98];
	_ =	swait.ge [sflag:s4], $0x0  }
0x19: {  	s7 =	sld [smem:$0x3F99]  }
0x1a: {  	s8 =	sadd.s32 $0xFFFFE003, lr  }
0x1b: {  	s9 =	sadd.s32 $0xFFFFFEF7, lr;
	s5 =	simm.s32 $0xFFFFFFFF;
	p2 =	slt.u32 s8, $0xFFFFF086  }
0x1c: {  	p1 =	slt.u32 s9, $0xF7A;
	s5 =	simm.s32 @!p2 $0x0  }
0x1d: {  	s5 =	simm.s32 @p1 $0x1;
	p0 =	seq.s32 s7, s2  }
0x1e: {  	s7 =	smul.u32 @!p0 $0xF7A, s2;
	p2 =	seq.s32 @!p0 s5, $0x0  }
0x1f: {  	s9 =	smul.u32 $0xF7A, s1;
	s8 =	simm.s32 @!p0 $0x1BF5;
	p2 =	por !p2, p0  }
0x20: {  	[sflag:s8] =	ssyncset.s32 @!p0 $0xFFFFF086;
	s6 =	sadd.s32 @!p0 s3, s7;
	s7 =	simm.s32 @!p0 $0x108  }
0x21: {  	s3 =	sadd.s32 s3, s9;
	s6 =	sadd.s32 @!p0 $0x88, s6;
	s7 =	simm.s32 @p2 $0x1082  }
0x22: {  	[simem:s7], [sflag:s8] =	dma.local @!p0 [hbm:s6], $0xF7A  }
0x23: {  	s9 =	sor.u32 $0xD0000000, s2;
	s6 =	simm.s32 $0x108;
	_ =	swait.ge @!p0 [sflag:s8], $0x0  }
0x24: {  	s3 =	sadd.s32 $0x88, s3;
	s6 =	simm.s32 @!p1 $0x1082;
	[sflag:s4] =	ssyncset.s32 $0xFFFFF086  }
0x25: {  	[simem:s6], [sflag:s4] =	dma.local [hbm:s3], $0xF7A  }
0x26: {  	[smem:$0x3F99] =	sst s1;
	(tag) =	ssettag s2;
	_ =	strace s9  }
0x27: {  	s1 =	sld [smem:$0x3FA9]  }
0x28: {  	s2 =	sld [smem:$0x3FAA]  }
0x29: {  	s4 =	sld [smem:$0x3FAC]  }
0x2a: {  	p0 =	seq.s32 s5, $0x0;
	s5 =	sld [smem:$0x3FAD]  }
0x2b: {  	s6 =	sld [smem:$0x3FAE]  }
0x2c: {  	s7 =	sld [smem:$0x3FAF]  }
0x2d: {  	s3 =	simm.s32 $0x108;
	s8 =	sld [smem:$0x3FB0]  }
0x2e: {  	s3 =	simm.s32 @!p0 $0x1082;
	s9 =	sld [smem:$0x3FB1]  }
0x2f: {  	lr =	sadd.s32 s0, s3;
	s0 =	sld [smem:$0x3FA8]  }
0x30: {  	s3 =	sld [smem:$0x3FAB]  }
0x31: {  	[smem:$0x3FB4] =	sst s10  }
0x32: {  	s10 =	sld [smem:$0x3FB2];
	_ =	sdelay $0x3  }
0x33: {  	p0 =	seq.s32 s10, $0x1;
	s10 =	sld [smem:$0x3FB4];
	_ =	sdelay $0x3  }
0x34: {  	[smem:$0x3FB4] =	sst s10  }
0x35: {  	s10 =	sld [smem:$0x3FB3];
	_ =	sdelay $0x3  }
0x36: {  	p1 =	seq.s32 s10, $0x1;
	s10 =	sld [smem:$0x3FB4];
	_ =	sdelay $0x3  }
0x37: {  	[smem:$0x3FB4] =	sst s10  }
0x38: {  	s10 =	sld [smem:$0x3FB5]  }
0x39: {  	_ = 	snop;
	(pc) =	sbr.ind lr, $3  }
0x3a: {  	_ = 	snop  }
0x3b: {  	_ = 	snop  }
0x3c: {  	p2 =	seq.s32 s10, $0x1;
	s10 =	sld [smem:$0x3FB4]  }
0x3d: {  	_ =	shalt  }
0x3e: {  	_ =	shalt  }
0x3f: {  	_ =	shalt  }
0x40: {  	_ =	shalt  }
0x41: {  	_ =	shalt  }
0x42: {  	_ =	shalt  }
0x43: {  	_ =	shalt  }
0x44: {  	_ =	shalt  }
0x45: {  	_ =	shalt  }
0x46: {  	_ =	shalt  }
0x47: {  	_ =	shalt  }
0x48: {  	_ =	shalt  }
0x49: {  	_ =	shalt  }
0x4a: {  	_ =	shalt  }
0x4b: {  	_ =	shalt  }
0x4c: {  	_ =	shalt  }
0x4d: {  	_ =	shalt  }
0x4e: {  	_ =	shalt  }
0x4f: {  	_ =	shalt  }
0x50: {  	_ =	shalt  }
0x51: {  	_ =	shalt  }
0x52: {  	_ =	shalt  }
0x53: {  	_ =	shalt  }
0x54: {  	_ =	shalt  }
0x55: {  	_ =	shalt  }
0x56: {  	_ =	shalt  }
0x57: {  	_ =	shalt  }
0x58: {  	_ =	shalt  }
0x59: {  	_ =	shalt  }
0x5a: {  	_ =	shalt  }
0x5b: {  	_ =	shalt  }
0x5c: {  	_ =	shalt  }
0x5d: {  	_ =	shalt  }
0x5e: {  	_ =	shalt  }
0x5f: {  	_ =	shalt  }
0x60: {  	_ =	shalt  }
0x61: {  	_ =	shalt  }
0x62: {  	_ =	shalt  }
0x63: {  	_ =	shalt  }
0x64: {  	_ =	shalt  }
0x65: {  	_ =	shalt  }
0x66: {  	_ =	shalt  }
0x67: {  	_ =	shalt  }
0x68: {  	_ =	shalt  }
0x69: {  	_ =	shalt  }
0x6a: {  	_ =	shalt  }
0x6b: {  	_ =	shalt  }
0x6c: {  	_ =	shalt  }
0x6d: {  	_ =	shalt  }
0x6e: {  	_ =	shalt  }
0x6f: {  	_ =	shalt  }
0x70: {  	_ =	shalt  }
0x71: {  	_ =	shalt  }
0x72: {  	_ =	shalt  }
0x73: {  	_ =	shalt  }
0x74: {  	_ =	shalt  }
0x75: {  	_ =	shalt  }
0x76: {  	_ =	shalt  }
0x77: {  	_ =	shalt  }
0x78: {  	_ =	shalt  }
0x79: {  	_ =	shalt  }
0x7a: {  	_ =	shalt  }
0x7b: {  	_ =	shalt  }
0x7c: {  	_ =	shalt  }
0x7d: {  	_ =	shalt  }
0x7e: {  	_ =	shalt  }
0x7f: {  	_ =	shalt  }
0x80: {  	_ =	shalt  }
0x81: {  	_ =	shalt  }
0x82: {  	_ =	shalt  }
0x83: {  	_ =	shalt  }
0x84: {  	_ =	shalt  }
0x85: {  	_ =	shalt  }
0x86: {  	_ =	shalt  }
0x87: {  	_ =	shalt  }
.Lfunc_end0:
.L_simem_size_0:
called_computation.1_lowered:
.L_overlay_start_0:
0x88: {  	s2 =	sld [smem:$0x3FD9]  }
0x89: {  	s3 =	sld [smem:$0x3FFE];
	_ =	sdelay $0x1  }
0x8a: {  	s1 =	srdreg.scid  }
0x8b: {  	s0 =	sand.u32 $0x1, s1  }
0x8c: {  	s14 =	sshll.u32 s0, $0xA;
	s2 =	sadd.s32 s3, s2  }
0x8d: {  	s2 =	sadd.s32 s2, s14  }
0x8e: {  	[smem:$0x3FC0] =	sst s2  }
0x8f: {  	_ = 	snop  }
0x90: {  	s2 =	sld [smem:$0x3FD0];
	_ =	sdelay $0x2  }
0x91: {  	s15 =	simm.s32 $0xA;
	s4 =	simm.s32 $0x10  }
0x92: {  	[smem:s4], [sflag:s15] =	dma.local [hbm:s2], $0x1  }
0x93: {  	_ =	swait.eq [sflag:s15], $0x1  }
0x94: {  	[sflag:s15] =	ssyncset.done $0x0  }
0x95: {  	[sflag:s15] =	ssyncadd.s32 $0xFFFFFFFF  }
0x96: {  	s16 =	sld [smem:$0x11];
	(tm) =	ssettm $0x1  }
0x97: {  	s17 =	sld [smem:$0x3FFB];
	_ =	sdelay $0x3  }
0x98: {  	_ =	strace s17  }
0x99: {  	s3 =	sld [smem:$0x3FFC];
	_ =	sdelay $0x3  }
0x9a: {  	_ =	strace s3  }
0x9b: {  	s3 =	sld [smem:$0x3FFD];
	_ =	sdelay $0x3  }
0x9c: {  	_ =	strace s3  }
0x9d: {  	_ =	strace $0x8FFFFFFF  }
0x9e: {  	s18 =	sld [smem:$0x3FDB];
	_ =	sdelay $0x1  }
0x9f: {  	s19 =	simm.s32 $_scs_section_size  }
0xa0: {  	s5 =	simm.s32 $_size__tile_overlayer_lowered;
	s6 =	simm.s32 $_tile_overlayer_lowered  }
0xa1: {  	s22 =	simm.s32 $0x1BFF;
	s21 =	sshll.u32 s6, $0x1;
	s3 =	sadd.s32 s19, s18  }
0xa2: {  	s7 =	simm.s32 $0x0;
	s20 =	sshll.u32 s5, $0x1;
	s5 =	sadd.s32 s21, s3  }
0xa3: {  	[timem:s7], [sflag:s22] =	dma.local [hbm:s5], s20  }
0xa4: {  	_ =	swait.ge [sflag:s22], s20  }
0xa5: {  	s4 =	ssub.s32 $0x0, s20;
	[sflag:s22] =	ssyncset.done $0x0  }
0xa6: {  	[sflag:s22] =	ssyncadd.s32 s4;
	_ =	sdelay $0x1  }
0xa7: {  	s23 =	simm.s32 $0x1B8B  }
0xa8: {  	_ =	swait.ge [sflag:s23], $0x1  }
0xa9: {  	[sflag:s23] =	ssyncset.done $0x0  }
0xaa: {  	s25 =	simm.s32 $0x1B8E;
	s24 =	sld [smem:$0x3FFE];
	[sflag:s23] =	ssyncadd.s32 $0xFFFFFFFF  }
0xab: {  	s26 =	simm.s32 $execute0_lowered;
	[smem:$0x3FD2] =	sst s25  }
0xac: {  	s5 =	sshll.u32 s26, $0x1;
	_ =	strace $0x80000049;
	[dreg:$0x1] =	wrdreg $0xFFFFFFFF  }
0xad: {  	s28 =	simm.s32 $_size_execute0_lowered;
	s3 =	sadd.s32 s3, s5;
	[dreg:$0x0] =	wrdreg $0x0  }
0xae: {  	s5 =	sshll.u32 s28, $0x1;
	[dreg:$0x2] =	wrdreg s3  }
0xaf: {  	[dreg:$0x3] =	wrdreg s5  }
0xb0: {  	[dreg:$0x4] =	wrdreg $0xC0  }
0xb1: {  	_ =	task [dreg:s7], $0x5FFFF  }
0xb2: {  	[dreg:$0x1] =	wrdreg $0xFFFFFFFF  }
0xb3: {  	[dreg:$0x0] =	wrdreg $0x60  }
0xb4: {  	[dreg:$0x2] =	wrdreg s24  }
0xb5: {  	[dreg:$0x3] =	wrdreg s16  }
0xb6: {  	[dreg:$0x4] =	wrdreg $0xCD000  }
0xb7: {  	[dreg:$0x5] =	wrdreg $0x9  }
0xb8: {  	_ =	task.clear_ibuf [dreg:s7], $0x6FFFF;
	_ =	strace $0x90000049  }
0xb9: {  	s29 =	simm.s32 $0x9;
	_ =	strace $0x8000004B  }
0xba: {  	_ =	swait.ge [sflag:s29], $0x1  }
0xbb: {  	[sflag:s29] =	ssyncadd.s32 $0xFFFFFFFF  }
0xbc: {  	_ =	strace $0x9000004B  }
0xbd: {  	_ =	sfence  }
0xbe: {  	s30 =	sld [smem:$0x0];
	_ =	sdelay $0x2  }
0xbf: {  	s31 =	sshll.u32 s1, $0xD;
	s1 =	sshrl.u32 s1, $0x2  }
0xc0: {  	s3 =	sand.u32 $0x4000, s31;
	s1 =	sadd.s32 s1, s30  }
0xc1: {  	s0 =	sor.u32 s3, s0;
	s1 =	sshll.u32 s1, $0x11  }
0xc2: {  	s0 =	sor.u32 s1, s0  }
0xc3: {  	s0 =	sadd.s32 $0x8F2B, s0  }
0xc4: {  	[sflag:s0] =	ssyncadd.remote.s32 $0x1  }
0xc5: {  	_ =	sfence.sel $0xFFFF  }
0xc6: {  	[dreg:$0x0] =	wrdreg $0xFFFFFFFF;
	(pc) =	sbr.abs _section_cstart, $3  }
0xc7: {  	[dreg:$0x1] =	wrdreg $0xFFFFFFFF  }
0xc8: {  	_ =	task.clear_ibuf [dreg:s7], $0x2FFFF;
	_ =	strace $0x9FFFFFFF  }
0xc9: {  	(tm) =	ssettm $0x7FFFFFFF  }
tec
execute0_lowered:
.L_overlay_start_1:
0x0: {  	(tag) =	ssettag $0x1  }
0x1: {  	s4 =	rddreg [dreg:$0x0]  }
0x2: {  	s0 =	srdreg.scid;
	s2 =	rddreg [dreg:$0x1]  }
0x3: {  	s7 =	stileid.u32;
	s3 =	rddreg [dreg:$0x2];
	s8 =	simm.s32 $0x0  }
0x4: {  	s12 =	simm.s32 $0x12;
	s14 =	simm.s32 $0x7D;
	s15 =	simm.s32 $0x5000  }
0x5: {  	s17 =	simm.s32 $0x5FA0;
	s19 =	simm.s32 $0x6F40;
	s28 =	simm.s32 $0xADC0  }
0x6: {  	s30 =	simm.s32 $0xBD60;
	s31 =	simm.s32 $0x2;
	s13 =	simm.s32 $0x5  }
0x7: {  	s16 =	simm.s32 $0x6;
	s18 =	simm.s32 $0x7;
	s29 =	simm.s32 $0xC  }
0x8: {  	s9 =	simm.s32 $0x10;
	s10 =	simm.s32 $0x11;
	s0 =	sand.u32 $0x1, s0  }
0x9: {  	s1 =	sshll.u32 s7, $0x1;
	s6 =	smul.u32 $0x5000, s7;
	[smem:$0x7FF] =	sst s8  }
0xa: {  	s20 =	smul.u32 $0x14000, s7;
	s21 =	sadd.s32 $0x16600, s4;
	s24 =	sshll.u32 s7, $0x6  }
0xb: {  	s7 =	simm.s32 $0xE;
	s8 =	simm.s32 $0xF;
	s1 =	sor.u32 s0, s1  }
0xc: {  	s5 =	smul.u32 $0x50000, s0;
	_ =	strace $0x8000004A;
	s0 =	ssub.s32 $0x2, s0  }
0xd: {  	[dreg:$0x4] =	wrdreg s21;
	s21 =	simm.s32 $0x7EE0;
	s1 =	smul.u32 $0x2800, s1  }
0xe: {  	s22 =	sshrl.u32 s0, $0x1;
	s23 =	sshrl.u32 s20, $0x2;
	s20 =	simm.s32 $0x8  }
0xf: {  	s5 =	sadd.s32 s6, s5;
	s0 =	ssub.s32 s0, s22;
	s6 =	sor.u32 $0x1C12, s24  }
0x10: {  	s22 =	simm.s32 $0x9;
	s24 =	simm.s32 $0xA;
	s1 =	sshrl.u32 s1, $0x3  }
0x11: {  	s5 =	sshrl.u32 s5, $0x3;
	s0 =	smax.u32 s0, $0x1;
	[dreg:$0x5] =	wrdreg s6  }
0x12: {  	s1 =	sadd.s32 s1, s4;
	s4 =	sadd.s32 s5, s4;
	s5 =	sadd.s32 s23, s3  }
0x13: {  	[dreg:$0x9] =	wrdreg s0;
	s23 =	simm.s32 $0x8E80;
	s25 =	sadd.s32 $0x2600, s1  }
.Ltmp0:
0x14: {  	s1 =	sadd.s32 $0xC600, s1;
	[dreg:$0x6] =	wrdreg s25;
	(pc) =	sbr.rel .LBB2_1-.Ltmp0, $4  }
0x15: {  	s0 =	simm.s32 $0x4;
	s26 =	sadd.s32 $0x17000, s4;
	[dreg:$0x7] =	wrdreg s1  }
0x16: {  	s11 =	sshrl.u32 s5, $0x3;
	s4 =	simm.s32 $0x0;
	[dreg:$0x8] =	wrdreg s26  }
0x17: {  	s5 =	simm.s32 $0xD;
	s25 =	simm.s32 $0x9E20;
	[dreg:$0xb] =	wrdreg s4  }
0x18: {  	s1 =	simm.s32 $0x3;
	s26 =	simm.s32 $0xB;
	[dreg:$0xa] =	wrdreg s11  }
.LBB2_4:
0x19: {  	_ =	swait.ge [sflag:s26], $0xFA0  }
0x1a: {  	[sflag:s26] =	ssyncset.done $0x0  }
0x1b: {  	[sflag:s26] =	ssyncadd.s32 $0xFFFFF060  }
0x1c: {  	_ =	swait.ge [sflag:s29], $0xFA0  }
0x1d: {  	[sflag:s29] =	ssyncset.done $0x0  }
0x1e: {  	[sflag:s29] =	ssyncadd.s32 $0xFFFFF060  }
0x1f: {  	_ =	swait.ge [sflag:s5], $0xFA0  }
0x20: {  	[sflag:s5] =	ssyncset.done $0x0  }
0x21: {  	[sflag:s5] =	ssyncadd.s32 $0xFFFFF060  }
0x22: {  	_ =	swait.ge [sflag:s7], $0xFA0  }
0x23: {  	[sflag:s7] =	ssyncset.done $0x0  }
0x24: {  	[sflag:s7] =	ssyncadd.s32 $0xFFFFF060  }
0x25: {  	_ =	swait.ge [sflag:s8], $0xFA0  }
0x26: {  	[sflag:s8] =	ssyncset.done $0x0  }
0x27: {  	[sflag:s8] =	ssyncadd.s32 $0xFFFFF060  }
0x28: {  	_ =	swait.ge [sflag:s9], $0xFA0  }
0x29: {  	[sflag:s9] =	ssyncset.done $0x0  }
0x2a: {  	[sflag:s9] =	ssyncadd.s32 $0xFFFFF060  }
0x2b: {  	_ =	swait.ge [sflag:s10], $0xFA0  }
0x2c: {  	[sflag:s10] =	ssyncset.done $0x0  }
0x2d: {  	[sflag:s10] =	ssyncadd.s32 $0xFFFFF060  }
0x2e: {  	[bflag:$0x0] =	sbarrier.arrive $0xFFFF  }
0x2f: {  	s6 =	rddreg [dreg:$0x5]  }
0x30: {  	s4 =	rddreg [dreg:$0x8]  }
0x31: {  	s12 =	simm.s32 $0x12;
	s11 =	rddreg [dreg:$0xa]  }
0x32: {  	[hbm:s4], [sflag:s6] =	dma.local [spmem:s11], $0xA00  }
0x33: {  	_ =	swait.ge [sflag:s12], $0xA00  }
0x34: {  	s4 =	rddreg [dreg:$0xb]  }
0x35: {  	s6 =	sadd.s32 $0x1, s4;
	s4 =	rddreg [dreg:$0x9]  }
0x36: {  	p0 =	sne.s32 s6, s4  }
.Ltmp1:
0x37: {  	_ = 	snop;
	(pc) =	sbr.rel @!p0 .LBB2_5-.Ltmp1, $3  }
0x38: {  	_ =	sdelay $0x1  }
0x39: {  	[sflag:s12] =	ssyncset.done $0x0;
	[dreg:$0xb] =	wrdreg s6  }
0x3a: {  	[sflag:s12] =	ssyncadd.s32 $0xFFFFF600;
	s6 =	rddreg [dreg:$0x5]  }
.LBB2_1:
0x3b: {  	s4 =	rddreg [dreg:$0x4]  }
0x3c: {  	[spmem:s11], [sflag:s6] =	dma.local [hbm:s4], $0xA00  }
0x3d: {  	_ =	swait.ge [sflag:s12], $0xA00  }
0x3e: {  	s4 =	simm.s32 $0x0;
	[sflag:s12] =	ssyncset.done $0x0  }
0x3f: {  	s6 =	simm.s32 $0x1;
	s11 =	rddreg [dreg:$0x6];
	[sflag:s12] =	ssyncadd.s32 $0xFFFFF600  }
0x40: {  	[tilespmem:s4], [sflag:$0x1] =	stream.linear.gather [hbm4b:s11+s4], $0x2800, $0x38;
	[tilespmem:$0x11D00] =	vst v63  }
0x41: {  	_ =	swait.ge [sflag:s6], $0x2800  }
0x42: {  	[sflag:s6] =	ssyncset.done $0x0  }
0x43: {  	s12 =	simm.s32 $0x2800;
	s11 =	rddreg [dreg:$0x7];
	[sflag:s6] =	ssyncadd.s32 $0xFFFFD800  }
0x44: {  	[tilespmem:s12], [sflag:$0x1] =	stream.linear.gather [hbm4b:s11+s4], $0x2800, $0x38;
	[tilespmem:$0x11D00] =	vst v63  }
0x45: {  	_ =	swait.ge [sflag:s6], $0x2800  }
0x46: {  	[sflag:s6] =	ssyncset.done $0x0  }
0x47: {  	[sflag:s6] =	ssyncadd.s32 $0xFFFFD800  }
0x48: {  	[bflag:$0x0] =	sbarrier.arrive $0xFFFF  }
0x49: {  	[tilespmem:s15], [sflag:$0x2] =	stream.indirect.gather [hbm4b:s2+s14], $0x20, s4, s14, $0xb8;
	[tilespmem:$0x11D00] =	vst v63  }
0x4a: {  	s12 =	simm.s32 $0x80  }
0x4b: {  	[tilespmem:s17], [sflag:$0x3] =	stream.indirect.gather [hbm4b:s2+s14], $0x20, s12, s14, $0xb8;
	[tilespmem:$0x11D00] =	vst v63  }
0x4c: {  	s11 =	simm.s32 $0x100  }
0x4d: {  	[tilespmem:s19], [sflag:$0x4] =	stream.indirect.gather [hbm4b:s2+s14], $0x20, s11, s14, $0xb8;
	[tilespmem:$0x11D00] =	vst v63  }
0x4e: {  	s12 =	simm.s32 $0x180  }
0x4f: {  	[tilespmem:s21], [sflag:$0x5] =	stream.indirect.gather [hbm4b:s2+s14], $0x20, s12, s14, $0xb8;
	[tilespmem:$0x11D00] =	vst v63  }
0x50: {  	s11 =	simm.s32 $0x200  }
0x51: {  	[tilespmem:s23], [sflag:$0x6] =	stream.indirect.gather [hbm4b:s2+s14], $0x20, s11, s14, $0xb8;
	[tilespmem:$0x11D00] =	vst v63  }
0x52: {  	s12 =	simm.s32 $0x280  }
0x53: {  	[tilespmem:s25], [sflag:$0x7] =	stream.indirect.gather [hbm4b:s2+s14], $0x20, s12, s14, $0xb8;
	[tilespmem:$0x11D00] =	vst v63  }
0x54: {  	s11 =	simm.s32 $0x300  }
0x55: {  	[tilespmem:s28], [sflag:$0x8] =	stream.indirect.gather [hbm4b:s2+s14], $0x20, s11, s14, $0xb8;
	[tilespmem:$0x11D00] =	vst v63  }
0x56: {  	s12 =	simm.s32 $0x380;
	s11 =	simm.s32 $0x0  }
0x57: {  	[tilespmem:s30], [sflag:$0x9] =	stream.indirect.gather [hbm4b:s2+s14], $0x20, s12, s14, $0xb8;
	[tilespmem:$0x11D00] =	vst v63  }
.LBB2_2:
0x58: {  	_ =	swait.ge [sflag:s31], $0xFA0  }
0x59: {  	s12 =	sshra.s32 s11, $0x2;
	[sflag:s31] =	ssyncset.done $0x0  }
0x5a: {  	s4 =	sadd.s32 $0x2800, s12;
	[sflag:s31] =	ssyncadd.s32 $0xFFFFF060  }
0x5b: {  	[spmem:s3] =	stream.indirect.scatter.add.f32 [tilespmem:s15], [sflag:$0xA], $0x20, s4, s14, $0xb8;
	[tilespmem:$0x11D00] =	vst v63  }
0x5c: {  	_ =	swait.ge [sflag:s1], $0xFA0  }
0x5d: {  	[sflag:s1] =	ssyncset.done $0x0  }
0x5e: {  	s4 =	sadd.s32 $0x2880, s12;
	[sflag:s1] =	ssyncadd.s32 $0xFFFFF060  }
0x5f: {  	[spmem:s3] =	stream.indirect.scatter.add.f32 [tilespmem:s17], [sflag:$0xB], $0x20, s4, s14, $0xb8;
	[tilespmem:$0x11D00] =	vst v63  }
0x60: {  	_ =	swait.ge [sflag:s0], $0xFA0  }
0x61: {  	[sflag:s0] =	ssyncset.done $0x0  }
0x62: {  	s4 =	sadd.s32 $0x2900, s12;
	[sflag:s0] =	ssyncadd.s32 $0xFFFFF060  }
0x63: {  	[spmem:s3] =	stream.indirect.scatter.add.f32 [tilespmem:s19], [sflag:$0xC], $0x20, s4, s14, $0xb8;
	[tilespmem:$0x11D00] =	vst v63  }
0x64: {  	_ =	swait.ge [sflag:s13], $0xFA0  }
0x65: {  	[sflag:s13] =	ssyncset.done $0x0  }
0x66: {  	s4 =	sadd.s32 $0x2980, s12;
	[sflag:s13] =	ssyncadd.s32 $0xFFFFF060  }
0x67: {  	[spmem:s3] =	stream.indirect.scatter.add.f32 [tilespmem:s21], [sflag:$0xD], $0x20, s4, s14, $0xb8;
	[tilespmem:$0x11D00] =	vst v63  }
0x68: {  	_ =	swait.ge [sflag:s16], $0xFA0  }
0x69: {  	[sflag:s16] =	ssyncset.done $0x0  }
0x6a: {  	s4 =	sadd.s32 $0x2A00, s12;
	[sflag:s16] =	ssyncadd.s32 $0xFFFFF060  }
0x6b: {  	[spmem:s3] =	stream.indirect.scatter.add.f32 [tilespmem:s23], [sflag:$0xE], $0x20, s4, s14, $0xb8;
	[tilespmem:$0x11D00] =	vst v63  }
0x6c: {  	_ =	swait.ge [sflag:s18], $0xFA0  }
0x6d: {  	[sflag:s18] =	ssyncset.done $0x0  }
0x6e: {  	s4 =	sadd.s32 $0x2A80, s12;
	[sflag:s18] =	ssyncadd.s32 $0xFFFFF060  }
0x6f: {  	[spmem:s3] =	stream.indirect.scatter.add.f32 [tilespmem:s25], [sflag:$0xF], $0x20, s4, s14, $0xb8;
	[tilespmem:$0x11D00] =	vst v63  }
0x70: {  	_ =	swait.ge [sflag:s20], $0xFA0  }
0x71: {  	[sflag:s20] =	ssyncset.done $0x0  }
0x72: {  	s4 =	sadd.s32 $0x2B00, s12;
	[sflag:s20] =	ssyncadd.s32 $0xFFFFF060  }
0x73: {  	[spmem:s3] =	stream.indirect.scatter.add.f32 [tilespmem:s28], [sflag:$0x10], $0x20, s4, s14, $0xb8;
	[tilespmem:$0x11D00] =	vst v63  }
0x74: {  	_ =	swait.ge [sflag:s22], $0xFA0  }
0x75: {  	[sflag:s22] =	ssyncset.done $0x0  }
0x76: {  	s4 =	sadd.s32 $0x2B80, s12;
	[sflag:s22] =	ssyncadd.s32 $0xFFFFF060  }
0x77: {  	[spmem:s3] =	stream.indirect.scatter.add.f32 [tilespmem:s30], [sflag:$0x11], $0x20, s4, s14, $0xb8;
	[tilespmem:$0x11D00] =	vst v63  }
0x78: {  	_ =	swait.ge [sflag:s24], $0xFA0  }
0x79: {  	[sflag:s24] =	ssyncset.done $0x0  }
0x7a: {  	s4 =	sadd.s32 $0x400, s12;
	[sflag:s24] =	ssyncadd.s32 $0xFFFFF060  }
0x7b: {  	[tilespmem:s15], [sflag:$0x2] =	stream.indirect.gather [hbm4b:s2+s14], $0x20, s4, s14, $0xb8;
	[tilespmem:$0x11D00] =	vst v63  }
0x7c: {  	_ =	swait.ge [sflag:s26], $0xFA0  }
0x7d: {  	[sflag:s26] =	ssyncset.done $0x0  }
0x7e: {  	s4 =	sadd.s32 $0x480, s12;
	[sflag:s26] =	ssyncadd.s32 $0xFFFFF060  }
0x7f: {  	[tilespmem:s17], [sflag:$0x3] =	stream.indirect.gather [hbm4b:s2+s14], $0x20, s4, s14, $0xb8;
	[tilespmem:$0x11D00] =	vst v63  }
0x80: {  	_ =	swait.ge [sflag:s29], $0xFA0  }
0x81: {  	[sflag:s29] =	ssyncset.done $0x0  }
0x82: {  	s4 =	sadd.s32 $0x500, s12;
	[sflag:s29] =	ssyncadd.s32 $0xFFFFF060  }
0x83: {  	[tilespmem:s19], [sflag:$0x4] =	stream.indirect.gather [hbm4b:s2+s14], $0x20, s4, s14, $0xb8;
	[tilespmem:$0x11D00] =	vst v63  }
0x84: {  	_ =	swait.ge [sflag:s5], $0xFA0  }
0x85: {  	[sflag:s5] =	ssyncset.done $0x0  }
0x86: {  	s4 =	sadd.s32 $0x580, s12;
	[sflag:s5] =	ssyncadd.s32 $0xFFFFF060  }
0x87: {  	[tilespmem:s21], [sflag:$0x5] =	stream.indirect.gather [hbm4b:s2+s14], $0x20, s4, s14, $0xb8;
	[tilespmem:$0x11D00] =	vst v63  }
0x88: {  	_ =	swait.ge [sflag:s7], $0xFA0  }
0x89: {  	[sflag:s7] =	ssyncset.done $0x0  }
0x8a: {  	s4 =	sadd.s32 $0x600, s12;
	[sflag:s7] =	ssyncadd.s32 $0xFFFFF060  }
0x8b: {  	[tilespmem:s23], [sflag:$0x6] =	stream.indirect.gather [hbm4b:s2+s14], $0x20, s4, s14, $0xb8;
	[tilespmem:$0x11D00] =	vst v63  }
0x8c: {  	_ =	swait.ge [sflag:s8], $0xFA0  }
0x8d: {  	[sflag:s8] =	ssyncset.done $0x0  }
0x8e: {  	s4 =	sadd.s32 $0x680, s12;
	[sflag:s8] =	ssyncadd.s32 $0xFFFFF060  }
0x8f: {  	[tilespmem:s25], [sflag:$0x7] =	stream.indirect.gather [hbm4b:s2+s14], $0x20, s4, s14, $0xb8;
	[tilespmem:$0x11D00] =	vst v63  }
0x90: {  	_ =	swait.ge [sflag:s9], $0xFA0  }
0x91: {  	[sflag:s9] =	ssyncset.done $0x0  }
0x92: {  	s4 =	sadd.s32 $0x700, s12;
	[sflag:s9] =	ssyncadd.s32 $0xFFFFF060  }
0x93: {  	[tilespmem:s28], [sflag:$0x8] =	stream.indirect.gather [hbm4b:s2+s14], $0x20, s4, s14, $0xb8;
	[tilespmem:$0x11D00] =	vst v63  }
0x94: {  	_ =	swait.ge [sflag:s10], $0xFA0  }
0x95: {  	[sflag:s10] =	ssyncset.done $0x0  }
0x96: {  	s4 =	sadd.s32 $0x780, s12;
	[sflag:s10] =	ssyncadd.s32 $0xFFFFF060  }
0x97: {  	[tilespmem:s30], [sflag:$0x9] =	stream.indirect.gather [hbm4b:s2+s14], $0x20, s4, s14, $0xb8;
	[tilespmem:$0x11D00] =	vst v63  }
0x98: {  	_ =	swait.ge [sflag:s31], $0xFA0  }
0x99: {  	[sflag:s31] =	ssyncset.done $0x0  }
0x9a: {  	s4 =	sadd.s32 $0x2C00, s12;
	[sflag:s31] =	ssyncadd.s32 $0xFFFFF060  }
0x9b: {  	[spmem:s3] =	stream.indirect.scatter.add.f32 [tilespmem:s15], [sflag:$0xA], $0x20, s4, s14, $0xb8;
	[tilespmem:$0x11D00] =	vst v63  }
0x9c: {  	_ =	swait.ge [sflag:s1], $0xFA0  }
0x9d: {  	[sflag:s1] =	ssyncset.done $0x0  }
0x9e: {  	s4 =	sadd.s32 $0x2C80, s12;
	[sflag:s1] =	ssyncadd.s32 $0xFFFFF060  }
0x9f: {  	[spmem:s3] =	stream.indirect.scatter.add.f32 [tilespmem:s17], [sflag:$0xB], $0x20, s4, s14, $0xb8;
	[tilespmem:$0x11D00] =	vst v63  }
0xa0: {  	_ =	swait.ge [sflag:s0], $0xFA0  }
0xa1: {  	[sflag:s0] =	ssyncset.done $0x0  }
0xa2: {  	s4 =	sadd.s32 $0x2D00, s12;
	[sflag:s0] =	ssyncadd.s32 $0xFFFFF060  }
0xa3: {  	[spmem:s3] =	stream.indirect.scatter.add.f32 [tilespmem:s19], [sflag:$0xC], $0x20, s4, s14, $0xb8;
	[tilespmem:$0x11D00] =	vst v63  }
0xa4: {  	_ =	swait.ge [sflag:s13], $0xFA0  }
0xa5: {  	[sflag:s13] =	ssyncset.done $0x0  }
0xa6: {  	s4 =	sadd.s32 $0x2D80, s12;
	[sflag:s13] =	ssyncadd.s32 $0xFFFFF060  }
0xa7: {  	[spmem:s3] =	stream.indirect.scatter.add.f32 [tilespmem:s21], [sflag:$0xD], $0x20, s4, s14, $0xb8;
	[tilespmem:$0x11D00] =	vst v63  }
0xa8: {  	_ =	swait.ge [sflag:s16], $0xFA0  }
0xa9: {  	[sflag:s16] =	ssyncset.done $0x0  }
0xaa: {  	s4 =	sadd.s32 $0x2E00, s12;
	[sflag:s16] =	ssyncadd.s32 $0xFFFFF060  }
0xab: {  	[spmem:s3] =	stream.indirect.scatter.add.f32 [tilespmem:s23], [sflag:$0xE], $0x20, s4, s14, $0xb8;
	[tilespmem:$0x11D00] =	vst v63  }
0xac: {  	_ =	swait.ge [sflag:s18], $0xFA0  }
0xad: {  	[sflag:s18] =	ssyncset.done $0x0  }
0xae: {  	s4 =	sadd.s32 $0x2E80, s12;
	[sflag:s18] =	ssyncadd.s32 $0xFFFFF060  }
0xaf: {  	[spmem:s3] =	stream.indirect.scatter.add.f32 [tilespmem:s25], [sflag:$0xF], $0x20, s4, s14, $0xb8;
	[tilespmem:$0x11D00] =	vst v63  }
0xb0: {  	_ =	swait.ge [sflag:s20], $0xFA0  }
0xb1: {  	[sflag:s20] =	ssyncset.done $0x0  }
0xb2: {  	s4 =	sadd.s32 $0x2F00, s12;
	[sflag:s20] =	ssyncadd.s32 $0xFFFFF060  }
0xb3: {  	[spmem:s3] =	stream.indirect.scatter.add.f32 [tilespmem:s28], [sflag:$0x10], $0x20, s4, s14, $0xb8;
	[tilespmem:$0x11D00] =	vst v63  }
0xb4: {  	_ =	swait.ge [sflag:s22], $0xFA0  }
0xb5: {  	p0 =	sgt.u32 s6, $0x8;
	[sflag:s22] =	ssyncset.done $0x0  }
.Ltmp2:
0xb6: {  	s4 =	sadd.s32 $0x2F80, s12;
	[sflag:s22] =	ssyncadd.s32 $0xFFFFF060;
	(pc) =	sbr.rel @p0 .LBB2_4-.Ltmp2, $4  }
0xb7: {  	[spmem:s3] =	stream.indirect.scatter.add.f32 [tilespmem:s30], [sflag:$0x11], $0x20, s4, s14, $0xb8;
	[tilespmem:$0x11D00] =	vst v63  }
0xb8: {  	_ =	swait.ge [sflag:s24], $0xFA0  }
0xb9: {  	[sflag:s24] =	ssyncset.done $0x0  }
0xba: {  	[sflag:s24] =	ssyncadd.s32 $0xFFFFF060  }
0xbb: {  	s4 =	sadd.s32 $0x800, s12  }
0xbc: {  	[tilespmem:s15], [sflag:$0x2] =	stream.indirect.gather [hbm4b:s2+s14], $0x20, s4, s14, $0xb8;
	[tilespmem:$0x11D00] =	vst v63  }
0xbd: {  	_ =	swait.ge [sflag:s26], $0xFA0  }
0xbe: {  	[sflag:s26] =	ssyncset.done $0x0  }
0xbf: {  	s4 =	sadd.s32 $0x880, s12;
	[sflag:s26] =	ssyncadd.s32 $0xFFFFF060  }
0xc0: {  	[tilespmem:s17], [sflag:$0x3] =	stream.indirect.gather [hbm4b:s2+s14], $0x20, s4, s14, $0xb8;
	[tilespmem:$0x11D00] =	vst v63  }
0xc1: {  	_ =	swait.ge [sflag:s29], $0xFA0  }
0xc2: {  	[sflag:s29] =	ssyncset.done $0x0  }
0xc3: {  	s4 =	sadd.s32 $0x900, s12;
	[sflag:s29] =	ssyncadd.s32 $0xFFFFF060  }
0xc4: {  	[tilespmem:s19], [sflag:$0x4] =	stream.indirect.gather [hbm4b:s2+s14], $0x20, s4, s14, $0xb8;
	[tilespmem:$0x11D00] =	vst v63  }
0xc5: {  	_ =	swait.ge [sflag:s5], $0xFA0  }
0xc6: {  	[sflag:s5] =	ssyncset.done $0x0  }
0xc7: {  	s4 =	sadd.s32 $0x980, s12;
	[sflag:s5] =	ssyncadd.s32 $0xFFFFF060  }
0xc8: {  	[tilespmem:s21], [sflag:$0x5] =	stream.indirect.gather [hbm4b:s2+s14], $0x20, s4, s14, $0xb8;
	[tilespmem:$0x11D00] =	vst v63  }
0xc9: {  	_ =	swait.ge [sflag:s7], $0xFA0  }
0xca: {  	[sflag:s7] =	ssyncset.done $0x0  }
0xcb: {  	s4 =	sadd.s32 $0xA00, s12;
	[sflag:s7] =	ssyncadd.s32 $0xFFFFF060  }
0xcc: {  	[tilespmem:s23], [sflag:$0x6] =	stream.indirect.gather [hbm4b:s2+s14], $0x20, s4, s14, $0xb8;
	[tilespmem:$0x11D00] =	vst v63  }
0xcd: {  	_ =	swait.ge [sflag:s8], $0xFA0  }
0xce: {  	[sflag:s8] =	ssyncset.done $0x0  }
0xcf: {  	s4 =	sadd.s32 $0xA80, s12;
	[sflag:s8] =	ssyncadd.s32 $0xFFFFF060  }
0xd0: {  	[tilespmem:s25], [sflag:$0x7] =	stream.indirect.gather [hbm4b:s2+s14], $0x20, s4, s14, $0xb8;
	[tilespmem:$0x11D00] =	vst v63  }
0xd1: {  	_ =	swait.ge [sflag:s9], $0xFA0  }
0xd2: {  	[sflag:s9] =	ssyncset.done $0x0  }
0xd3: {  	s4 =	sadd.s32 $0xB00, s12;
	[sflag:s9] =	ssyncadd.s32 $0xFFFFF060  }
0xd4: {  	[tilespmem:s28], [sflag:$0x8] =	stream.indirect.gather [hbm4b:s2+s14], $0x20, s4, s14, $0xb8;
	[tilespmem:$0x11D00] =	vst v63  }
.Ltmp3:
0xd5: {  	_ = 	snop;
	(pc) =	sbr.rel .LBB2_2-.Ltmp3, $4  }
0xd6: {  	_ =	swait.ge [sflag:s10], $0xFA0  }
0xd7: {  	s11 =	sadd.s32 $0x2000, s11;
	[sflag:s10] =	ssyncset.done $0x0  }
0xd8: {  	s6 =	sadd.s32 $0x2, s6;
	s12 =	sadd.s32 $0xB80, s12;
	[sflag:s10] =	ssyncadd.s32 $0xFFFFF060  }
0xd9: {  	[tilespmem:s30], [sflag:$0x9] =	stream.indirect.gather [hbm4b:s2+s14], $0x20, s12, s14, $0xb8;
	[tilespmem:$0x11D00] =	vst v63  }
.LBB2_5:
0xda: {  	_ =	sfence.sel $0x180000  }
0xdb: {  	[bflag:$0x0] =	sbarrier.arrive $0xFFFF  }
0xdc: {  	_ =	strace $0x9000004A  }
0xdd: {  	s0 =	stileid.u32;
	[bflag:$0x2] =	sbarrier.arrive $0xFFFF  }
0xde: {  	p0 =	sne.s32 s0, $0x0;
	s0 =	rddreg [dreg:$0x3]  }
0xdf: {  	s0 =	sadd.s32 @!p0 $0x100000, s0  }
0xe0: {  	[sflag:s0] =	ssyncadd.tile.s32 @!p0 $0x1;
	_ =	shalt  }
.Lfunc_end2:
_tile_overlayer_lowered:
.L_overlay_start_2:
0xe1: {  	(tag) =	ssettag $0x2  }
0xe2: {  	s0 =	rddreg [dreg:$0x0];
	s2 =	stileid.u32  }
0xe3: {  	s1 =	rddreg [dreg:$0x1];
	p0 =	sne.s32 s2, $0x0  }
0xe4: {  	s3 =	rddreg [dreg:$0x2];
	[bflag:$0x3] =	sbarrier.arrive $0xFFFF;
	s2 =	simm.s32 @!p0 $0x1C12  }
0xe5: {  	[timem:s3], [sflag:s2] =	dma.local @!p0 [hbm:s0], s1  }
0xe6: {  	s0 =	simm.s32 @!p0 $0x12  }
0xe7: {  	_ =	swait.ge @!p0 [sflag:s0], s1  }
0xe8: {  	s1 =	ssub.s32 @!p0 $0x0, s1;
	[sflag:s0] =	ssyncset.done @!p0 $0x0  }
0xe9: {  	[sflag:s0] =	ssyncadd.s32 @!p0 s1  }
0xea: {  	[bflag:$0x3] =	sbarrier.arrive $0xFFFF  }
0xeb: {  	_ =	shalt  }

// kernel: kernel.15.cloned.1.call-start
scs
__scs_entry_jumppad:
0x0: {  	(pc) =	sbr.rel $0x88, $3  }
0x1: {  	(tag) =	ssettag $0x0;
	lr =	simm.s32 $0x1  }
0x2: {  	[smem:$0x3F99] =	sst lr;
	_ =	strace $0xD0000000  }
0x3: {  	_ = 	snop  }
0x4: {  	_ = 	snop  }
0x5: {  	_ = 	snop  }
0x6: {  	_ = 	snop  }
0x7: {  	_ = 	snop  }
__scs_overlays_trampoline_lowered:
0x8: {  	[smem:$0x3FA8] =	sst s0  }
0x9: {  	[smem:$0x3FA9] =	sst s1  }
0xa: {  	[smem:$0x3FAA] =	sst s2  }
0xb: {  	[smem:$0x3FAB] =	sst s3  }
0xc: {  	[smem:$0x3FAC] =	sst s4  }
0xd: {  	[smem:$0x3FAD] =	sst s5  }
0xe: {  	[smem:$0x3FAE] =	sst s6  }
0xf: {  	[smem:$0x3FAF] =	sst s7  }
0x10: {  	[smem:$0x3FB0] =	sst s8  }
0x11: {  	[smem:$0x3FB1] =	sst s9;
	s0 =	simm.s32 @!p0 $0x0  }
0x12: {  	s1 =	sld [smem:$0x3F97];
	s0 =	simm.s32 @p0 $0x1  }
0x13: {  	[smem:$0x3FB2] =	sst s0;
	s0 =	simm.s32 @!p1 $0x0  }
0x14: {  	s2 =	sld [smem:$0x3F96];
	s0 =	simm.s32 @p1 $0x1  }
0x15: {  	[smem:$0x3FB3] =	sst s0;
	s0 =	simm.s32 @!p2 $0x0  }
0x16: {  	s3 =	sld [smem:$0x3FDB];
	s0 =	simm.s32 @p2 $0x1  }
0x17: {  	s4 =	simm.s32 $0x1BF5;
	[smem:$0x3FB5] =	sst s0  }
0x18: {  	s0 =	sld [smem:$0x3F98];
	_ =	swait.ge [sflag:s4], $0x0  }
0x19: {  	s7 =	sld [smem:$0x3F99]  }
0x1a: {  	s8 =	sadd.s32 $0xFFFFE003, lr  }
0x1b: {  	s9 =	sadd.s32 $0xFFFFFEF7, lr;
	s5 =	simm.s32 $0xFFFFFFFF;
	p2 =	slt.u32 s8, $0xFFFFF086  }
0x1c: {  	p1 =	slt.u32 s9, $0xF7A;
	s5 =	simm.s32 @!p2 $0x0  }
0x1d: {  	s5 =	simm.s32 @p1 $0x1;
	p0 =	seq.s32 s7, s2  }
0x1e: {  	s7 =	smul.u32 @!p0 $0xF7A, s2;
	p2 =	seq.s32 @!p0 s5, $0x0  }
0x1f: {  	s9 =	smul.u32 $0xF7A, s1;
	s8 =	simm.s32 @!p0 $0x1BF5;
	p2 =	por !p2, p0  }
0x20: {  	[sflag:s8] =	ssyncset.s32 @!p0 $0xFFFFF086;
	s6 =	sadd.s32 @!p0 s3, s7;
	s7 =	simm.s32 @!p0 $0x108  }
0x21: {  	s3 =	sadd.s32 s3, s9;
	s6 =	sadd.s32 @!p0 $0x88, s6;
	s7 =	simm.s32 @p2 $0x1082  }
0x22: {  	[simem:s7], [sflag:s8] =	dma.local @!p0 [hbm:s6], $0xF7A  }
0x23: {  	s9 =	sor.u32 $0xD0000000, s2;
	s6 =	simm.s32 $0x108;
	_ =	swait.ge @!p0 [sflag:s8], $0x0  }
0x24: {  	s3 =	sadd.s32 $0x88, s3;
	s6 =	simm.s32 @!p1 $0x1082;
	[sflag:s4] =	ssyncset.s32 $0xFFFFF086  }
0x25: {  	[simem:s6], [sflag:s4] =	dma.local [hbm:s3], $0xF7A  }
0x26: {  	[smem:$0x3F99] =	sst s1;
	(tag) =	ssettag s2;
	_ =	strace s9  }
0x27: {  	s1 =	sld [smem:$0x3FA9]  }
0x28: {  	s2 =	sld [smem:$0x3FAA]  }
0x29: {  	s4 =	sld [smem:$0x3FAC]  }
0x2a: {  	p0 =	seq.s32 s5, $0x0;
	s5 =	sld [smem:$0x3FAD]  }
0x2b: {  	s6 =	sld [smem:$0x3FAE]  }
0x2c: {  	s7 =	sld [smem:$0x3FAF]  }
0x2d: {  	s3 =	simm.s32 $0x108;
	s8 =	sld [smem:$0x3FB0]  }
0x2e: {  	s3 =	simm.s32 @!p0 $0x1082;
	s9 =	sld [smem:$0x3FB1]  }
0x2f: {  	lr =	sadd.s32 s0, s3;
	s0 =	sld [smem:$0x3FA8]  }
0x30: {  	s3 =	sld [smem:$0x3FAB]  }
0x31: {  	[smem:$0x3FB4] =	sst s10  }
0x32: {  	s10 =	sld [smem:$0x3FB2];
	_ =	sdelay $0x3  }
0x33: {  	p0 =	seq.s32 s10, $0x1;
	s10 =	sld [smem:$0x3FB4];
	_ =	sdelay $0x3  }
0x34: {  	[smem:$0x3FB4] =	sst s10  }
0x35: {  	s10 =	sld [smem:$0x3FB3];
	_ =	sdelay $0x3  }
0x36: {  	p1 =	seq.s32 s10, $0x1;
	s10 =	sld [smem:$0x3FB4];
	_ =	sdelay $0x3  }
0x37: {  	[smem:$0x3FB4] =	sst s10  }
0x38: {  	s10 =	sld [smem:$0x3FB5]  }
0x39: {  	_ = 	snop;
	(pc) =	sbr.ind lr, $3  }
0x3a: {  	_ = 	snop  }
0x3b: {  	_ = 	snop  }
0x3c: {  	p2 =	seq.s32 s10, $0x1;
	s10 =	sld [smem:$0x3FB4]  }
0x3d: {  	_ =	shalt  }
0x3e: {  	_ =	shalt  }
0x3f: {  	_ =	shalt  }
0x40: {  	_ =	shalt  }
0x41: {  	_ =	shalt  }
0x42: {  	_ =	shalt  }
0x43: {  	_ =	shalt  }
0x44: {  	_ =	shalt  }
0x45: {  	_ =	shalt  }
0x46: {  	_ =	shalt  }
0x47: {  	_ =	shalt  }
0x48: {  	_ =	shalt  }
0x49: {  	_ =	shalt  }
0x4a: {  	_ =	shalt  }
0x4b: {  	_ =	shalt  }
0x4c: {  	_ =	shalt  }
0x4d: {  	_ =	shalt  }
0x4e: {  	_ =	shalt  }
0x4f: {  	_ =	shalt  }
0x50: {  	_ =	shalt  }
0x51: {  	_ =	shalt  }
0x52: {  	_ =	shalt  }
0x53: {  	_ =	shalt  }
0x54: {  	_ =	shalt  }
0x55: {  	_ =	shalt  }
0x56: {  	_ =	shalt  }
0x57: {  	_ =	shalt  }
0x58: {  	_ =	shalt  }
0x59: {  	_ =	shalt  }
0x5a: {  	_ =	shalt  }
0x5b: {  	_ =	shalt  }
0x5c: {  	_ =	shalt  }
0x5d: {  	_ =	shalt  }
0x5e: {  	_ =	shalt  }
0x5f: {  	_ =	shalt  }
0x60: {  	_ =	shalt  }
0x61: {  	_ =	shalt  }
0x62: {  	_ =	shalt  }
0x63: {  	_ =	shalt  }
0x64: {  	_ =	shalt  }
0x65: {  	_ =	shalt  }
0x66: {  	_ =	shalt  }
0x67: {  	_ =	shalt  }
0x68: {  	_ =	shalt  }
0x69: {  	_ =	shalt  }
0x6a: {  	_ =	shalt  }
0x6b: {  	_ =	shalt  }
0x6c: {  	_ =	shalt  }
0x6d: {  	_ =	shalt  }
0x6e: {  	_ =	shalt  }
0x6f: {  	_ =	shalt  }
0x70: {  	_ =	shalt  }
0x71: {  	_ =	shalt  }
0x72: {  	_ =	shalt  }
0x73: {  	_ =	shalt  }
0x74: {  	_ =	shalt  }
0x75: {  	_ =	shalt  }
0x76: {  	_ =	shalt  }
0x77: {  	_ =	shalt  }
0x78: {  	_ =	shalt  }
0x79: {  	_ =	shalt  }
0x7a: {  	_ =	shalt  }
0x7b: {  	_ =	shalt  }
0x7c: {  	_ =	shalt  }
0x7d: {  	_ =	shalt  }
0x7e: {  	_ =	shalt  }
0x7f: {  	_ =	shalt  }
0x80: {  	_ =	shalt  }
0x81: {  	_ =	shalt  }
0x82: {  	_ =	shalt  }
0x83: {  	_ =	shalt  }
0x84: {  	_ =	shalt  }
0x85: {  	_ =	shalt  }
0x86: {  	_ =	shalt  }
0x87: {  	_ =	shalt  }
.Lfunc_end0:
.L_simem_size_0:
called_computation.2_lowered:
.L_overlay_start_0:
0x88: {  	s2 =	sld [smem:$0x3FD9]  }
0x89: {  	s3 =	sld [smem:$0x3FFE];
	_ =	sdelay $0x1  }
0x8a: {  	s1 =	srdreg.scid  }
0x8b: {  	s0 =	sand.u32 $0x1, s1  }
0x8c: {  	s14 =	sshll.u32 s0, $0xA;
	s2 =	sadd.s32 s3, s2  }
0x8d: {  	s2 =	sadd.s32 s2, s14  }
0x8e: {  	[smem:$0x3FC0] =	sst s2  }
0x8f: {  	_ = 	snop  }
0x90: {  	s2 =	sld [smem:$0x3FD0];
	_ =	sdelay $0x2  }
0x91: {  	s15 =	simm.s32 $0xA;
	s4 =	simm.s32 $0x10  }
0x92: {  	[smem:s4], [sflag:s15] =	dma.local [hbm:s2], $0x1  }
0x93: {  	_ =	swait.eq [sflag:s15], $0x1  }
0x94: {  	[sflag:s15] =	ssyncset.done $0x0  }
0x95: {  	[sflag:s15] =	ssyncadd.s32 $0xFFFFFFFF  }
0x96: {  	s16 =	sld [smem:$0x11];
	(tm) =	ssettm $0x1  }
0x97: {  	s17 =	sld [smem:$0x3FFB];
	_ =	sdelay $0x3  }
0x98: {  	_ =	strace s17  }
0x99: {  	s3 =	sld [smem:$0x3FFC];
	_ =	sdelay $0x3  }
0x9a: {  	_ =	strace s3  }
0x9b: {  	s3 =	sld [smem:$0x3FFD];
	_ =	sdelay $0x3  }
0x9c: {  	_ =	strace s3  }
0x9d: {  	_ =	strace $0x8FFFFFFF  }
0x9e: {  	s18 =	sld [smem:$0x3FDB];
	_ =	sdelay $0x1  }
0x9f: {  	s19 =	simm.s32 $_scs_section_size  }
0xa0: {  	s5 =	simm.s32 $_size__tile_overlayer_lowered;
	s6 =	simm.s32 $_tile_overlayer_lowered  }
0xa1: {  	s22 =	simm.s32 $0x1BFF;
	s21 =	sshll.u32 s6, $0x1;
	s3 =	sadd.s32 s19, s18  }
0xa2: {  	s7 =	simm.s32 $0x0;
	s20 =	sshll.u32 s5, $0x1;
	s5 =	sadd.s32 s21, s3  }
0xa3: {  	[timem:s7], [sflag:s22] =	dma.local [hbm:s5], s20  }
0xa4: {  	_ =	swait.ge [sflag:s22], s20  }
0xa5: {  	s4 =	ssub.s32 $0x0, s20;
	[sflag:s22] =	ssyncset.done $0x0  }
0xa6: {  	[sflag:s22] =	ssyncadd.s32 s4;
	_ =	sdelay $0x1  }
0xa7: {  	s23 =	simm.s32 $0x1B8B  }
0xa8: {  	_ =	swait.ge [sflag:s23], $0x1  }
0xa9: {  	[sflag:s23] =	ssyncset.done $0x0  }
0xaa: {  	s25 =	simm.s32 $0x1B8E;
	s24 =	sld [smem:$0x3FFE];
	[sflag:s23] =	ssyncadd.s32 $0xFFFFFFFF  }
0xab: {  	s26 =	simm.s32 $execute0_lowered;
	[smem:$0x3FD2] =	sst s25  }
0xac: {  	s5 =	sshll.u32 s26, $0x1;
	_ =	strace $0x8000004C;
	[dreg:$0x1] =	wrdreg $0xFFFFFFFF  }
0xad: {  	s28 =	simm.s32 $_size_execute0_lowered;
	s3 =	sadd.s32 s3, s5;
	[dreg:$0x0] =	wrdreg $0x0  }
0xae: {  	s5 =	sshll.u32 s28, $0x1;
	[dreg:$0x2] =	wrdreg s3  }
0xaf: {  	[dreg:$0x3] =	wrdreg s5  }
0xb0: {  	[dreg:$0x4] =	wrdreg $0xC0  }
0xb1: {  	_ =	task [dreg:s7], $0x5FFFF  }
0xb2: {  	[dreg:$0x1] =	wrdreg $0xFFFFFFFF  }
0xb3: {  	[dreg:$0x0] =	wrdreg $0x60  }
0xb4: {  	[dreg:$0x2] =	wrdreg s24  }
0xb5: {  	[dreg:$0x3] =	wrdreg s16  }
0xb6: {  	[dreg:$0x4] =	wrdreg $0xCD000  }
0xb7: {  	[dreg:$0x5] =	wrdreg $0x9  }
0xb8: {  	_ =	task.clear_ibuf [dreg:s7], $0x6FFFF;
	_ =	strace $0x9000004C  }
0xb9: {  	s29 =	simm.s32 $0x9;
	_ =	strace $0x8000004E  }
0xba: {  	_ =	swait.ge [sflag:s29], $0x1  }
0xbb: {  	[sflag:s29] =	ssyncadd.s32 $0xFFFFFFFF  }
0xbc: {  	_ =	strace $0x9000004E  }
0xbd: {  	_ =	sfence  }
0xbe: {  	s30 =	sld [smem:$0x0];
	_ =	sdelay $0x2  }
0xbf: {  	s31 =	sshll.u32 s1, $0xD;
	s1 =	sshrl.u32 s1, $0x2  }
0xc0: {  	s3 =	sand.u32 $0x4000, s31;
	s1 =	sadd.s32 s1, s30  }
0xc1: {  	s0 =	sor.u32 s3, s0;
	s1 =	sshll.u32 s1, $0x11  }
0xc2: {  	s0 =	sor.u32 s1, s0  }
0xc3: {  	s0 =	sadd.s32 $0x8F2B, s0  }
0xc4: {  	[sflag:s0] =	ssyncadd.remote.s32 $0x1  }
0xc5: {  	_ =	sfence.sel $0xFFFF  }
0xc6: {  	[dreg:$0x0] =	wrdreg $0xFFFFFFFF;
	(pc) =	sbr.abs _section_cstart, $3  }
0xc7: {  	[dreg:$0x1] =	wrdreg $0xFFFFFFFF  }
0xc8: {  	_ =	task.clear_ibuf [dreg:s7], $0x2FFFF;
	_ =	strace $0x9FFFFFFF  }
0xc9: {  	(tm) =	ssettm $0x7FFFFFFF  }
tec
execute0_lowered:
.L_overlay_start_1:
0x0: {  	(tag) =	ssettag $0x1  }
0x1: {  	s4 =	rddreg [dreg:$0x0]  }
0x2: {  	s0 =	srdreg.scid;
	s2 =	rddreg [dreg:$0x1]  }
0x3: {  	s7 =	stileid.u32;
	s3 =	rddreg [dreg:$0x2];
	s8 =	simm.s32 $0x0  }
0x4: {  	s12 =	simm.s32 $0x12;
	s14 =	simm.s32 $0x7D;
	s15 =	simm.s32 $0x5000  }
0x5: {  	s17 =	simm.s32 $0x5FA0;
	s19 =	simm.s32 $0x6F40;
	s28 =	simm.s32 $0xADC0  }
0x6: {  	s30 =	simm.s32 $0xBD60;
	s31 =	simm.s32 $0x2;
	s13 =	simm.s32 $0x5  }
0x7: {  	s16 =	simm.s32 $0x6;
	s18 =	simm.s32 $0x7;
	s29 =	simm.s32 $0xC  }
0x8: {  	s9 =	simm.s32 $0x10;
	s10 =	simm.s32 $0x11;
	s0 =	sand.u32 $0x1, s0  }
0x9: {  	s1 =	sshll.u32 s7, $0x1;
	s6 =	smul.u32 $0x5000, s7;
	[smem:$0x7FF] =	sst s8  }
0xa: {  	s20 =	smul.u32 $0x14000, s7;
	s21 =	sadd.s32 $0x16600, s4;
	s24 =	sshll.u32 s7, $0x6  }
0xb: {  	s7 =	simm.s32 $0xE;
	s8 =	simm.s32 $0xF;
	s1 =	sor.u32 s0, s1  }
0xc: {  	s5 =	smul.u32 $0x50000, s0;
	_ =	strace $0x8000004D;
	s0 =	ssub.s32 $0x2, s0  }
0xd: {  	[dreg:$0x4] =	wrdreg s21;
	s21 =	simm.s32 $0x7EE0;
	s1 =	smul.u32 $0x2800, s1  }
0xe: {  	s22 =	sshrl.u32 s0, $0x1;
	s23 =	sshrl.u32 s20, $0x2;
	s20 =	simm.s32 $0x8  }
0xf: {  	s5 =	sadd.s32 s6, s5;
	s0 =	ssub.s32 s0, s22;
	s6 =	sor.u32 $0x1C12, s24  }
0x10: {  	s22 =	simm.s32 $0x9;
	s24 =	simm.s32 $0xA;
	s1 =	sshrl.u32 s1, $0x3  }
0x11: {  	s5 =	sshrl.u32 s5, $0x3;
	s0 =	smax.u32 s0, $0x1;
	[dreg:$0x5] =	wrdreg s6  }
0x12: {  	s1 =	sadd.s32 s1, s4;
	s4 =	sadd.s32 s5, s4;
	s5 =	sadd.s32 s23, s3  }
0x13: {  	[dreg:$0x9] =	wrdreg s0;
	s23 =	simm.s32 $0x8E80;
	s25 =	sadd.s32 $0x2600, s1  }
.Ltmp0:
0x14: {  	s1 =	sadd.s32 $0xC600, s1;
	[dreg:$0x6] =	wrdreg s25;
	(pc) =	sbr.rel .LBB2_1-.Ltmp0, $4  }
0x15: {  	s0 =	simm.s32 $0x4;
	s26 =	sadd.s32 $0x3E200, s4;
	[dreg:$0x7] =	wrdreg s1  }
0x16: {  	s11 =	sshrl.u32 s5, $0x3;
	s4 =	simm.s32 $0x0;
	[dreg:$0x8] =	wrdreg s26  }
0x17: {  	s5 =	simm.s32 $0xD;
	s25 =	simm.s32 $0x9E20;
	[dreg:$0xb] =	wrdreg s4  }
0x18: {  	s1 =	simm.s32 $0x3;
	s26 =	simm.s32 $0xB;
	[dreg:$0xa] =	wrdreg s11  }
.LBB2_4:
0x19: {  	_ =	swait.ge [sflag:s26], $0xFA0  }
0x1a: {  	[sflag:s26] =	ssyncset.done $0x0  }
0x1b: {  	[sflag:s26] =	ssyncadd.s32 $0xFFFFF060  }
0x1c: {  	_ =	swait.ge [sflag:s29], $0xFA0  }
0x1d: {  	[sflag:s29] =	ssyncset.done $0x0  }
0x1e: {  	[sflag:s29] =	ssyncadd.s32 $0xFFFFF060  }
0x1f: {  	_ =	swait.ge [sflag:s5], $0xFA0  }
0x20: {  	[sflag:s5] =	ssyncset.done $0x0  }
0x21: {  	[sflag:s5] =	ssyncadd.s32 $0xFFFFF060  }
0x22: {  	_ =	swait.ge [sflag:s7], $0xFA0  }
0x23: {  	[sflag:s7] =	ssyncset.done $0x0  }
0x24: {  	[sflag:s7] =	ssyncadd.s32 $0xFFFFF060  }
0x25: {  	_ =	swait.ge [sflag:s8], $0xFA0  }
0x26: {  	[sflag:s8] =	ssyncset.done $0x0  }
0x27: {  	[sflag:s8] =	ssyncadd.s32 $0xFFFFF060  }
0x28: {  	_ =	swait.ge [sflag:s9], $0xFA0  }
0x29: {  	[sflag:s9] =	ssyncset.done $0x0  }
0x2a: {  	[sflag:s9] =	ssyncadd.s32 $0xFFFFF060  }
0x2b: {  	_ =	swait.ge [sflag:s10], $0xFA0  }
0x2c: {  	[sflag:s10] =	ssyncset.done $0x0  }
0x2d: {  	[sflag:s10] =	ssyncadd.s32 $0xFFFFF060  }
0x2e: {  	[bflag:$0x0] =	sbarrier.arrive $0xFFFF  }
0x2f: {  	s6 =	rddreg [dreg:$0x5]  }
0x30: {  	s4 =	rddreg [dreg:$0x8]  }
0x31: {  	s12 =	simm.s32 $0x12;
	s11 =	rddreg [dreg:$0xa]  }
0x32: {  	[hbm:s4], [sflag:s6] =	dma.local [spmem:s11], $0xA00  }
0x33: {  	_ =	swait.ge [sflag:s12], $0xA00  }
0x34: {  	s4 =	rddreg [dreg:$0xb]  }
0x35: {  	s6 =	sadd.s32 $0x1, s4;
	s4 =	rddreg [dreg:$0x9]  }
0x36: {  	p0 =	sne.s32 s6, s4  }
.Ltmp1:
0x37: {  	_ = 	snop;
	(pc) =	sbr.rel @!p0 .LBB2_5-.Ltmp1, $3  }
0x38: {  	_ =	sdelay $0x1  }
0x39: {  	[sflag:s12] =	ssyncset.done $0x0;
	[dreg:$0xb] =	wrdreg s6  }
0x3a: {  	[sflag:s12] =	ssyncadd.s32 $0xFFFFF600;
	s6 =	rddreg [dreg:$0x5]  }
.LBB2_1:
0x3b: {  	s4 =	rddreg [dreg:$0x4]  }
0x3c: {  	[spmem:s11], [sflag:s6] =	dma.local [hbm:s4], $0xA00  }
0x3d: {  	_ =	swait.ge [sflag:s12], $0xA00  }
0x3e: {  	s4 =	simm.s32 $0x0;
	[sflag:s12] =	ssyncset.done $0x0  }
0x3f: {  	s6 =	simm.s32 $0x1;
	s11 =	rddreg [dreg:$0x6];
	[sflag:s12] =	ssyncadd.s32 $0xFFFFF600  }
0x40: {  	[tilespmem:s4], [sflag:$0x1] =	stream.linear.gather [hbm4b:s11+s4], $0x2800, $0x38;
	[tilespmem:$0x11D00] =	vst v63  }
0x41: {  	_ =	swait.ge [sflag:s6], $0x2800  }
0x42: {  	[sflag:s6] =	ssyncset.done $0x0  }
0x43: {  	s12 =	simm.s32 $0x2800;
	s11 =	rddreg [dreg:$0x7];
	[sflag:s6] =	ssyncadd.s32 $0xFFFFD800  }
0x44: {  	[tilespmem:s12], [sflag:$0x1] =	stream.linear.gather [hbm4b:s11+s4], $0x2800, $0x38;
	[tilespmem:$0x11D00] =	vst v63  }
0x45: {  	_ =	swait.ge [sflag:s6], $0x2800  }
0x46: {  	[sflag:s6] =	ssyncset.done $0x0  }
0x47: {  	[sflag:s6] =	ssyncadd.s32 $0xFFFFD800  }
0x48: {  	[bflag:$0x0] =	sbarrier.arrive $0xFFFF  }
0x49: {  	[tilespmem:s15], [sflag:$0x2] =	stream.indirect.gather [hbm4b:s2+s14], $0x20, s4, s14, $0xb8;
	[tilespmem:$0x11D00] =	vst v63  }
0x4a: {  	s12 =	simm.s32 $0x80  }
0x4b: {  	[tilespmem:s17], [sflag:$0x3] =	stream.indirect.gather [hbm4b:s2+s14], $0x20, s12, s14, $0xb8;
	[tilespmem:$0x11D00] =	vst v63  }
0x4c: {  	s11 =	simm.s32 $0x100  }
0x4d: {  	[tilespmem:s19], [sflag:$0x4] =	stream.indirect.gather [hbm4b:s2+s14], $0x20, s11, s14, $0xb8;
	[tilespmem:$0x11D00] =	vst v63  }
0x4e: {  	s12 =	simm.s32 $0x180  }
0x4f: {  	[tilespmem:s21], [sflag:$0x5] =	stream.indirect.gather [hbm4b:s2+s14], $0x20, s12, s14, $0xb8;
	[tilespmem:$0x11D00] =	vst v63  }
0x50: {  	s11 =	simm.s32 $0x200  }
0x51: {  	[tilespmem:s23], [sflag:$0x6] =	stream.indirect.gather [hbm4b:s2+s14], $0x20, s11, s14, $0xb8;
	[tilespmem:$0x11D00] =	vst v63  }
0x52: {  	s12 =	simm.s32 $0x280  }
0x53: {  	[tilespmem:s25], [sflag:$0x7] =	stream.indirect.gather [hbm4b:s2+s14], $0x20, s12, s14, $0xb8;
	[tilespmem:$0x11D00] =	vst v63  }
0x54: {  	s11 =	simm.s32 $0x300  }
0x55: {  	[tilespmem:s28], [sflag:$0x8] =	stream.indirect.gather [hbm4b:s2+s14], $0x20, s11, s14, $0xb8;
	[tilespmem:$0x11D00] =	vst v63  }
0x56: {  	s12 =	simm.s32 $0x380;
	s11 =	simm.s32 $0x0  }
0x57: {  	[tilespmem:s30], [sflag:$0x9] =	stream.indirect.gather [hbm4b:s2+s14], $0x20, s12, s14, $0xb8;
	[tilespmem:$0x11D00] =	vst v63  }
.LBB2_2:
0x58: {  	_ =	swait.ge [sflag:s31], $0xFA0  }
0x59: {  	s12 =	sshra.s32 s11, $0x2;
	[sflag:s31] =	ssyncset.done $0x0  }
0x5a: {  	s4 =	sadd.s32 $0x2800, s12;
	[sflag:s31] =	ssyncadd.s32 $0xFFFFF060  }
0x5b: {  	[spmem:s3] =	stream.indirect.scatter.add.f32 [tilespmem:s15], [sflag:$0xA], $0x20, s4, s14, $0xb8;
	[tilespmem:$0x11D00] =	vst v63  }
0x5c: {  	_ =	swait.ge [sflag:s1], $0xFA0  }
0x5d: {  	[sflag:s1] =	ssyncset.done $0x0  }
0x5e: {  	s4 =	sadd.s32 $0x2880, s12;
	[sflag:s1] =	ssyncadd.s32 $0xFFFFF060  }
0x5f: {  	[spmem:s3] =	stream.indirect.scatter.add.f32 [tilespmem:s17], [sflag:$0xB], $0x20, s4, s14, $0xb8;
	[tilespmem:$0x11D00] =	vst v63  }
0x60: {  	_ =	swait.ge [sflag:s0], $0xFA0  }
0x61: {  	[sflag:s0] =	ssyncset.done $0x0  }
0x62: {  	s4 =	sadd.s32 $0x2900, s12;
	[sflag:s0] =	ssyncadd.s32 $0xFFFFF060  }
0x63: {  	[spmem:s3] =	stream.indirect.scatter.add.f32 [tilespmem:s19], [sflag:$0xC], $0x20, s4, s14, $0xb8;
	[tilespmem:$0x11D00] =	vst v63  }
0x64: {  	_ =	swait.ge [sflag:s13], $0xFA0  }
0x65: {  	[sflag:s13] =	ssyncset.done $0x0  }
0x66: {  	s4 =	sadd.s32 $0x2980, s12;
	[sflag:s13] =	ssyncadd.s32 $0xFFFFF060  }
0x67: {  	[spmem:s3] =	stream.indirect.scatter.add.f32 [tilespmem:s21], [sflag:$0xD], $0x20, s4, s14, $0xb8;
	[tilespmem:$0x11D00] =	vst v63  }
0x68: {  	_ =	swait.ge [sflag:s16], $0xFA0  }
0x69: {  	[sflag:s16] =	ssyncset.done $0x0  }
0x6a: {  	s4 =	sadd.s32 $0x2A00, s12;
	[sflag:s16] =	ssyncadd.s32 $0xFFFFF060  }
0x6b: {  	[spmem:s3] =	stream.indirect.scatter.add.f32 [tilespmem:s23], [sflag:$0xE], $0x20, s4, s14, $0xb8;
	[tilespmem:$0x11D00] =	vst v63  }
0x6c: {  	_ =	swait.ge [sflag:s18], $0xFA0  }
0x6d: {  	[sflag:s18] =	ssyncset.done $0x0  }
0x6e: {  	s4 =	sadd.s32 $0x2A80, s12;
	[sflag:s18] =	ssyncadd.s32 $0xFFFFF060  }
0x6f: {  	[spmem:s3] =	stream.indirect.scatter.add.f32 [tilespmem:s25], [sflag:$0xF], $0x20, s4, s14, $0xb8;
	[tilespmem:$0x11D00] =	vst v63  }
0x70: {  	_ =	swait.ge [sflag:s20], $0xFA0  }
0x71: {  	[sflag:s20] =	ssyncset.done $0x0  }
0x72: {  	s4 =	sadd.s32 $0x2B00, s12;
	[sflag:s20] =	ssyncadd.s32 $0xFFFFF060  }
0x73: {  	[spmem:s3] =	stream.indirect.scatter.add.f32 [tilespmem:s28], [sflag:$0x10], $0x20, s4, s14, $0xb8;
	[tilespmem:$0x11D00] =	vst v63  }
0x74: {  	_ =	swait.ge [sflag:s22], $0xFA0  }
0x75: {  	[sflag:s22] =	ssyncset.done $0x0  }
0x76: {  	s4 =	sadd.s32 $0x2B80, s12;
	[sflag:s22] =	ssyncadd.s32 $0xFFFFF060  }
0x77: {  	[spmem:s3] =	stream.indirect.scatter.add.f32 [tilespmem:s30], [sflag:$0x11], $0x20, s4, s14, $0xb8;
	[tilespmem:$0x11D00] =	vst v63  }
0x78: {  	_ =	swait.ge [sflag:s24], $0xFA0  }
0x79: {  	[sflag:s24] =	ssyncset.done $0x0  }
0x7a: {  	s4 =	sadd.s32 $0x400, s12;
	[sflag:s24] =	ssyncadd.s32 $0xFFFFF060  }
0x7b: {  	[tilespmem:s15], [sflag:$0x2] =	stream.indirect.gather [hbm4b:s2+s14], $0x20, s4, s14, $0xb8;
	[tilespmem:$0x11D00] =	vst v63  }
0x7c: {  	_ =	swait.ge [sflag:s26], $0xFA0  }
0x7d: {  	[sflag:s26] =	ssyncset.done $0x0  }
0x7e: {  	s4 =	sadd.s32 $0x480, s12;
	[sflag:s26] =	ssyncadd.s32 $0xFFFFF060  }
0x7f: {  	[tilespmem:s17], [sflag:$0x3] =	stream.indirect.gather [hbm4b:s2+s14], $0x20, s4, s14, $0xb8;
	[tilespmem:$0x11D00] =	vst v63  }
0x80: {  	_ =	swait.ge [sflag:s29], $0xFA0  }
0x81: {  	[sflag:s29] =	ssyncset.done $0x0  }
0x82: {  	s4 =	sadd.s32 $0x500, s12;
	[sflag:s29] =	ssyncadd.s32 $0xFFFFF060  }
0x83: {  	[tilespmem:s19], [sflag:$0x4] =	stream.indirect.gather [hbm4b:s2+s14], $0x20, s4, s14, $0xb8;
	[tilespmem:$0x11D00] =	vst v63  }
0x84: {  	_ =	swait.ge [sflag:s5], $0xFA0  }
0x85: {  	[sflag:s5] =	ssyncset.done $0x0  }
0x86: {  	s4 =	sadd.s32 $0x580, s12;
	[sflag:s5] =	ssyncadd.s32 $0xFFFFF060  }
0x87: {  	[tilespmem:s21], [sflag:$0x5] =	stream.indirect.gather [hbm4b:s2+s14], $0x20, s4, s14, $0xb8;
	[tilespmem:$0x11D00] =	vst v63  }
0x88: {  	_ =	swait.ge [sflag:s7], $0xFA0  }
0x89: {  	[sflag:s7] =	ssyncset.done $0x0  }
0x8a: {  	s4 =	sadd.s32 $0x600, s12;
	[sflag:s7] =	ssyncadd.s32 $0xFFFFF060  }
0x8b: {  	[tilespmem:s23], [sflag:$0x6] =	stream.indirect.gather [hbm4b:s2+s14], $0x20, s4, s14, $0xb8;
	[tilespmem:$0x11D00] =	vst v63  }
0x8c: {  	_ =	swait.ge [sflag:s8], $0xFA0  }
0x8d: {  	[sflag:s8] =	ssyncset.done $0x0  }
0x8e: {  	s4 =	sadd.s32 $0x680, s12;
	[sflag:s8] =	ssyncadd.s32 $0xFFFFF060  }
0x8f: {  	[tilespmem:s25], [sflag:$0x7] =	stream.indirect.gather [hbm4b:s2+s14], $0x20, s4, s14, $0xb8;
	[tilespmem:$0x11D00] =	vst v63  }
0x90: {  	_ =	swait.ge [sflag:s9], $0xFA0  }
0x91: {  	[sflag:s9] =	ssyncset.done $0x0  }
0x92: {  	s4 =	sadd.s32 $0x700, s12;
	[sflag:s9] =	ssyncadd.s32 $0xFFFFF060  }
0x93: {  	[tilespmem:s28], [sflag:$0x8] =	stream.indirect.gather [hbm4b:s2+s14], $0x20, s4, s14, $0xb8;
	[tilespmem:$0x11D00] =	vst v63  }
0x94: {  	_ =	swait.ge [sflag:s10], $0xFA0  }
0x95: {  	[sflag:s10] =	ssyncset.done $0x0  }
0x96: {  	s4 =	sadd.s32 $0x780, s12;
	[sflag:s10] =	ssyncadd.s32 $0xFFFFF060  }
0x97: {  	[tilespmem:s30], [sflag:$0x9] =	stream.indirect.gather [hbm4b:s2+s14], $0x20, s4, s14, $0xb8;
	[tilespmem:$0x11D00] =	vst v63  }
0x98: {  	_ =	swait.ge [sflag:s31], $0xFA0  }
0x99: {  	[sflag:s31] =	ssyncset.done $0x0  }
0x9a: {  	s4 =	sadd.s32 $0x2C00, s12;
	[sflag:s31] =	ssyncadd.s32 $0xFFFFF060  }
0x9b: {  	[spmem:s3] =	stream.indirect.scatter.add.f32 [tilespmem:s15], [sflag:$0xA], $0x20, s4, s14, $0xb8;
	[tilespmem:$0x11D00] =	vst v63  }
0x9c: {  	_ =	swait.ge [sflag:s1], $0xFA0  }
0x9d: {  	[sflag:s1] =	ssyncset.done $0x0  }
0x9e: {  	s4 =	sadd.s32 $0x2C80, s12;
	[sflag:s1] =	ssyncadd.s32 $0xFFFFF060  }
0x9f: {  	[spmem:s3] =	stream.indirect.scatter.add.f32 [tilespmem:s17], [sflag:$0xB], $0x20, s4, s14, $0xb8;
	[tilespmem:$0x11D00] =	vst v63  }
0xa0: {  	_ =	swait.ge [sflag:s0], $0xFA0  }
0xa1: {  	[sflag:s0] =	ssyncset.done $0x0  }
0xa2: {  	s4 =	sadd.s32 $0x2D00, s12;
	[sflag:s0] =	ssyncadd.s32 $0xFFFFF060  }
0xa3: {  	[spmem:s3] =	stream.indirect.scatter.add.f32 [tilespmem:s19], [sflag:$0xC], $0x20, s4, s14, $0xb8;
	[tilespmem:$0x11D00] =	vst v63  }
0xa4: {  	_ =	swait.ge [sflag:s13], $0xFA0  }
0xa5: {  	[sflag:s13] =	ssyncset.done $0x0  }
0xa6: {  	s4 =	sadd.s32 $0x2D80, s12;
	[sflag:s13] =	ssyncadd.s32 $0xFFFFF060  }
0xa7: {  	[spmem:s3] =	stream.indirect.scatter.add.f32 [tilespmem:s21], [sflag:$0xD], $0x20, s4, s14, $0xb8;
	[tilespmem:$0x11D00] =	vst v63  }
0xa8: {  	_ =	swait.ge [sflag:s16], $0xFA0  }
0xa9: {  	[sflag:s16] =	ssyncset.done $0x0  }
0xaa: {  	s4 =	sadd.s32 $0x2E00, s12;
	[sflag:s16] =	ssyncadd.s32 $0xFFFFF060  }
0xab: {  	[spmem:s3] =	stream.indirect.scatter.add.f32 [tilespmem:s23], [sflag:$0xE], $0x20, s4, s14, $0xb8;
	[tilespmem:$0x11D00] =	vst v63  }
0xac: {  	_ =	swait.ge [sflag:s18], $0xFA0  }
0xad: {  	[sflag:s18] =	ssyncset.done $0x0  }
0xae: {  	s4 =	sadd.s32 $0x2E80, s12;
	[sflag:s18] =	ssyncadd.s32 $0xFFFFF060  }
0xaf: {  	[spmem:s3] =	stream.indirect.scatter.add.f32 [tilespmem:s25], [sflag:$0xF], $0x20, s4, s14, $0xb8;
	[tilespmem:$0x11D00] =	vst v63  }
0xb0: {  	_ =	swait.ge [sflag:s20], $0xFA0  }
0xb1: {  	[sflag:s20] =	ssyncset.done $0x0  }
0xb2: {  	s4 =	sadd.s32 $0x2F00, s12;
	[sflag:s20] =	ssyncadd.s32 $0xFFFFF060  }
0xb3: {  	[spmem:s3] =	stream.indirect.scatter.add.f32 [tilespmem:s28], [sflag:$0x10], $0x20, s4, s14, $0xb8;
	[tilespmem:$0x11D00] =	vst v63  }
0xb4: {  	_ =	swait.ge [sflag:s22], $0xFA0  }
0xb5: {  	p0 =	sgt.u32 s6, $0x8;
	[sflag:s22] =	ssyncset.done $0x0  }
.Ltmp2:
0xb6: {  	s4 =	sadd.s32 $0x2F80, s12;
	[sflag:s22] =	ssyncadd.s32 $0xFFFFF060;
	(pc) =	sbr.rel @p0 .LBB2_4-.Ltmp2, $4  }
0xb7: {  	[spmem:s3] =	stream.indirect.scatter.add.f32 [tilespmem:s30], [sflag:$0x11], $0x20, s4, s14, $0xb8;
	[tilespmem:$0x11D00] =	vst v63  }
0xb8: {  	_ =	swait.ge [sflag:s24], $0xFA0  }
0xb9: {  	[sflag:s24] =	ssyncset.done $0x0  }
0xba: {  	[sflag:s24] =	ssyncadd.s32 $0xFFFFF060  }
0xbb: {  	s4 =	sadd.s32 $0x800, s12  }
0xbc: {  	[tilespmem:s15], [sflag:$0x2] =	stream.indirect.gather [hbm4b:s2+s14], $0x20, s4, s14, $0xb8;
	[tilespmem:$0x11D00] =	vst v63  }
0xbd: {  	_ =	swait.ge [sflag:s26], $0xFA0  }
0xbe: {  	[sflag:s26] =	ssyncset.done $0x0  }
0xbf: {  	s4 =	sadd.s32 $0x880, s12;
	[sflag:s26] =	ssyncadd.s32 $0xFFFFF060  }
0xc0: {  	[tilespmem:s17], [sflag:$0x3] =	stream.indirect.gather [hbm4b:s2+s14], $0x20, s4, s14, $0xb8;
	[tilespmem:$0x11D00] =	vst v63  }
0xc1: {  	_ =	swait.ge [sflag:s29], $0xFA0  }
0xc2: {  	[sflag:s29] =	ssyncset.done $0x0  }
0xc3: {  	s4 =	sadd.s32 $0x900, s12;
	[sflag:s29] =	ssyncadd.s32 $0xFFFFF060  }
0xc4: {  	[tilespmem:s19], [sflag:$0x4] =	stream.indirect.gather [hbm4b:s2+s14], $0x20, s4, s14, $0xb8;
	[tilespmem:$0x11D00] =	vst v63  }
0xc5: {  	_ =	swait.ge [sflag:s5], $0xFA0  }
0xc6: {  	[sflag:s5] =	ssyncset.done $0x0  }
0xc7: {  	s4 =	sadd.s32 $0x980, s12;
	[sflag:s5] =	ssyncadd.s32 $0xFFFFF060  }
0xc8: {  	[tilespmem:s21], [sflag:$0x5] =	stream.indirect.gather [hbm4b:s2+s14], $0x20, s4, s14, $0xb8;
	[tilespmem:$0x11D00] =	vst v63  }
0xc9: {  	_ =	swait.ge [sflag:s7], $0xFA0  }
0xca: {  	[sflag:s7] =	ssyncset.done $0x0  }
0xcb: {  	s4 =	sadd.s32 $0xA00, s12;
	[sflag:s7] =	ssyncadd.s32 $0xFFFFF060  }
0xcc: {  	[tilespmem:s23], [sflag:$0x6] =	stream.indirect.gather [hbm4b:s2+s14], $0x20, s4, s14, $0xb8;
	[tilespmem:$0x11D00] =	vst v63  }
0xcd: {  	_ =	swait.ge [sflag:s8], $0xFA0  }
0xce: {  	[sflag:s8] =	ssyncset.done $0x0  }
0xcf: {  	s4 =	sadd.s32 $0xA80, s12;
	[sflag:s8] =	ssyncadd.s32 $0xFFFFF060  }
0xd0: {  	[tilespmem:s25], [sflag:$0x7] =	stream.indirect.gather [hbm4b:s2+s14], $0x20, s4, s14, $0xb8;
	[tilespmem:$0x11D00] =	vst v63  }
0xd1: {  	_ =	swait.ge [sflag:s9], $0xFA0  }
0xd2: {  	[sflag:s9] =	ssyncset.done $0x0  }
0xd3: {  	s4 =	sadd.s32 $0xB00, s12;
	[sflag:s9] =	ssyncadd.s32 $0xFFFFF060  }
0xd4: {  	[tilespmem:s28], [sflag:$0x8] =	stream.indirect.gather [hbm4b:s2+s14], $0x20, s4, s14, $0xb8;
	[tilespmem:$0x11D00] =	vst v63  }
.Ltmp3:
0xd5: {  	_ = 	snop;
	(pc) =	sbr.rel .LBB2_2-.Ltmp3, $4  }
0xd6: {  	_ =	swait.ge [sflag:s10], $0xFA0  }
0xd7: {  	s11 =	sadd.s32 $0x2000, s11;
	[sflag:s10] =	ssyncset.done $0x0  }
0xd8: {  	s6 =	sadd.s32 $0x2, s6;
	s12 =	sadd.s32 $0xB80, s12;
	[sflag:s10] =	ssyncadd.s32 $0xFFFFF060  }
0xd9: {  	[tilespmem:s30], [sflag:$0x9] =	stream.indirect.gather [hbm4b:s2+s14], $0x20, s12, s14, $0xb8;
	[tilespmem:$0x11D00] =	vst v63  }
.LBB2_5:
0xda: {  	_ =	sfence.sel $0x180000  }
0xdb: {  	[bflag:$0x0] =	sbarrier.arrive $0xFFFF  }
0xdc: {  	_ =	strace $0x9000004D  }
0xdd: {  	s0 =	stileid.u32;
	[bflag:$0x2] =	sbarrier.arrive $0xFFFF  }
0xde: {  	p0 =	sne.s32 s0, $0x0;
	s0 =	rddreg [dreg:$0x3]  }
0xdf: {  	s0 =	sadd.s32 @!p0 $0x100000, s0  }
0xe0: {  	[sflag:s0] =	ssyncadd.tile.s32 @!p0 $0x1;
	_ =	shalt  }
.Lfunc_end2:
_tile_overlayer_lowered:
.L_overlay_start_2:
0xe1: {  	(tag) =	ssettag $0x2  }
0xe2: {  	s0 =	rddreg [dreg:$0x0];
	s2 =	stileid.u32  }
0xe3: {  	s1 =	rddreg [dreg:$0x1];
	p0 =	sne.s32 s2, $0x0  }
0xe4: {  	s3 =	rddreg [dreg:$0x2];
	[bflag:$0x3] =	sbarrier.arrive $0xFFFF;
	s2 =	simm.s32 @!p0 $0x1C12  }
0xe5: {  	[timem:s3], [sflag:s2] =	dma.local @!p0 [hbm:s0], s1  }
0xe6: {  	s0 =	simm.s32 @!p0 $0x12  }
0xe7: {  	_ =	swait.ge @!p0 [sflag:s0], s1  }
0xe8: {  	s1 =	ssub.s32 @!p0 $0x0, s1;
	[sflag:s0] =	ssyncset.done @!p0 $0x0  }
0xe9: {  	[sflag:s0] =	ssyncadd.s32 @!p0 s1  }
0xea: {  	[bflag:$0x3] =	sbarrier.arrive $0xFFFF  }
0xeb: {  	_ =	shalt  }

// kernel: kernel.9.cloned.1.call-start
scs
__scs_entry_jumppad:
0x0: {  	(pc) =	sbr.rel $0x88, $3  }
0x1: {  	(tag) =	ssettag $0x0;
	lr =	simm.s32 $0x1  }
0x2: {  	[smem:$0x3F99] =	sst lr;
	_ =	strace $0xD0000000  }
0x3: {  	_ = 	snop  }
0x4: {  	_ = 	snop  }
0x5: {  	_ = 	snop  }
0x6: {  	_ = 	snop  }
0x7: {  	_ = 	snop  }
__scs_overlays_trampoline_lowered:
0x8: {  	[smem:$0x3FA8] =	sst s0  }
0x9: {  	[smem:$0x3FA9] =	sst s1  }
0xa: {  	[smem:$0x3FAA] =	sst s2  }
0xb: {  	[smem:$0x3FAB] =	sst s3  }
0xc: {  	[smem:$0x3FAC] =	sst s4  }
0xd: {  	[smem:$0x3FAD] =	sst s5  }
0xe: {  	[smem:$0x3FAE] =	sst s6  }
0xf: {  	[smem:$0x3FAF] =	sst s7  }
0x10: {  	[smem:$0x3FB0] =	sst s8  }
0x11: {  	[smem:$0x3FB1] =	sst s9;
	s0 =	simm.s32 @!p0 $0x0  }
0x12: {  	s1 =	sld [smem:$0x3F97];
	s0 =	simm.s32 @p0 $0x1  }
0x13: {  	[smem:$0x3FB2] =	sst s0;
	s0 =	simm.s32 @!p1 $0x0  }
0x14: {  	s2 =	sld [smem:$0x3F96];
	s0 =	simm.s32 @p1 $0x1  }
0x15: {  	[smem:$0x3FB3] =	sst s0;
	s0 =	simm.s32 @!p2 $0x0  }
0x16: {  	s3 =	sld [smem:$0x3FDB];
	s0 =	simm.s32 @p2 $0x1  }
0x17: {  	s4 =	simm.s32 $0x1BF5;
	[smem:$0x3FB5] =	sst s0  }
0x18: {  	s0 =	sld [smem:$0x3F98];
	_ =	swait.ge [sflag:s4], $0x0  }
0x19: {  	s7 =	sld [smem:$0x3F99]  }
0x1a: {  	s8 =	sadd.s32 $0xFFFFE003, lr  }
0x1b: {  	s9 =	sadd.s32 $0xFFFFFEF7, lr;
	s5 =	simm.s32 $0xFFFFFFFF;
	p2 =	slt.u32 s8, $0xFFFFF086  }
0x1c: {  	p1 =	slt.u32 s9, $0xF7A;
	s5 =	simm.s32 @!p2 $0x0  }
0x1d: {  	s5 =	simm.s32 @p1 $0x1;
	p0 =	seq.s32 s7, s2  }
0x1e: {  	s7 =	smul.u32 @!p0 $0xF7A, s2;
	p2 =	seq.s32 @!p0 s5, $0x0  }
0x1f: {  	s9 =	smul.u32 $0xF7A, s1;
	s8 =	simm.s32 @!p0 $0x1BF5;
	p2 =	por !p2, p0  }
0x20: {  	[sflag:s8] =	ssyncset.s32 @!p0 $0xFFFFF086;
	s6 =	sadd.s32 @!p0 s3, s7;
	s7 =	simm.s32 @!p0 $0x108  }
0x21: {  	s3 =	sadd.s32 s3, s9;
	s6 =	sadd.s32 @!p0 $0x88, s6;
	s7 =	simm.s32 @p2 $0x1082  }
0x22: {  	[simem:s7], [sflag:s8] =	dma.local @!p0 [hbm:s6], $0xF7A  }
0x23: {  	s9 =	sor.u32 $0xD0000000, s2;
	s6 =	simm.s32 $0x108;
	_ =	swait.ge @!p0 [sflag:s8], $0x0  }
0x24: {  	s3 =	sadd.s32 $0x88, s3;
	s6 =	simm.s32 @!p1 $0x1082;
	[sflag:s4] =	ssyncset.s32 $0xFFFFF086  }
0x25: {  	[simem:s6], [sflag:s4] =	dma.local [hbm:s3], $0xF7A  }
0x26: {  	[smem:$0x3F99] =	sst s1;
	(tag) =	ssettag s2;
	_ =	strace s9  }
0x27: {  	s1 =	sld [smem:$0x3FA9]  }
0x28: {  	s2 =	sld [smem:$0x3FAA]  }
0x29: {  	s4 =	sld [smem:$0x3FAC]  }
0x2a: {  	p0 =	seq.s32 s5, $0x0;
	s5 =	sld [smem:$0x3FAD]  }
0x2b: {  	s6 =	sld [smem:$0x3FAE]  }
0x2c: {  	s7 =	sld [smem:$0x3FAF]  }
0x2d: {  	s3 =	simm.s32 $0x108;
	s8 =	sld [smem:$0x3FB0]  }
0x2e: {  	s3 =	simm.s32 @!p0 $0x1082;
	s9 =	sld [smem:$0x3FB1]  }
0x2f: {  	lr =	sadd.s32 s0, s3;
	s0 =	sld [smem:$0x3FA8]  }
0x30: {  	s3 =	sld [smem:$0x3FAB]  }
0x31: {  	[smem:$0x3FB4] =	sst s10  }
0x32: {  	s10 =	sld [smem:$0x3FB2];
	_ =	sdelay $0x3  }
0x33: {  	p0 =	seq.s32 s10, $0x1;
	s10 =	sld [smem:$0x3FB4];
	_ =	sdelay $0x3  }
0x34: {  	[smem:$0x3FB4] =	sst s10  }
0x35: {  	s10 =	sld [smem:$0x3FB3];
	_ =	sdelay $0x3  }
0x36: {  	p1 =	seq.s32 s10, $0x1;
	s10 =	sld [smem:$0x3FB4];
	_ =	sdelay $0x3  }
0x37: {  	[smem:$0x3FB4] =	sst s10  }
0x38: {  	s10 =	sld [smem:$0x3FB5]  }
0x39: {  	_ = 	snop;
	(pc) =	sbr.ind lr, $3  }
0x3a: {  	_ = 	snop  }
0x3b: {  	_ = 	snop  }
0x3c: {  	p2 =	seq.s32 s10, $0x1;
	s10 =	sld [smem:$0x3FB4]  }
0x3d: {  	_ =	shalt  }
0x3e: {  	_ =	shalt  }
0x3f: {  	_ =	shalt  }
0x40: {  	_ =	shalt  }
0x41: {  	_ =	shalt  }
0x42: {  	_ =	shalt  }
0x43: {  	_ =	shalt  }
0x44: {  	_ =	shalt  }
0x45: {  	_ =	shalt  }
0x46: {  	_ =	shalt  }
0x47: {  	_ =	shalt  }
0x48: {  	_ =	shalt  }
0x49: {  	_ =	shalt  }
0x4a: {  	_ =	shalt  }
0x4b: {  	_ =	shalt  }
0x4c: {  	_ =	shalt  }
0x4d: {  	_ =	shalt  }
0x4e: {  	_ =	shalt  }
0x4f: {  	_ =	shalt  }
0x50: {  	_ =	shalt  }
0x51: {  	_ =	shalt  }
0x52: {  	_ =	shalt  }
0x53: {  	_ =	shalt  }
0x54: {  	_ =	shalt  }
0x55: {  	_ =	shalt  }
0x56: {  	_ =	shalt  }
0x57: {  	_ =	shalt  }
0x58: {  	_ =	shalt  }
0x59: {  	_ =	shalt  }
0x5a: {  	_ =	shalt  }
0x5b: {  	_ =	shalt  }
0x5c: {  	_ =	shalt  }
0x5d: {  	_ =	shalt  }
0x5e: {  	_ =	shalt  }
0x5f: {  	_ =	shalt  }
0x60: {  	_ =	shalt  }
0x61: {  	_ =	shalt  }
0x62: {  	_ =	shalt  }
0x63: {  	_ =	shalt  }
0x64: {  	_ =	shalt  }
0x65: {  	_ =	shalt  }
0x66: {  	_ =	shalt  }
0x67: {  	_ =	shalt  }
0x68: {  	_ =	shalt  }
0x69: {  	_ =	shalt  }
0x6a: {  	_ =	shalt  }
0x6b: {  	_ =	shalt  }
0x6c: {  	_ =	shalt  }
0x6d: {  	_ =	shalt  }
0x6e: {  	_ =	shalt  }
0x6f: {  	_ =	shalt  }
0x70: {  	_ =	shalt  }
0x71: {  	_ =	shalt  }
0x72: {  	_ =	shalt  }
0x73: {  	_ =	shalt  }
0x74: {  	_ =	shalt  }
0x75: {  	_ =	shalt  }
0x76: {  	_ =	shalt  }
0x77: {  	_ =	shalt  }
0x78: {  	_ =	shalt  }
0x79: {  	_ =	shalt  }
0x7a: {  	_ =	shalt  }
0x7b: {  	_ =	shalt  }
0x7c: {  	_ =	shalt  }
0x7d: {  	_ =	shalt  }
0x7e: {  	_ =	shalt  }
0x7f: {  	_ =	shalt  }
0x80: {  	_ =	shalt  }
0x81: {  	_ =	shalt  }
0x82: {  	_ =	shalt  }
0x83: {  	_ =	shalt  }
0x84: {  	_ =	shalt  }
0x85: {  	_ =	shalt  }
0x86: {  	_ =	shalt  }
0x87: {  	_ =	shalt  }
.Lfunc_end0:
.L_simem_size_0:
called_computation_lowered:
.L_overlay_start_0:
0x88: {  	s2 =	sld [smem:$0x3FD9]  }
0x89: {  	s3 =	sld [smem:$0x3FFE];
	_ =	sdelay $0x1  }
0x8a: {  	s1 =	srdreg.scid  }
0x8b: {  	s0 =	sand.u32 $0x1, s1  }
0x8c: {  	s14 =	sshll.u32 s0, $0xA;
	s2 =	sadd.s32 s3, s2  }
0x8d: {  	s2 =	sadd.s32 s2, s14  }
0x8e: {  	[smem:$0x3FC0] =	sst s2  }
0x8f: {  	_ = 	snop  }
0x90: {  	s2 =	sld [smem:$0x3FD0];
	_ =	sdelay $0x2  }
0x91: {  	s15 =	simm.s32 $0xA;
	s4 =	simm.s32 $0x10  }
0x92: {  	[smem:s4], [sflag:s15] =	dma.local [hbm:s2], $0x1  }
0x93: {  	_ =	swait.eq [sflag:s15], $0x1  }
0x94: {  	s16 =	sld [smem:$0x10];
	[sflag:s15] =	ssyncset.done $0x0  }
0x95: {  	s17 =	sld [smem:$0x11];
	[sflag:s15] =	ssyncadd.s32 $0xFFFFFFFF  }
0x96: {  	s18 =	sld [smem:$0x12];
	(tm) =	ssettm $0x1  }
0x97: {  	s5 =	sld [smem:$0x3FFB];
	_ =	sdelay $0x3  }
0x98: {  	_ =	strace s5  }
0x99: {  	s5 =	sld [smem:$0x3FFC];
	_ =	sdelay $0x3  }
0x9a: {  	_ =	strace s5  }
0x9b: {  	s5 =	sld [smem:$0x3FFD];
	_ =	sdelay $0x3  }
0x9c: {  	_ =	strace s5  }
0x9d: {  	_ =	strace $0x8FFFFFFF  }
0x9e: {  	s19 =	sld [smem:$0x3FDB];
	_ =	sdelay $0x1  }
0x9f: {  	s6 =	simm.s32 $_scs_section_size  }
0xa0: {  	s7 =	simm.s32 $_size__tile_overlayer_lowered;
	s8 =	simm.s32 $_tile_overlayer_lowered  }
0xa1: {  	s22 =	simm.s32 $0x1BFF;
	s21 =	sshll.u32 s8, $0x1;
	s5 =	sadd.s32 s6, s19  }
0xa2: {  	s9 =	simm.s32 $0x0;
	s20 =	sshll.u32 s7, $0x1;
	s7 =	sadd.s32 s21, s5  }
0xa3: {  	[timem:s9], [sflag:s22] =	dma.local [hbm:s7], s20  }
0xa4: {  	_ =	swait.ge [sflag:s22], s20  }
0xa5: {  	s6 =	ssub.s32 $0x0, s20;
	[sflag:s22] =	ssyncset.done $0x0  }
0xa6: {  	[sflag:s22] =	ssyncadd.s32 s6;
	_ =	sdelay $0x1  }
0xa7: {  	s23 =	simm.s32 $0x1B8B  }
0xa8: {  	_ =	swait.ge [sflag:s23], $0x1  }
0xa9: {  	[sflag:s23] =	ssyncset.done $0x0  }
0xaa: {  	s25 =	simm.s32 $0x1B8E;
	s24 =	sld [smem:$0x3FFE];
	[sflag:s23] =	ssyncadd.s32 $0xFFFFFFFF  }
0xab: {  	s26 =	simm.s32 $execute0_lowered;
	[smem:$0x3FD2] =	sst s25  }
0xac: {  	s7 =	sshll.u32 s26, $0x1;
	_ =	strace $0x80000046;
	[dreg:$0x1] =	wrdreg $0xFFFFFFFF  }
0xad: {  	s28 =	simm.s32 $_size_execute0_lowered;
	s5 =	sadd.s32 s5, s7;
	[dreg:$0x0] =	wrdreg $0x0  }
0xae: {  	s7 =	sshll.u32 s28, $0x1;
	[dreg:$0x2] =	wrdreg s5  }
0xaf: {  	[dreg:$0x3] =	wrdreg s7  }
0xb0: {  	[dreg:$0x4] =	wrdreg $0xC0  }
0xb1: {  	_ =	task [dreg:s9], $0x5FFFF  }
0xb2: {  	[dreg:$0x1] =	wrdreg $0xFFFFFFFF  }
0xb3: {  	[dreg:$0x0] =	wrdreg $0x60  }
0xb4: {  	[dreg:$0x2] =	wrdreg s24  }
0xb5: {  	[dreg:$0x3] =	wrdreg s16  }
0xb6: {  	[dreg:$0x4] =	wrdreg s18  }
0xb7: {  	[dreg:$0x5] =	wrdreg s17  }
0xb8: {  	[dreg:$0x6] =	wrdreg $0x28800  }
0xb9: {  	[dreg:$0x7] =	wrdreg $0x9  }
0xba: {  	_ =	task.clear_ibuf [dreg:s9], $0x8FFFF;
	_ =	strace $0x90000046  }
0xbb: {  	s29 =	simm.s32 $0x9;
	_ =	strace $0x80000048  }
0xbc: {  	_ =	swait.ge [sflag:s29], $0x1  }
0xbd: {  	[sflag:s29] =	ssyncadd.s32 $0xFFFFFFFF  }
0xbe: {  	_ =	strace $0x90000048  }
0xbf: {  	_ =	sfence  }
0xc0: {  	s30 =	sld [smem:$0x0];
	_ =	sdelay $0x2  }
0xc1: {  	s31 =	sshll.u32 s1, $0xD;
	s1 =	sshrl.u32 s1, $0x2  }
0xc2: {  	s3 =	sand.u32 $0x4000, s31;
	s1 =	sadd.s32 s1, s30  }
0xc3: {  	s0 =	sor.u32 s3, s0;
	s1 =	sshll.u32 s1, $0x11  }
0xc4: {  	s0 =	sor.u32 s1, s0  }
0xc5: {  	s0 =	sadd.s32 $0x8F2B, s0  }
0xc6: {  	[sflag:s0] =	ssyncadd.remote.s32 $0x1  }
0xc7: {  	_ =	sfence.sel $0xFFFF  }
0xc8: {  	[dreg:$0x0] =	wrdreg $0xFFFFFFFF;
	(pc) =	sbr.abs _section_cstart, $3  }
0xc9: {  	[dreg:$0x1] =	wrdreg $0xFFFFFFFF  }
0xca: {  	_ =	task.clear_ibuf [dreg:s9], $0x2FFFF;
	_ =	strace $0x9FFFFFFF  }
0xcb: {  	(tm) =	ssettm $0x7FFFFFFF  }
tec
execute0_lowered:
.L_overlay_start_1:
0x0: {  	(tag) =	ssettag $0x1  }
0x1: {  	s0 =	rddreg [dreg:$0x0]  }
0x2: {  	s2 =	rddreg [dreg:$0x2]  }
0x3: {  	s3 =	rddreg [dreg:$0x3];
	s5 =	srdreg.scid  }
0x4: {  	s1 =	stileid.u32;
	s4 =	rddreg [dreg:$0x4];
	s12 =	simm.s32 $0x2800  }
0x5: {  	s13 =	simm.s32 $0x1;
	s14 =	simm.s32 $0x7D;
	s15 =	simm.s32 $0x80  }
0x6: {  	s16 =	simm.s32 $0x100;
	s17 =	simm.s32 $0x180;
	s18 =	simm.s32 $0x200  }
0x7: {  	s19 =	simm.s32 $0x280;
	s20 =	simm.s32 $0x300;
	s21 =	simm.s32 $0x380  }
0x8: {  	s22 =	simm.s32 $0x2;
	s23 =	simm.s32 $0x3;
	s28 =	simm.s32 $0x7  }
0x9: {  	s29 =	simm.s32 $0x8;
	s30 =	simm.s32 $0x9;
	s31 =	simm.s32 $0x0  }
0xa: {  	s6 =	sand.u32 $0x1, s5;
	s24 =	sshll.u32 s1, $0x1;
	s7 =	smul.u32 $0x280, s1  }
0xb: {  	s5 =	simm.s32 $0x0;
	s11 =	sshll.u32 s1, $0x6;
	s8 =	sor.u32 s6, s24  }
0xc: {  	s9 =	ssub.s32 $0x2, s6;
	[smem:$0x7FF] =	sst s5;
	s6 =	smul.u32 $0x2800, s6  }
0xd: {  	s24 =	simm.s32 $0x4;
	s8 =	smul.u32 $0x2800, s8;
	s10 =	sshrl.u32 s9, $0x1  }
0xe: {  	_ =	strace $0x80000047;
	s25 =	sadd.s32 s7, s4;
	s9 =	ssub.s32 s9, s10  }
0xf: {  	s7 =	sadd.s32 s7, s6;
	s6 =	sor.u32 $0x1C0A, s11;
	s10 =	sshrl.u32 s25, $0x3  }
0x10: {  	s11 =	simm.s32 $0xA;
	s25 =	simm.s32 $0x5;
	s8 =	sshrl.u32 s8, $0x3  }
0x11: {  	s26 =	sshrl.u32 s7, $0x3;
	s9 =	smax.u32 s9, $0x1;
	s0 =	sadd.s32 s0, s8  }
0x12: {  	s8 =	sadd.s32 s3, s26;
	s26 =	simm.s32 $0x6;
	s7 =	sadd.s32 $0xC600, s0  }
.LBB2_1:
0x13: {  	[spmem:s10], [sflag:s6] =	dma.local [hbm:s2], $0x50  }
0x14: {  	_ =	swait.ge [sflag:s11], $0x50  }
0x15: {  	[sflag:s11] =	ssyncset.done $0x0  }
0x16: {  	[sflag:s11] =	ssyncadd.s32 $0xFFFFFFB0  }
0x17: {  	s0 =	rddreg [dreg:$0x1]  }
0x18: {  	[tilespmem:s12], [sflag:$0xA] =	stream.linear.gather [hbm4b:s0+s5], $0x80, $0x38;
	[tilespmem:$0x2B00] =	vst v63  }
0x19: {  	_ =	swait.ge [sflag:s11], $0x80  }
0x1a: {  	[sflag:s11] =	ssyncset.done $0x0  }
0x1b: {  	[sflag:s11] =	ssyncadd.s32 $0xFFFFFF80  }
0x1c: {  	[tilespmem:s5], [sflag:$0x1] =	stream.linear.gather [hbm4b:s7+s5], $0x2800, $0x38;
	[tilespmem:$0x2B00] =	vst v63  }
0x1d: {  	_ =	swait.ge [sflag:s13], $0x2800  }
0x1e: {  	[sflag:s13] =	ssyncset.done $0x0  }
0x1f: {  	[sflag:s13] =	ssyncadd.s32 $0xFFFFD800  }
0x20: {  	[bflag:$0x0] =	sbarrier.arrive $0xFFFF  }
0x21: {  	[spmem:s4] =	stream.indirect.scatter.add.f32 [tilespmem:s12], [sflag:$0x2], $0x1, s5, s14, $0xb8;
	[tilespmem:$0x2B00] =	vst v63  }
0x22: {  	_ = 	snop  }
0x23: {  	[spmem:s4] =	stream.indirect.scatter.add.f32 [tilespmem:s12], [sflag:$0x3], $0x1, s15, s14, $0xb8;
	[tilespmem:$0x2B00] =	vst v63  }
0x24: {  	_ = 	snop  }
0x25: {  	[spmem:s4] =	stream.indirect.scatter.add.f32 [tilespmem:s12], [sflag:$0x4], $0x1, s16, s14, $0xb8;
	[tilespmem:$0x2B00] =	vst v63  }
0x26: {  	_ = 	snop  }
0x27: {  	[spmem:s4] =	stream.indirect.scatter.add.f32 [tilespmem:s12], [sflag:$0x5], $0x1, s17, s14, $0xb8;
	[tilespmem:$0x2B00] =	vst v63  }
0x28: {  	_ = 	snop  }
0x29: {  	[spmem:s4] =	stream.indirect.scatter.add.f32 [tilespmem:s12], [sflag:$0x6], $0x1, s18, s14, $0xb8;
	[tilespmem:$0x2B00] =	vst v63  }
0x2a: {  	_ = 	snop  }
0x2b: {  	[spmem:s4] =	stream.indirect.scatter.add.f32 [tilespmem:s12], [sflag:$0x7], $0x1, s19, s14, $0xb8;
	[tilespmem:$0x2B00] =	vst v63  }
0x2c: {  	_ = 	snop  }
0x2d: {  	[spmem:s4] =	stream.indirect.scatter.add.f32 [tilespmem:s12], [sflag:$0x8], $0x1, s20, s14, $0xb8;
	[tilespmem:$0x2B00] =	vst v63  }
0x2e: {  	_ = 	snop  }
0x2f: {  	[spmem:s4] =	stream.indirect.scatter.add.f32 [tilespmem:s12], [sflag:$0x9], $0x1, s21, s14, $0xb8;
	[tilespmem:$0x2B00] =	vst v63  }
0x30: {  	_ =	swait.ge [sflag:s22], $0x7D  }
0x31: {  	[sflag:s22] =	ssyncset.done $0x0  }
0x32: {  	s3 =	simm.s32 $0x400;
	[sflag:s22] =	ssyncadd.s32 $0xFFFFFF83  }
0x33: {  	[spmem:s4] =	stream.indirect.scatter.add.f32 [tilespmem:s12], [sflag:$0x2], $0x1, s3, s14, $0xb8;
	[tilespmem:$0x2B00] =	vst v63  }
0x34: {  	_ =	swait.ge [sflag:s23], $0x7D  }
0x35: {  	[sflag:s23] =	ssyncset.done $0x0  }
0x36: {  	s1 =	simm.s32 $0x480;
	[sflag:s23] =	ssyncadd.s32 $0xFFFFFF83  }
0x37: {  	[spmem:s4] =	stream.indirect.scatter.add.f32 [tilespmem:s12], [sflag:$0x3], $0x1, s1, s14, $0xb8;
	[tilespmem:$0x2B00] =	vst v63  }
0x38: {  	_ =	swait.ge [sflag:s24], $0x7D  }
0x39: {  	[sflag:s24] =	ssyncset.done $0x0  }
0x3a: {  	s3 =	simm.s32 $0x500;
	[sflag:s24] =	ssyncadd.s32 $0xFFFFFF83  }
0x3b: {  	[spmem:s4] =	stream.indirect.scatter.add.f32 [tilespmem:s12], [sflag:$0x4], $0x1, s3, s14, $0xb8;
	[tilespmem:$0x2B00] =	vst v63  }
0x3c: {  	_ =	swait.ge [sflag:s25], $0x7D  }
0x3d: {  	[sflag:s25] =	ssyncset.done $0x0  }
0x3e: {  	s1 =	simm.s32 $0x580;
	[sflag:s25] =	ssyncadd.s32 $0xFFFFFF83  }
0x3f: {  	[spmem:s4] =	stream.indirect.scatter.add.f32 [tilespmem:s12], [sflag:$0x5], $0x1, s1, s14, $0xb8;
	[tilespmem:$0x2B00] =	vst v63  }
0x40: {  	_ =	swait.ge [sflag:s26], $0x7D  }
0x41: {  	[sflag:s26] =	ssyncset.done $0x0  }
0x42: {  	s3 =	simm.s32 $0x600;
	[sflag:s26] =	ssyncadd.s32 $0xFFFFFF83  }
0x43: {  	[spmem:s4] =	stream.indirect.scatter.add.f32 [tilespmem:s12], [sflag:$0x6], $0x1, s3, s14, $0xb8;
	[tilespmem:$0x2B00] =	vst v63  }
0x44: {  	_ =	swait.ge [sflag:s28], $0x7D  }
0x45: {  	[sflag:s28] =	ssyncset.done $0x0  }
0x46: {  	s1 =	simm.s32 $0x680;
	[sflag:s28] =	ssyncadd.s32 $0xFFFFFF83  }
0x47: {  	[spmem:s4] =	stream.indirect.scatter.add.f32 [tilespmem:s12], [sflag:$0x7], $0x1, s1, s14, $0xb8;
	[tilespmem:$0x2B00] =	vst v63  }
0x48: {  	_ =	swait.ge [sflag:s29], $0x7D  }
0x49: {  	[sflag:s29] =	ssyncset.done $0x0  }
0x4a: {  	s3 =	simm.s32 $0x700;
	[sflag:s29] =	ssyncadd.s32 $0xFFFFFF83  }
0x4b: {  	[spmem:s4] =	stream.indirect.scatter.add.f32 [tilespmem:s12], [sflag:$0x8], $0x1, s3, s14, $0xb8;
	[tilespmem:$0x2B00] =	vst v63  }
0x4c: {  	_ =	swait.ge [sflag:s30], $0x7D  }
0x4d: {  	[sflag:s30] =	ssyncset.done $0x0  }
0x4e: {  	s0 =	simm.s32 $0x780;
	s3 =	simm.s32 $0x1000;
	[sflag:s30] =	ssyncadd.s32 $0xFFFFFF83  }
.LBB2_2:
0x4f: {  	[spmem:s4] =	stream.indirect.scatter.add.f32 [tilespmem:s12], [sflag:$0x9], $0x1, s0, s14, $0xb8;
	[tilespmem:$0x2B00] =	vst v63  }
0x50: {  	s0 =	smov.u32 s3  }
0x51: {  	p0 =	sne.s32 s3, $0x8000;
	s3 =	sadd.s32 $0x1000, s3;
	_ =	swait.ge [sflag:s22], $0x7D  }
0x52: {  	s0 =	sshra.s32 s0, $0x2;
	[sflag:s22] =	ssyncset.done $0x0  }
0x53: {  	s1 =	sadd.s32 $0x400, s0;
	[sflag:s22] =	ssyncadd.s32 $0xFFFFFF83  }
0x54: {  	[spmem:s4] =	stream.indirect.scatter.add.f32 [tilespmem:s12], [sflag:$0x2], $0x1, s1, s14, $0xb8;
	[tilespmem:$0x2B00] =	vst v63  }
0x55: {  	_ =	swait.ge [sflag:s23], $0x7D  }
0x56: {  	[sflag:s23] =	ssyncset.done $0x0  }
0x57: {  	s1 =	sadd.s32 $0x480, s0;
	[sflag:s23] =	ssyncadd.s32 $0xFFFFFF83  }
0x58: {  	[spmem:s4] =	stream.indirect.scatter.add.f32 [tilespmem:s12], [sflag:$0x3], $0x1, s1, s14, $0xb8;
	[tilespmem:$0x2B00] =	vst v63  }
0x59: {  	_ =	swait.ge [sflag:s24], $0x7D  }
0x5a: {  	[sflag:s24] =	ssyncset.done $0x0  }
0x5b: {  	s1 =	sadd.s32 $0x500, s0;
	[sflag:s24] =	ssyncadd.s32 $0xFFFFFF83  }
0x5c: {  	[spmem:s4] =	stream.indirect.scatter.add.f32 [tilespmem:s12], [sflag:$0x4], $0x1, s1, s14, $0xb8;
	[tilespmem:$0x2B00] =	vst v63  }
0x5d: {  	_ =	swait.ge [sflag:s25], $0x7D  }
0x5e: {  	[sflag:s25] =	ssyncset.done $0x0  }
0x5f: {  	s1 =	sadd.s32 $0x580, s0;
	[sflag:s25] =	ssyncadd.s32 $0xFFFFFF83  }
0x60: {  	[spmem:s4] =	stream.indirect.scatter.add.f32 [tilespmem:s12], [sflag:$0x5], $0x1, s1, s14, $0xb8;
	[tilespmem:$0x2B00] =	vst v63  }
0x61: {  	_ =	swait.ge [sflag:s26], $0x7D  }
0x62: {  	[sflag:s26] =	ssyncset.done $0x0  }
0x63: {  	s1 =	sadd.s32 $0x600, s0;
	[sflag:s26] =	ssyncadd.s32 $0xFFFFFF83  }
0x64: {  	[spmem:s4] =	stream.indirect.scatter.add.f32 [tilespmem:s12], [sflag:$0x6], $0x1, s1, s14, $0xb8;
	[tilespmem:$0x2B00] =	vst v63  }
0x65: {  	_ =	swait.ge [sflag:s28], $0x7D  }
0x66: {  	[sflag:s28] =	ssyncset.done $0x0  }
0x67: {  	s1 =	sadd.s32 $0x680, s0;
	[sflag:s28] =	ssyncadd.s32 $0xFFFFFF83  }
0x68: {  	[spmem:s4] =	stream.indirect.scatter.add.f32 [tilespmem:s12], [sflag:$0x7], $0x1, s1, s14, $0xb8;
	[tilespmem:$0x2B00] =	vst v63  }
0x69: {  	_ =	swait.ge [sflag:s29], $0x7D  }
0x6a: {  	[sflag:s29] =	ssyncset.done $0x0  }
.Ltmp0:
0x6b: {  	s1 =	sadd.s32 $0x700, s0;
	[sflag:s29] =	ssyncadd.s32 $0xFFFFFF83;
	(pc) =	sbr.rel @p0 .LBB2_2-.Ltmp0, $4  }
0x6c: {  	[spmem:s4] =	stream.indirect.scatter.add.f32 [tilespmem:s12], [sflag:$0x8], $0x1, s1, s14, $0xb8;
	[tilespmem:$0x2B00] =	vst v63  }
0x6d: {  	_ =	swait.ge [sflag:s30], $0x7D  }
0x6e: {  	[sflag:s30] =	ssyncset.done $0x0  }
0x6f: {  	s0 =	sadd.s32 $0x780, s0;
	[sflag:s30] =	ssyncadd.s32 $0xFFFFFF83  }
0x70: {  	[spmem:s4] =	stream.indirect.scatter.add.f32 [tilespmem:s12], [sflag:$0x9], $0x1, s0, s14, $0xb8;
	[tilespmem:$0x2B00] =	vst v63  }
0x71: {  	_ =	swait.ge [sflag:s22], $0x7D  }
0x72: {  	[sflag:s22] =	ssyncset.done $0x0  }
0x73: {  	[sflag:s22] =	ssyncadd.s32 $0xFFFFFF83  }
0x74: {  	_ =	swait.ge [sflag:s23], $0x7D  }
0x75: {  	[sflag:s23] =	ssyncset.done $0x0  }
0x76: {  	[sflag:s23] =	ssyncadd.s32 $0xFFFFFF83  }
0x77: {  	_ =	swait.ge [sflag:s24], $0x7D  }
0x78: {  	[sflag:s24] =	ssyncset.done $0x0  }
0x79: {  	[sflag:s24] =	ssyncadd.s32 $0xFFFFFF83  }
0x7a: {  	_ =	swait.ge [sflag:s25], $0x7D  }
0x7b: {  	[sflag:s25] =	ssyncset.done $0x0  }
0x7c: {  	[sflag:s25] =	ssyncadd.s32 $0xFFFFFF83  }
0x7d: {  	_ =	swait.ge [sflag:s26], $0x7D  }
0x7e: {  	[sflag:s26] =	ssyncset.done $0x0  }
0x7f: {  	[sflag:s26] =	ssyncadd.s32 $0xFFFFFF83  }
0x80: {  	_ =	swait.ge [sflag:s28], $0x7D  }
0x81: {  	[sflag:s28] =	ssyncset.done $0x0  }
0x82: {  	[sflag:s28] =	ssyncadd.s32 $0xFFFFFF83  }
0x83: {  	_ =	swait.ge [sflag:s29], $0x7D  }
0x84: {  	[sflag:s29] =	ssyncset.done $0x0  }
0x85: {  	[sflag:s29] =	ssyncadd.s32 $0xFFFFFF83  }
0x86: {  	_ =	swait.ge [sflag:s30], $0x7D  }
0x87: {  	s31 =	sadd.s32 $0x1, s31;
	[sflag:s30] =	ssyncset.done $0x0  }
0x88: {  	p0 =	sne.s32 s31, s9;
	[sflag:s30] =	ssyncadd.s32 $0xFFFFFF83  }
.Ltmp1:
0x89: {  	[bflag:$0x0] =	sbarrier.arrive $0xFFFF;
	(pc) =	sbr.rel @p0 .LBB2_1-.Ltmp1, $4  }
0x8a: {  	[hbm:s8], [sflag:s6] =	dma.local [spmem:s10], $0x50  }
0x8b: {  	_ =	swait.ge [sflag:s11], $0x50  }
0x8c: {  	[sflag:s11] =	ssyncset.done $0x0  }
0x8d: {  	[sflag:s11] =	ssyncadd.s32 $0xFFFFFFB0  }
0x8e: {  	_ =	sfence.sel $0x180000  }
0x8f: {  	[bflag:$0x0] =	sbarrier.arrive $0xFFFF  }
0x90: {  	_ =	strace $0x90000047  }
0x91: {  	s0 =	stileid.u32;
	[bflag:$0x2] =	sbarrier.arrive $0xFFFF  }
0x92: {  	p0 =	sne.s32 s0, $0x0;
	s0 =	rddreg [dreg:$0x5]  }
0x93: {  	s0 =	sadd.s32 @!p0 $0x100000, s0  }
0x94: {  	[sflag:s0] =	ssyncadd.tile.s32 @!p0 $0x1;
	_ =	shalt  }
.Lfunc_end2:
_tile_overlayer_lowered:
.L_overlay_start_2:
0x95: {  	(tag) =	ssettag $0x2  }
0x96: {  	s0 =	rddreg [dreg:$0x0];
	s2 =	stileid.u32  }
0x97: {  	s1 =	rddreg [dreg:$0x1];
	p0 =	sne.s32 s2, $0x0  }
0x98: {  	s3 =	rddreg [dreg:$0x2];
	[bflag:$0x3] =	sbarrier.arrive $0xFFFF;
	s2 =	simm.s32 @!p0 $0x1C0A  }
0x99: {  	[timem:s3], [sflag:s2] =	dma.local @!p0 [hbm:s0], s1  }
0x9a: {  	s0 =	simm.s32 @!p0 $0xA  }
0x9b: {  	_ =	swait.ge @!p0 [sflag:s0], s1  }
0x9c: {  	s1 =	ssub.s32 @!p0 $0x0, s1;
	[sflag:s0] =	ssyncset.done @!p0 $0x0  }
0x9d: {  	[sflag:s0] =	ssyncadd.s32 @!p0 s1  }
0x9e: {  	[bflag:$0x3] =	sbarrier.arrive $0xFFFF  }
0x9f: {  	_ =	shalt  }

</sc_bundles>
